<compile_context>
chip_gen: v7x
topology: tpu7x:2x2x1
jax: 0.10.2.dev20260603
libtpu: 0.0.44.dev20260713+nightly
codegen_flags: <defaults>
</compile_context>

<pallas_src>
import functools

import numpy as np
import jax
import jax.numpy as jnp
from jax import lax
from jax.experimental import pallas as pl
from jax.experimental.pallas import tpu as pltpu
from jax.experimental.pallas import tpu_sc as plsc

GRID_RES = (32, 64, 128, 256)
NUM_LOD = len(GRID_RES)
NC, NS = 2, 16
NW = NC * NS
N = 1000000
WPW = 31248
C = 2048
ROWS = C // 128
NFULL = WPW // C
TAIL = WPW - NFULL * C
TROWS = -(-TAIL // 128)
EX_BASE = NW * WPW
EX = N - EX_BASE

_mesh = plsc.VectorSubcoreMesh(core_axis_name="c", subcore_axis_name="s")


@functools.partial(
    pl.kernel,
    mesh=_mesh,
    out_type=jax.ShapeDtypeStruct((N,), jnp.float32),
    scratch_types=[
        pltpu.VMEM((C,), jnp.float32),
        pltpu.VMEM((C,), jnp.float32),
        pltpu.VMEM((C,), jnp.float32),
        pltpu.VMEM((NUM_LOD - 1, ROWS, 128), jnp.int32),
        pltpu.VMEM((NUM_LOD - 1, ROWS, 128), jnp.float32),
        pltpu.VMEM((C,), jnp.float32),
        pltpu.VMEM((GRID_RES[0] ** 3,), jnp.float32),
        pltpu.SemaphoreType.DMA,
    ],
    compiler_params=pltpu.CompilerParams(needs_layout_passes=False),
)
def _grid_gather(hx_hbm, hy_hbm, hz_hbm, cb0_hbm, cb1_hbm, cb2_hbm, cb3_hbm,
                 out_hbm, hx_v, hy_v, hz_v, idx_v, feat_v, out_v, cb0_v, sem):
    cbs = (cb1_hbm, cb2_hbm, cb3_hbm)
    hs = (hx_hbm, hy_hbm, hz_hbm)
    wid = lax.axis_index("s") * NC + lax.axis_index("c")
    pltpu.sync_copy(cb0_hbm, cb0_v)

    hvs = (hx_v, hy_v, hz_v)

    def load_pts(base, npts):
        for d in range(3):
            pltpu.async_copy(hs[d].at[pl.ds(base, npts)],
                             hvs[d].at[pl.ds(0, npts)], sem)
        for d in range(3):
            pltpu.make_async_copy(hs[d].at[pl.ds(base, npts)],
                                  hvs[d].at[pl.ds(0, npts)], sem).wait()

    def emit_chunk(rows, clamp):
        def idx_fire(r, carry2):
            for u in range(128 // 16):
                g = pl.ds(r * 128 + u * 16, 16)
                hx = hx_v[g]
                hy = hy_v[g]
                hz = hz_v[g]
                for l, res in enumerate(GRID_RES):
                    s = np.float32(res - 1)
                    ix = (hx * s).astype(jnp.int32)
                    iy = (hy * s).astype(jnp.int32)
                    iz = (hz * s).astype(jnp.int32)
                    idx = ix + iy * res + iz * (res * res)
                    if clamp:
                        idx = jnp.minimum(jnp.maximum(idx, 0), res ** 3 - 1)
                    if l == 0:
                        out_v[g] = plsc.load_gather(cb0_v, [idx])
                    else:
                        idx_v[l - 1, r, pl.ds(u * 16, 16)] = idx
            for l, cb in enumerate(cbs):
                pltpu.async_copy(cb.at[idx_v.at[l, r]], feat_v.at[l, r], sem)
            return carry2

        lax.fori_loop(0, rows, idx_fire, 0)

        def drain_sum(r, carry2):
            for l, cb in enumerate(cbs):
                pltpu.make_async_copy(cb.at[idx_v.at[l, r]],
                                      feat_v.at[l, r], sem).wait()
            for u in range(128 // 16):
                g = pl.ds(r * 128 + u * 16, 16)
                acc = out_v[g]
                for l in range(NUM_LOD - 1):
                    acc = acc + feat_v[l, r, pl.ds(u * 16, 16)]
                out_v[g] = acc
            return carry2

        lax.fori_loop(0, rows, drain_sum, 0)

    def chunk_body(t, carry):
        base = wid * WPW + t * C
        load_pts(base, C)
        emit_chunk(ROWS, clamp=False)
        pltpu.sync_copy(out_v, out_hbm.at[pl.ds(base, C)])
        return carry

    lax.fori_loop(0, NFULL, chunk_body, 0)

    tbase = wid * WPW + NFULL * C
    load_pts(tbase, TAIL)
    emit_chunk(TROWS, clamp=True)
    pltpu.sync_copy(out_v.at[pl.ds(0, TAIL)], out_hbm.at[pl.ds(tbase, TAIL)])

    @pl.when(wid == NW - 1)
    def _():
        load_pts(EX_BASE, EX)
        emit_chunk(1, clamp=True)
        pltpu.sync_copy(out_v.at[pl.ds(0, EX)], out_hbm.at[pl.ds(EX_BASE, EX)])


def kernel(pts, cb0, cb1, cb2, cb3):
    hx = pts[:, 0] * 0.5 + 0.5
    hy = pts[:, 1] * 0.5 + 0.5
    hz = pts[:, 2] * 0.5 + 0.5
    out = _grid_gather(hx, hy, hz, cb0.reshape(-1), cb1.reshape(-1),
                       cb2.reshape(-1), cb3.reshape(-1))
    return out[:, None]

# --- scband reference (transcript-rebuilt; emitter-appended) ---
"""Pipeline reference for scband-dense-grid-88278757802386 (READ-ONLY COPY).

The authoritative reference and input builder live on the scoring server;
editing this copy changes nothing except your own understanding.
"""

import jax, jax.numpy as jnp
import numpy as np

LODS = [32, 64, 128, 256]
FEAT_DIM = 1


def setup_inputs(seed: int = 0) -> dict:
    key = jax.random.key(seed)
    keys = jax.random.split(key, 1 + len(LODS))
    inp = {}
    # pts: uniform in [0, 1) (fill='rand'); forward maps pts/2+0.5 -> [0.5, 1), all indices in-range
    inp["pts"] = jax.random.uniform(keys[0], (1000000, 3), dtype=jnp.float32)
    # learned codebooks, one per LOD: zeros + randn*0.01, shape [res**3, feat_dim]
    for i, res in enumerate(LODS):
        inp[f"cb{i}"] = jax.random.normal(keys[1 + i], (res ** 3, FEAT_DIM), dtype=jnp.float32) * 0.01
    return inp


def reference(pts, cb0, cb1, cb2, cb3):
    codebooks = (cb0, cb1, cb2, cb3)
    p = pts / 2 + 0.5
    feats = []
    for cb, res in zip(codebooks, LODS):
        x = jnp.floor(p[:, 0] * (res - 1)).astype(jnp.int32)
        y = jnp.floor(p[:, 1] * (res - 1)).astype(jnp.int32)
        z = jnp.floor(p[:, 2] * (res - 1)).astype(jnp.int32)
        indices = (x + y * res + z * res * res).astype(jnp.int64)
        features = jnp.take(cb, indices, axis=0)  # gather [N, feat_dim]
        feats.append(features[..., None])
    all_features = jnp.concatenate(feats, axis=-1)  # [N, feat_dim, num_lod]
    return all_features.sum(-1)  # [N, feat_dim]

if __name__ == "__main__":
    import jax
    _d = setup_inputs()
    print(jax.jit(kernel)(*tuple(_d.values())))

</pallas_src>

<mosaic_0001>
#map = affine_map<(d0, d1) -> (0)>
module attributes {stable_mosaic.version = 14 : i64} {
  func.func @_grid_gather(%arg0: i32, %arg1: i32, %arg2: memref<1000000xf32, #tpu.memory_space<hbm>>, %arg3: memref<1000000xf32, #tpu.memory_space<hbm>>, %arg4: memref<1000000xf32, #tpu.memory_space<hbm>>, %arg5: memref<32768xf32, #tpu.memory_space<hbm>>, %arg6: memref<262144xf32, #tpu.memory_space<hbm>>, %arg7: memref<2097152xf32, #tpu.memory_space<hbm>>, %arg8: memref<16777216xf32, #tpu.memory_space<hbm>>, %arg9: memref<1000000xf32, #tpu.memory_space<hbm>>, %arg10: memref<2048xf32, #tpu.memory_space<vmem>>, %arg11: memref<2048xf32, #tpu.memory_space<vmem>>, %arg12: memref<2048xf32, #tpu.memory_space<vmem>>, %arg13: memref<3x16x128xi32, #tpu.memory_space<vmem>>, %arg14: memref<3x16x128xf32, #tpu.memory_space<vmem>>, %arg15: memref<2048xf32, #tpu.memory_space<vmem>>, %arg16: memref<32768xf32, #tpu.memory_space<vmem>>, %arg17: memref<!tpu.dma_semaphore, #tpu.memory_space<semaphore_mem>>) attributes {dimension_semantics = [#tpu.dimension_semantics<core_parallel>, #tpu.dimension_semantics<subcore_parallel>], iteration_bounds = array<i64: 2, 16>, scalar_prefetch = 0 : i64, scratch_operands = 8 : i64, tpu.core_type = #tpu.core_type<sc_vector_subcore>, window_params = [{transform_indices = #map}, {transform_indices = #map}, {transform_indices = #map}, {transform_indices = #map}, {transform_indices = #map}, {transform_indices = #map}, {transform_indices = #map}, {transform_indices = #map}]} {
    %mul3A = arith.constant 2 : i32
    %mul3A_0 = arith.muli %arg1, %mul3A : i32
    %add3A = arith.addi %mul3A_0, %arg0 : i32
    "tpu.region"() ({
      %run_scoped3A = tpu.sem_alloc : memref<!tpu.dma_semaphore, #tpu.memory_space<semaphore_mem>>
      tpu.enqueue_dma source(%arg5 : memref<32768xf32, #tpu.memory_space<hbm>>) target(%arg16 : memref<32768xf32, #tpu.memory_space<vmem>>) target_semaphore(%run_scoped3A : memref<!tpu.dma_semaphore, #tpu.memory_space<semaphore_mem>>)
      tpu.wait_dma2 semaphore(%run_scoped3A : memref<!tpu.dma_semaphore, #tpu.memory_space<semaphore_mem>>) src(%arg5 : memref<32768xf32, #tpu.memory_space<hbm>>) dst(%arg16 : memref<32768xf32, #tpu.memory_space<vmem>>)
      tpu.yield
    }) : () -> ()
    %scan3A = arith.constant 0 : i32
    %scan3A_1 = arith.constant 0 : i32
    %scan3A_2 = arith.constant 15 : i32
    %scan3A_3 = arith.addi %scan3A_1, %scan3A_2 : i32
    %scan3A_4 = arith.constant 1 : i32
    scf.for %scan3A_58 = %scan3A_1 to %scan3A_3 step %scan3A_4  : i32 {
      %mul3A_59 = arith.constant 31248 : i32
      %mul3A_60 = arith.muli %add3A, %mul3A_59 : i32
      %mul3A_61 = arith.constant 2048 : i32
      %mul3A_62 = arith.muli %scan3A_58, %mul3A_61 : i32
      %add3A_63 = arith.addi %mul3A_60, %mul3A_62 : i32
      %dma_start3A_64 = arith.constant 0 : i32
      %dma_start3A_65 = tpu.memref_slice %arg10[%dma_start3A_64] : memref<2048xf32, #tpu.memory_space<vmem>> -> memref<2048xf32, #tpu.memory_space<vmem>>
      %dma_start3A_66 = tpu.memref_slice %arg2[%add3A_63] : memref<1000000xf32, #tpu.memory_space<hbm>> -> memref<2048xf32, #tpu.memory_space<hbm>>
      %dma_start3A_67 = arith.constant 0 : i32
      %dma_start3A_68 = tpu.memref_slice %arg10[%dma_start3A_67] : memref<2048xf32, #tpu.memory_space<vmem>> -> memref<2048xf32, #tpu.memory_space<vmem>>
      %dma_start3A_69 = tpu.memref_slice %arg2[%add3A_63] : memref<1000000xf32, #tpu.memory_space<hbm>> -> memref<2048xf32, #tpu.memory_space<hbm>>
      tpu.enqueue_dma source(%dma_start3A_69 : memref<2048xf32, #tpu.memory_space<hbm>>) target(%dma_start3A_68 : memref<2048xf32, #tpu.memory_space<vmem>>) target_semaphore(%arg17 : memref<!tpu.dma_semaphore, #tpu.memory_space<semaphore_mem>>)
      %dma_start3A_70 = arith.constant 0 : i32
      %dma_start3A_71 = tpu.memref_slice %arg11[%dma_start3A_70] : memref<2048xf32, #tpu.memory_space<vmem>> -> memref<2048xf32, #tpu.memory_space<vmem>>
      %dma_start3A_72 = tpu.memref_slice %arg3[%add3A_63] : memref<1000000xf32, #tpu.memory_space<hbm>> -> memref<2048xf32, #tpu.memory_space<hbm>>
      %dma_start3A_73 = arith.constant 0 : i32
      %dma_start3A_74 = tpu.memref_slice %arg11[%dma_start3A_73] : memref<2048xf32, #tpu.memory_space<vmem>> -> memref<2048xf32, #tpu.memory_space<vmem>>
      %dma_start3A_75 = tpu.memref_slice %arg3[%add3A_63] : memref<1000000xf32, #tpu.memory_space<hbm>> -> memref<2048xf32, #tpu.memory_space<hbm>>
      tpu.enqueue_dma source(%dma_start3A_75 : memref<2048xf32, #tpu.memory_space<hbm>>) target(%dma_start3A_74 : memref<2048xf32, #tpu.memory_space<vmem>>) target_semaphore(%arg17 : memref<!tpu.dma_semaphore, #tpu.memory_space<semaphore_mem>>)
      %dma_start3A_76 = arith.constant 0 : i32
      %dma_start3A_77 = tpu.memref_slice %arg12[%dma_start3A_76] : memref<2048xf32, #tpu.memory_space<vmem>> -> memref<2048xf32, #tpu.memory_space<vmem>>
      %dma_start3A_78 = tpu.memref_slice %arg4[%add3A_63] : memref<1000000xf32, #tpu.memory_space<hbm>> -> memref<2048xf32, #tpu.memory_space<hbm>>
      %dma_start3A_79 = arith.constant 0 : i32
      %dma_start3A_80 = tpu.memref_slice %arg12[%dma_start3A_79] : memref<2048xf32, #tpu.memory_space<vmem>> -> memref<2048xf32, #tpu.memory_space<vmem>>
      %dma_start3A_81 = tpu.memref_slice %arg4[%add3A_63] : memref<1000000xf32, #tpu.memory_space<hbm>> -> memref<2048xf32, #tpu.memory_space<hbm>>
      tpu.enqueue_dma source(%dma_start3A_81 : memref<2048xf32, #tpu.memory_space<hbm>>) target(%dma_start3A_80 : memref<2048xf32, #tpu.memory_space<vmem>>) target_semaphore(%arg17 : memref<!tpu.dma_semaphore, #tpu.memory_space<semaphore_mem>>)
      %dma_wait3A_82 = arith.constant 0 : i32
      %dma_wait3A_83 = tpu.memref_slice %arg10[%dma_wait3A_82] : memref<2048xf32, #tpu.memory_space<vmem>> -> memref<2048xf32, #tpu.memory_space<vmem>>
      %dma_wait3A_84 = tpu.memref_slice %arg2[%add3A_63] : memref<1000000xf32, #tpu.memory_space<hbm>> -> memref<2048xf32, #tpu.memory_space<hbm>>
      %dma_wait3A_85 = arith.constant 0 : i32
      %dma_wait3A_86 = tpu.memref_slice %arg10[%dma_wait3A_85] : memref<2048xf32, #tpu.memory_space<vmem>> -> memref<2048xf32, #tpu.memory_space<vmem>>
      %dma_wait3A_87 = tpu.memref_slice %arg2[%add3A_63] : memref<1000000xf32, #tpu.memory_space<hbm>> -> memref<2048xf32, #tpu.memory_space<hbm>>
      tpu.wait_dma2 semaphore(%arg17 : memref<!tpu.dma_semaphore, #tpu.memory_space<semaphore_mem>>) src(%dma_wait3A_87 : memref<2048xf32, #tpu.memory_space<hbm>>) dst(%dma_wait3A_86 : memref<2048xf32, #tpu.memory_space<vmem>>)
      %dma_wait3A_88 = arith.constant 0 : i32
      %dma_wait3A_89 = tpu.memref_slice %arg11[%dma_wait3A_88] : memref<2048xf32, #tpu.memory_space<vmem>> -> memref<2048xf32, #tpu.memory_space<vmem>>
      %dma_wait3A_90 = tpu.memref_slice %arg3[%add3A_63] : memref<1000000xf32, #tpu.memory_space<hbm>> -> memref<2048xf32, #tpu.memory_space<hbm>>
      %dma_wait3A_91 = arith.constant 0 : i32
      %dma_wait3A_92 = tpu.memref_slice %arg11[%dma_wait3A_91] : memref<2048xf32, #tpu.memory_space<vmem>> -> memref<2048xf32, #tpu.memory_space<vmem>>
      %dma_wait3A_93 = tpu.memref_slice %arg3[%add3A_63] : memref<1000000xf32, #tpu.memory_space<hbm>> -> memref<2048xf32, #tpu.memory_space<hbm>>
      tpu.wait_dma2 semaphore(%arg17 : memref<!tpu.dma_semaphore, #tpu.memory_space<semaphore_mem>>) src(%dma_wait3A_93 : memref<2048xf32, #tpu.memory_space<hbm>>) dst(%dma_wait3A_92 : memref<2048xf32, #tpu.memory_space<vmem>>)
      %dma_wait3A_94 = arith.constant 0 : i32
      %dma_wait3A_95 = tpu.memref_slice %arg12[%dma_wait3A_94] : memref<2048xf32, #tpu.memory_space<vmem>> -> memref<2048xf32, #tpu.memory_space<vmem>>
      %dma_wait3A_96 = tpu.memref_slice %arg4[%add3A_63] : memref<1000000xf32, #tpu.memory_space<hbm>> -> memref<2048xf32, #tpu.memory_space<hbm>>
      %dma_wait3A_97 = arith.constant 0 : i32
      %dma_wait3A_98 = tpu.memref_slice %arg12[%dma_wait3A_97] : memref<2048xf32, #tpu.memory_space<vmem>> -> memref<2048xf32, #tpu.memory_space<vmem>>
      %dma_wait3A_99 = tpu.memref_slice %arg4[%add3A_63] : memref<1000000xf32, #tpu.memory_space<hbm>> -> memref<2048xf32, #tpu.memory_space<hbm>>
      tpu.wait_dma2 semaphore(%arg17 : memref<!tpu.dma_semaphore, #tpu.memory_space<semaphore_mem>>) src(%dma_wait3A_99 : memref<2048xf32, #tpu.memory_space<hbm>>) dst(%dma_wait3A_98 : memref<2048xf32, #tpu.memory_space<vmem>>)
      %scan3A_100 = arith.constant 0 : i32
      %scan3A_101 = arith.constant 0 : i32
      %scan3A_102 = arith.constant 16 : i32
      %scan3A_103 = arith.addi %scan3A_101, %scan3A_102 : i32
      %scan3A_104 = arith.constant 1 : i32
      scf.for %scan3A_112 = %scan3A_101 to %scan3A_103 step %scan3A_104  : i32 {
        %mul3A_113 = arith.constant 128 : i32
        %mul3A_114 = arith.muli %scan3A_112, %mul3A_113 : i32
        %add3A_115 = arith.constant 0 : i32
        %add3A_116 = arith.addi %mul3A_114, %add3A_115 : i32
        %get3A = arith.index_cast %add3A_116 : i32 to index
        %get3A_117 = tpu.vector_load %arg10[%get3A] {strides = array<i32>} : memref<2048xf32, #tpu.memory_space<vmem>>, vector<16xf32>,
        %get3A_118 = arith.index_cast %add3A_116 : i32 to index
        %get3A_119 = tpu.vector_load %arg11[%get3A_118] {strides = array<i32>} : memref<2048xf32, #tpu.memory_space<vmem>>, vector<16xf32>,
        %get3A_120 = arith.index_cast %add3A_116 : i32 to index
        %get3A_121 = tpu.vector_load %arg12[%get3A_120] {strides = array<i32>} : memref<2048xf32, #tpu.memory_space<vmem>>, vector<16xf32>,
        %mul3A_122 = arith.constant 3.100000e+01 : f32
        %mul3A_123 = vector.broadcast %mul3A_122 : f32 to vector<16xf32>
        %mul3A_124 = arith.mulf %get3A_117, %mul3A_123 : vector<16xf32>
        %convert_element_type3A_125 = arith.fptosi %mul3A_124 : vector<16xf32> to vector<16xi32>
        %mul3A_126 = arith.constant 3.100000e+01 : f32
        %mul3A_127 = vector.broadcast %mul3A_126 : f32 to vector<16xf32>
        %mul3A_128 = arith.mulf %get3A_119, %mul3A_127 : vector<16xf32>
        %convert_element_type3A_129 = arith.fptosi %mul3A_128 : vector<16xf32> to vector<16xi32>
        %mul3A_130 = arith.constant 3.100000e+01 : f32
        %mul3A_131 = vector.broadcast %mul3A_130 : f32 to vector<16xf32>
        %mul3A_132 = arith.mulf %get3A_121, %mul3A_131 : vector<16xf32>
        %convert_element_type3A_133 = arith.fptosi %mul3A_132 : vector<16xf32> to vector<16xi32>
        %mul3A_134 = arith.constant 32 : i32
        %mul3A_135 = vector.broadcast %mul3A_134 : i32 to vector<16xi32>
        %mul3A_136 = arith.muli %convert_element_type3A_129, %mul3A_135 : vector<16xi32>
        %add3A_137 = arith.addi %convert_element_type3A_125, %mul3A_136 : vector<16xi32>
        %mul3A_138 = arith.constant 1024 : i32
        %mul3A_139 = vector.broadcast %mul3A_138 : i32 to vector<16xi32>
        %mul3A_140 = arith.muli %convert_element_type3A_133, %mul3A_139 : vector<16xi32>
        %add3A_141 = arith.addi %add3A_137, %mul3A_140 : vector<16xi32>
        %gather3A = tpu.vector_load_idx %arg16[%add3A_141] : memref<32768xf32, #tpu.memory_space<vmem>>[vector<16xi32>], vector<16xf32>,
        %swap3A = arith.index_cast %add3A_116 : i32 to index
        %swap3A_142 = tpu.vector_load %arg15[%swap3A] {strides = array<i32>} : memref<2048xf32, #tpu.memory_space<vmem>>, vector<16xf32>,
        tpu.vector_store %arg15[%swap3A], %gather3A {strides = array<i32>} : memref<2048xf32, #tpu.memory_space<vmem>>, vector<16xf32>,
        %mul3A_143 = arith.constant 6.300000e+01 : f32
        %mul3A_144 = vector.broadcast %mul3A_143 : f32 to vector<16xf32>
        %mul3A_145 = arith.mulf %get3A_117, %mul3A_144 : vector<16xf32>
        %convert_element_type3A_146 = arith.fptosi %mul3A_145 : vector<16xf32> to vector<16xi32>
        %mul3A_147 = arith.constant 6.300000e+01 : f32
        %mul3A_148 = vector.broadcast %mul3A_147 : f32 to vector<16xf32>
        %mul3A_149 = arith.mulf %get3A_119, %mul3A_148 : vector<16xf32>
        %convert_element_type3A_150 = arith.fptosi %mul3A_149 : vector<16xf32> to vector<16xi32>
        %mul3A_151 = arith.constant 6.300000e+01 : f32
        %mul3A_152 = vector.broadcast %mul3A_151 : f32 to vector<16xf32>
        %mul3A_153 = arith.mulf %get3A_121, %mul3A_152 : vector<16xf32>
        %convert_element_type3A_154 = arith.fptosi %mul3A_153 : vector<16xf32> to vector<16xi32>
        %mul3A_155 = arith.constant 64 : i32
        %mul3A_156 = vector.broadcast %mul3A_155 : i32 to vector<16xi32>
        %mul3A_157 = arith.muli %convert_element_type3A_150, %mul3A_156 : vector<16xi32>
        %add3A_158 = arith.addi %convert_element_type3A_146, %mul3A_157 : vector<16xi32>
        %mul3A_159 = arith.constant 4096 : i32
        %mul3A_160 = vector.broadcast %mul3A_159 : i32 to vector<16xi32>
        %mul3A_161 = arith.muli %convert_element_type3A_154, %mul3A_160 : vector<16xi32>
        %add3A_162 = arith.addi %add3A_158, %mul3A_161 : vector<16xi32>
        %swap3A_163 = arith.constant 0 : i32
        %swap3A_164 = arith.index_cast %swap3A_163 : i32 to index
        %swap3A_165 = arith.index_cast %scan3A_112 : i32 to index
        %swap3A_166 = arith.constant 0 : index
        %swap3A_167 = tpu.vector_load %arg13[%swap3A_164, %swap3A_165, %swap3A_166] {strides = array<i32>} : memref<3x16x128xi32, #tpu.memory_space<vmem>>, vector<16xi32>,
        tpu.vector_store %arg13[%swap3A_164, %swap3A_165, %swap3A_166], %add3A_162 {strides = array<i32>} : memref<3x16x128xi32, #tpu.memory_space<vmem>>, vector<16xi32>,
        %mul3A_168 = arith.constant 1.270000e+02 : f32
        %mul3A_169 = vector.broadcast %mul3A_168 : f32 to vector<16xf32>
        %mul3A_170 = arith.mulf %get3A_117, %mul3A_169 : vector<16xf32>
        %convert_element_type3A_171 = arith.fptosi %mul3A_170 : vector<16xf32> to vector<16xi32>
        %mul3A_172 = arith.constant 1.270000e+02 : f32
        %mul3A_173 = vector.broadcast %mul3A_172 : f32 to vector<16xf32>
        %mul3A_174 = arith.mulf %get3A_119, %mul3A_173 : vector<16xf32>
        %convert_element_type3A_175 = arith.fptosi %mul3A_174 : vector<16xf32> to vector<16xi32>
        %mul3A_176 = arith.constant 1.270000e+02 : f32
        %mul3A_177 = vector.broadcast %mul3A_176 : f32 to vector<16xf32>
        %mul3A_178 = arith.mulf %get3A_121, %mul3A_177 : vector<16xf32>
        %convert_element_type3A_179 = arith.fptosi %mul3A_178 : vector<16xf32> to vector<16xi32>
        %mul3A_180 = arith.constant 128 : i32
        %mul3A_181 = vector.broadcast %mul3A_180 : i32 to vector<16xi32>
        %mul3A_182 = arith.muli %convert_element_type3A_175, %mul3A_181 : vector<16xi32>
        %add3A_183 = arith.addi %convert_element_type3A_171, %mul3A_182 : vector<16xi32>
        %mul3A_184 = arith.constant 16384 : i32
        %mul3A_185 = vector.broadcast %mul3A_184 : i32 to vector<16xi32>
        %mul3A_186 = arith.muli %convert_element_type3A_179, %mul3A_185 : vector<16xi32>
        %add3A_187 = arith.addi %add3A_183, %mul3A_186 : vector<16xi32>
        %swap3A_188 = arith.constant 1 : i32
        %swap3A_189 = arith.index_cast %swap3A_188 : i32 to index
        %swap3A_190 = arith.index_cast %scan3A_112 : i32 to index
        %swap3A_191 = arith.constant 0 : index
        %swap3A_192 = tpu.vector_load %arg13[%swap3A_189, %swap3A_190, %swap3A_191] {strides = array<i32>} : memref<3x16x128xi32, #tpu.memory_space<vmem>>, vector<16xi32>,
        tpu.vector_store %arg13[%swap3A_189, %swap3A_190, %swap3A_191], %add3A_187 {strides = array<i32>} : memref<3x16x128xi32, #tpu.memory_space<vmem>>, vector<16xi32>,
        %mul3A_193 = arith.constant 2.550000e+02 : f32
        %mul3A_194 = vector.broadcast %mul3A_193 : f32 to vector<16xf32>
        %mul3A_195 = arith.mulf %get3A_117, %mul3A_194 : vector<16xf32>
        %convert_element_type3A_196 = arith.fptosi %mul3A_195 : vector<16xf32> to vector<16xi32>
        %mul3A_197 = arith.constant 2.550000e+02 : f32
        %mul3A_198 = vector.broadcast %mul3A_197 : f32 to vector<16xf32>
        %mul3A_199 = arith.mulf %get3A_119, %mul3A_198 : vector<16xf32>
        %convert_element_type3A_200 = arith.fptosi %mul3A_199 : vector<16xf32> to vector<16xi32>
        %mul3A_201 = arith.constant 2.550000e+02 : f32
        %mul3A_202 = vector.broadcast %mul3A_201 : f32 to vector<16xf32>
        %mul3A_203 = arith.mulf %get3A_121, %mul3A_202 : vector<16xf32>
        %convert_element_type3A_204 = arith.fptosi %mul3A_203 : vector<16xf32> to vector<16xi32>
        %mul3A_205 = arith.constant 256 : i32
        %mul3A_206 = vector.broadcast %mul3A_205 : i32 to vector<16xi32>
        %mul3A_207 = arith.muli %convert_element_type3A_200, %mul3A_206 : vector<16xi32>
        %add3A_208 = arith.addi %convert_element_type3A_196, %mul3A_207 : vector<16xi32>
        %mul3A_209 = arith.constant 65536 : i32
        %mul3A_210 = vector.broadcast %mul3A_209 : i32 to vector<16xi32>
        %mul3A_211 = arith.muli %convert_element_type3A_204, %mul3A_210 : vector<16xi32>
        %add3A_212 = arith.addi %add3A_208, %mul3A_211 : vector<16xi32>
        %swap3A_213 = arith.constant 2 : i32
        %swap3A_214 = arith.index_cast %swap3A_213 : i32 to index
        %swap3A_215 = arith.index_cast %scan3A_112 : i32 to index
        %swap3A_216 = arith.constant 0 : index
        %swap3A_217 = tpu.vector_load %arg13[%swap3A_214, %swap3A_215, %swap3A_216] {strides = array<i32>} : memref<3x16x128xi32, #tpu.memory_space<vmem>>, vector<16xi32>,
        tpu.vector_store %arg13[%swap3A_214, %swap3A_215, %swap3A_216], %add3A_212 {strides = array<i32>} : memref<3x16x128xi32, #tpu.memory_space<vmem>>, vector<16xi32>,
        %mul3A_218 = arith.constant 128 : i32
        %mul3A_219 = arith.muli %scan3A_112, %mul3A_218 : i32
        %add3A_220 = arith.constant 16 : i32
        %add3A_221 = arith.addi %mul3A_219, %add3A_220 : i32
        %get3A_222 = arith.index_cast %add3A_221 : i32 to index
        %get3A_223 = tpu.vector_load %arg10[%get3A_222] {strides = array<i32>} : memref<2048xf32, #tpu.memory_space<vmem>>, vector<16xf32>,
        %get3A_224 = arith.index_cast %add3A_221 : i32 to index
        %get3A_225 = tpu.vector_load %arg11[%get3A_224] {strides = array<i32>} : memref<2048xf32, #tpu.memory_space<vmem>>, vector<16xf32>,
        %get3A_226 = arith.index_cast %add3A_221 : i32 to index
        %get3A_227 = tpu.vector_load %arg12[%get3A_226] {strides = array<i32>} : memref<2048xf32, #tpu.memory_space<vmem>>, vector<16xf32>,
        %mul3A_228 = arith.constant 3.100000e+01 : f32
        %mul3A_229 = vector.broadcast %mul3A_228 : f32 to vector<16xf32>
        %mul3A_230 = arith.mulf %get3A_223, %mul3A_229 : vector<16xf32>
        %convert_element_type3A_231 = arith.fptosi %mul3A_230 : vector<16xf32> to vector<16xi32>
        %mul3A_232 = arith.constant 3.100000e+01 : f32
        %mul3A_233 = vector.broadcast %mul3A_232 : f32 to vector<16xf32>
        %mul3A_234 = arith.mulf %get3A_225, %mul3A_233 : vector<16xf32>
        %convert_element_type3A_235 = arith.fptosi %mul3A_234 : vector<16xf32> to vector<16xi32>
        %mul3A_236 = arith.constant 3.100000e+01 : f32
        %mul3A_237 = vector.broadcast %mul3A_236 : f32 to vector<16xf32>
        %mul3A_238 = arith.mulf %get3A_227, %mul3A_237 : vector<16xf32>
        %convert_element_type3A_239 = arith.fptosi %mul3A_238 : vector<16xf32> to vector<16xi32>
        %mul3A_240 = arith.constant 32 : i32
        %mul3A_241 = vector.broadcast %mul3A_240 : i32 to vector<16xi32>
        %mul3A_242 = arith.muli %convert_element_type3A_235, %mul3A_241 : vector<16xi32>
        %add3A_243 = arith.addi %convert_element_type3A_231, %mul3A_242 : vector<16xi32>
        %mul3A_244 = arith.constant 1024 : i32
        %mul3A_245 = vector.broadcast %mul3A_244 : i32 to vector<16xi32>
        %mul3A_246 = arith.muli %convert_element_type3A_239, %mul3A_245 : vector<16xi32>
        %add3A_247 = arith.addi %add3A_243, %mul3A_246 : vector<16xi32>
        %gather3A_248 = tpu.vector_load_idx %arg16[%add3A_247] : memref<32768xf32, #tpu.memory_space<vmem>>[vector<16xi32>], vector<16xf32>,
        %swap3A_249 = arith.index_cast %add3A_221 : i32 to index
        %swap3A_250 = tpu.vector_load %arg15[%swap3A_249] {strides = array<i32>} : memref<2048xf32, #tpu.memory_space<vmem>>, vector<16xf32>,
        tpu.vector_store %arg15[%swap3A_249], %gather3A_248 {strides = array<i32>} : memref<2048xf32, #tpu.memory_space<vmem>>, vector<16xf32>,
        %mul3A_251 = arith.constant 6.300000e+01 : f32
        %mul3A_252 = vector.broadcast %mul3A_251 : f32 to vector<16xf32>
        %mul3A_253 = arith.mulf %get3A_223, %mul3A_252 : vector<16xf32>
        %convert_element_type3A_254 = arith.fptosi %mul3A_253 : vector<16xf32> to vector<16xi32>
        %mul3A_255 = arith.constant 6.300000e+01 : f32
        %mul3A_256 = vector.broadcast %mul3A_255 : f32 to vector<16xf32>
        %mul3A_257 = arith.mulf %get3A_225, %mul3A_256 : vector<16xf32>
        %convert_element_type3A_258 = arith.fptosi %mul3A_257 : vector<16xf32> to vector<16xi32>
        %mul3A_259 = arith.constant 6.300000e+01 : f32
        %mul3A_260 = vector.broadcast %mul3A_259 : f32 to vector<16xf32>
        %mul3A_261 = arith.mulf %get3A_227, %mul3A_260 : vector<16xf32>
        %convert_element_type3A_262 = arith.fptosi %mul3A_261 : vector<16xf32> to vector<16xi32>
        %mul3A_263 = arith.constant 64 : i32
        %mul3A_264 = vector.broadcast %mul3A_263 : i32 to vector<16xi32>
        %mul3A_265 = arith.muli %convert_element_type3A_258, %mul3A_264 : vector<16xi32>
        %add3A_266 = arith.addi %convert_element_type3A_254, %mul3A_265 : vector<16xi32>
        %mul3A_267 = arith.constant 4096 : i32
        %mul3A_268 = vector.broadcast %mul3A_267 : i32 to vector<16xi32>
        %mul3A_269 = arith.muli %convert_element_type3A_262, %mul3A_268 : vector<16xi32>
        %add3A_270 = arith.addi %add3A_266, %mul3A_269 : vector<16xi32>
        %swap3A_271 = arith.constant 0 : i32
        %swap3A_272 = arith.index_cast %swap3A_271 : i32 to index
        %swap3A_273 = arith.index_cast %scan3A_112 : i32 to index
        %swap3A_274 = arith.constant 16 : index
        %swap3A_275 = tpu.vector_load %arg13[%swap3A_272, %swap3A_273, %swap3A_274] {strides = array<i32>} : memref<3x16x128xi32, #tpu.memory_space<vmem>>, vector<16xi32>,
        tpu.vector_store %arg13[%swap3A_272, %swap3A_273, %swap3A_274], %add3A_270 {strides = array<i32>} : memref<3x16x128xi32, #tpu.memory_space<vmem>>, vector<16xi32>,
        %mul3A_276 = arith.constant 1.270000e+02 : f32
        %mul3A_277 = vector.broadcast %mul3A_276 : f32 to vector<16xf32>
        %mul3A_278 = arith.mulf %get3A_223, %mul3A_277 : vector<16xf32>
        %convert_element_type3A_279 = arith.fptosi %mul3A_278 : vector<16xf32> to vector<16xi32>
        %mul3A_280 = arith.constant 1.270000e+02 : f32
        %mul3A_281 = vector.broadcast %mul3A_280 : f32 to vector<16xf32>
        %mul3A_282 = arith.mulf %get3A_225, %mul3A_281 : vector<16xf32>
        %convert_element_type3A_283 = arith.fptosi %mul3A_282 : vector<16xf32> to vector<16xi32>
        %mul3A_284 = arith.constant 1.270000e+02 : f32
        %mul3A_285 = vector.broadcast %mul3A_284 : f32 to vector<16xf32>
        %mul3A_286 = arith.mulf %get3A_227, %mul3A_285 : vector<16xf32>
        %convert_element_type3A_287 = arith.fptosi %mul3A_286 : vector<16xf32> to vector<16xi32>
        %mul3A_288 = arith.constant 128 : i32
        %mul3A_289 = vector.broadcast %mul3A_288 : i32 to vector<16xi32>
        %mul3A_290 = arith.muli %convert_element_type3A_283, %mul3A_289 : vector<16xi32>
        %add3A_291 = arith.addi %convert_element_type3A_279, %mul3A_290 : vector<16xi32>
        %mul3A_292 = arith.constant 16384 : i32
        %mul3A_293 = vector.broadcast %mul3A_292 : i32 to vector<16xi32>
        %mul3A_294 = arith.muli %convert_element_type3A_287, %mul3A_293 : vector<16xi32>
        %add3A_295 = arith.addi %add3A_291, %mul3A_294 : vector<16xi32>
        %swap3A_296 = arith.constant 1 : i32
        %swap3A_297 = arith.index_cast %swap3A_296 : i32 to index
        %swap3A_298 = arith.index_cast %scan3A_112 : i32 to index
        %swap3A_299 = arith.constant 16 : index
        %swap3A_300 = tpu.vector_load %arg13[%swap3A_297, %swap3A_298, %swap3A_299] {strides = array<i32>} : memref<3x16x128xi32, #tpu.memory_space<vmem>>, vector<16xi32>,
        tpu.vector_store %arg13[%swap3A_297, %swap3A_298, %swap3A_299], %add3A_295 {strides = array<i32>} : memref<3x16x128xi32, #tpu.memory_space<vmem>>, vector<16xi32>,
        %mul3A_301 = arith.constant 2.550000e+02 : f32
        %mul3A_302 = vector.broadcast %mul3A_301 : f32 to vector<16xf32>
        %mul3A_303 = arith.mulf %get3A_223, %mul3A_302 : vector<16xf32>
        %convert_element_type3A_304 = arith.fptosi %mul3A_303 : vector<16xf32> to vector<16xi32>
        %mul3A_305 = arith.constant 2.550000e+02 : f32
        %mul3A_306 = vector.broadcast %mul3A_305 : f32 to vector<16xf32>
        %mul3A_307 = arith.mulf %get3A_225, %mul3A_306 : vector<16xf32>
        %convert_element_type3A_308 = arith.fptosi %mul3A_307 : vector<16xf32> to vector<16xi32>
        %mul3A_309 = arith.constant 2.550000e+02 : f32
        %mul3A_310 = vector.broadcast %mul3A_309 : f32 to vector<16xf32>
        %mul3A_311 = arith.mulf %get3A_227, %mul3A_310 : vector<16xf32>
        %convert_element_type3A_312 = arith.fptosi %mul3A_311 : vector<16xf32> to vector<16xi32>
        %mul3A_313 = arith.constant 256 : i32
        %mul3A_314 = vector.broadcast %mul3A_313 : i32 to vector<16xi32>
        %mul3A_315 = arith.muli %convert_element_type3A_308, %mul3A_314 : vector<16xi32>
        %add3A_316 = arith.addi %convert_element_type3A_304, %mul3A_315 : vector<16xi32>
        %mul3A_317 = arith.constant 65536 : i32
        %mul3A_318 = vector.broadcast %mul3A_317 : i32 to vector<16xi32>
        %mul3A_319 = arith.muli %convert_element_type3A_312, %mul3A_318 : vector<16xi32>
        %add3A_320 = arith.addi %add3A_316, %mul3A_319 : vector<16xi32>
        %swap3A_321 = arith.constant 2 : i32
        %swap3A_322 = arith.index_cast %swap3A_321 : i32 to index
        %swap3A_323 = arith.index_cast %scan3A_112 : i32 to index
        %swap3A_324 = arith.constant 16 : index
        %swap3A_325 = tpu.vector_load %arg13[%swap3A_322, %swap3A_323, %swap3A_324] {strides = array<i32>} : memref<3x16x128xi32, #tpu.memory_space<vmem>>, vector<16xi32>,
        tpu.vector_store %arg13[%swap3A_322, %swap3A_323, %swap3A_324], %add3A_320 {strides = array<i32>} : memref<3x16x128xi32, #tpu.memory_space<vmem>>, vector<16xi32>,
        %mul3A_326 = arith.constant 128 : i32
        %mul3A_327 = arith.muli %scan3A_112, %mul3A_326 : i32
        %add3A_328 = arith.constant 32 : i32
        %add3A_329 = arith.addi %mul3A_327, %add3A_328 : i32
        %get3A_330 = arith.index_cast %add3A_329 : i32 to index
        %get3A_331 = tpu.vector_load %arg10[%get3A_330] {strides = array<i32>} : memref<2048xf32, #tpu.memory_space<vmem>>, vector<16xf32>,
        %get3A_332 = arith.index_cast %add3A_329 : i32 to index
        %get3A_333 = tpu.vector_load %arg11[%get3A_332] {strides = array<i32>} : memref<2048xf32, #tpu.memory_space<vmem>>, vector<16xf32>,
        %get3A_334 = arith.index_cast %add3A_329 : i32 to index
        %get3A_335 = tpu.vector_load %arg12[%get3A_334] {strides = array<i32>} : memref<2048xf32, #tpu.memory_space<vmem>>, vector<16xf32>,
        %mul3A_336 = arith.constant 3.100000e+01 : f32
        %mul3A_337 = vector.broadcast %mul3A_336 : f32 to vector<16xf32>
        %mul3A_338 = arith.mulf %get3A_331, %mul3A_337 : vector<16xf32>
        %convert_element_type3A_339 = arith.fptosi %mul3A_338 : vector<16xf32> to vector<16xi32>
        %mul3A_340 = arith.constant 3.100000e+01 : f32
        %mul3A_341 = vector.broadcast %mul3A_340 : f32 to vector<16xf32>
        %mul3A_342 = arith.mulf %get3A_333, %mul3A_341 : vector<16xf32>
        %convert_element_type3A_343 = arith.fptosi %mul3A_342 : vector<16xf32> to vector<16xi32>
        %mul3A_344 = arith.constant 3.100000e+01 : f32
        %mul3A_345 = vector.broadcast %mul3A_344 : f32 to vector<16xf32>
        %mul3A_346 = arith.mulf %get3A_335, %mul3A_345 : vector<16xf32>
        %convert_element_type3A_347 = arith.fptosi %mul3A_346 : vector<16xf32> to vector<16xi32>
        %mul3A_348 = arith.constant 32 : i32
        %mul3A_349 = vector.broadcast %mul3A_348 : i32 to vector<16xi32>
        %mul3A_350 = arith.muli %convert_element_type3A_343, %mul3A_349 : vector<16xi32>
        %add3A_351 = arith.addi %convert_element_type3A_339, %mul3A_350 : vector<16xi32>
        %mul3A_352 = arith.constant 1024 : i32
        %mul3A_353 = vector.broadcast %mul3A_352 : i32 to vector<16xi32>
        %mul3A_354 = arith.muli %convert_element_type3A_347, %mul3A_353 : vector<16xi32>
        %add3A_355 = arith.addi %add3A_351, %mul3A_354 : vector<16xi32>
        %gather3A_356 = tpu.vector_load_idx %arg16[%add3A_355] : memref<32768xf32, #tpu.memory_space<vmem>>[vector<16xi32>], vector<16xf32>,
        %swap3A_357 = arith.index_cast %add3A_329 : i32 to index
        %swap3A_358 = tpu.vector_load %arg15[%swap3A_357] {strides = array<i32>} : memref<2048xf32, #tpu.memory_space<vmem>>, vector<16xf32>,
        tpu.vector_store %arg15[%swap3A_357], %gather3A_356 {strides = array<i32>} : memref<2048xf32, #tpu.memory_space<vmem>>, vector<16xf32>,
        %mul3A_359 = arith.constant 6.300000e+01 : f32
        %mul3A_360 = vector.broadcast %mul3A_359 : f32 to vector<16xf32>
        %mul3A_361 = arith.mulf %get3A_331, %mul3A_360 : vector<16xf32>
        %convert_element_type3A_362 = arith.fptosi %mul3A_361 : vector<16xf32> to vector<16xi32>
        %mul3A_363 = arith.constant 6.300000e+01 : f32
        %mul3A_364 = vector.broadcast %mul3A_363 : f32 to vector<16xf32>
        %mul3A_365 = arith.mulf %get3A_333, %mul3A_364 : vector<16xf32>
        %convert_element_type3A_366 = arith.fptosi %mul3A_365 : vector<16xf32> to vector<16xi32>
        %mul3A_367 = arith.constant 6.300000e+01 : f32
        %mul3A_368 = vector.broadcast %mul3A_367 : f32 to vector<16xf32>
        %mul3A_369 = arith.mulf %get3A_335, %mul3A_368 : vector<16xf32>
        %convert_element_type3A_370 = arith.fptosi %mul3A_369 : vector<16xf32> to vector<16xi32>
        %mul3A_371 = arith.constant 64 : i32
        %mul3A_372 = vector.broadcast %mul3A_371 : i32 to vector<16xi32>
        %mul3A_373 = arith.muli %convert_element_type3A_366, %mul3A_372 : vector<16xi32>
        %add3A_374 = arith.addi %convert_element_type3A_362, %mul3A_373 : vector<16xi32>
        %mul3A_375 = arith.constant 4096 : i32
        %mul3A_376 = vector.broadcast %mul3A_375 : i32 to vector<16xi32>
        %mul3A_377 = arith.muli %convert_element_type3A_370, %mul3A_376 : vector<16xi32>
        %add3A_378 = arith.addi %add3A_374, %mul3A_377 : vector<16xi32>
        %swap3A_379 = arith.constant 0 : i32
        %swap3A_380 = arith.index_cast %swap3A_379 : i32 to index
        %swap3A_381 = arith.index_cast %scan3A_112 : i32 to index
        %swap3A_382 = arith.constant 32 : index
        %swap3A_383 = tpu.vector_load %arg13[%swap3A_380, %swap3A_381, %swap3A_382] {strides = array<i32>} : memref<3x16x128xi32, #tpu.memory_space<vmem>>, vector<16xi32>,
        tpu.vector_store %arg13[%swap3A_380, %swap3A_381, %swap3A_382], %add3A_378 {strides = array<i32>} : memref<3x16x128xi32, #tpu.memory_space<vmem>>, vector<16xi32>,
        %mul3A_384 = arith.constant 1.270000e+02 : f32
        %mul3A_385 = vector.broadcast %mul3A_384 : f32 to vector<16xf32>
        %mul3A_386 = arith.mulf %get3A_331, %mul3A_385 : vector<16xf32>
        %convert_element_type3A_387 = arith.fptosi %mul3A_386 : vector<16xf32> to vector<16xi32>
        %mul3A_388 = arith.constant 1.270000e+02 : f32
        %mul3A_389 = vector.broadcast %mul3A_388 : f32 to vector<16xf32>
        %mul3A_390 = arith.mulf %get3A_333, %mul3A_389 : vector<16xf32>
        %convert_element_type3A_391 = arith.fptosi %mul3A_390 : vector<16xf32> to vector<16xi32>
        %mul3A_392 = arith.constant 1.270000e+02 : f32
        %mul3A_393 = vector.broadcast %mul3A_392 : f32 to vector<16xf32>
        %mul3A_394 = arith.mulf %get3A_335, %mul3A_393 : vector<16xf32>
        %convert_element_type3A_395 = arith.fptosi %mul3A_394 : vector<16xf32> to vector<16xi32>
        %mul3A_396 = arith.constant 128 : i32
        %mul3A_397 = vector.broadcast %mul3A_396 : i32 to vector<16xi32>
        %mul3A_398 = arith.muli %convert_element_type3A_391, %mul3A_397 : vector<16xi32>
        %add3A_399 = arith.addi %convert_element_type3A_387, %mul3A_398 : vector<16xi32>
        %mul3A_400 = arith.constant 16384 : i32
        %mul3A_401 = vector.broadcast %mul3A_400 : i32 to vector<16xi32>
        %mul3A_402 = arith.muli %convert_element_type3A_395, %mul3A_401 : vector<16xi32>
        %add3A_403 = arith.addi %add3A_399, %mul3A_402 : vector<16xi32>
        %swap3A_404 = arith.constant 1 : i32
        %swap3A_405 = arith.index_cast %swap3A_404 : i32 to index
        %swap3A_406 = arith.index_cast %scan3A_112 : i32 to index
        %swap3A_407 = arith.constant 32 : index
        %swap3A_408 = tpu.vector_load %arg13[%swap3A_405, %swap3A_406, %swap3A_407] {strides = array<i32>} : memref<3x16x128xi32, #tpu.memory_space<vmem>>, vector<16xi32>,
        tpu.vector_store %arg13[%swap3A_405, %swap3A_406, %swap3A_407], %add3A_403 {strides = array<i32>} : memref<3x16x128xi32, #tpu.memory_space<vmem>>, vector<16xi32>,
        %mul3A_409 = arith.constant 2.550000e+02 : f32
        %mul3A_410 = vector.broadcast %mul3A_409 : f32 to vector<16xf32>
        %mul3A_411 = arith.mulf %get3A_331, %mul3A_410 : vector<16xf32>
        %convert_element_type3A_412 = arith.fptosi %mul3A_411 : vector<16xf32> to vector<16xi32>
        %mul3A_413 = arith.constant 2.550000e+02 : f32
        %mul3A_414 = vector.broadcast %mul3A_413 : f32 to vector<16xf32>
        %mul3A_415 = arith.mulf %get3A_333, %mul3A_414 : vector<16xf32>
        %convert_element_type3A_416 = arith.fptosi %mul3A_415 : vector<16xf32> to vector<16xi32>
        %mul3A_417 = arith.constant 2.550000e+02 : f32
        %mul3A_418 = vector.broadcast %mul3A_417 : f32 to vector<16xf32>
        %mul3A_419 = arith.mulf %get3A_335, %mul3A_418 : vector<16xf32>
        %convert_element_type3A_420 = arith.fptosi %mul3A_419 : vector<16xf32> to vector<16xi32>
        %mul3A_421 = arith.constant 256 : i32
        %mul3A_422 = vector.broadcast %mul3A_421 : i32 to vector<16xi32>
        %mul3A_423 = arith.muli %convert_element_type3A_416, %mul3A_422 : vector<16xi32>
        %add3A_424 = arith.addi %convert_element_type3A_412, %mul3A_423 : vector<16xi32>
        %mul3A_425 = arith.constant 65536 : i32
        %mul3A_426 = vector.broadcast %mul3A_425 : i32 to vector<16xi32>
        %mul3A_427 = arith.muli %convert_element_type3A_420, %mul3A_426 : vector<16xi32>
        %add3A_428 = arith.addi %add3A_424, %mul3A_427 : vector<16xi32>
        %swap3A_429 = arith.constant 2 : i32
        %swap3A_430 = arith.index_cast %swap3A_429 : i32 to index
        %swap3A_431 = arith.index_cast %scan3A_112 : i32 to index
        %swap3A_432 = arith.constant 32 : index
        %swap3A_433 = tpu.vector_load %arg13[%swap3A_430, %swap3A_431, %swap3A_432] {strides = array<i32>} : memref<3x16x128xi32, #tpu.memory_space<vmem>>, vector<16xi32>,
        tpu.vector_store %arg13[%swap3A_430, %swap3A_431, %swap3A_432], %add3A_428 {strides = array<i32>} : memref<3x16x128xi32, #tpu.memory_space<vmem>>, vector<16xi32>,
        %mul3A_434 = arith.constant 128 : i32
        %mul3A_435 = arith.muli %scan3A_112, %mul3A_434 : i32
        %add3A_436 = arith.constant 48 : i32
        %add3A_437 = arith.addi %mul3A_435, %add3A_436 : i32
        %get3A_438 = arith.index_cast %add3A_437 : i32 to index
        %get3A_439 = tpu.vector_load %arg10[%get3A_438] {strides = array<i32>} : memref<2048xf32, #tpu.memory_space<vmem>>, vector<16xf32>,
        %get3A_440 = arith.index_cast %add3A_437 : i32 to index
        %get3A_441 = tpu.vector_load %arg11[%get3A_440] {strides = array<i32>} : memref<2048xf32, #tpu.memory_space<vmem>>, vector<16xf32>,
        %get3A_442 = arith.index_cast %add3A_437 : i32 to index
        %get3A_443 = tpu.vector_load %arg12[%get3A_442] {strides = array<i32>} : memref<2048xf32, #tpu.memory_space<vmem>>, vector<16xf32>,
        %mul3A_444 = arith.constant 3.100000e+01 : f32
        %mul3A_445 = vector.broadcast %mul3A_444 : f32 to vector<16xf32>
        %mul3A_446 = arith.mulf %get3A_439, %mul3A_445 : vector<16xf32>
        %convert_element_type3A_447 = arith.fptosi %mul3A_446 : vector<16xf32> to vector<16xi32>
        %mul3A_448 = arith.constant 3.100000e+01 : f32
        %mul3A_449 = vector.broadcast %mul3A_448 : f32 to vector<16xf32>
        %mul3A_450 = arith.mulf %get3A_441, %mul3A_449 : vector<16xf32>
        %convert_element_type3A_451 = arith.fptosi %mul3A_450 : vector<16xf32> to vector<16xi32>
        %mul3A_452 = arith.constant 3.100000e+01 : f32
        %mul3A_453 = vector.broadcast %mul3A_452 : f32 to vector<16xf32>
        %mul3A_454 = arith.mulf %get3A_443, %mul3A_453 : vector<16xf32>
        %convert_element_type3A_455 = arith.fptosi %mul3A_454 : vector<16xf32> to vector<16xi32>
        %mul3A_456 = arith.constant 32 : i32
        %mul3A_457 = vector.broadcast %mul3A_456 : i32 to vector<16xi32>
        %mul3A_458 = arith.muli %convert_element_type3A_451, %mul3A_457 : vector<16xi32>
        %add3A_459 = arith.addi %convert_element_type3A_447, %mul3A_458 : vector<16xi32>
        %mul3A_460 = arith.constant 1024 : i32
        %mul3A_461 = vector.broadcast %mul3A_460 : i32 to vector<16xi32>
        %mul3A_462 = arith.muli %convert_element_type3A_455, %mul3A_461 : vector<16xi32>
        %add3A_463 = arith.addi %add3A_459, %mul3A_462 : vector<16xi32>
        %gather3A_464 = tpu.vector_load_idx %arg16[%add3A_463] : memref<32768xf32, #tpu.memory_space<vmem>>[vector<16xi32>], vector<16xf32>,
        %swap3A_465 = arith.index_cast %add3A_437 : i32 to index
        %swap3A_466 = tpu.vector_load %arg15[%swap3A_465] {strides = array<i32>} : memref<2048xf32, #tpu.memory_space<vmem>>, vector<16xf32>,
        tpu.vector_store %arg15[%swap3A_465], %gather3A_464 {strides = array<i32>} : memref<2048xf32, #tpu.memory_space<vmem>>, vector<16xf32>,
        %mul3A_467 = arith.constant 6.300000e+01 : f32
        %mul3A_468 = vector.broadcast %mul3A_467 : f32 to vector<16xf32>
        %mul3A_469 = arith.mulf %get3A_439, %mul3A_468 : vector<16xf32>
        %convert_element_type3A_470 = arith.fptosi %mul3A_469 : vector<16xf32> to vector<16xi32>
        %mul3A_471 = arith.constant 6.300000e+01 : f32
        %mul3A_472 = vector.broadcast %mul3A_471 : f32 to vector<16xf32>
        %mul3A_473 = arith.mulf %get3A_441, %mul3A_472 : vector<16xf32>
        %convert_element_type3A_474 = arith.fptosi %mul3A_473 : vector<16xf32> to vector<16xi32>
        %mul3A_475 = arith.constant 6.300000e+01 : f32
        %mul3A_476 = vector.broadcast %mul3A_475 : f32 to vector<16xf32>
        %mul3A_477 = arith.mulf %get3A_443, %mul3A_476 : vector<16xf32>
        %convert_element_type3A_478 = arith.fptosi %mul3A_477 : vector<16xf32> to vector<16xi32>
        %mul3A_479 = arith.constant 64 : i32
        %mul3A_480 = vector.broadcast %mul3A_479 : i32 to vector<16xi32>
        %mul3A_481 = arith.muli %convert_element_type3A_474, %mul3A_480 : vector<16xi32>
        %add3A_482 = arith.addi %convert_element_type3A_470, %mul3A_481 : vector<16xi32>
        %mul3A_483 = arith.constant 4096 : i32
        %mul3A_484 = vector.broadcast %mul3A_483 : i32 to vector<16xi32>
        %mul3A_485 = arith.muli %convert_element_type3A_478, %mul3A_484 : vector<16xi32>
        %add3A_486 = arith.addi %add3A_482, %mul3A_485 : vector<16xi32>
        %swap3A_487 = arith.constant 0 : i32
        %swap3A_488 = arith.index_cast %swap3A_487 : i32 to index
        %swap3A_489 = arith.index_cast %scan3A_112 : i32 to index
        %swap3A_490 = arith.constant 48 : index
        %swap3A_491 = tpu.vector_load %arg13[%swap3A_488, %swap3A_489, %swap3A_490] {strides = array<i32>} : memref<3x16x128xi32, #tpu.memory_space<vmem>>, vector<16xi32>,
        tpu.vector_store %arg13[%swap3A_488, %swap3A_489, %swap3A_490], %add3A_486 {strides = array<i32>} : memref<3x16x128xi32, #tpu.memory_space<vmem>>, vector<16xi32>,
        %mul3A_492 = arith.constant 1.270000e+02 : f32
        %mul3A_493 = vector.broadcast %mul3A_492 : f32 to vector<16xf32>
        %mul3A_494 = arith.mulf %get3A_439, %mul3A_493 : vector<16xf32>
        %convert_element_type3A_495 = arith.fptosi %mul3A_494 : vector<16xf32> to vector<16xi32>
        %mul3A_496 = arith.constant 1.270000e+02 : f32
        %mul3A_497 = vector.broadcast %mul3A_496 : f32 to vector<16xf32>
        %mul3A_498 = arith.mulf %get3A_441, %mul3A_497 : vector<16xf32>
        %convert_element_type3A_499 = arith.fptosi %mul3A_498 : vector<16xf32> to vector<16xi32>
        %mul3A_500 = arith.constant 1.270000e+02 : f32
        %mul3A_501 = vector.broadcast %mul3A_500 : f32 to vector<16xf32>
        %mul3A_502 = arith.mulf %get3A_443, %mul3A_501 : vector<16xf32>
        %convert_element_type3A_503 = arith.fptosi %mul3A_502 : vector<16xf32> to vector<16xi32>
        %mul3A_504 = arith.constant 128 : i32
        %mul3A_505 = vector.broadcast %mul3A_504 : i32 to vector<16xi32>
        %mul3A_506 = arith.muli %convert_element_type3A_499, %mul3A_505 : vector<16xi32>
        %add3A_507 = arith.addi %convert_element_type3A_495, %mul3A_506 : vector<16xi32>
        %mul3A_508 = arith.constant 16384 : i32
        %mul3A_509 = vector.broadcast %mul3A_508 : i32 to vector<16xi32>
        %mul3A_510 = arith.muli %convert_element_type3A_503, %mul3A_509 : vector<16xi32>
        %add3A_511 = arith.addi %add3A_507, %mul3A_510 : vector<16xi32>
        %swap3A_512 = arith.constant 1 : i32
        %swap3A_513 = arith.index_cast %swap3A_512 : i32 to index
        %swap3A_514 = arith.index_cast %scan3A_112 : i32 to index
        %swap3A_515 = arith.constant 48 : index
        %swap3A_516 = tpu.vector_load %arg13[%swap3A_513, %swap3A_514, %swap3A_515] {strides = array<i32>} : memref<3x16x128xi32, #tpu.memory_space<vmem>>, vector<16xi32>,
        tpu.vector_store %arg13[%swap3A_513, %swap3A_514, %swap3A_515], %add3A_511 {strides = array<i32>} : memref<3x16x128xi32, #tpu.memory_space<vmem>>, vector<16xi32>,
        %mul3A_517 = arith.constant 2.550000e+02 : f32
        %mul3A_518 = vector.broadcast %mul3A_517 : f32 to vector<16xf32>
        %mul3A_519 = arith.mulf %get3A_439, %mul3A_518 : vector<16xf32>
        %convert_element_type3A_520 = arith.fptosi %mul3A_519 : vector<16xf32> to vector<16xi32>
        %mul3A_521 = arith.constant 2.550000e+02 : f32
        %mul3A_522 = vector.broadcast %mul3A_521 : f32 to vector<16xf32>
        %mul3A_523 = arith.mulf %get3A_441, %mul3A_522 : vector<16xf32>
        %convert_element_type3A_524 = arith.fptosi %mul3A_523 : vector<16xf32> to vector<16xi32>
        %mul3A_525 = arith.constant 2.550000e+02 : f32
        %mul3A_526 = vector.broadcast %mul3A_525 : f32 to vector<16xf32>
        %mul3A_527 = arith.mulf %get3A_443, %mul3A_526 : vector<16xf32>
        %convert_element_type3A_528 = arith.fptosi %mul3A_527 : vector<16xf32> to vector<16xi32>
        %mul3A_529 = arith.constant 256 : i32
        %mul3A_530 = vector.broadcast %mul3A_529 : i32 to vector<16xi32>
        %mul3A_531 = arith.muli %convert_element_type3A_524, %mul3A_530 : vector<16xi32>
        %add3A_532 = arith.addi %convert_element_type3A_520, %mul3A_531 : vector<16xi32>
        %mul3A_533 = arith.constant 65536 : i32
        %mul3A_534 = vector.broadcast %mul3A_533 : i32 to vector<16xi32>
        %mul3A_535 = arith.muli %convert_element_type3A_528, %mul3A_534 : vector<16xi32>
        %add3A_536 = arith.addi %add3A_532, %mul3A_535 : vector<16xi32>
        %swap3A_537 = arith.constant 2 : i32
        %swap3A_538 = arith.index_cast %swap3A_537 : i32 to index
        %swap3A_539 = arith.index_cast %scan3A_112 : i32 to index
        %swap3A_540 = arith.constant 48 : index
        %swap3A_541 = tpu.vector_load %arg13[%swap3A_538, %swap3A_539, %swap3A_540] {strides = array<i32>} : memref<3x16x128xi32, #tpu.memory_space<vmem>>, vector<16xi32>,
        tpu.vector_store %arg13[%swap3A_538, %swap3A_539, %swap3A_540], %add3A_536 {strides = array<i32>} : memref<3x16x128xi32, #tpu.memory_space<vmem>>, vector<16xi32>,
        %mul3A_542 = arith.constant 128 : i32
        %mul3A_543 = arith.muli %scan3A_112, %mul3A_542 : i32
        %add3A_544 = arith.constant 64 : i32
        %add3A_545 = arith.addi %mul3A_543, %add3A_544 : i32
        %get3A_546 = arith.index_cast %add3A_545 : i32 to index
        %get3A_547 = tpu.vector_load %arg10[%get3A_546] {strides = array<i32>} : memref<2048xf32, #tpu.memory_space<vmem>>, vector<16xf32>,
        %get3A_548 = arith.index_cast %add3A_545 : i32 to index
        %get3A_549 = tpu.vector_load %arg11[%get3A_548] {strides = array<i32>} : memref<2048xf32, #tpu.memory_space<vmem>>, vector<16xf32>,
        %get3A_550 = arith.index_cast %add3A_545 : i32 to index
        %get3A_551 = tpu.vector_load %arg12[%get3A_550] {strides = array<i32>} : memref<2048xf32, #tpu.memory_space<vmem>>, vector<16xf32>,
        %mul3A_552 = arith.constant 3.100000e+01 : f32
        %mul3A_553 = vector.broadcast %mul3A_552 : f32 to vector<16xf32>
        %mul3A_554 = arith.mulf %get3A_547, %mul3A_553 : vector<16xf32>
        %convert_element_type3A_555 = arith.fptosi %mul3A_554 : vector<16xf32> to vector<16xi32>
        %mul3A_556 = arith.constant 3.100000e+01 : f32
        %mul3A_557 = vector.broadcast %mul3A_556 : f32 to vector<16xf32>
        %mul3A_558 = arith.mulf %get3A_549, %mul3A_557 : vector<16xf32>
        %convert_element_type3A_559 = arith.fptosi %mul3A_558 : vector<16xf32> to vector<16xi32>
        %mul3A_560 = arith.constant 3.100000e+01 : f32
        %mul3A_561 = vector.broadcast %mul3A_560 : f32 to vector<16xf32>
        %mul3A_562 = arith.mulf %get3A_551, %mul3A_561 : vector<16xf32>
        %convert_element_type3A_563 = arith.fptosi %mul3A_562 : vector<16xf32> to vector<16xi32>
        %mul3A_564 = arith.constant 32 : i32
        %mul3A_565 = vector.broadcast %mul3A_564 : i32 to vector<16xi32>
        %mul3A_566 = arith.muli %convert_element_type3A_559, %mul3A_565 : vector<16xi32>
        %add3A_567 = arith.addi %convert_element_type3A_555, %mul3A_566 : vector<16xi32>
        %mul3A_568 = arith.constant 1024 : i32
        %mul3A_569 = vector.broadcast %mul3A_568 : i32 to vector<16xi32>
        %mul3A_570 = arith.muli %convert_element_type3A_563, %mul3A_569 : vector<16xi32>
        %add3A_571 = arith.addi %add3A_567, %mul3A_570 : vector<16xi32>
        %gather3A_572 = tpu.vector_load_idx %arg16[%add3A_571] : memref<32768xf32, #tpu.memory_space<vmem>>[vector<16xi32>], vector<16xf32>,
        %swap3A_573 = arith.index_cast %add3A_545 : i32 to index
        %swap3A_574 = tpu.vector_load %arg15[%swap3A_573] {strides = array<i32>} : memref<2048xf32, #tpu.memory_space<vmem>>, vector<16xf32>,
        tpu.vector_store %arg15[%swap3A_573], %gather3A_572 {strides = array<i32>} : memref<2048xf32, #tpu.memory_space<vmem>>, vector<16xf32>,
        %mul3A_575 = arith.constant 6.300000e+01 : f32
        %mul3A_576 = vector.broadcast %mul3A_575 : f32 to vector<16xf32>
        %mul3A_577 = arith.mulf %get3A_547, %mul3A_576 : vector<16xf32>
        %convert_element_type3A_578 = arith.fptosi %mul3A_577 : vector<16xf32> to vector<16xi32>
        %mul3A_579 = arith.constant 6.300000e+01 : f32
        %mul3A_580 = vector.broadcast %mul3A_579 : f32 to vector<16xf32>
        %mul3A_581 = arith.mulf %get3A_549, %mul3A_580 : vector<16xf32>
        %convert_element_type3A_582 = arith.fptosi %mul3A_581 : vector<16xf32> to vector<16xi32>
        %mul3A_583 = arith.constant 6.300000e+01 : f32
        %mul3A_584 = vector.broadcast %mul3A_583 : f32 to vector<16xf32>
        %mul3A_585 = arith.mulf %get3A_551, %mul3A_584 : vector<16xf32>
        %convert_element_type3A_586 = arith.fptosi %mul3A_585 : vector<16xf32> to vector<16xi32>
        %mul3A_587 = arith.constant 64 : i32
        %mul3A_588 = vector.broadcast %mul3A_587 : i32 to vector<16xi32>
        %mul3A_589 = arith.muli %convert_element_type3A_582, %mul3A_588 : vector<16xi32>
        %add3A_590 = arith.addi %convert_element_type3A_578, %mul3A_589 : vector<16xi32>
        %mul3A_591 = arith.constant 4096 : i32
        %mul3A_592 = vector.broadcast %mul3A_591 : i32 to vector<16xi32>
        %mul3A_593 = arith.muli %convert_element_type3A_586, %mul3A_592 : vector<16xi32>
        %add3A_594 = arith.addi %add3A_590, %mul3A_593 : vector<16xi32>
        %swap3A_595 = arith.constant 0 : i32
        %swap3A_596 = arith.index_cast %swap3A_595 : i32 to index
        %swap3A_597 = arith.index_cast %scan3A_112 : i32 to index
        %swap3A_598 = arith.constant 64 : index
        %swap3A_599 = tpu.vector_load %arg13[%swap3A_596, %swap3A_597, %swap3A_598] {strides = array<i32>} : memref<3x16x128xi32, #tpu.memory_space<vmem>>, vector<16xi32>,
        tpu.vector_store %arg13[%swap3A_596, %swap3A_597, %swap3A_598], %add3A_594 {strides = array<i32>} : memref<3x16x128xi32, #tpu.memory_space<vmem>>, vector<16xi32>,
        %mul3A_600 = arith.constant 1.270000e+02 : f32
        %mul3A_601 = vector.broadcast %mul3A_600 : f32 to vector<16xf32>
        %mul3A_602 = arith.mulf %get3A_547, %mul3A_601 : vector<16xf32>
        %convert_element_type3A_603 = arith.fptosi %mul3A_602 : vector<16xf32> to vector<16xi32>
        %mul3A_604 = arith.constant 1.270000e+02 : f32
        %mul3A_605 = vector.broadcast %mul3A_604 : f32 to vector<16xf32>
        %mul3A_606 = arith.mulf %get3A_549, %mul3A_605 : vector<16xf32>
        %convert_element_type3A_607 = arith.fptosi %mul3A_606 : vector<16xf32> to vector<16xi32>
        %mul3A_608 = arith.constant 1.270000e+02 : f32
        %mul3A_609 = vector.broadcast %mul3A_608 : f32 to vector<16xf32>
        %mul3A_610 = arith.mulf %get3A_551, %mul3A_609 : vector<16xf32>
        %convert_element_type3A_611 = arith.fptosi %mul3A_610 : vector<16xf32> to vector<16xi32>
        %mul3A_612 = arith.constant 128 : i32
        %mul3A_613 = vector.broadcast %mul3A_612 : i32 to vector<16xi32>
        %mul3A_614 = arith.muli %convert_element_type3A_607, %mul3A_613 : vector<16xi32>
        %add3A_615 = arith.addi %convert_element_type3A_603, %mul3A_614 : vector<16xi32>
        %mul3A_616 = arith.constant 16384 : i32
        %mul3A_617 = vector.broadcast %mul3A_616 : i32 to vector<16xi32>
        %mul3A_618 = arith.muli %convert_element_type3A_611, %mul3A_617 : vector<16xi32>
        %add3A_619 = arith.addi %add3A_615, %mul3A_618 : vector<16xi32>
        %swap3A_620 = arith.constant 1 : i32
        %swap3A_621 = arith.index_cast %swap3A_620 : i32 to index
        %swap3A_622 = arith.index_cast %scan3A_112 : i32 to index
        %swap3A_623 = arith.constant 64 : index
        %swap3A_624 = tpu.vector_load %arg13[%swap3A_621, %swap3A_622, %swap3A_623] {strides = array<i32>} : memref<3x16x128xi32, #tpu.memory_space<vmem>>, vector<16xi32>,
        tpu.vector_store %arg13[%swap3A_621, %swap3A_622, %swap3A_623], %add3A_619 {strides = array<i32>} : memref<3x16x128xi32, #tpu.memory_space<vmem>>, vector<16xi32>,
        %mul3A_625 = arith.constant 2.550000e+02 : f32
        %mul3A_626 = vector.broadcast %mul3A_625 : f32 to vector<16xf32>
        %mul3A_627 = arith.mulf %get3A_547, %mul3A_626 : vector<16xf32>
        %convert_element_type3A_628 = arith.fptosi %mul3A_627 : vector<16xf32> to vector<16xi32>
        %mul3A_629 = arith.constant 2.550000e+02 : f32
        %mul3A_630 = vector.broadcast %mul3A_629 : f32 to vector<16xf32>
        %mul3A_631 = arith.mulf %get3A_549, %mul3A_630 : vector<16xf32>
        %convert_element_type3A_632 = arith.fptosi %mul3A_631 : vector<16xf32> to vector<16xi32>
        %mul3A_633 = arith.constant 2.550000e+02 : f32
        %mul3A_634 = vector.broadcast %mul3A_633 : f32 to vector<16xf32>
        %mul3A_635 = arith.mulf %get3A_551, %mul3A_634 : vector<16xf32>
        %convert_element_type3A_636 = arith.fptosi %mul3A_635 : vector<16xf32> to vector<16xi32>
        %mul3A_637 = arith.constant 256 : i32
        %mul3A_638 = vector.broadcast %mul3A_637 : i32 to vector<16xi32>
        %mul3A_639 = arith.muli %convert_element_type3A_632, %mul3A_638 : vector<16xi32>
        %add3A_640 = arith.addi %convert_element_type3A_628, %mul3A_639 : vector<16xi32>
        %mul3A_641 = arith.constant 65536 : i32
        %mul3A_642 = vector.broadcast %mul3A_641 : i32 to vector<16xi32>
        %mul3A_643 = arith.muli %convert_element_type3A_636, %mul3A_642 : vector<16xi32>
        %add3A_644 = arith.addi %add3A_640, %mul3A_643 : vector<16xi32>
        %swap3A_645 = arith.constant 2 : i32
        %swap3A_646 = arith.index_cast %swap3A_645 : i32 to index
        %swap3A_647 = arith.index_cast %scan3A_112 : i32 to index
        %swap3A_648 = arith.constant 64 : index
        %swap3A_649 = tpu.vector_load %arg13[%swap3A_646, %swap3A_647, %swap3A_648] {strides = array<i32>} : memref<3x16x128xi32, #tpu.memory_space<vmem>>, vector<16xi32>,
        tpu.vector_store %arg13[%swap3A_646, %swap3A_647, %swap3A_648], %add3A_644 {strides = array<i32>} : memref<3x16x128xi32, #tpu.memory_space<vmem>>, vector<16xi32>,
        %mul3A_650 = arith.constant 128 : i32
        %mul3A_651 = arith.muli %scan3A_112, %mul3A_650 : i32
        %add3A_652 = arith.constant 80 : i32
        %add3A_653 = arith.addi %mul3A_651, %add3A_652 : i32
        %get3A_654 = arith.index_cast %add3A_653 : i32 to index
        %get3A_655 = tpu.vector_load %arg10[%get3A_654] {strides = array<i32>} : memref<2048xf32, #tpu.memory_space<vmem>>, vector<16xf32>,
        %get3A_656 = arith.index_cast %add3A_653 : i32 to index
        %get3A_657 = tpu.vector_load %arg11[%get3A_656] {strides = array<i32>} : memref<2048xf32, #tpu.memory_space<vmem>>, vector<16xf32>,
        %get3A_658 = arith.index_cast %add3A_653 : i32 to index
        %get3A_659 = tpu.vector_load %arg12[%get3A_658] {strides = array<i32>} : memref<2048xf32, #tpu.memory_space<vmem>>, vector<16xf32>,
        %mul3A_660 = arith.constant 3.100000e+01 : f32
        %mul3A_661 = vector.broadcast %mul3A_660 : f32 to vector<16xf32>
        %mul3A_662 = arith.mulf %get3A_655, %mul3A_661 : vector<16xf32>
        %convert_element_type3A_663 = arith.fptosi %mul3A_662 : vector<16xf32> to vector<16xi32>
        %mul3A_664 = arith.constant 3.100000e+01 : f32
        %mul3A_665 = vector.broadcast %mul3A_664 : f32 to vector<16xf32>
        %mul3A_666 = arith.mulf %get3A_657, %mul3A_665 : vector<16xf32>
        %convert_element_type3A_667 = arith.fptosi %mul3A_666 : vector<16xf32> to vector<16xi32>
        %mul3A_668 = arith.constant 3.100000e+01 : f32
        %mul3A_669 = vector.broadcast %mul3A_668 : f32 to vector<16xf32>
        %mul3A_670 = arith.mulf %get3A_659, %mul3A_669 : vector<16xf32>
        %convert_element_type3A_671 = arith.fptosi %mul3A_670 : vector<16xf32> to vector<16xi32>
        %mul3A_672 = arith.constant 32 : i32
        %mul3A_673 = vector.broadcast %mul3A_672 : i32 to vector<16xi32>
        %mul3A_674 = arith.muli %convert_element_type3A_667, %mul3A_673 : vector<16xi32>
        %add3A_675 = arith.addi %convert_element_type3A_663, %mul3A_674 : vector<16xi32>
        %mul3A_676 = arith.constant 1024 : i32
        %mul3A_677 = vector.broadcast %mul3A_676 : i32 to vector<16xi32>
        %mul3A_678 = arith.muli %convert_element_type3A_671, %mul3A_677 : vector<16xi32>
        %add3A_679 = arith.addi %add3A_675, %mul3A_678 : vector<16xi32>
        %gather3A_680 = tpu.vector_load_idx %arg16[%add3A_679] : memref<32768xf32, #tpu.memory_space<vmem>>[vector<16xi32>], vector<16xf32>,
        %swap3A_681 = arith.index_cast %add3A_653 : i32 to index
        %swap3A_682 = tpu.vector_load %arg15[%swap3A_681] {strides = array<i32>} : memref<2048xf32, #tpu.memory_space<vmem>>, vector<16xf32>,
        tpu.vector_store %arg15[%swap3A_681], %gather3A_680 {strides = array<i32>} : memref<2048xf32, #tpu.memory_space<vmem>>, vector<16xf32>,
        %mul3A_683 = arith.constant 6.300000e+01 : f32
        %mul3A_684 = vector.broadcast %mul3A_683 : f32 to vector<16xf32>
        %mul3A_685 = arith.mulf %get3A_655, %mul3A_684 : vector<16xf32>
        %convert_element_type3A_686 = arith.fptosi %mul3A_685 : vector<16xf32> to vector<16xi32>
        %mul3A_687 = arith.constant 6.300000e+01 : f32
        %mul3A_688 = vector.broadcast %mul3A_687 : f32 to vector<16xf32>
        %mul3A_689 = arith.mulf %get3A_657, %mul3A_688 : vector<16xf32>
        %convert_element_type3A_690 = arith.fptosi %mul3A_689 : vector<16xf32> to vector<16xi32>
        %mul3A_691 = arith.constant 6.300000e+01 : f32
        %mul3A_692 = vector.broadcast %mul3A_691 : f32 to vector<16xf32>
        %mul3A_693 = arith.mulf %get3A_659, %mul3A_692 : vector<16xf32>
        %convert_element_type3A_694 = arith.fptosi %mul3A_693 : vector<16xf32> to vector<16xi32>
        %mul3A_695 = arith.constant 64 : i32
        %mul3A_696 = vector.broadcast %mul3A_695 : i32 to vector<16xi32>
        %mul3A_697 = arith.muli %convert_element_type3A_690, %mul3A_696 : vector<16xi32>
        %add3A_698 = arith.addi %convert_element_type3A_686, %mul3A_697 : vector<16xi32>
        %mul3A_699 = arith.constant 4096 : i32
        %mul3A_700 = vector.broadcast %mul3A_699 : i32 to vector<16xi32>
        %mul3A_701 = arith.muli %convert_element_type3A_694, %mul3A_700 : vector<16xi32>
        %add3A_702 = arith.addi %add3A_698, %mul3A_701 : vector<16xi32>
        %swap3A_703 = arith.constant 0 : i32
        %swap3A_704 = arith.index_cast %swap3A_703 : i32 to index
        %swap3A_705 = arith.index_cast %scan3A_112 : i32 to index
        %swap3A_706 = arith.constant 80 : index
        %swap3A_707 = tpu.vector_load %arg13[%swap3A_704, %swap3A_705, %swap3A_706] {strides = array<i32>} : memref<3x16x128xi32, #tpu.memory_space<vmem>>, vector<16xi32>,
        tpu.vector_store %arg13[%swap3A_704, %swap3A_705, %swap3A_706], %add3A_702 {strides = array<i32>} : memref<3x16x128xi32, #tpu.memory_space<vmem>>, vector<16xi32>,
        %mul3A_708 = arith.constant 1.270000e+02 : f32
        %mul3A_709 = vector.broadcast %mul3A_708 : f32 to vector<16xf32>
        %mul3A_710 = arith.mulf %get3A_655, %mul3A_709 : vector<16xf32>
        %convert_element_type3A_711 = arith.fptosi %mul3A_710 : vector<16xf32> to vector<16xi32>
        %mul3A_712 = arith.constant 1.270000e+02 : f32
        %mul3A_713 = vector.broadcast %mul3A_712 : f32 to vector<16xf32>
        %mul3A_714 = arith.mulf %get3A_657, %mul3A_713 : vector<16xf32>
        %convert_element_type3A_715 = arith.fptosi %mul3A_714 : vector<16xf32> to vector<16xi32>
        %mul3A_716 = arith.constant 1.270000e+02 : f32
        %mul3A_717 = vector.broadcast %mul3A_716 : f32 to vector<16xf32>
        %mul3A_718 = arith.mulf %get3A_659, %mul3A_717 : vector<16xf32>
        %convert_element_type3A_719 = arith.fptosi %mul3A_718 : vector<16xf32> to vector<16xi32>
        %mul3A_720 = arith.constant 128 : i32
        %mul3A_721 = vector.broadcast %mul3A_720 : i32 to vector<16xi32>
        %mul3A_722 = arith.muli %convert_element_type3A_715, %mul3A_721 : vector<16xi32>
        %add3A_723 = arith.addi %convert_element_type3A_711, %mul3A_722 : vector<16xi32>
        %mul3A_724 = arith.constant 16384 : i32
        %mul3A_725 = vector.broadcast %mul3A_724 : i32 to vector<16xi32>
        %mul3A_726 = arith.muli %convert_element_type3A_719, %mul3A_725 : vector<16xi32>
        %add3A_727 = arith.addi %add3A_723, %mul3A_726 : vector<16xi32>
        %swap3A_728 = arith.constant 1 : i32
        %swap3A_729 = arith.index_cast %swap3A_728 : i32 to index
        %swap3A_730 = arith.index_cast %scan3A_112 : i32 to index
        %swap3A_731 = arith.constant 80 : index
        %swap3A_732 = tpu.vector_load %arg13[%swap3A_729, %swap3A_730, %swap3A_731] {strides = array<i32>} : memref<3x16x128xi32, #tpu.memory_space<vmem>>, vector<16xi32>,
        tpu.vector_store %arg13[%swap3A_729, %swap3A_730, %swap3A_731], %add3A_727 {strides = array<i32>} : memref<3x16x128xi32, #tpu.memory_space<vmem>>, vector<16xi32>,
        %mul3A_733 = arith.constant 2.550000e+02 : f32
        %mul3A_734 = vector.broadcast %mul3A_733 : f32 to vector<16xf32>
        %mul3A_735 = arith.mulf %get3A_655, %mul3A_734 : vector<16xf32>
        %convert_element_type3A_736 = arith.fptosi %mul3A_735 : vector<16xf32> to vector<16xi32>
        %mul3A_737 = arith.constant 2.550000e+02 : f32
        %mul3A_738 = vector.broadcast %mul3A_737 : f32 to vector<16xf32>
        %mul3A_739 = arith.mulf %get3A_657, %mul3A_738 : vector<16xf32>
        %convert_element_type3A_740 = arith.fptosi %mul3A_739 : vector<16xf32> to vector<16xi32>
        %mul3A_741 = arith.constant 2.550000e+02 : f32
        %mul3A_742 = vector.broadcast %mul3A_741 : f32 to vector<16xf32>
        %mul3A_743 = arith.mulf %get3A_659, %mul3A_742 : vector<16xf32>
        %convert_element_type3A_744 = arith.fptosi %mul3A_743 : vector<16xf32> to vector<16xi32>
        %mul3A_745 = arith.constant 256 : i32
        %mul3A_746 = vector.broadcast %mul3A_745 : i32 to vector<16xi32>
        %mul3A_747 = arith.muli %convert_element_type3A_740, %mul3A_746 : vector<16xi32>
        %add3A_748 = arith.addi %convert_element_type3A_736, %mul3A_747 : vector<16xi32>
        %mul3A_749 = arith.constant 65536 : i32
        %mul3A_750 = vector.broadcast %mul3A_749 : i32 to vector<16xi32>
        %mul3A_751 = arith.muli %convert_element_type3A_744, %mul3A_750 : vector<16xi32>
        %add3A_752 = arith.addi %add3A_748, %mul3A_751 : vector<16xi32>
        %swap3A_753 = arith.constant 2 : i32
        %swap3A_754 = arith.index_cast %swap3A_753 : i32 to index
        %swap3A_755 = arith.index_cast %scan3A_112 : i32 to index
        %swap3A_756 = arith.constant 80 : index
        %swap3A_757 = tpu.vector_load %arg13[%swap3A_754, %swap3A_755, %swap3A_756] {strides = array<i32>} : memref<3x16x128xi32, #tpu.memory_space<vmem>>, vector<16xi32>,
        tpu.vector_store %arg13[%swap3A_754, %swap3A_755, %swap3A_756], %add3A_752 {strides = array<i32>} : memref<3x16x128xi32, #tpu.memory_space<vmem>>, vector<16xi32>,
        %mul3A_758 = arith.constant 128 : i32
        %mul3A_759 = arith.muli %scan3A_112, %mul3A_758 : i32
        %add3A_760 = arith.constant 96 : i32
        %add3A_761 = arith.addi %mul3A_759, %add3A_760 : i32
        %get3A_762 = arith.index_cast %add3A_761 : i32 to index
        %get3A_763 = tpu.vector_load %arg10[%get3A_762] {strides = array<i32>} : memref<2048xf32, #tpu.memory_space<vmem>>, vector<16xf32>,
        %get3A_764 = arith.index_cast %add3A_761 : i32 to index
        %get3A_765 = tpu.vector_load %arg11[%get3A_764] {strides = array<i32>} : memref<2048xf32, #tpu.memory_space<vmem>>, vector<16xf32>,
        %get3A_766 = arith.index_cast %add3A_761 : i32 to index
        %get3A_767 = tpu.vector_load %arg12[%get3A_766] {strides = array<i32>} : memref<2048xf32, #tpu.memory_space<vmem>>, vector<16xf32>,
        %mul3A_768 = arith.constant 3.100000e+01 : f32
        %mul3A_769 = vector.broadcast %mul3A_768 : f32 to vector<16xf32>
        %mul3A_770 = arith.mulf %get3A_763, %mul3A_769 : vector<16xf32>
        %convert_element_type3A_771 = arith.fptosi %mul3A_770 : vector<16xf32> to vector<16xi32>
        %mul3A_772 = arith.constant 3.100000e+01 : f32
        %mul3A_773 = vector.broadcast %mul3A_772 : f32 to vector<16xf32>
        %mul3A_774 = arith.mulf %get3A_765, %mul3A_773 : vector<16xf32>
        %convert_element_type3A_775 = arith.fptosi %mul3A_774 : vector<16xf32> to vector<16xi32>
        %mul3A_776 = arith.constant 3.100000e+01 : f32
        %mul3A_777 = vector.broadcast %mul3A_776 : f32 to vector<16xf32>
        %mul3A_778 = arith.mulf %get3A_767, %mul3A_777 : vector<16xf32>
        %convert_element_type3A_779 = arith.fptosi %mul3A_778 : vector<16xf32> to vector<16xi32>
        %mul3A_780 = arith.constant 32 : i32
        %mul3A_781 = vector.broadcast %mul3A_780 : i32 to vector<16xi32>
        %mul3A_782 = arith.muli %convert_element_type3A_775, %mul3A_781 : vector<16xi32>
        %add3A_783 = arith.addi %convert_element_type3A_771, %mul3A_782 : vector<16xi32>
        %mul3A_784 = arith.constant 1024 : i32
        %mul3A_785 = vector.broadcast %mul3A_784 : i32 to vector<16xi32>
        %mul3A_786 = arith.muli %convert_element_type3A_779, %mul3A_785 : vector<16xi32>
        %add3A_787 = arith.addi %add3A_783, %mul3A_786 : vector<16xi32>
        %gather3A_788 = tpu.vector_load_idx %arg16[%add3A_787] : memref<32768xf32, #tpu.memory_space<vmem>>[vector<16xi32>], vector<16xf32>,
        %swap3A_789 = arith.index_cast %add3A_761 : i32 to index
        %swap3A_790 = tpu.vector_load %arg15[%swap3A_789] {strides = array<i32>} : memref<2048xf32, #tpu.memory_space<vmem>>, vector<16xf32>,
        tpu.vector_store %arg15[%swap3A_789], %gather3A_788 {strides = array<i32>} : memref<2048xf32, #tpu.memory_space<vmem>>, vector<16xf32>,
        %mul3A_791 = arith.constant 6.300000e+01 : f32
        %mul3A_792 = vector.broadcast %mul3A_791 : f32 to vector<16xf32>
        %mul3A_793 = arith.mulf %get3A_763, %mul3A_792 : vector<16xf32>
        %convert_element_type3A_794 = arith.fptosi %mul3A_793 : vector<16xf32> to vector<16xi32>
        %mul3A_795 = arith.constant 6.300000e+01 : f32
        %mul3A_796 = vector.broadcast %mul3A_795 : f32 to vector<16xf32>
        %mul3A_797 = arith.mulf %get3A_765, %mul3A_796 : vector<16xf32>
        %convert_element_type3A_798 = arith.fptosi %mul3A_797 : vector<16xf32> to vector<16xi32>
        %mul3A_799 = arith.constant 6.300000e+01 : f32
        %mul3A_800 = vector.broadcast %mul3A_799 : f32 to vector<16xf32>
        %mul3A_801 = arith.mulf %get3A_767, %mul3A_800 : vector<16xf32>
        %convert_element_type3A_802 = arith.fptosi %mul3A_801 : vector<16xf32> to vector<16xi32>
        %mul3A_803 = arith.constant 64 : i32
        %mul3A_804 = vector.broadcast %mul3A_803 : i32 to vector<16xi32>
        %mul3A_805 = arith.muli %convert_element_type3A_798, %mul3A_804 : vector<16xi32>
        %add3A_806 = arith.addi %convert_element_type3A_794, %mul3A_805 : vector<16xi32>
        %mul3A_807 = arith.constant 4096 : i32
        %mul3A_808 = vector.broadcast %mul3A_807 : i32 to vector<16xi32>
        %mul3A_809 = arith.muli %convert_element_type3A_802, %mul3A_808 : vector<16xi32>
        %add3A_810 = arith.addi %add3A_806, %mul3A_809 : vector<16xi32>
        %swap3A_811 = arith.constant 0 : i32
        %swap3A_812 = arith.index_cast %swap3A_811 : i32 to index
        %swap3A_813 = arith.index_cast %scan3A_112 : i32 to index
        %swap3A_814 = arith.constant 96 : index
        %swap3A_815 = tpu.vector_load %arg13[%swap3A_812, %swap3A_813, %swap3A_814] {strides = array<i32>} : memref<3x16x128xi32, #tpu.memory_space<vmem>>, vector<16xi32>,
        tpu.vector_store %arg13[%swap3A_812, %swap3A_813, %swap3A_814], %add3A_810 {strides = array<i32>} : memref<3x16x128xi32, #tpu.memory_space<vmem>>, vector<16xi32>,
        %mul3A_816 = arith.constant 1.270000e+02 : f32
        %mul3A_817 = vector.broadcast %mul3A_816 : f32 to vector<16xf32>
        %mul3A_818 = arith.mulf %get3A_763, %mul3A_817 : vector<16xf32>
        %convert_element_type3A_819 = arith.fptosi %mul3A_818 : vector<16xf32> to vector<16xi32>
        %mul3A_820 = arith.constant 1.270000e+02 : f32
        %mul3A_821 = vector.broadcast %mul3A_820 : f32 to vector<16xf32>
        %mul3A_822 = arith.mulf %get3A_765, %mul3A_821 : vector<16xf32>
        %convert_element_type3A_823 = arith.fptosi %mul3A_822 : vector<16xf32> to vector<16xi32>
        %mul3A_824 = arith.constant 1.270000e+02 : f32
        %mul3A_825 = vector.broadcast %mul3A_824 : f32 to vector<16xf32>
        %mul3A_826 = arith.mulf %get3A_767, %mul3A_825 : vector<16xf32>
        %convert_element_type3A_827 = arith.fptosi %mul3A_826 : vector<16xf32> to vector<16xi32>
        %mul3A_828 = arith.constant 128 : i32
        %mul3A_829 = vector.broadcast %mul3A_828 : i32 to vector<16xi32>
        %mul3A_830 = arith.muli %convert_element_type3A_823, %mul3A_829 : vector<16xi32>
        %add3A_831 = arith.addi %convert_element_type3A_819, %mul3A_830 : vector<16xi32>
        %mul3A_832 = arith.constant 16384 : i32
        %mul3A_833 = vector.broadcast %mul3A_832 : i32 to vector<16xi32>
        %mul3A_834 = arith.muli %convert_element_type3A_827, %mul3A_833 : vector<16xi32>
        %add3A_835 = arith.addi %add3A_831, %mul3A_834 : vector<16xi32>
        %swap3A_836 = arith.constant 1 : i32
        %swap3A_837 = arith.index_cast %swap3A_836 : i32 to index
        %swap3A_838 = arith.index_cast %scan3A_112 : i32 to index
        %swap3A_839 = arith.constant 96 : index
        %swap3A_840 = tpu.vector_load %arg13[%swap3A_837, %swap3A_838, %swap3A_839] {strides = array<i32>} : memref<3x16x128xi32, #tpu.memory_space<vmem>>, vector<16xi32>,
        tpu.vector_store %arg13[%swap3A_837, %swap3A_838, %swap3A_839], %add3A_835 {strides = array<i32>} : memref<3x16x128xi32, #tpu.memory_space<vmem>>, vector<16xi32>,
        %mul3A_841 = arith.constant 2.550000e+02 : f32
        %mul3A_842 = vector.broadcast %mul3A_841 : f32 to vector<16xf32>
        %mul3A_843 = arith.mulf %get3A_763, %mul3A_842 : vector<16xf32>
        %convert_element_type3A_844 = arith.fptosi %mul3A_843 : vector<16xf32> to vector<16xi32>
        %mul3A_845 = arith.constant 2.550000e+02 : f32
        %mul3A_846 = vector.broadcast %mul3A_845 : f32 to vector<16xf32>
        %mul3A_847 = arith.mulf %get3A_765, %mul3A_846 : vector<16xf32>
        %convert_element_type3A_848 = arith.fptosi %mul3A_847 : vector<16xf32> to vector<16xi32>
        %mul3A_849 = arith.constant 2.550000e+02 : f32
        %mul3A_850 = vector.broadcast %mul3A_849 : f32 to vector<16xf32>
        %mul3A_851 = arith.mulf %get3A_767, %mul3A_850 : vector<16xf32>
        %convert_element_type3A_852 = arith.fptosi %mul3A_851 : vector<16xf32> to vector<16xi32>
        %mul3A_853 = arith.constant 256 : i32
        %mul3A_854 = vector.broadcast %mul3A_853 : i32 to vector<16xi32>
        %mul3A_855 = arith.muli %convert_element_type3A_848, %mul3A_854 : vector<16xi32>
        %add3A_856 = arith.addi %convert_element_type3A_844, %mul3A_855 : vector<16xi32>
        %mul3A_857 = arith.constant 65536 : i32
        %mul3A_858 = vector.broadcast %mul3A_857 : i32 to vector<16xi32>
        %mul3A_859 = arith.muli %convert_element_type3A_852, %mul3A_858 : vector<16xi32>
        %add3A_860 = arith.addi %add3A_856, %mul3A_859 : vector<16xi32>
        %swap3A_861 = arith.constant 2 : i32
        %swap3A_862 = arith.index_cast %swap3A_861 : i32 to index
        %swap3A_863 = arith.index_cast %scan3A_112 : i32 to index
        %swap3A_864 = arith.constant 96 : index
        %swap3A_865 = tpu.vector_load %arg13[%swap3A_862, %swap3A_863, %swap3A_864] {strides = array<i32>} : memref<3x16x128xi32, #tpu.memory_space<vmem>>, vector<16xi32>,
        tpu.vector_store %arg13[%swap3A_862, %swap3A_863, %swap3A_864], %add3A_860 {strides = array<i32>} : memref<3x16x128xi32, #tpu.memory_space<vmem>>, vector<16xi32>,
        %mul3A_866 = arith.constant 128 : i32
        %mul3A_867 = arith.muli %scan3A_112, %mul3A_866 : i32
        %add3A_868 = arith.constant 112 : i32
        %add3A_869 = arith.addi %mul3A_867, %add3A_868 : i32
        %get3A_870 = arith.index_cast %add3A_869 : i32 to index
        %get3A_871 = tpu.vector_load %arg10[%get3A_870] {strides = array<i32>} : memref<2048xf32, #tpu.memory_space<vmem>>, vector<16xf32>,
        %get3A_872 = arith.index_cast %add3A_869 : i32 to index
        %get3A_873 = tpu.vector_load %arg11[%get3A_872] {strides = array<i32>} : memref<2048xf32, #tpu.memory_space<vmem>>, vector<16xf32>,
        %get3A_874 = arith.index_cast %add3A_869 : i32 to index
        %get3A_875 = tpu.vector_load %arg12[%get3A_874] {strides = array<i32>} : memref<2048xf32, #tpu.memory_space<vmem>>, vector<16xf32>,
        %mul3A_876 = arith.constant 3.100000e+01 : f32
        %mul3A_877 = vector.broadcast %mul3A_876 : f32 to vector<16xf32>
        %mul3A_878 = arith.mulf %get3A_871, %mul3A_877 : vector<16xf32>
        %convert_element_type3A_879 = arith.fptosi %mul3A_878 : vector<16xf32> to vector<16xi32>
        %mul3A_880 = arith.constant 3.100000e+01 : f32
        %mul3A_881 = vector.broadcast %mul3A_880 : f32 to vector<16xf32>
        %mul3A_882 = arith.mulf %get3A_873, %mul3A_881 : vector<16xf32>
        %convert_element_type3A_883 = arith.fptosi %mul3A_882 : vector<16xf32> to vector<16xi32>
        %mul3A_884 = arith.constant 3.100000e+01 : f32
        %mul3A_885 = vector.broadcast %mul3A_884 : f32 to vector<16xf32>
        %mul3A_886 = arith.mulf %get3A_875, %mul3A_885 : vector<16xf32>
        %convert_element_type3A_887 = arith.fptosi %mul3A_886 : vector<16xf32> to vector<16xi32>
        %mul3A_888 = arith.constant 32 : i32
        %mul3A_889 = vector.broadcast %mul3A_888 : i32 to vector<16xi32>
        %mul3A_890 = arith.muli %convert_element_type3A_883, %mul3A_889 : vector<16xi32>
        %add3A_891 = arith.addi %convert_element_type3A_879, %mul3A_890 : vector<16xi32>
        %mul3A_892 = arith.constant 1024 : i32
        %mul3A_893 = vector.broadcast %mul3A_892 : i32 to vector<16xi32>
        %mul3A_894 = arith.muli %convert_element_type3A_887, %mul3A_893 : vector<16xi32>
        %add3A_895 = arith.addi %add3A_891, %mul3A_894 : vector<16xi32>
        %gather3A_896 = tpu.vector_load_idx %arg16[%add3A_895] : memref<32768xf32, #tpu.memory_space<vmem>>[vector<16xi32>], vector<16xf32>,
        %swap3A_897 = arith.index_cast %add3A_869 : i32 to index
        %swap3A_898 = tpu.vector_load %arg15[%swap3A_897] {strides = array<i32>} : memref<2048xf32, #tpu.memory_space<vmem>>, vector<16xf32>,
        tpu.vector_store %arg15[%swap3A_897], %gather3A_896 {strides = array<i32>} : memref<2048xf32, #tpu.memory_space<vmem>>, vector<16xf32>,
        %mul3A_899 = arith.constant 6.300000e+01 : f32
        %mul3A_900 = vector.broadcast %mul3A_899 : f32 to vector<16xf32>
        %mul3A_901 = arith.mulf %get3A_871, %mul3A_900 : vector<16xf32>
        %convert_element_type3A_902 = arith.fptosi %mul3A_901 : vector<16xf32> to vector<16xi32>
        %mul3A_903 = arith.constant 6.300000e+01 : f32
        %mul3A_904 = vector.broadcast %mul3A_903 : f32 to vector<16xf32>
        %mul3A_905 = arith.mulf %get3A_873, %mul3A_904 : vector<16xf32>
        %convert_element_type3A_906 = arith.fptosi %mul3A_905 : vector<16xf32> to vector<16xi32>
        %mul3A_907 = arith.constant 6.300000e+01 : f32
        %mul3A_908 = vector.broadcast %mul3A_907 : f32 to vector<16xf32>
        %mul3A_909 = arith.mulf %get3A_875, %mul3A_908 : vector<16xf32>
        %convert_element_type3A_910 = arith.fptosi %mul3A_909 : vector<16xf32> to vector<16xi32>
        %mul3A_911 = arith.constant 64 : i32
        %mul3A_912 = vector.broadcast %mul3A_911 : i32 to vector<16xi32>
        %mul3A_913 = arith.muli %convert_element_type3A_906, %mul3A_912 : vector<16xi32>
        %add3A_914 = arith.addi %convert_element_type3A_902, %mul3A_913 : vector<16xi32>
        %mul3A_915 = arith.constant 4096 : i32
        %mul3A_916 = vector.broadcast %mul3A_915 : i32 to vector<16xi32>
        %mul3A_917 = arith.muli %convert_element_type3A_910, %mul3A_916 : vector<16xi32>
        %add3A_918 = arith.addi %add3A_914, %mul3A_917 : vector<16xi32>
        %swap3A_919 = arith.constant 0 : i32
        %swap3A_920 = arith.index_cast %swap3A_919 : i32 to index
        %swap3A_921 = arith.index_cast %scan3A_112 : i32 to index
        %swap3A_922 = arith.constant 112 : index
        %swap3A_923 = tpu.vector_load %arg13[%swap3A_920, %swap3A_921, %swap3A_922] {strides = array<i32>} : memref<3x16x128xi32, #tpu.memory_space<vmem>>, vector<16xi32>,
        tpu.vector_store %arg13[%swap3A_920, %swap3A_921, %swap3A_922], %add3A_918 {strides = array<i32>} : memref<3x16x128xi32, #tpu.memory_space<vmem>>, vector<16xi32>,
        %mul3A_924 = arith.constant 1.270000e+02 : f32
        %mul3A_925 = vector.broadcast %mul3A_924 : f32 to vector<16xf32>
        %mul3A_926 = arith.mulf %get3A_871, %mul3A_925 : vector<16xf32>
        %convert_element_type3A_927 = arith.fptosi %mul3A_926 : vector<16xf32> to vector<16xi32>
        %mul3A_928 = arith.constant 1.270000e+02 : f32
        %mul3A_929 = vector.broadcast %mul3A_928 : f32 to vector<16xf32>
        %mul3A_930 = arith.mulf %get3A_873, %mul3A_929 : vector<16xf32>
        %convert_element_type3A_931 = arith.fptosi %mul3A_930 : vector<16xf32> to vector<16xi32>
        %mul3A_932 = arith.constant 1.270000e+02 : f32
        %mul3A_933 = vector.broadcast %mul3A_932 : f32 to vector<16xf32>
        %mul3A_934 = arith.mulf %get3A_875, %mul3A_933 : vector<16xf32>
        %convert_element_type3A_935 = arith.fptosi %mul3A_934 : vector<16xf32> to vector<16xi32>
        %mul3A_936 = arith.constant 128 : i32
        %mul3A_937 = vector.broadcast %mul3A_936 : i32 to vector<16xi32>
        %mul3A_938 = arith.muli %convert_element_type3A_931, %mul3A_937 : vector<16xi32>
        %add3A_939 = arith.addi %convert_element_type3A_927, %mul3A_938 : vector<16xi32>
        %mul3A_940 = arith.constant 16384 : i32
        %mul3A_941 = vector.broadcast %mul3A_940 : i32 to vector<16xi32>
        %mul3A_942 = arith.muli %convert_element_type3A_935, %mul3A_941 : vector<16xi32>
        %add3A_943 = arith.addi %add3A_939, %mul3A_942 : vector<16xi32>
        %swap3A_944 = arith.constant 1 : i32
        %swap3A_945 = arith.index_cast %swap3A_944 : i32 to index
        %swap3A_946 = arith.index_cast %scan3A_112 : i32 to index
        %swap3A_947 = arith.constant 112 : index
        %swap3A_948 = tpu.vector_load %arg13[%swap3A_945, %swap3A_946, %swap3A_947] {strides = array<i32>} : memref<3x16x128xi32, #tpu.memory_space<vmem>>, vector<16xi32>,
        tpu.vector_store %arg13[%swap3A_945, %swap3A_946, %swap3A_947], %add3A_943 {strides = array<i32>} : memref<3x16x128xi32, #tpu.memory_space<vmem>>, vector<16xi32>,
        %mul3A_949 = arith.constant 2.550000e+02 : f32
        %mul3A_950 = vector.broadcast %mul3A_949 : f32 to vector<16xf32>
        %mul3A_951 = arith.mulf %get3A_871, %mul3A_950 : vector<16xf32>
        %convert_element_type3A_952 = arith.fptosi %mul3A_951 : vector<16xf32> to vector<16xi32>
        %mul3A_953 = arith.constant 2.550000e+02 : f32
        %mul3A_954 = vector.broadcast %mul3A_953 : f32 to vector<16xf32>
        %mul3A_955 = arith.mulf %get3A_873, %mul3A_954 : vector<16xf32>
        %convert_element_type3A_956 = arith.fptosi %mul3A_955 : vector<16xf32> to vector<16xi32>
        %mul3A_957 = arith.constant 2.550000e+02 : f32
        %mul3A_958 = vector.broadcast %mul3A_957 : f32 to vector<16xf32>
        %mul3A_959 = arith.mulf %get3A_875, %mul3A_958 : vector<16xf32>
        %convert_element_type3A_960 = arith.fptosi %mul3A_959 : vector<16xf32> to vector<16xi32>
        %mul3A_961 = arith.constant 256 : i32
        %mul3A_962 = vector.broadcast %mul3A_961 : i32 to vector<16xi32>
        %mul3A_963 = arith.muli %convert_element_type3A_956, %mul3A_962 : vector<16xi32>
        %add3A_964 = arith.addi %convert_element_type3A_952, %mul3A_963 : vector<16xi32>
        %mul3A_965 = arith.constant 65536 : i32
        %mul3A_966 = vector.broadcast %mul3A_965 : i32 to vector<16xi32>
        %mul3A_967 = arith.muli %convert_element_type3A_960, %mul3A_966 : vector<16xi32>
        %add3A_968 = arith.addi %add3A_964, %mul3A_967 : vector<16xi32>
        %swap3A_969 = arith.constant 2 : i32
        %swap3A_970 = arith.index_cast %swap3A_969 : i32 to index
        %swap3A_971 = arith.index_cast %scan3A_112 : i32 to index
        %swap3A_972 = arith.constant 112 : index
        %swap3A_973 = tpu.vector_load %arg13[%swap3A_970, %swap3A_971, %swap3A_972] {strides = array<i32>} : memref<3x16x128xi32, #tpu.memory_space<vmem>>, vector<16xi32>,
        tpu.vector_store %arg13[%swap3A_970, %swap3A_971, %swap3A_972], %add3A_968 {strides = array<i32>} : memref<3x16x128xi32, #tpu.memory_space<vmem>>, vector<16xi32>,
        %dma_start3A_974 = arith.constant 0 : i32
        %dma_start3A_975 = arith.constant 0 : i32
        %dma_start3A_976 = arith.constant 0 : i32
        %dma_start3A_977 = tpu.memref_slice %arg14[%dma_start3A_975, %scan3A_112, %dma_start3A_976] : memref<3x16x128xf32, #tpu.memory_space<vmem>> -> memref<1x1x128xf32, #tpu.memory_space<vmem>>
        %dma_start3A_978 = tpu.memref_squeeze %dma_start3A_977 : memref<1x1x128xf32, #tpu.memory_space<vmem>> -> memref<128xf32, #tpu.memory_space<vmem>>
        %dma_start3A_979 = arith.constant 0 : i32
        %dma_start3A_980 = tpu.memref_slice %arg13[%dma_start3A_974, %scan3A_112, %dma_start3A_979] : memref<3x16x128xi32, #tpu.memory_space<vmem>> -> memref<1x1x128xi32, #tpu.memory_space<vmem>>
        %dma_start3A_981 = tpu.memref_squeeze %dma_start3A_980 : memref<1x1x128xi32, #tpu.memory_space<vmem>> -> memref<128xi32, #tpu.memory_space<vmem>>
        %dma_start3A_982 = arith.constant 0 : i32
        %dma_start3A_983 = tpu.memref_slice %arg6[%dma_start3A_982] : memref<262144xf32, #tpu.memory_space<hbm>> -> memref<262144xf32, #tpu.memory_space<hbm>>
        tpu.enqueue_indirect_dma source(%dma_start3A_983 : memref<262144xf32, #tpu.memory_space<hbm>>) target(%dma_start3A_978 : memref<128xf32, #tpu.memory_space<vmem>>) offsets(%dma_start3A_981 : memref<128xi32, #tpu.memory_space<vmem>>) semaphore(%arg17 : memref<!tpu.dma_semaphore, #tpu.memory_space<semaphore_mem>>)
        %dma_start3A_984 = arith.constant 1 : i32
        %dma_start3A_985 = arith.constant 1 : i32
        %dma_start3A_986 = arith.constant 0 : i32
        %dma_start3A_987 = tpu.memref_slice %arg14[%dma_start3A_985, %scan3A_112, %dma_start3A_986] : memref<3x16x128xf32, #tpu.memory_space<vmem>> -> memref<1x1x128xf32, #tpu.memory_space<vmem>>
        %dma_start3A_988 = tpu.memref_squeeze %dma_start3A_987 : memref<1x1x128xf32, #tpu.memory_space<vmem>> -> memref<128xf32, #tpu.memory_space<vmem>>
        %dma_start3A_989 = arith.constant 0 : i32
        %dma_start3A_990 = tpu.memref_slice %arg13[%dma_start3A_984, %scan3A_112, %dma_start3A_989] : memref<3x16x128xi32, #tpu.memory_space<vmem>> -> memref<1x1x128xi32, #tpu.memory_space<vmem>>
        %dma_start3A_991 = tpu.memref_squeeze %dma_start3A_990 : memref<1x1x128xi32, #tpu.memory_space<vmem>> -> memref<128xi32, #tpu.memory_space<vmem>>
        %dma_start3A_992 = arith.constant 0 : i32
        %dma_start3A_993 = tpu.memref_slice %arg7[%dma_start3A_992] : memref<2097152xf32, #tpu.memory_space<hbm>> -> memref<2097152xf32, #tpu.memory_space<hbm>>
        tpu.enqueue_indirect_dma source(%dma_start3A_993 : memref<2097152xf32, #tpu.memory_space<hbm>>) target(%dma_start3A_988 : memref<128xf32, #tpu.memory_space<vmem>>) offsets(%dma_start3A_991 : memref<128xi32, #tpu.memory_space<vmem>>) semaphore(%arg17 : memref<!tpu.dma_semaphore, #tpu.memory_space<semaphore_mem>>)
        %dma_start3A_994 = arith.constant 2 : i32
        %dma_start3A_995 = arith.constant 2 : i32
        %dma_start3A_996 = arith.constant 0 : i32
        %dma_start3A_997 = tpu.memref_slice %arg14[%dma_start3A_995, %scan3A_112, %dma_start3A_996] : memref<3x16x128xf32, #tpu.memory_space<vmem>> -> memref<1x1x128xf32, #tpu.memory_space<vmem>>
        %dma_start3A_998 = tpu.memref_squeeze %dma_start3A_997 : memref<1x1x128xf32, #tpu.memory_space<vmem>> -> memref<128xf32, #tpu.memory_space<vmem>>
        %dma_start3A_999 = arith.constant 0 : i32
        %dma_start3A_1000 = tpu.memref_slice %arg13[%dma_start3A_994, %scan3A_112, %dma_start3A_999] : memref<3x16x128xi32, #tpu.memory_space<vmem>> -> memref<1x1x128xi32, #tpu.memory_space<vmem>>
        %dma_start3A_1001 = tpu.memref_squeeze %dma_start3A_1000 : memref<1x1x128xi32, #tpu.memory_space<vmem>> -> memref<128xi32, #tpu.memory_space<vmem>>
        %dma_start3A_1002 = arith.constant 0 : i32
        %dma_start3A_1003 = tpu.memref_slice %arg8[%dma_start3A_1002] : memref<16777216xf32, #tpu.memory_space<hbm>> -> memref<16777216xf32, #tpu.memory_space<hbm>>
        tpu.enqueue_indirect_dma source(%dma_start3A_1003 : memref<16777216xf32, #tpu.memory_space<hbm>>) target(%dma_start3A_998 : memref<128xf32, #tpu.memory_space<vmem>>) offsets(%dma_start3A_1001 : memref<128xi32, #tpu.memory_space<vmem>>) semaphore(%arg17 : memref<!tpu.dma_semaphore, #tpu.memory_space<semaphore_mem>>)
      }
      %scan3A_105 = arith.constant 16 : i32
      %scan3A_106 = arith.constant 0 : i32
      %scan3A_107 = arith.constant 0 : i32
      %scan3A_108 = arith.constant 16 : i32
      %scan3A_109 = arith.addi %scan3A_107, %scan3A_108 : i32
      %scan3A_110 = arith.constant 1 : i32
      scf.for %scan3A_112 = %scan3A_107 to %scan3A_109 step %scan3A_110  : i32 {
        %dma_wait3A_113 = arith.constant 0 : i32
        %dma_wait3A_114 = arith.constant 0 : i32
        %dma_wait3A_115 = arith.constant 0 : i32
        %dma_wait3A_116 = tpu.memref_slice %arg14[%dma_wait3A_114, %scan3A_112, %dma_wait3A_115] : memref<3x16x128xf32, #tpu.memory_space<vmem>> -> memref<1x1x128xf32, #tpu.memory_space<vmem>>
        %dma_wait3A_117 = tpu.memref_squeeze %dma_wait3A_116 : memref<1x1x128xf32, #tpu.memory_space<vmem>> -> memref<128xf32, #tpu.memory_space<vmem>>
        %dma_wait3A_118 = arith.constant 0 : i32
        %dma_wait3A_119 = tpu.memref_slice %arg13[%dma_wait3A_113, %scan3A_112, %dma_wait3A_118] : memref<3x16x128xi32, #tpu.memory_space<vmem>> -> memref<1x1x128xi32, #tpu.memory_space<vmem>>
        %dma_wait3A_120 = tpu.memref_squeeze %dma_wait3A_119 : memref<1x1x128xi32, #tpu.memory_space<vmem>> -> memref<128xi32, #tpu.memory_space<vmem>>
        %dma_wait3A_121 = arith.constant 0 : i32
        %dma_wait3A_122 = tpu.memref_slice %arg6[%dma_wait3A_121] : memref<262144xf32, #tpu.memory_space<hbm>> -> memref<262144xf32, #tpu.memory_space<hbm>>
        tpu.wait_indirect_dma semaphore(%arg17 : memref<!tpu.dma_semaphore, #tpu.memory_space<semaphore_mem>>) src(%dma_wait3A_122 : memref<262144xf32, #tpu.memory_space<hbm>>) dst(%dma_wait3A_117 : memref<128xf32, #tpu.memory_space<vmem>>)
        %dma_wait3A_123 = arith.constant 1 : i32
        %dma_wait3A_124 = arith.constant 1 : i32
        %dma_wait3A_125 = arith.constant 0 : i32
        %dma_wait3A_126 = tpu.memref_slice %arg14[%dma_wait3A_124, %scan3A_112, %dma_wait3A_125] : memref<3x16x128xf32, #tpu.memory_space<vmem>> -> memref<1x1x128xf32, #tpu.memory_space<vmem>>
        %dma_wait3A_127 = tpu.memref_squeeze %dma_wait3A_126 : memref<1x1x128xf32, #tpu.memory_space<vmem>> -> memref<128xf32, #tpu.memory_space<vmem>>
        %dma_wait3A_128 = arith.constant 0 : i32
        %dma_wait3A_129 = tpu.memref_slice %arg13[%dma_wait3A_123, %scan3A_112, %dma_wait3A_128] : memref<3x16x128xi32, #tpu.memory_space<vmem>> -> memref<1x1x128xi32, #tpu.memory_space<vmem>>
        %dma_wait3A_130 = tpu.memref_squeeze %dma_wait3A_129 : memref<1x1x128xi32, #tpu.memory_space<vmem>> -> memref<128xi32, #tpu.memory_space<vmem>>
        %dma_wait3A_131 = arith.constant 0 : i32
        %dma_wait3A_132 = tpu.memref_slice %arg7[%dma_wait3A_131] : memref<2097152xf32, #tpu.memory_space<hbm>> -> memref<2097152xf32, #tpu.memory_space<hbm>>
        tpu.wait_indirect_dma semaphore(%arg17 : memref<!tpu.dma_semaphore, #tpu.memory_space<semaphore_mem>>) src(%dma_wait3A_132 : memref<2097152xf32, #tpu.memory_space<hbm>>) dst(%dma_wait3A_127 : memref<128xf32, #tpu.memory_space<vmem>>)
        %dma_wait3A_133 = arith.constant 2 : i32
        %dma_wait3A_134 = arith.constant 2 : i32
        %dma_wait3A_135 = arith.constant 0 : i32
        %dma_wait3A_136 = tpu.memref_slice %arg14[%dma_wait3A_134, %scan3A_112, %dma_wait3A_135] : memref<3x16x128xf32, #tpu.memory_space<vmem>> -> memref<1x1x128xf32, #tpu.memory_space<vmem>>
        %dma_wait3A_137 = tpu.memref_squeeze %dma_wait3A_136 : memref<1x1x128xf32, #tpu.memory_space<vmem>> -> memref<128xf32, #tpu.memory_space<vmem>>
        %dma_wait3A_138 = arith.constant 0 : i32
        %dma_wait3A_139 = tpu.memref_slice %arg13[%dma_wait3A_133, %scan3A_112, %dma_wait3A_138] : memref<3x16x128xi32, #tpu.memory_space<vmem>> -> memref<1x1x128xi32, #tpu.memory_space<vmem>>
        %dma_wait3A_140 = tpu.memref_squeeze %dma_wait3A_139 : memref<1x1x128xi32, #tpu.memory_space<vmem>> -> memref<128xi32, #tpu.memory_space<vmem>>
        %dma_wait3A_141 = arith.constant 0 : i32
        %dma_wait3A_142 = tpu.memref_slice %arg8[%dma_wait3A_141] : memref<16777216xf32, #tpu.memory_space<hbm>> -> memref<16777216xf32, #tpu.memory_space<hbm>>
        tpu.wait_indirect_dma semaphore(%arg17 : memref<!tpu.dma_semaphore, #tpu.memory_space<semaphore_mem>>) src(%dma_wait3A_142 : memref<16777216xf32, #tpu.memory_space<hbm>>) dst(%dma_wait3A_137 : memref<128xf32, #tpu.memory_space<vmem>>)
        %mul3A_143 = arith.constant 128 : i32
        %mul3A_144 = arith.muli %scan3A_112, %mul3A_143 : i32
        %add3A_145 = arith.constant 0 : i32
        %add3A_146 = arith.addi %mul3A_144, %add3A_145 : i32
        %get3A = arith.index_cast %add3A_146 : i32 to index
        %get3A_147 = tpu.vector_load %arg15[%get3A] {strides = array<i32>} : memref<2048xf32, #tpu.memory_space<vmem>>, vector<16xf32>,
        %get3A_148 = arith.constant 0 : i32
        %get3A_149 = arith.index_cast %get3A_148 : i32 to index
        %get3A_150 = arith.index_cast %scan3A_112 : i32 to index
        %get3A_151 = arith.constant 0 : index
        %get3A_152 = tpu.vector_load %arg14[%get3A_149, %get3A_150, %get3A_151] {strides = array<i32>} : memref<3x16x128xf32, #tpu.memory_space<vmem>>, vector<16xf32>,
        %add3A_153 = arith.addf %get3A_147, %get3A_152 : vector<16xf32>
        %get3A_154 = arith.constant 1 : i32
        %get3A_155 = arith.index_cast %get3A_154 : i32 to index
        %get3A_156 = arith.index_cast %scan3A_112 : i32 to index
        %get3A_157 = arith.constant 0 : index
        %get3A_158 = tpu.vector_load %arg14[%get3A_155, %get3A_156, %get3A_157] {strides = array<i32>} : memref<3x16x128xf32, #tpu.memory_space<vmem>>, vector<16xf32>,
        %add3A_159 = arith.addf %add3A_153, %get3A_158 : vector<16xf32>
        %get3A_160 = arith.constant 2 : i32
        %get3A_161 = arith.index_cast %get3A_160 : i32 to index
        %get3A_162 = arith.index_cast %scan3A_112 : i32 to index
        %get3A_163 = arith.constant 0 : index
        %get3A_164 = tpu.vector_load %arg14[%get3A_161, %get3A_162, %get3A_163] {strides = array<i32>} : memref<3x16x128xf32, #tpu.memory_space<vmem>>, vector<16xf32>,
        %add3A_165 = arith.addf %add3A_159, %get3A_164 : vector<16xf32>
        %swap3A = arith.index_cast %add3A_146 : i32 to index
        %swap3A_166 = tpu.vector_load %arg15[%swap3A] {strides = array<i32>} : memref<2048xf32, #tpu.memory_space<vmem>>, vector<16xf32>,
        tpu.vector_store %arg15[%swap3A], %add3A_165 {strides = array<i32>} : memref<2048xf32, #tpu.memory_space<vmem>>, vector<16xf32>,
        %mul3A_167 = arith.constant 128 : i32
        %mul3A_168 = arith.muli %scan3A_112, %mul3A_167 : i32
        %add3A_169 = arith.constant 16 : i32
        %add3A_170 = arith.addi %mul3A_168, %add3A_169 : i32
        %get3A_171 = arith.index_cast %add3A_170 : i32 to index
        %get3A_172 = tpu.vector_load %arg15[%get3A_171] {strides = array<i32>} : memref<2048xf32, #tpu.memory_space<vmem>>, vector<16xf32>,
        %get3A_173 = arith.constant 0 : i32
        %get3A_174 = arith.index_cast %get3A_173 : i32 to index
        %get3A_175 = arith.index_cast %scan3A_112 : i32 to index
        %get3A_176 = arith.constant 16 : index
        %get3A_177 = tpu.vector_load %arg14[%get3A_174, %get3A_175, %get3A_176] {strides = array<i32>} : memref<3x16x128xf32, #tpu.memory_space<vmem>>, vector<16xf32>,
        %add3A_178 = arith.addf %get3A_172, %get3A_177 : vector<16xf32>
        %get3A_179 = arith.constant 1 : i32
        %get3A_180 = arith.index_cast %get3A_179 : i32 to index
        %get3A_181 = arith.index_cast %scan3A_112 : i32 to index
        %get3A_182 = arith.constant 16 : index
        %get3A_183 = tpu.vector_load %arg14[%get3A_180, %get3A_181, %get3A_182] {strides = array<i32>} : memref<3x16x128xf32, #tpu.memory_space<vmem>>, vector<16xf32>,
        %add3A_184 = arith.addf %add3A_178, %get3A_183 : vector<16xf32>
        %get3A_185 = arith.constant 2 : i32
        %get3A_186 = arith.index_cast %get3A_185 : i32 to index
        %get3A_187 = arith.index_cast %scan3A_112 : i32 to index
        %get3A_188 = arith.constant 16 : index
        %get3A_189 = tpu.vector_load %arg14[%get3A_186, %get3A_187, %get3A_188] {strides = array<i32>} : memref<3x16x128xf32, #tpu.memory_space<vmem>>, vector<16xf32>,
        %add3A_190 = arith.addf %add3A_184, %get3A_189 : vector<16xf32>
        %swap3A_191 = arith.index_cast %add3A_170 : i32 to index
        %swap3A_192 = tpu.vector_load %arg15[%swap3A_191] {strides = array<i32>} : memref<2048xf32, #tpu.memory_space<vmem>>, vector<16xf32>,
        tpu.vector_store %arg15[%swap3A_191], %add3A_190 {strides = array<i32>} : memref<2048xf32, #tpu.memory_space<vmem>>, vector<16xf32>,
        %mul3A_193 = arith.constant 128 : i32
        %mul3A_194 = arith.muli %scan3A_112, %mul3A_193 : i32
        %add3A_195 = arith.constant 32 : i32
        %add3A_196 = arith.addi %mul3A_194, %add3A_195 : i32
        %get3A_197 = arith.index_cast %add3A_196 : i32 to index
        %get3A_198 = tpu.vector_load %arg15[%get3A_197] {strides = array<i32>} : memref<2048xf32, #tpu.memory_space<vmem>>, vector<16xf32>,
        %get3A_199 = arith.constant 0 : i32
        %get3A_200 = arith.index_cast %get3A_199 : i32 to index
        %get3A_201 = arith.index_cast %scan3A_112 : i32 to index
        %get3A_202 = arith.constant 32 : index
        %get3A_203 = tpu.vector_load %arg14[%get3A_200, %get3A_201, %get3A_202] {strides = array<i32>} : memref<3x16x128xf32, #tpu.memory_space<vmem>>, vector<16xf32>,
        %add3A_204 = arith.addf %get3A_198, %get3A_203 : vector<16xf32>
        %get3A_205 = arith.constant 1 : i32
        %get3A_206 = arith.index_cast %get3A_205 : i32 to index
        %get3A_207 = arith.index_cast %scan3A_112 : i32 to index
        %get3A_208 = arith.constant 32 : index
        %get3A_209 = tpu.vector_load %arg14[%get3A_206, %get3A_207, %get3A_208] {strides = array<i32>} : memref<3x16x128xf32, #tpu.memory_space<vmem>>, vector<16xf32>,
        %add3A_210 = arith.addf %add3A_204, %get3A_209 : vector<16xf32>
        %get3A_211 = arith.constant 2 : i32
        %get3A_212 = arith.index_cast %get3A_211 : i32 to index
        %get3A_213 = arith.index_cast %scan3A_112 : i32 to index
        %get3A_214 = arith.constant 32 : index
        %get3A_215 = tpu.vector_load %arg14[%get3A_212, %get3A_213, %get3A_214] {strides = array<i32>} : memref<3x16x128xf32, #tpu.memory_space<vmem>>, vector<16xf32>,
        %add3A_216 = arith.addf %add3A_210, %get3A_215 : vector<16xf32>
        %swap3A_217 = arith.index_cast %add3A_196 : i32 to index
        %swap3A_218 = tpu.vector_load %arg15[%swap3A_217] {strides = array<i32>} : memref<2048xf32, #tpu.memory_space<vmem>>, vector<16xf32>,
        tpu.vector_store %arg15[%swap3A_217], %add3A_216 {strides = array<i32>} : memref<2048xf32, #tpu.memory_space<vmem>>, vector<16xf32>,
        %mul3A_219 = arith.constant 128 : i32
        %mul3A_220 = arith.muli %scan3A_112, %mul3A_219 : i32
        %add3A_221 = arith.constant 48 : i32
        %add3A_222 = arith.addi %mul3A_220, %add3A_221 : i32
        %get3A_223 = arith.index_cast %add3A_222 : i32 to index
        %get3A_224 = tpu.vector_load %arg15[%get3A_223] {strides = array<i32>} : memref<2048xf32, #tpu.memory_space<vmem>>, vector<16xf32>,
        %get3A_225 = arith.constant 0 : i32
        %get3A_226 = arith.index_cast %get3A_225 : i32 to index
        %get3A_227 = arith.index_cast %scan3A_112 : i32 to index
        %get3A_228 = arith.constant 48 : index
        %get3A_229 = tpu.vector_load %arg14[%get3A_226, %get3A_227, %get3A_228] {strides = array<i32>} : memref<3x16x128xf32, #tpu.memory_space<vmem>>, vector<16xf32>,
        %add3A_230 = arith.addf %get3A_224, %get3A_229 : vector<16xf32>
        %get3A_231 = arith.constant 1 : i32
        %get3A_232 = arith.index_cast %get3A_231 : i32 to index
        %get3A_233 = arith.index_cast %scan3A_112 : i32 to index
        %get3A_234 = arith.constant 48 : index
        %get3A_235 = tpu.vector_load %arg14[%get3A_232, %get3A_233, %get3A_234] {strides = array<i32>} : memref<3x16x128xf32, #tpu.memory_space<vmem>>, vector<16xf32>,
        %add3A_236 = arith.addf %add3A_230, %get3A_235 : vector<16xf32>
        %get3A_237 = arith.constant 2 : i32
        %get3A_238 = arith.index_cast %get3A_237 : i32 to index
        %get3A_239 = arith.index_cast %scan3A_112 : i32 to index
        %get3A_240 = arith.constant 48 : index
        %get3A_241 = tpu.vector_load %arg14[%get3A_238, %get3A_239, %get3A_240] {strides = array<i32>} : memref<3x16x128xf32, #tpu.memory_space<vmem>>, vector<16xf32>,
        %add3A_242 = arith.addf %add3A_236, %get3A_241 : vector<16xf32>
        %swap3A_243 = arith.index_cast %add3A_222 : i32 to index
        %swap3A_244 = tpu.vector_load %arg15[%swap3A_243] {strides = array<i32>} : memref<2048xf32, #tpu.memory_space<vmem>>, vector<16xf32>,
        tpu.vector_store %arg15[%swap3A_243], %add3A_242 {strides = array<i32>} : memref<2048xf32, #tpu.memory_space<vmem>>, vector<16xf32>,
        %mul3A_245 = arith.constant 128 : i32
        %mul3A_246 = arith.muli %scan3A_112, %mul3A_245 : i32
        %add3A_247 = arith.constant 64 : i32
        %add3A_248 = arith.addi %mul3A_246, %add3A_247 : i32
        %get3A_249 = arith.index_cast %add3A_248 : i32 to index
        %get3A_250 = tpu.vector_load %arg15[%get3A_249] {strides = array<i32>} : memref<2048xf32, #tpu.memory_space<vmem>>, vector<16xf32>,
        %get3A_251 = arith.constant 0 : i32
        %get3A_252 = arith.index_cast %get3A_251 : i32 to index
        %get3A_253 = arith.index_cast %scan3A_112 : i32 to index
        %get3A_254 = arith.constant 64 : index
        %get3A_255 = tpu.vector_load %arg14[%get3A_252, %get3A_253, %get3A_254] {strides = array<i32>} : memref<3x16x128xf32, #tpu.memory_space<vmem>>, vector<16xf32>,
        %add3A_256 = arith.addf %get3A_250, %get3A_255 : vector<16xf32>
        %get3A_257 = arith.constant 1 : i32
        %get3A_258 = arith.index_cast %get3A_257 : i32 to index
        %get3A_259 = arith.index_cast %scan3A_112 : i32 to index
        %get3A_260 = arith.constant 64 : index
        %get3A_261 = tpu.vector_load %arg14[%get3A_258, %get3A_259, %get3A_260] {strides = array<i32>} : memref<3x16x128xf32, #tpu.memory_space<vmem>>, vector<16xf32>,
        %add3A_262 = arith.addf %add3A_256, %get3A_261 : vector<16xf32>
        %get3A_263 = arith.constant 2 : i32
        %get3A_264 = arith.index_cast %get3A_263 : i32 to index
        %get3A_265 = arith.index_cast %scan3A_112 : i32 to index
        %get3A_266 = arith.constant 64 : index
        %get3A_267 = tpu.vector_load %arg14[%get3A_264, %get3A_265, %get3A_266] {strides = array<i32>} : memref<3x16x128xf32, #tpu.memory_space<vmem>>, vector<16xf32>,
        %add3A_268 = arith.addf %add3A_262, %get3A_267 : vector<16xf32>
        %swap3A_269 = arith.index_cast %add3A_248 : i32 to index
        %swap3A_270 = tpu.vector_load %arg15[%swap3A_269] {strides = array<i32>} : memref<2048xf32, #tpu.memory_space<vmem>>, vector<16xf32>,
        tpu.vector_store %arg15[%swap3A_269], %add3A_268 {strides = array<i32>} : memref<2048xf32, #tpu.memory_space<vmem>>, vector<16xf32>,
        %mul3A_271 = arith.constant 128 : i32
        %mul3A_272 = arith.muli %scan3A_112, %mul3A_271 : i32
        %add3A_273 = arith.constant 80 : i32
        %add3A_274 = arith.addi %mul3A_272, %add3A_273 : i32
        %get3A_275 = arith.index_cast %add3A_274 : i32 to index
        %get3A_276 = tpu.vector_load %arg15[%get3A_275] {strides = array<i32>} : memref<2048xf32, #tpu.memory_space<vmem>>, vector<16xf32>,
        %get3A_277 = arith.constant 0 : i32
        %get3A_278 = arith.index_cast %get3A_277 : i32 to index
        %get3A_279 = arith.index_cast %scan3A_112 : i32 to index
        %get3A_280 = arith.constant 80 : index
        %get3A_281 = tpu.vector_load %arg14[%get3A_278, %get3A_279, %get3A_280] {strides = array<i32>} : memref<3x16x128xf32, #tpu.memory_space<vmem>>, vector<16xf32>,
        %add3A_282 = arith.addf %get3A_276, %get3A_281 : vector<16xf32>
        %get3A_283 = arith.constant 1 : i32
        %get3A_284 = arith.index_cast %get3A_283 : i32 to index
        %get3A_285 = arith.index_cast %scan3A_112 : i32 to index
        %get3A_286 = arith.constant 80 : index
        %get3A_287 = tpu.vector_load %arg14[%get3A_284, %get3A_285, %get3A_286] {strides = array<i32>} : memref<3x16x128xf32, #tpu.memory_space<vmem>>, vector<16xf32>,
        %add3A_288 = arith.addf %add3A_282, %get3A_287 : vector<16xf32>
        %get3A_289 = arith.constant 2 : i32
        %get3A_290 = arith.index_cast %get3A_289 : i32 to index
        %get3A_291 = arith.index_cast %scan3A_112 : i32 to index
        %get3A_292 = arith.constant 80 : index
        %get3A_293 = tpu.vector_load %arg14[%get3A_290, %get3A_291, %get3A_292] {strides = array<i32>} : memref<3x16x128xf32, #tpu.memory_space<vmem>>, vector<16xf32>,
        %add3A_294 = arith.addf %add3A_288, %get3A_293 : vector<16xf32>
        %swap3A_295 = arith.index_cast %add3A_274 : i32 to index
        %swap3A_296 = tpu.vector_load %arg15[%swap3A_295] {strides = array<i32>} : memref<2048xf32, #tpu.memory_space<vmem>>, vector<16xf32>,
        tpu.vector_store %arg15[%swap3A_295], %add3A_294 {strides = array<i32>} : memref<2048xf32, #tpu.memory_space<vmem>>, vector<16xf32>,
        %mul3A_297 = arith.constant 128 : i32
        %mul3A_298 = arith.muli %scan3A_112, %mul3A_297 : i32
        %add3A_299 = arith.constant 96 : i32
        %add3A_300 = arith.addi %mul3A_298, %add3A_299 : i32
        %get3A_301 = arith.index_cast %add3A_300 : i32 to index
        %get3A_302 = tpu.vector_load %arg15[%get3A_301] {strides = array<i32>} : memref<2048xf32, #tpu.memory_space<vmem>>, vector<16xf32>,
        %get3A_303 = arith.constant 0 : i32
        %get3A_304 = arith.index_cast %get3A_303 : i32 to index
        %get3A_305 = arith.index_cast %scan3A_112 : i32 to index
        %get3A_306 = arith.constant 96 : index
        %get3A_307 = tpu.vector_load %arg14[%get3A_304, %get3A_305, %get3A_306] {strides = array<i32>} : memref<3x16x128xf32, #tpu.memory_space<vmem>>, vector<16xf32>,
        %add3A_308 = arith.addf %get3A_302, %get3A_307 : vector<16xf32>
        %get3A_309 = arith.constant 1 : i32
        %get3A_310 = arith.index_cast %get3A_309 : i32 to index
        %get3A_311 = arith.index_cast %scan3A_112 : i32 to index
        %get3A_312 = arith.constant 96 : index
        %get3A_313 = tpu.vector_load %arg14[%get3A_310, %get3A_311, %get3A_312] {strides = array<i32>} : memref<3x16x128xf32, #tpu.memory_space<vmem>>, vector<16xf32>,
        %add3A_314 = arith.addf %add3A_308, %get3A_313 : vector<16xf32>
        %get3A_315 = arith.constant 2 : i32
        %get3A_316 = arith.index_cast %get3A_315 : i32 to index
        %get3A_317 = arith.index_cast %scan3A_112 : i32 to index
        %get3A_318 = arith.constant 96 : index
        %get3A_319 = tpu.vector_load %arg14[%get3A_316, %get3A_317, %get3A_318] {strides = array<i32>} : memref<3x16x128xf32, #tpu.memory_space<vmem>>, vector<16xf32>,
        %add3A_320 = arith.addf %add3A_314, %get3A_319 : vector<16xf32>
        %swap3A_321 = arith.index_cast %add3A_300 : i32 to index
        %swap3A_322 = tpu.vector_load %arg15[%swap3A_321] {strides = array<i32>} : memref<2048xf32, #tpu.memory_space<vmem>>, vector<16xf32>,
        tpu.vector_store %arg15[%swap3A_321], %add3A_320 {strides = array<i32>} : memref<2048xf32, #tpu.memory_space<vmem>>, vector<16xf32>,
        %mul3A_323 = arith.constant 128 : i32
        %mul3A_324 = arith.muli %scan3A_112, %mul3A_323 : i32
        %add3A_325 = arith.constant 112 : i32
        %add3A_326 = arith.addi %mul3A_324, %add3A_325 : i32
        %get3A_327 = arith.index_cast %add3A_326 : i32 to index
        %get3A_328 = tpu.vector_load %arg15[%get3A_327] {strides = array<i32>} : memref<2048xf32, #tpu.memory_space<vmem>>, vector<16xf32>,
        %get3A_329 = arith.constant 0 : i32
        %get3A_330 = arith.index_cast %get3A_329 : i32 to index
        %get3A_331 = arith.index_cast %scan3A_112 : i32 to index
        %get3A_332 = arith.constant 112 : index
        %get3A_333 = tpu.vector_load %arg14[%get3A_330, %get3A_331, %get3A_332] {strides = array<i32>} : memref<3x16x128xf32, #tpu.memory_space<vmem>>, vector<16xf32>,
        %add3A_334 = arith.addf %get3A_328, %get3A_333 : vector<16xf32>
        %get3A_335 = arith.constant 1 : i32
        %get3A_336 = arith.index_cast %get3A_335 : i32 to index
        %get3A_337 = arith.index_cast %scan3A_112 : i32 to index
        %get3A_338 = arith.constant 112 : index
        %get3A_339 = tpu.vector_load %arg14[%get3A_336, %get3A_337, %get3A_338] {strides = array<i32>} : memref<3x16x128xf32, #tpu.memory_space<vmem>>, vector<16xf32>,
        %add3A_340 = arith.addf %add3A_334, %get3A_339 : vector<16xf32>
        %get3A_341 = arith.constant 2 : i32
        %get3A_342 = arith.index_cast %get3A_341 : i32 to index
        %get3A_343 = arith.index_cast %scan3A_112 : i32 to index
        %get3A_344 = arith.constant 112 : index
        %get3A_345 = tpu.vector_load %arg14[%get3A_342, %get3A_343, %get3A_344] {strides = array<i32>} : memref<3x16x128xf32, #tpu.memory_space<vmem>>, vector<16xf32>,
        %add3A_346 = arith.addf %add3A_340, %get3A_345 : vector<16xf32>
        %swap3A_347 = arith.index_cast %add3A_326 : i32 to index
        %swap3A_348 = tpu.vector_load %arg15[%swap3A_347] {strides = array<i32>} : memref<2048xf32, #tpu.memory_space<vmem>>, vector<16xf32>,
        tpu.vector_store %arg15[%swap3A_347], %add3A_346 {strides = array<i32>} : memref<2048xf32, #tpu.memory_space<vmem>>, vector<16xf32>,
      }
      %scan3A_111 = arith.constant 16 : i32
      "tpu.region"() ({
        %run_scoped3A = tpu.sem_alloc : memref<!tpu.dma_semaphore, #tpu.memory_space<semaphore_mem>>
        %dma_start3A_112 = tpu.memref_slice %arg9[%add3A_63] : memref<1000000xf32, #tpu.memory_space<hbm>> -> memref<2048xf32, #tpu.memory_space<hbm>>
        %dma_start3A_113 = tpu.memref_slice %arg9[%add3A_63] : memref<1000000xf32, #tpu.memory_space<hbm>> -> memref<2048xf32, #tpu.memory_space<hbm>>
        tpu.enqueue_dma source(%arg15 : memref<2048xf32, #tpu.memory_space<vmem>>) target(%dma_start3A_113 : memref<2048xf32, #tpu.memory_space<hbm>>) target_semaphore(%run_scoped3A : memref<!tpu.dma_semaphore, #tpu.memory_space<semaphore_mem>>)
        %dma_wait3A_114 = tpu.memref_slice %arg9[%add3A_63] : memref<1000000xf32, #tpu.memory_space<hbm>> -> memref<2048xf32, #tpu.memory_space<hbm>>
        %dma_wait3A_115 = tpu.memref_slice %arg9[%add3A_63] : memref<1000000xf32, #tpu.memory_space<hbm>> -> memref<2048xf32, #tpu.memory_space<hbm>>
        tpu.wait_dma2 semaphore(%run_scoped3A : memref<!tpu.dma_semaphore, #tpu.memory_space<semaphore_mem>>) src(%arg15 : memref<2048xf32, #tpu.memory_space<vmem>>) dst(%dma_wait3A_115 : memref<2048xf32, #tpu.memory_space<hbm>>)
        tpu.yield
      }) : () -> ()
    }
    %scan3A_5 = arith.constant 15 : i32
    %mul3A_6 = arith.constant 31248 : i32
    %mul3A_7 = arith.muli %add3A, %mul3A_6 : i32
    %add3A_8 = arith.constant 30720 : i32
    %add3A_9 = arith.addi %mul3A_7, %add3A_8 : i32
    %dma_start3A = arith.constant 0 : i32
    %dma_start3A_10 = tpu.memref_slice %arg10[%dma_start3A] : memref<2048xf32, #tpu.memory_space<vmem>> -> memref<528xf32, #tpu.memory_space<vmem>>
    %dma_start3A_11 = tpu.memref_slice %arg2[%add3A_9] : memref<1000000xf32, #tpu.memory_space<hbm>> -> memref<528xf32, #tpu.memory_space<hbm>>
    %dma_start3A_12 = arith.constant 0 : i32
    %dma_start3A_13 = tpu.memref_slice %arg10[%dma_start3A_12] : memref<2048xf32, #tpu.memory_space<vmem>> -> memref<528xf32, #tpu.memory_space<vmem>>
    %dma_start3A_14 = tpu.memref_slice %arg2[%add3A_9] : memref<1000000xf32, #tpu.memory_space<hbm>> -> memref<528xf32, #tpu.memory_space<hbm>>
    tpu.enqueue_dma source(%dma_start3A_14 : memref<528xf32, #tpu.memory_space<hbm>>) target(%dma_start3A_13 : memref<528xf32, #tpu.memory_space<vmem>>) target_semaphore(%arg17 : memref<!tpu.dma_semaphore, #tpu.memory_space<semaphore_mem>>)
    %dma_start3A_15 = arith.constant 0 : i32
    %dma_start3A_16 = tpu.memref_slice %arg11[%dma_start3A_15] : memref<2048xf32, #tpu.memory_space<vmem>> -> memref<528xf32, #tpu.memory_space<vmem>>
    %dma_start3A_17 = tpu.memref_slice %arg3[%add3A_9] : memref<1000000xf32, #tpu.memory_space<hbm>> -> memref<528xf32, #tpu.memory_space<hbm>>
    %dma_start3A_18 = arith.constant 0 : i32
    %dma_start3A_19 = tpu.memref_slice %arg11[%dma_start3A_18] : memref<2048xf32, #tpu.memory_space<vmem>> -> memref<528xf32, #tpu.memory_space<vmem>>
    %dma_start3A_20 = tpu.memref_slice %arg3[%add3A_9] : memref<1000000xf32, #tpu.memory_space<hbm>> -> memref<528xf32, #tpu.memory_space<hbm>>
    tpu.enqueue_dma source(%dma_start3A_20 : memref<528xf32, #tpu.memory_space<hbm>>) target(%dma_start3A_19 : memref<528xf32, #tpu.memory_space<vmem>>) target_semaphore(%arg17 : memref<!tpu.dma_semaphore, #tpu.memory_space<semaphore_mem>>)
    %dma_start3A_21 = arith.constant 0 : i32
    %dma_start3A_22 = tpu.memref_slice %arg12[%dma_start3A_21] : memref<2048xf32, #tpu.memory_space<vmem>> -> memref<528xf32, #tpu.memory_space<vmem>>
    %dma_start3A_23 = tpu.memref_slice %arg4[%add3A_9] : memref<1000000xf32, #tpu.memory_space<hbm>> -> memref<528xf32, #tpu.memory_space<hbm>>
    %dma_start3A_24 = arith.constant 0 : i32
    %dma_start3A_25 = tpu.memref_slice %arg12[%dma_start3A_24] : memref<2048xf32, #tpu.memory_space<vmem>> -> memref<528xf32, #tpu.memory_space<vmem>>
    %dma_start3A_26 = tpu.memref_slice %arg4[%add3A_9] : memref<1000000xf32, #tpu.memory_space<hbm>> -> memref<528xf32, #tpu.memory_space<hbm>>
    tpu.enqueue_dma source(%dma_start3A_26 : memref<528xf32, #tpu.memory_space<hbm>>) target(%dma_start3A_25 : memref<528xf32, #tpu.memory_space<vmem>>) target_semaphore(%arg17 : memref<!tpu.dma_semaphore, #tpu.memory_space<semaphore_mem>>)
    %dma_wait3A = arith.constant 0 : i32
    %dma_wait3A_27 = tpu.memref_slice %arg10[%dma_wait3A] : memref<2048xf32, #tpu.memory_space<vmem>> -> memref<528xf32, #tpu.memory_space<vmem>>
    %dma_wait3A_28 = tpu.memref_slice %arg2[%add3A_9] : memref<1000000xf32, #tpu.memory_space<hbm>> -> memref<528xf32, #tpu.memory_space<hbm>>
    %dma_wait3A_29 = arith.constant 0 : i32
    %dma_wait3A_30 = tpu.memref_slice %arg10[%dma_wait3A_29] : memref<2048xf32, #tpu.memory_space<vmem>> -> memref<528xf32, #tpu.memory_space<vmem>>
    %dma_wait3A_31 = tpu.memref_slice %arg2[%add3A_9] : memref<1000000xf32, #tpu.memory_space<hbm>> -> memref<528xf32, #tpu.memory_space<hbm>>
    tpu.wait_dma2 semaphore(%arg17 : memref<!tpu.dma_semaphore, #tpu.memory_space<semaphore_mem>>) src(%dma_wait3A_31 : memref<528xf32, #tpu.memory_space<hbm>>) dst(%dma_wait3A_30 : memref<528xf32, #tpu.memory_space<vmem>>)
    %dma_wait3A_32 = arith.constant 0 : i32
    %dma_wait3A_33 = tpu.memref_slice %arg11[%dma_wait3A_32] : memref<2048xf32, #tpu.memory_space<vmem>> -> memref<528xf32, #tpu.memory_space<vmem>>
    %dma_wait3A_34 = tpu.memref_slice %arg3[%add3A_9] : memref<1000000xf32, #tpu.memory_space<hbm>> -> memref<528xf32, #tpu.memory_space<hbm>>
    %dma_wait3A_35 = arith.constant 0 : i32
    %dma_wait3A_36 = tpu.memref_slice %arg11[%dma_wait3A_35] : memref<2048xf32, #tpu.memory_space<vmem>> -> memref<528xf32, #tpu.memory_space<vmem>>
    %dma_wait3A_37 = tpu.memref_slice %arg3[%add3A_9] : memref<1000000xf32, #tpu.memory_space<hbm>> -> memref<528xf32, #tpu.memory_space<hbm>>
    tpu.wait_dma2 semaphore(%arg17 : memref<!tpu.dma_semaphore, #tpu.memory_space<semaphore_mem>>) src(%dma_wait3A_37 : memref<528xf32, #tpu.memory_space<hbm>>) dst(%dma_wait3A_36 : memref<528xf32, #tpu.memory_space<vmem>>)
    %dma_wait3A_38 = arith.constant 0 : i32
    %dma_wait3A_39 = tpu.memref_slice %arg12[%dma_wait3A_38] : memref<2048xf32, #tpu.memory_space<vmem>> -> memref<528xf32, #tpu.memory_space<vmem>>
    %dma_wait3A_40 = tpu.memref_slice %arg4[%add3A_9] : memref<1000000xf32, #tpu.memory_space<hbm>> -> memref<528xf32, #tpu.memory_space<hbm>>
    %dma_wait3A_41 = arith.constant 0 : i32
    %dma_wait3A_42 = tpu.memref_slice %arg12[%dma_wait3A_41] : memref<2048xf32, #tpu.memory_space<vmem>> -> memref<528xf32, #tpu.memory_space<vmem>>
    %dma_wait3A_43 = tpu.memref_slice %arg4[%add3A_9] : memref<1000000xf32, #tpu.memory_space<hbm>> -> memref<528xf32, #tpu.memory_space<hbm>>
    tpu.wait_dma2 semaphore(%arg17 : memref<!tpu.dma_semaphore, #tpu.memory_space<semaphore_mem>>) src(%dma_wait3A_43 : memref<528xf32, #tpu.memory_space<hbm>>) dst(%dma_wait3A_42 : memref<528xf32, #tpu.memory_space<vmem>>)
    %scan3A_44 = arith.constant 0 : i32
    %scan3A_45 = arith.constant 0 : i32
    %scan3A_46 = arith.constant 5 : i32
    %scan3A_47 = arith.addi %scan3A_45, %scan3A_46 : i32
    %scan3A_48 = arith.constant 1 : i32
    scf.for %scan3A_58 = %scan3A_45 to %scan3A_47 step %scan3A_48  : i32 {
      %mul3A_59 = arith.constant 128 : i32
      %mul3A_60 = arith.muli %scan3A_58, %mul3A_59 : i32
      %add3A_61 = arith.constant 0 : i32
      %add3A_62 = arith.addi %mul3A_60, %add3A_61 : i32
      %get3A = arith.index_cast %add3A_62 : i32 to index
      %get3A_63 = tpu.vector_load %arg10[%get3A] {strides = array<i32>} : memref<2048xf32, #tpu.memory_space<vmem>>, vector<16xf32>,
      %get3A_64 = arith.index_cast %add3A_62 : i32 to index
      %get3A_65 = tpu.vector_load %arg11[%get3A_64] {strides = array<i32>} : memref<2048xf32, #tpu.memory_space<vmem>>, vector<16xf32>,
      %get3A_66 = arith.index_cast %add3A_62 : i32 to index
      %get3A_67 = tpu.vector_load %arg12[%get3A_66] {strides = array<i32>} : memref<2048xf32, #tpu.memory_space<vmem>>, vector<16xf32>,
      %mul3A_68 = arith.constant 3.100000e+01 : f32
      %mul3A_69 = vector.broadcast %mul3A_68 : f32 to vector<16xf32>
      %mul3A_70 = arith.mulf %get3A_63, %mul3A_69 : vector<16xf32>
      %convert_element_type3A_71 = arith.fptosi %mul3A_70 : vector<16xf32> to vector<16xi32>
      %mul3A_72 = arith.constant 3.100000e+01 : f32
      %mul3A_73 = vector.broadcast %mul3A_72 : f32 to vector<16xf32>
      %mul3A_74 = arith.mulf %get3A_65, %mul3A_73 : vector<16xf32>
      %convert_element_type3A_75 = arith.fptosi %mul3A_74 : vector<16xf32> to vector<16xi32>
      %mul3A_76 = arith.constant 3.100000e+01 : f32
      %mul3A_77 = vector.broadcast %mul3A_76 : f32 to vector<16xf32>
      %mul3A_78 = arith.mulf %get3A_67, %mul3A_77 : vector<16xf32>
      %convert_element_type3A_79 = arith.fptosi %mul3A_78 : vector<16xf32> to vector<16xi32>
      %mul3A_80 = arith.constant 32 : i32
      %mul3A_81 = vector.broadcast %mul3A_80 : i32 to vector<16xi32>
      %mul3A_82 = arith.muli %convert_element_type3A_75, %mul3A_81 : vector<16xi32>
      %add3A_83 = arith.addi %convert_element_type3A_71, %mul3A_82 : vector<16xi32>
      %mul3A_84 = arith.constant 1024 : i32
      %mul3A_85 = vector.broadcast %mul3A_84 : i32 to vector<16xi32>
      %mul3A_86 = arith.muli %convert_element_type3A_79, %mul3A_85 : vector<16xi32>
      %add3A_87 = arith.addi %add3A_83, %mul3A_86 : vector<16xi32>
      %max3A = arith.constant 0 : i32
      %max3A_88 = vector.broadcast %max3A : i32 to vector<16xi32>
      %max3A_89 = arith.maxsi %add3A_87, %max3A_88 : vector<16xi32>
      %min3A = arith.constant 32767 : i32
      %min3A_90 = vector.broadcast %min3A : i32 to vector<16xi32>
      %min3A_91 = arith.minsi %max3A_89, %min3A_90 : vector<16xi32>
      %gather3A = tpu.vector_load_idx %arg16[%min3A_91] : memref<32768xf32, #tpu.memory_space<vmem>>[vector<16xi32>], vector<16xf32>,
      %swap3A = arith.index_cast %add3A_62 : i32 to index
      %swap3A_92 = tpu.vector_load %arg15[%swap3A] {strides = array<i32>} : memref<2048xf32, #tpu.memory_space<vmem>>, vector<16xf32>,
      tpu.vector_store %arg15[%swap3A], %gather3A {strides = array<i32>} : memref<2048xf32, #tpu.memory_space<vmem>>, vector<16xf32>,
      %mul3A_93 = arith.constant 6.300000e+01 : f32
      %mul3A_94 = vector.broadcast %mul3A_93 : f32 to vector<16xf32>
      %mul3A_95 = arith.mulf %get3A_63, %mul3A_94 : vector<16xf32>
      %convert_element_type3A_96 = arith.fptosi %mul3A_95 : vector<16xf32> to vector<16xi32>
      %mul3A_97 = arith.constant 6.300000e+01 : f32
      %mul3A_98 = vector.broadcast %mul3A_97 : f32 to vector<16xf32>
      %mul3A_99 = arith.mulf %get3A_65, %mul3A_98 : vector<16xf32>
      %convert_element_type3A_100 = arith.fptosi %mul3A_99 : vector<16xf32> to vector<16xi32>
      %mul3A_101 = arith.constant 6.300000e+01 : f32
      %mul3A_102 = vector.broadcast %mul3A_101 : f32 to vector<16xf32>
      %mul3A_103 = arith.mulf %get3A_67, %mul3A_102 : vector<16xf32>
      %convert_element_type3A_104 = arith.fptosi %mul3A_103 : vector<16xf32> to vector<16xi32>
      %mul3A_105 = arith.constant 64 : i32
      %mul3A_106 = vector.broadcast %mul3A_105 : i32 to vector<16xi32>
      %mul3A_107 = arith.muli %convert_element_type3A_100, %mul3A_106 : vector<16xi32>
      %add3A_108 = arith.addi %convert_element_type3A_96, %mul3A_107 : vector<16xi32>
      %mul3A_109 = arith.constant 4096 : i32
      %mul3A_110 = vector.broadcast %mul3A_109 : i32 to vector<16xi32>
      %mul3A_111 = arith.muli %convert_element_type3A_104, %mul3A_110 : vector<16xi32>
      %add3A_112 = arith.addi %add3A_108, %mul3A_111 : vector<16xi32>
      %max3A_113 = arith.constant 0 : i32
      %max3A_114 = vector.broadcast %max3A_113 : i32 to vector<16xi32>
      %max3A_115 = arith.maxsi %add3A_112, %max3A_114 : vector<16xi32>
      %min3A_116 = arith.constant 262143 : i32
      %min3A_117 = vector.broadcast %min3A_116 : i32 to vector<16xi32>
      %min3A_118 = arith.minsi %max3A_115, %min3A_117 : vector<16xi32>
      %swap3A_119 = arith.constant 0 : i32
      %swap3A_120 = arith.index_cast %swap3A_119 : i32 to index
      %swap3A_121 = arith.index_cast %scan3A_58 : i32 to index
      %swap3A_122 = arith.constant 0 : index
      %swap3A_123 = tpu.vector_load %arg13[%swap3A_120, %swap3A_121, %swap3A_122] {strides = array<i32>} : memref<3x16x128xi32, #tpu.memory_space<vmem>>, vector<16xi32>,
      tpu.vector_store %arg13[%swap3A_120, %swap3A_121, %swap3A_122], %min3A_118 {strides = array<i32>} : memref<3x16x128xi32, #tpu.memory_space<vmem>>, vector<16xi32>,
      %mul3A_124 = arith.constant 1.270000e+02 : f32
      %mul3A_125 = vector.broadcast %mul3A_124 : f32 to vector<16xf32>
      %mul3A_126 = arith.mulf %get3A_63, %mul3A_125 : vector<16xf32>
      %convert_element_type3A_127 = arith.fptosi %mul3A_126 : vector<16xf32> to vector<16xi32>
      %mul3A_128 = arith.constant 1.270000e+02 : f32
      %mul3A_129 = vector.broadcast %mul3A_128 : f32 to vector<16xf32>
      %mul3A_130 = arith.mulf %get3A_65, %mul3A_129 : vector<16xf32>
      %convert_element_type3A_131 = arith.fptosi %mul3A_130 : vector<16xf32> to vector<16xi32>
      %mul3A_132 = arith.constant 1.270000e+02 : f32
      %mul3A_133 = vector.broadcast %mul3A_132 : f32 to vector<16xf32>
      %mul3A_134 = arith.mulf %get3A_67, %mul3A_133 : vector<16xf32>
      %convert_element_type3A_135 = arith.fptosi %mul3A_134 : vector<16xf32> to vector<16xi32>
      %mul3A_136 = arith.constant 128 : i32
      %mul3A_137 = vector.broadcast %mul3A_136 : i32 to vector<16xi32>
      %mul3A_138 = arith.muli %convert_element_type3A_131, %mul3A_137 : vector<16xi32>
      %add3A_139 = arith.addi %convert_element_type3A_127, %mul3A_138 : vector<16xi32>
      %mul3A_140 = arith.constant 16384 : i32
      %mul3A_141 = vector.broadcast %mul3A_140 : i32 to vector<16xi32>
      %mul3A_142 = arith.muli %convert_element_type3A_135, %mul3A_141 : vector<16xi32>
      %add3A_143 = arith.addi %add3A_139, %mul3A_142 : vector<16xi32>
      %max3A_144 = arith.constant 0 : i32
      %max3A_145 = vector.broadcast %max3A_144 : i32 to vector<16xi32>
      %max3A_146 = arith.maxsi %add3A_143, %max3A_145 : vector<16xi32>
      %min3A_147 = arith.constant 2097151 : i32
      %min3A_148 = vector.broadcast %min3A_147 : i32 to vector<16xi32>
      %min3A_149 = arith.minsi %max3A_146, %min3A_148 : vector<16xi32>
      %swap3A_150 = arith.constant 1 : i32
      %swap3A_151 = arith.index_cast %swap3A_150 : i32 to index
      %swap3A_152 = arith.index_cast %scan3A_58 : i32 to index
      %swap3A_153 = arith.constant 0 : index
      %swap3A_154 = tpu.vector_load %arg13[%swap3A_151, %swap3A_152, %swap3A_153] {strides = array<i32>} : memref<3x16x128xi32, #tpu.memory_space<vmem>>, vector<16xi32>,
      tpu.vector_store %arg13[%swap3A_151, %swap3A_152, %swap3A_153], %min3A_149 {strides = array<i32>} : memref<3x16x128xi32, #tpu.memory_space<vmem>>, vector<16xi32>,
      %mul3A_155 = arith.constant 2.550000e+02 : f32
      %mul3A_156 = vector.broadcast %mul3A_155 : f32 to vector<16xf32>
      %mul3A_157 = arith.mulf %get3A_63, %mul3A_156 : vector<16xf32>
      %convert_element_type3A_158 = arith.fptosi %mul3A_157 : vector<16xf32> to vector<16xi32>
      %mul3A_159 = arith.constant 2.550000e+02 : f32
      %mul3A_160 = vector.broadcast %mul3A_159 : f32 to vector<16xf32>
      %mul3A_161 = arith.mulf %get3A_65, %mul3A_160 : vector<16xf32>
      %convert_element_type3A_162 = arith.fptosi %mul3A_161 : vector<16xf32> to vector<16xi32>
      %mul3A_163 = arith.constant 2.550000e+02 : f32
      %mul3A_164 = vector.broadcast %mul3A_163 : f32 to vector<16xf32>
      %mul3A_165 = arith.mulf %get3A_67, %mul3A_164 : vector<16xf32>
      %convert_element_type3A_166 = arith.fptosi %mul3A_165 : vector<16xf32> to vector<16xi32>
      %mul3A_167 = arith.constant 256 : i32
      %mul3A_168 = vector.broadcast %mul3A_167 : i32 to vector<16xi32>
      %mul3A_169 = arith.muli %convert_element_type3A_162, %mul3A_168 : vector<16xi32>
      %add3A_170 = arith.addi %convert_element_type3A_158, %mul3A_169 : vector<16xi32>
      %mul3A_171 = arith.constant 65536 : i32
      %mul3A_172 = vector.broadcast %mul3A_171 : i32 to vector<16xi32>
      %mul3A_173 = arith.muli %convert_element_type3A_166, %mul3A_172 : vector<16xi32>
      %add3A_174 = arith.addi %add3A_170, %mul3A_173 : vector<16xi32>
      %max3A_175 = arith.constant 0 : i32
      %max3A_176 = vector.broadcast %max3A_175 : i32 to vector<16xi32>
      %max3A_177 = arith.maxsi %add3A_174, %max3A_176 : vector<16xi32>
      %min3A_178 = arith.constant 16777215 : i32
      %min3A_179 = vector.broadcast %min3A_178 : i32 to vector<16xi32>
      %min3A_180 = arith.minsi %max3A_177, %min3A_179 : vector<16xi32>
      %swap3A_181 = arith.constant 2 : i32
      %swap3A_182 = arith.index_cast %swap3A_181 : i32 to index
      %swap3A_183 = arith.index_cast %scan3A_58 : i32 to index
      %swap3A_184 = arith.constant 0 : index
      %swap3A_185 = tpu.vector_load %arg13[%swap3A_182, %swap3A_183, %swap3A_184] {strides = array<i32>} : memref<3x16x128xi32, #tpu.memory_space<vmem>>, vector<16xi32>,
      tpu.vector_store %arg13[%swap3A_182, %swap3A_183, %swap3A_184], %min3A_180 {strides = array<i32>} : memref<3x16x128xi32, #tpu.memory_space<vmem>>, vector<16xi32>,
      %mul3A_186 = arith.constant 128 : i32
      %mul3A_187 = arith.muli %scan3A_58, %mul3A_186 : i32
      %add3A_188 = arith.constant 16 : i32
      %add3A_189 = arith.addi %mul3A_187, %add3A_188 : i32
      %get3A_190 = arith.index_cast %add3A_189 : i32 to index
      %get3A_191 = tpu.vector_load %arg10[%get3A_190] {strides = array<i32>} : memref<2048xf32, #tpu.memory_space<vmem>>, vector<16xf32>,
      %get3A_192 = arith.index_cast %add3A_189 : i32 to index
      %get3A_193 = tpu.vector_load %arg11[%get3A_192] {strides = array<i32>} : memref<2048xf32, #tpu.memory_space<vmem>>, vector<16xf32>,
      %get3A_194 = arith.index_cast %add3A_189 : i32 to index
      %get3A_195 = tpu.vector_load %arg12[%get3A_194] {strides = array<i32>} : memref<2048xf32, #tpu.memory_space<vmem>>, vector<16xf32>,
      %mul3A_196 = arith.constant 3.100000e+01 : f32
      %mul3A_197 = vector.broadcast %mul3A_196 : f32 to vector<16xf32>
      %mul3A_198 = arith.mulf %get3A_191, %mul3A_197 : vector<16xf32>
      %convert_element_type3A_199 = arith.fptosi %mul3A_198 : vector<16xf32> to vector<16xi32>
      %mul3A_200 = arith.constant 3.100000e+01 : f32
      %mul3A_201 = vector.broadcast %mul3A_200 : f32 to vector<16xf32>
      %mul3A_202 = arith.mulf %get3A_193, %mul3A_201 : vector<16xf32>
      %convert_element_type3A_203 = arith.fptosi %mul3A_202 : vector<16xf32> to vector<16xi32>
      %mul3A_204 = arith.constant 3.100000e+01 : f32
      %mul3A_205 = vector.broadcast %mul3A_204 : f32 to vector<16xf32>
      %mul3A_206 = arith.mulf %get3A_195, %mul3A_205 : vector<16xf32>
      %convert_element_type3A_207 = arith.fptosi %mul3A_206 : vector<16xf32> to vector<16xi32>
      %mul3A_208 = arith.constant 32 : i32
      %mul3A_209 = vector.broadcast %mul3A_208 : i32 to vector<16xi32>
      %mul3A_210 = arith.muli %convert_element_type3A_203, %mul3A_209 : vector<16xi32>
      %add3A_211 = arith.addi %convert_element_type3A_199, %mul3A_210 : vector<16xi32>
      %mul3A_212 = arith.constant 1024 : i32
      %mul3A_213 = vector.broadcast %mul3A_212 : i32 to vector<16xi32>
      %mul3A_214 = arith.muli %convert_element_type3A_207, %mul3A_213 : vector<16xi32>
      %add3A_215 = arith.addi %add3A_211, %mul3A_214 : vector<16xi32>
      %max3A_216 = arith.constant 0 : i32
      %max3A_217 = vector.broadcast %max3A_216 : i32 to vector<16xi32>
      %max3A_218 = arith.maxsi %add3A_215, %max3A_217 : vector<16xi32>
      %min3A_219 = arith.constant 32767 : i32
      %min3A_220 = vector.broadcast %min3A_219 : i32 to vector<16xi32>
      %min3A_221 = arith.minsi %max3A_218, %min3A_220 : vector<16xi32>
      %gather3A_222 = tpu.vector_load_idx %arg16[%min3A_221] : memref<32768xf32, #tpu.memory_space<vmem>>[vector<16xi32>], vector<16xf32>,
      %swap3A_223 = arith.index_cast %add3A_189 : i32 to index
      %swap3A_224 = tpu.vector_load %arg15[%swap3A_223] {strides = array<i32>} : memref<2048xf32, #tpu.memory_space<vmem>>, vector<16xf32>,
      tpu.vector_store %arg15[%swap3A_223], %gather3A_222 {strides = array<i32>} : memref<2048xf32, #tpu.memory_space<vmem>>, vector<16xf32>,
      %mul3A_225 = arith.constant 6.300000e+01 : f32
      %mul3A_226 = vector.broadcast %mul3A_225 : f32 to vector<16xf32>
      %mul3A_227 = arith.mulf %get3A_191, %mul3A_226 : vector<16xf32>
      %convert_element_type3A_228 = arith.fptosi %mul3A_227 : vector<16xf32> to vector<16xi32>
      %mul3A_229 = arith.constant 6.300000e+01 : f32
      %mul3A_230 = vector.broadcast %mul3A_229 : f32 to vector<16xf32>
      %mul3A_231 = arith.mulf %get3A_193, %mul3A_230 : vector<16xf32>
      %convert_element_type3A_232 = arith.fptosi %mul3A_231 : vector<16xf32> to vector<16xi32>
      %mul3A_233 = arith.constant 6.300000e+01 : f32
      %mul3A_234 = vector.broadcast %mul3A_233 : f32 to vector<16xf32>
      %mul3A_235 = arith.mulf %get3A_195, %mul3A_234 : vector<16xf32>
      %convert_element_type3A_236 = arith.fptosi %mul3A_235 : vector<16xf32> to vector<16xi32>
      %mul3A_237 = arith.constant 64 : i32
      %mul3A_238 = vector.broadcast %mul3A_237 : i32 to vector<16xi32>
      %mul3A_239 = arith.muli %convert_element_type3A_232, %mul3A_238 : vector<16xi32>
      %add3A_240 = arith.addi %convert_element_type3A_228, %mul3A_239 : vector<16xi32>
      %mul3A_241 = arith.constant 4096 : i32
      %mul3A_242 = vector.broadcast %mul3A_241 : i32 to vector<16xi32>
      %mul3A_243 = arith.muli %convert_element_type3A_236, %mul3A_242 : vector<16xi32>
      %add3A_244 = arith.addi %add3A_240, %mul3A_243 : vector<16xi32>
      %max3A_245 = arith.constant 0 : i32
      %max3A_246 = vector.broadcast %max3A_245 : i32 to vector<16xi32>
      %max3A_247 = arith.maxsi %add3A_244, %max3A_246 : vector<16xi32>
      %min3A_248 = arith.constant 262143 : i32
      %min3A_249 = vector.broadcast %min3A_248 : i32 to vector<16xi32>
      %min3A_250 = arith.minsi %max3A_247, %min3A_249 : vector<16xi32>
      %swap3A_251 = arith.constant 0 : i32
      %swap3A_252 = arith.index_cast %swap3A_251 : i32 to index
      %swap3A_253 = arith.index_cast %scan3A_58 : i32 to index
      %swap3A_254 = arith.constant 16 : index
      %swap3A_255 = tpu.vector_load %arg13[%swap3A_252, %swap3A_253, %swap3A_254] {strides = array<i32>} : memref<3x16x128xi32, #tpu.memory_space<vmem>>, vector<16xi32>,
      tpu.vector_store %arg13[%swap3A_252, %swap3A_253, %swap3A_254], %min3A_250 {strides = array<i32>} : memref<3x16x128xi32, #tpu.memory_space<vmem>>, vector<16xi32>,
      %mul3A_256 = arith.constant 1.270000e+02 : f32
      %mul3A_257 = vector.broadcast %mul3A_256 : f32 to vector<16xf32>
      %mul3A_258 = arith.mulf %get3A_191, %mul3A_257 : vector<16xf32>
      %convert_element_type3A_259 = arith.fptosi %mul3A_258 : vector<16xf32> to vector<16xi32>
      %mul3A_260 = arith.constant 1.270000e+02 : f32
      %mul3A_261 = vector.broadcast %mul3A_260 : f32 to vector<16xf32>
      %mul3A_262 = arith.mulf %get3A_193, %mul3A_261 : vector<16xf32>
      %convert_element_type3A_263 = arith.fptosi %mul3A_262 : vector<16xf32> to vector<16xi32>
      %mul3A_264 = arith.constant 1.270000e+02 : f32
      %mul3A_265 = vector.broadcast %mul3A_264 : f32 to vector<16xf32>
      %mul3A_266 = arith.mulf %get3A_195, %mul3A_265 : vector<16xf32>
      %convert_element_type3A_267 = arith.fptosi %mul3A_266 : vector<16xf32> to vector<16xi32>
      %mul3A_268 = arith.constant 128 : i32
      %mul3A_269 = vector.broadcast %mul3A_268 : i32 to vector<16xi32>
      %mul3A_270 = arith.muli %convert_element_type3A_263, %mul3A_269 : vector<16xi32>
      %add3A_271 = arith.addi %convert_element_type3A_259, %mul3A_270 : vector<16xi32>
      %mul3A_272 = arith.constant 16384 : i32
      %mul3A_273 = vector.broadcast %mul3A_272 : i32 to vector<16xi32>
      %mul3A_274 = arith.muli %convert_element_type3A_267, %mul3A_273 : vector<16xi32>
      %add3A_275 = arith.addi %add3A_271, %mul3A_274 : vector<16xi32>
      %max3A_276 = arith.constant 0 : i32
      %max3A_277 = vector.broadcast %max3A_276 : i32 to vector<16xi32>
      %max3A_278 = arith.maxsi %add3A_275, %max3A_277 : vector<16xi32>
      %min3A_279 = arith.constant 2097151 : i32
      %min3A_280 = vector.broadcast %min3A_279 : i32 to vector<16xi32>
      %min3A_281 = arith.minsi %max3A_278, %min3A_280 : vector<16xi32>
      %swap3A_282 = arith.constant 1 : i32
      %swap3A_283 = arith.index_cast %swap3A_282 : i32 to index
      %swap3A_284 = arith.index_cast %scan3A_58 : i32 to index
      %swap3A_285 = arith.constant 16 : index
      %swap3A_286 = tpu.vector_load %arg13[%swap3A_283, %swap3A_284, %swap3A_285] {strides = array<i32>} : memref<3x16x128xi32, #tpu.memory_space<vmem>>, vector<16xi32>,
      tpu.vector_store %arg13[%swap3A_283, %swap3A_284, %swap3A_285], %min3A_281 {strides = array<i32>} : memref<3x16x128xi32, #tpu.memory_space<vmem>>, vector<16xi32>,
      %mul3A_287 = arith.constant 2.550000e+02 : f32
      %mul3A_288 = vector.broadcast %mul3A_287 : f32 to vector<16xf32>
      %mul3A_289 = arith.mulf %get3A_191, %mul3A_288 : vector<16xf32>
      %convert_element_type3A_290 = arith.fptosi %mul3A_289 : vector<16xf32> to vector<16xi32>
      %mul3A_291 = arith.constant 2.550000e+02 : f32
      %mul3A_292 = vector.broadcast %mul3A_291 : f32 to vector<16xf32>
      %mul3A_293 = arith.mulf %get3A_193, %mul3A_292 : vector<16xf32>
      %convert_element_type3A_294 = arith.fptosi %mul3A_293 : vector<16xf32> to vector<16xi32>
      %mul3A_295 = arith.constant 2.550000e+02 : f32
      %mul3A_296 = vector.broadcast %mul3A_295 : f32 to vector<16xf32>
      %mul3A_297 = arith.mulf %get3A_195, %mul3A_296 : vector<16xf32>
      %convert_element_type3A_298 = arith.fptosi %mul3A_297 : vector<16xf32> to vector<16xi32>
      %mul3A_299 = arith.constant 256 : i32
      %mul3A_300 = vector.broadcast %mul3A_299 : i32 to vector<16xi32>
      %mul3A_301 = arith.muli %convert_element_type3A_294, %mul3A_300 : vector<16xi32>
      %add3A_302 = arith.addi %convert_element_type3A_290, %mul3A_301 : vector<16xi32>
      %mul3A_303 = arith.constant 65536 : i32
      %mul3A_304 = vector.broadcast %mul3A_303 : i32 to vector<16xi32>
      %mul3A_305 = arith.muli %convert_element_type3A_298, %mul3A_304 : vector<16xi32>
      %add3A_306 = arith.addi %add3A_302, %mul3A_305 : vector<16xi32>
      %max3A_307 = arith.constant 0 : i32
      %max3A_308 = vector.broadcast %max3A_307 : i32 to vector<16xi32>
      %max3A_309 = arith.maxsi %add3A_306, %max3A_308 : vector<16xi32>
      %min3A_310 = arith.constant 16777215 : i32
      %min3A_311 = vector.broadcast %min3A_310 : i32 to vector<16xi32>
      %min3A_312 = arith.minsi %max3A_309, %min3A_311 : vector<16xi32>
      %swap3A_313 = arith.constant 2 : i32
      %swap3A_314 = arith.index_cast %swap3A_313 : i32 to index
      %swap3A_315 = arith.index_cast %scan3A_58 : i32 to index
      %swap3A_316 = arith.constant 16 : index
      %swap3A_317 = tpu.vector_load %arg13[%swap3A_314, %swap3A_315, %swap3A_316] {strides = array<i32>} : memref<3x16x128xi32, #tpu.memory_space<vmem>>, vector<16xi32>,
      tpu.vector_store %arg13[%swap3A_314, %swap3A_315, %swap3A_316], %min3A_312 {strides = array<i32>} : memref<3x16x128xi32, #tpu.memory_space<vmem>>, vector<16xi32>,
      %mul3A_318 = arith.constant 128 : i32
      %mul3A_319 = arith.muli %scan3A_58, %mul3A_318 : i32
      %add3A_320 = arith.constant 32 : i32
      %add3A_321 = arith.addi %mul3A_319, %add3A_320 : i32
      %get3A_322 = arith.index_cast %add3A_321 : i32 to index
      %get3A_323 = tpu.vector_load %arg10[%get3A_322] {strides = array<i32>} : memref<2048xf32, #tpu.memory_space<vmem>>, vector<16xf32>,
      %get3A_324 = arith.index_cast %add3A_321 : i32 to index
      %get3A_325 = tpu.vector_load %arg11[%get3A_324] {strides = array<i32>} : memref<2048xf32, #tpu.memory_space<vmem>>, vector<16xf32>,
      %get3A_326 = arith.index_cast %add3A_321 : i32 to index
      %get3A_327 = tpu.vector_load %arg12[%get3A_326] {strides = array<i32>} : memref<2048xf32, #tpu.memory_space<vmem>>, vector<16xf32>,
      %mul3A_328 = arith.constant 3.100000e+01 : f32
      %mul3A_329 = vector.broadcast %mul3A_328 : f32 to vector<16xf32>
      %mul3A_330 = arith.mulf %get3A_323, %mul3A_329 : vector<16xf32>
      %convert_element_type3A_331 = arith.fptosi %mul3A_330 : vector<16xf32> to vector<16xi32>
      %mul3A_332 = arith.constant 3.100000e+01 : f32
      %mul3A_333 = vector.broadcast %mul3A_332 : f32 to vector<16xf32>
      %mul3A_334 = arith.mulf %get3A_325, %mul3A_333 : vector<16xf32>
      %convert_element_type3A_335 = arith.fptosi %mul3A_334 : vector<16xf32> to vector<16xi32>
      %mul3A_336 = arith.constant 3.100000e+01 : f32
      %mul3A_337 = vector.broadcast %mul3A_336 : f32 to vector<16xf32>
      %mul3A_338 = arith.mulf %get3A_327, %mul3A_337 : vector<16xf32>
      %convert_element_type3A_339 = arith.fptosi %mul3A_338 : vector<16xf32> to vector<16xi32>
      %mul3A_340 = arith.constant 32 : i32
      %mul3A_341 = vector.broadcast %mul3A_340 : i32 to vector<16xi32>
      %mul3A_342 = arith.muli %convert_element_type3A_335, %mul3A_341 : vector<16xi32>
      %add3A_343 = arith.addi %convert_element_type3A_331, %mul3A_342 : vector<16xi32>
      %mul3A_344 = arith.constant 1024 : i32
      %mul3A_345 = vector.broadcast %mul3A_344 : i32 to vector<16xi32>
      %mul3A_346 = arith.muli %convert_element_type3A_339, %mul3A_345 : vector<16xi32>
      %add3A_347 = arith.addi %add3A_343, %mul3A_346 : vector<16xi32>
      %max3A_348 = arith.constant 0 : i32
      %max3A_349 = vector.broadcast %max3A_348 : i32 to vector<16xi32>
      %max3A_350 = arith.maxsi %add3A_347, %max3A_349 : vector<16xi32>
      %min3A_351 = arith.constant 32767 : i32
      %min3A_352 = vector.broadcast %min3A_351 : i32 to vector<16xi32>
      %min3A_353 = arith.minsi %max3A_350, %min3A_352 : vector<16xi32>
      %gather3A_354 = tpu.vector_load_idx %arg16[%min3A_353] : memref<32768xf32, #tpu.memory_space<vmem>>[vector<16xi32>], vector<16xf32>,
      %swap3A_355 = arith.index_cast %add3A_321 : i32 to index
      %swap3A_356 = tpu.vector_load %arg15[%swap3A_355] {strides = array<i32>} : memref<2048xf32, #tpu.memory_space<vmem>>, vector<16xf32>,
      tpu.vector_store %arg15[%swap3A_355], %gather3A_354 {strides = array<i32>} : memref<2048xf32, #tpu.memory_space<vmem>>, vector<16xf32>,
      %mul3A_357 = arith.constant 6.300000e+01 : f32
      %mul3A_358 = vector.broadcast %mul3A_357 : f32 to vector<16xf32>
      %mul3A_359 = arith.mulf %get3A_323, %mul3A_358 : vector<16xf32>
      %convert_element_type3A_360 = arith.fptosi %mul3A_359 : vector<16xf32> to vector<16xi32>
      %mul3A_361 = arith.constant 6.300000e+01 : f32
      %mul3A_362 = vector.broadcast %mul3A_361 : f32 to vector<16xf32>
      %mul3A_363 = arith.mulf %get3A_325, %mul3A_362 : vector<16xf32>
      %convert_element_type3A_364 = arith.fptosi %mul3A_363 : vector<16xf32> to vector<16xi32>
      %mul3A_365 = arith.constant 6.300000e+01 : f32
      %mul3A_366 = vector.broadcast %mul3A_365 : f32 to vector<16xf32>
      %mul3A_367 = arith.mulf %get3A_327, %mul3A_366 : vector<16xf32>
      %convert_element_type3A_368 = arith.fptosi %mul3A_367 : vector<16xf32> to vector<16xi32>
      %mul3A_369 = arith.constant 64 : i32
      %mul3A_370 = vector.broadcast %mul3A_369 : i32 to vector<16xi32>
      %mul3A_371 = arith.muli %convert_element_type3A_364, %mul3A_370 : vector<16xi32>
      %add3A_372 = arith.addi %convert_element_type3A_360, %mul3A_371 : vector<16xi32>
      %mul3A_373 = arith.constant 4096 : i32
      %mul3A_374 = vector.broadcast %mul3A_373 : i32 to vector<16xi32>
      %mul3A_375 = arith.muli %convert_element_type3A_368, %mul3A_374 : vector<16xi32>
      %add3A_376 = arith.addi %add3A_372, %mul3A_375 : vector<16xi32>
      %max3A_377 = arith.constant 0 : i32
      %max3A_378 = vector.broadcast %max3A_377 : i32 to vector<16xi32>
      %max3A_379 = arith.maxsi %add3A_376, %max3A_378 : vector<16xi32>
      %min3A_380 = arith.constant 262143 : i32
      %min3A_381 = vector.broadcast %min3A_380 : i32 to vector<16xi32>
      %min3A_382 = arith.minsi %max3A_379, %min3A_381 : vector<16xi32>
      %swap3A_383 = arith.constant 0 : i32
      %swap3A_384 = arith.index_cast %swap3A_383 : i32 to index
      %swap3A_385 = arith.index_cast %scan3A_58 : i32 to index
      %swap3A_386 = arith.constant 32 : index
      %swap3A_387 = tpu.vector_load %arg13[%swap3A_384, %swap3A_385, %swap3A_386] {strides = array<i32>} : memref<3x16x128xi32, #tpu.memory_space<vmem>>, vector<16xi32>,
      tpu.vector_store %arg13[%swap3A_384, %swap3A_385, %swap3A_386], %min3A_382 {strides = array<i32>} : memref<3x16x128xi32, #tpu.memory_space<vmem>>, vector<16xi32>,
      %mul3A_388 = arith.constant 1.270000e+02 : f32
      %mul3A_389 = vector.broadcast %mul3A_388 : f32 to vector<16xf32>
      %mul3A_390 = arith.mulf %get3A_323, %mul3A_389 : vector<16xf32>
      %convert_element_type3A_391 = arith.fptosi %mul3A_390 : vector<16xf32> to vector<16xi32>
      %mul3A_392 = arith.constant 1.270000e+02 : f32
      %mul3A_393 = vector.broadcast %mul3A_392 : f32 to vector<16xf32>
      %mul3A_394 = arith.mulf %get3A_325, %mul3A_393 : vector<16xf32>
      %convert_element_type3A_395 = arith.fptosi %mul3A_394 : vector<16xf32> to vector<16xi32>
      %mul3A_396 = arith.constant 1.270000e+02 : f32
      %mul3A_397 = vector.broadcast %mul3A_396 : f32 to vector<16xf32>
      %mul3A_398 = arith.mulf %get3A_327, %mul3A_397 : vector<16xf32>
      %convert_element_type3A_399 = arith.fptosi %mul3A_398 : vector<16xf32> to vector<16xi32>
      %mul3A_400 = arith.constant 128 : i32
      %mul3A_401 = vector.broadcast %mul3A_400 : i32 to vector<16xi32>
      %mul3A_402 = arith.muli %convert_element_type3A_395, %mul3A_401 : vector<16xi32>
      %add3A_403 = arith.addi %convert_element_type3A_391, %mul3A_402 : vector<16xi32>
      %mul3A_404 = arith.constant 16384 : i32
      %mul3A_405 = vector.broadcast %mul3A_404 : i32 to vector<16xi32>
      %mul3A_406 = arith.muli %convert_element_type3A_399, %mul3A_405 : vector<16xi32>
      %add3A_407 = arith.addi %add3A_403, %mul3A_406 : vector<16xi32>
      %max3A_408 = arith.constant 0 : i32
      %max3A_409 = vector.broadcast %max3A_408 : i32 to vector<16xi32>
      %max3A_410 = arith.maxsi %add3A_407, %max3A_409 : vector<16xi32>
      %min3A_411 = arith.constant 2097151 : i32
      %min3A_412 = vector.broadcast %min3A_411 : i32 to vector<16xi32>
      %min3A_413 = arith.minsi %max3A_410, %min3A_412 : vector<16xi32>
      %swap3A_414 = arith.constant 1 : i32
      %swap3A_415 = arith.index_cast %swap3A_414 : i32 to index
      %swap3A_416 = arith.index_cast %scan3A_58 : i32 to index
      %swap3A_417 = arith.constant 32 : index
      %swap3A_418 = tpu.vector_load %arg13[%swap3A_415, %swap3A_416, %swap3A_417] {strides = array<i32>} : memref<3x16x128xi32, #tpu.memory_space<vmem>>, vector<16xi32>,
      tpu.vector_store %arg13[%swap3A_415, %swap3A_416, %swap3A_417], %min3A_413 {strides = array<i32>} : memref<3x16x128xi32, #tpu.memory_space<vmem>>, vector<16xi32>,
      %mul3A_419 = arith.constant 2.550000e+02 : f32
      %mul3A_420 = vector.broadcast %mul3A_419 : f32 to vector<16xf32>
      %mul3A_421 = arith.mulf %get3A_323, %mul3A_420 : vector<16xf32>
      %convert_element_type3A_422 = arith.fptosi %mul3A_421 : vector<16xf32> to vector<16xi32>
      %mul3A_423 = arith.constant 2.550000e+02 : f32
      %mul3A_424 = vector.broadcast %mul3A_423 : f32 to vector<16xf32>
      %mul3A_425 = arith.mulf %get3A_325, %mul3A_424 : vector<16xf32>
      %convert_element_type3A_426 = arith.fptosi %mul3A_425 : vector<16xf32> to vector<16xi32>
      %mul3A_427 = arith.constant 2.550000e+02 : f32
      %mul3A_428 = vector.broadcast %mul3A_427 : f32 to vector<16xf32>
      %mul3A_429 = arith.mulf %get3A_327, %mul3A_428 : vector<16xf32>
      %convert_element_type3A_430 = arith.fptosi %mul3A_429 : vector<16xf32> to vector<16xi32>
      %mul3A_431 = arith.constant 256 : i32
      %mul3A_432 = vector.broadcast %mul3A_431 : i32 to vector<16xi32>
      %mul3A_433 = arith.muli %convert_element_type3A_426, %mul3A_432 : vector<16xi32>
      %add3A_434 = arith.addi %convert_element_type3A_422, %mul3A_433 : vector<16xi32>
      %mul3A_435 = arith.constant 65536 : i32
      %mul3A_436 = vector.broadcast %mul3A_435 : i32 to vector<16xi32>
      %mul3A_437 = arith.muli %convert_element_type3A_430, %mul3A_436 : vector<16xi32>
      %add3A_438 = arith.addi %add3A_434, %mul3A_437 : vector<16xi32>
      %max3A_439 = arith.constant 0 : i32
      %max3A_440 = vector.broadcast %max3A_439 : i32 to vector<16xi32>
      %max3A_441 = arith.maxsi %add3A_438, %max3A_440 : vector<16xi32>
      %min3A_442 = arith.constant 16777215 : i32
      %min3A_443 = vector.broadcast %min3A_442 : i32 to vector<16xi32>
      %min3A_444 = arith.minsi %max3A_441, %min3A_443 : vector<16xi32>
      %swap3A_445 = arith.constant 2 : i32
      %swap3A_446 = arith.index_cast %swap3A_445 : i32 to index
      %swap3A_447 = arith.index_cast %scan3A_58 : i32 to index
      %swap3A_448 = arith.constant 32 : index
      %swap3A_449 = tpu.vector_load %arg13[%swap3A_446, %swap3A_447, %swap3A_448] {strides = array<i32>} : memref<3x16x128xi32, #tpu.memory_space<vmem>>, vector<16xi32>,
      tpu.vector_store %arg13[%swap3A_446, %swap3A_447, %swap3A_448], %min3A_444 {strides = array<i32>} : memref<3x16x128xi32, #tpu.memory_space<vmem>>, vector<16xi32>,
      %mul3A_450 = arith.constant 128 : i32
      %mul3A_451 = arith.muli %scan3A_58, %mul3A_450 : i32
      %add3A_452 = arith.constant 48 : i32
      %add3A_453 = arith.addi %mul3A_451, %add3A_452 : i32
      %get3A_454 = arith.index_cast %add3A_453 : i32 to index
      %get3A_455 = tpu.vector_load %arg10[%get3A_454] {strides = array<i32>} : memref<2048xf32, #tpu.memory_space<vmem>>, vector<16xf32>,
      %get3A_456 = arith.index_cast %add3A_453 : i32 to index
      %get3A_457 = tpu.vector_load %arg11[%get3A_456] {strides = array<i32>} : memref<2048xf32, #tpu.memory_space<vmem>>, vector<16xf32>,
      %get3A_458 = arith.index_cast %add3A_453 : i32 to index
      %get3A_459 = tpu.vector_load %arg12[%get3A_458] {strides = array<i32>} : memref<2048xf32, #tpu.memory_space<vmem>>, vector<16xf32>,
      %mul3A_460 = arith.constant 3.100000e+01 : f32
      %mul3A_461 = vector.broadcast %mul3A_460 : f32 to vector<16xf32>
      %mul3A_462 = arith.mulf %get3A_455, %mul3A_461 : vector<16xf32>
      %convert_element_type3A_463 = arith.fptosi %mul3A_462 : vector<16xf32> to vector<16xi32>
      %mul3A_464 = arith.constant 3.100000e+01 : f32
      %mul3A_465 = vector.broadcast %mul3A_464 : f32 to vector<16xf32>
      %mul3A_466 = arith.mulf %get3A_457, %mul3A_465 : vector<16xf32>
      %convert_element_type3A_467 = arith.fptosi %mul3A_466 : vector<16xf32> to vector<16xi32>
      %mul3A_468 = arith.constant 3.100000e+01 : f32
      %mul3A_469 = vector.broadcast %mul3A_468 : f32 to vector<16xf32>
      %mul3A_470 = arith.mulf %get3A_459, %mul3A_469 : vector<16xf32>
      %convert_element_type3A_471 = arith.fptosi %mul3A_470 : vector<16xf32> to vector<16xi32>
      %mul3A_472 = arith.constant 32 : i32
      %mul3A_473 = vector.broadcast %mul3A_472 : i32 to vector<16xi32>
      %mul3A_474 = arith.muli %convert_element_type3A_467, %mul3A_473 : vector<16xi32>
      %add3A_475 = arith.addi %convert_element_type3A_463, %mul3A_474 : vector<16xi32>
      %mul3A_476 = arith.constant 1024 : i32
      %mul3A_477 = vector.broadcast %mul3A_476 : i32 to vector<16xi32>
      %mul3A_478 = arith.muli %convert_element_type3A_471, %mul3A_477 : vector<16xi32>
      %add3A_479 = arith.addi %add3A_475, %mul3A_478 : vector<16xi32>
      %max3A_480 = arith.constant 0 : i32
      %max3A_481 = vector.broadcast %max3A_480 : i32 to vector<16xi32>
      %max3A_482 = arith.maxsi %add3A_479, %max3A_481 : vector<16xi32>
      %min3A_483 = arith.constant 32767 : i32
      %min3A_484 = vector.broadcast %min3A_483 : i32 to vector<16xi32>
      %min3A_485 = arith.minsi %max3A_482, %min3A_484 : vector<16xi32>
      %gather3A_486 = tpu.vector_load_idx %arg16[%min3A_485] : memref<32768xf32, #tpu.memory_space<vmem>>[vector<16xi32>], vector<16xf32>,
      %swap3A_487 = arith.index_cast %add3A_453 : i32 to index
      %swap3A_488 = tpu.vector_load %arg15[%swap3A_487] {strides = array<i32>} : memref<2048xf32, #tpu.memory_space<vmem>>, vector<16xf32>,
      tpu.vector_store %arg15[%swap3A_487], %gather3A_486 {strides = array<i32>} : memref<2048xf32, #tpu.memory_space<vmem>>, vector<16xf32>,
      %mul3A_489 = arith.constant 6.300000e+01 : f32
      %mul3A_490 = vector.broadcast %mul3A_489 : f32 to vector<16xf32>
      %mul3A_491 = arith.mulf %get3A_455, %mul3A_490 : vector<16xf32>
      %convert_element_type3A_492 = arith.fptosi %mul3A_491 : vector<16xf32> to vector<16xi32>
      %mul3A_493 = arith.constant 6.300000e+01 : f32
      %mul3A_494 = vector.broadcast %mul3A_493 : f32 to vector<16xf32>
      %mul3A_495 = arith.mulf %get3A_457, %mul3A_494 : vector<16xf32>
      %convert_element_type3A_496 = arith.fptosi %mul3A_495 : vector<16xf32> to vector<16xi32>
      %mul3A_497 = arith.constant 6.300000e+01 : f32
      %mul3A_498 = vector.broadcast %mul3A_497 : f32 to vector<16xf32>
      %mul3A_499 = arith.mulf %get3A_459, %mul3A_498 : vector<16xf32>
      %convert_element_type3A_500 = arith.fptosi %mul3A_499 : vector<16xf32> to vector<16xi32>
      %mul3A_501 = arith.constant 64 : i32
      %mul3A_502 = vector.broadcast %mul3A_501 : i32 to vector<16xi32>
      %mul3A_503 = arith.muli %convert_element_type3A_496, %mul3A_502 : vector<16xi32>
      %add3A_504 = arith.addi %convert_element_type3A_492, %mul3A_503 : vector<16xi32>
      %mul3A_505 = arith.constant 4096 : i32
      %mul3A_506 = vector.broadcast %mul3A_505 : i32 to vector<16xi32>
      %mul3A_507 = arith.muli %convert_element_type3A_500, %mul3A_506 : vector<16xi32>
      %add3A_508 = arith.addi %add3A_504, %mul3A_507 : vector<16xi32>
      %max3A_509 = arith.constant 0 : i32
      %max3A_510 = vector.broadcast %max3A_509 : i32 to vector<16xi32>
      %max3A_511 = arith.maxsi %add3A_508, %max3A_510 : vector<16xi32>
      %min3A_512 = arith.constant 262143 : i32
      %min3A_513 = vector.broadcast %min3A_512 : i32 to vector<16xi32>
      %min3A_514 = arith.minsi %max3A_511, %min3A_513 : vector<16xi32>
      %swap3A_515 = arith.constant 0 : i32
      %swap3A_516 = arith.index_cast %swap3A_515 : i32 to index
      %swap3A_517 = arith.index_cast %scan3A_58 : i32 to index
      %swap3A_518 = arith.constant 48 : index
      %swap3A_519 = tpu.vector_load %arg13[%swap3A_516, %swap3A_517, %swap3A_518] {strides = array<i32>} : memref<3x16x128xi32, #tpu.memory_space<vmem>>, vector<16xi32>,
      tpu.vector_store %arg13[%swap3A_516, %swap3A_517, %swap3A_518], %min3A_514 {strides = array<i32>} : memref<3x16x128xi32, #tpu.memory_space<vmem>>, vector<16xi32>,
      %mul3A_520 = arith.constant 1.270000e+02 : f32
      %mul3A_521 = vector.broadcast %mul3A_520 : f32 to vector<16xf32>
      %mul3A_522 = arith.mulf %get3A_455, %mul3A_521 : vector<16xf32>
      %convert_element_type3A_523 = arith.fptosi %mul3A_522 : vector<16xf32> to vector<16xi32>
      %mul3A_524 = arith.constant 1.270000e+02 : f32
      %mul3A_525 = vector.broadcast %mul3A_524 : f32 to vector<16xf32>
      %mul3A_526 = arith.mulf %get3A_457, %mul3A_525 : vector<16xf32>
      %convert_element_type3A_527 = arith.fptosi %mul3A_526 : vector<16xf32> to vector<16xi32>
      %mul3A_528 = arith.constant 1.270000e+02 : f32
      %mul3A_529 = vector.broadcast %mul3A_528 : f32 to vector<16xf32>
      %mul3A_530 = arith.mulf %get3A_459, %mul3A_529 : vector<16xf32>
      %convert_element_type3A_531 = arith.fptosi %mul3A_530 : vector<16xf32> to vector<16xi32>
      %mul3A_532 = arith.constant 128 : i32
      %mul3A_533 = vector.broadcast %mul3A_532 : i32 to vector<16xi32>
      %mul3A_534 = arith.muli %convert_element_type3A_527, %mul3A_533 : vector<16xi32>
      %add3A_535 = arith.addi %convert_element_type3A_523, %mul3A_534 : vector<16xi32>
      %mul3A_536 = arith.constant 16384 : i32
      %mul3A_537 = vector.broadcast %mul3A_536 : i32 to vector<16xi32>
      %mul3A_538 = arith.muli %convert_element_type3A_531, %mul3A_537 : vector<16xi32>
      %add3A_539 = arith.addi %add3A_535, %mul3A_538 : vector<16xi32>
      %max3A_540 = arith.constant 0 : i32
      %max3A_541 = vector.broadcast %max3A_540 : i32 to vector<16xi32>
      %max3A_542 = arith.maxsi %add3A_539, %max3A_541 : vector<16xi32>
      %min3A_543 = arith.constant 2097151 : i32
      %min3A_544 = vector.broadcast %min3A_543 : i32 to vector<16xi32>
      %min3A_545 = arith.minsi %max3A_542, %min3A_544 : vector<16xi32>
      %swap3A_546 = arith.constant 1 : i32
      %swap3A_547 = arith.index_cast %swap3A_546 : i32 to index
      %swap3A_548 = arith.index_cast %scan3A_58 : i32 to index
      %swap3A_549 = arith.constant 48 : index
      %swap3A_550 = tpu.vector_load %arg13[%swap3A_547, %swap3A_548, %swap3A_549] {strides = array<i32>} : memref<3x16x128xi32, #tpu.memory_space<vmem>>, vector<16xi32>,
      tpu.vector_store %arg13[%swap3A_547, %swap3A_548, %swap3A_549], %min3A_545 {strides = array<i32>} : memref<3x16x128xi32, #tpu.memory_space<vmem>>, vector<16xi32>,
      %mul3A_551 = arith.constant 2.550000e+02 : f32
      %mul3A_552 = vector.broadcast %mul3A_551 : f32 to vector<16xf32>
      %mul3A_553 = arith.mulf %get3A_455, %mul3A_552 : vector<16xf32>
      %convert_element_type3A_554 = arith.fptosi %mul3A_553 : vector<16xf32> to vector<16xi32>
      %mul3A_555 = arith.constant 2.550000e+02 : f32
      %mul3A_556 = vector.broadcast %mul3A_555 : f32 to vector<16xf32>
      %mul3A_557 = arith.mulf %get3A_457, %mul3A_556 : vector<16xf32>
      %convert_element_type3A_558 = arith.fptosi %mul3A_557 : vector<16xf32> to vector<16xi32>
      %mul3A_559 = arith.constant 2.550000e+02 : f32
      %mul3A_560 = vector.broadcast %mul3A_559 : f32 to vector<16xf32>
      %mul3A_561 = arith.mulf %get3A_459, %mul3A_560 : vector<16xf32>
      %convert_element_type3A_562 = arith.fptosi %mul3A_561 : vector<16xf32> to vector<16xi32>
      %mul3A_563 = arith.constant 256 : i32
      %mul3A_564 = vector.broadcast %mul3A_563 : i32 to vector<16xi32>
      %mul3A_565 = arith.muli %convert_element_type3A_558, %mul3A_564 : vector<16xi32>
      %add3A_566 = arith.addi %convert_element_type3A_554, %mul3A_565 : vector<16xi32>
      %mul3A_567 = arith.constant 65536 : i32
      %mul3A_568 = vector.broadcast %mul3A_567 : i32 to vector<16xi32>
      %mul3A_569 = arith.muli %convert_element_type3A_562, %mul3A_568 : vector<16xi32>
      %add3A_570 = arith.addi %add3A_566, %mul3A_569 : vector<16xi32>
      %max3A_571 = arith.constant 0 : i32
      %max3A_572 = vector.broadcast %max3A_571 : i32 to vector<16xi32>
      %max3A_573 = arith.maxsi %add3A_570, %max3A_572 : vector<16xi32>
      %min3A_574 = arith.constant 16777215 : i32
      %min3A_575 = vector.broadcast %min3A_574 : i32 to vector<16xi32>
      %min3A_576 = arith.minsi %max3A_573, %min3A_575 : vector<16xi32>
      %swap3A_577 = arith.constant 2 : i32
      %swap3A_578 = arith.index_cast %swap3A_577 : i32 to index
      %swap3A_579 = arith.index_cast %scan3A_58 : i32 to index
      %swap3A_580 = arith.constant 48 : index
      %swap3A_581 = tpu.vector_load %arg13[%swap3A_578, %swap3A_579, %swap3A_580] {strides = array<i32>} : memref<3x16x128xi32, #tpu.memory_space<vmem>>, vector<16xi32>,
      tpu.vector_store %arg13[%swap3A_578, %swap3A_579, %swap3A_580], %min3A_576 {strides = array<i32>} : memref<3x16x128xi32, #tpu.memory_space<vmem>>, vector<16xi32>,
      %mul3A_582 = arith.constant 128 : i32
      %mul3A_583 = arith.muli %scan3A_58, %mul3A_582 : i32
      %add3A_584 = arith.constant 64 : i32
      %add3A_585 = arith.addi %mul3A_583, %add3A_584 : i32
      %get3A_586 = arith.index_cast %add3A_585 : i32 to index
      %get3A_587 = tpu.vector_load %arg10[%get3A_586] {strides = array<i32>} : memref<2048xf32, #tpu.memory_space<vmem>>, vector<16xf32>,
      %get3A_588 = arith.index_cast %add3A_585 : i32 to index
      %get3A_589 = tpu.vector_load %arg11[%get3A_588] {strides = array<i32>} : memref<2048xf32, #tpu.memory_space<vmem>>, vector<16xf32>,
      %get3A_590 = arith.index_cast %add3A_585 : i32 to index
      %get3A_591 = tpu.vector_load %arg12[%get3A_590] {strides = array<i32>} : memref<2048xf32, #tpu.memory_space<vmem>>, vector<16xf32>,
      %mul3A_592 = arith.constant 3.100000e+01 : f32
      %mul3A_593 = vector.broadcast %mul3A_592 : f32 to vector<16xf32>
      %mul3A_594 = arith.mulf %get3A_587, %mul3A_593 : vector<16xf32>
      %convert_element_type3A_595 = arith.fptosi %mul3A_594 : vector<16xf32> to vector<16xi32>
      %mul3A_596 = arith.constant 3.100000e+01 : f32
      %mul3A_597 = vector.broadcast %mul3A_596 : f32 to vector<16xf32>
      %mul3A_598 = arith.mulf %get3A_589, %mul3A_597 : vector<16xf32>
      %convert_element_type3A_599 = arith.fptosi %mul3A_598 : vector<16xf32> to vector<16xi32>
      %mul3A_600 = arith.constant 3.100000e+01 : f32
      %mul3A_601 = vector.broadcast %mul3A_600 : f32 to vector<16xf32>
      %mul3A_602 = arith.mulf %get3A_591, %mul3A_601 : vector<16xf32>
      %convert_element_type3A_603 = arith.fptosi %mul3A_602 : vector<16xf32> to vector<16xi32>
      %mul3A_604 = arith.constant 32 : i32
      %mul3A_605 = vector.broadcast %mul3A_604 : i32 to vector<16xi32>
      %mul3A_606 = arith.muli %convert_element_type3A_599, %mul3A_605 : vector<16xi32>
      %add3A_607 = arith.addi %convert_element_type3A_595, %mul3A_606 : vector<16xi32>
      %mul3A_608 = arith.constant 1024 : i32
      %mul3A_609 = vector.broadcast %mul3A_608 : i32 to vector<16xi32>
      %mul3A_610 = arith.muli %convert_element_type3A_603, %mul3A_609 : vector<16xi32>
      %add3A_611 = arith.addi %add3A_607, %mul3A_610 : vector<16xi32>
      %max3A_612 = arith.constant 0 : i32
      %max3A_613 = vector.broadcast %max3A_612 : i32 to vector<16xi32>
      %max3A_614 = arith.maxsi %add3A_611, %max3A_613 : vector<16xi32>
      %min3A_615 = arith.constant 32767 : i32
      %min3A_616 = vector.broadcast %min3A_615 : i32 to vector<16xi32>
      %min3A_617 = arith.minsi %max3A_614, %min3A_616 : vector<16xi32>
      %gather3A_618 = tpu.vector_load_idx %arg16[%min3A_617] : memref<32768xf32, #tpu.memory_space<vmem>>[vector<16xi32>], vector<16xf32>,
      %swap3A_619 = arith.index_cast %add3A_585 : i32 to index
      %swap3A_620 = tpu.vector_load %arg15[%swap3A_619] {strides = array<i32>} : memref<2048xf32, #tpu.memory_space<vmem>>, vector<16xf32>,
      tpu.vector_store %arg15[%swap3A_619], %gather3A_618 {strides = array<i32>} : memref<2048xf32, #tpu.memory_space<vmem>>, vector<16xf32>,
      %mul3A_621 = arith.constant 6.300000e+01 : f32
      %mul3A_622 = vector.broadcast %mul3A_621 : f32 to vector<16xf32>
      %mul3A_623 = arith.mulf %get3A_587, %mul3A_622 : vector<16xf32>
      %convert_element_type3A_624 = arith.fptosi %mul3A_623 : vector<16xf32> to vector<16xi32>
      %mul3A_625 = arith.constant 6.300000e+01 : f32
      %mul3A_626 = vector.broadcast %mul3A_625 : f32 to vector<16xf32>
      %mul3A_627 = arith.mulf %get3A_589, %mul3A_626 : vector<16xf32>
      %convert_element_type3A_628 = arith.fptosi %mul3A_627 : vector<16xf32> to vector<16xi32>
      %mul3A_629 = arith.constant 6.300000e+01 : f32
      %mul3A_630 = vector.broadcast %mul3A_629 : f32 to vector<16xf32>
      %mul3A_631 = arith.mulf %get3A_591, %mul3A_630 : vector<16xf32>
      %convert_element_type3A_632 = arith.fptosi %mul3A_631 : vector<16xf32> to vector<16xi32>
      %mul3A_633 = arith.constant 64 : i32
      %mul3A_634 = vector.broadcast %mul3A_633 : i32 to vector<16xi32>
      %mul3A_635 = arith.muli %convert_element_type3A_628, %mul3A_634 : vector<16xi32>
      %add3A_636 = arith.addi %convert_element_type3A_624, %mul3A_635 : vector<16xi32>
      %mul3A_637 = arith.constant 4096 : i32
      %mul3A_638 = vector.broadcast %mul3A_637 : i32 to vector<16xi32>
      %mul3A_639 = arith.muli %convert_element_type3A_632, %mul3A_638 : vector<16xi32>
      %add3A_640 = arith.addi %add3A_636, %mul3A_639 : vector<16xi32>
      %max3A_641 = arith.constant 0 : i32
      %max3A_642 = vector.broadcast %max3A_641 : i32 to vector<16xi32>
      %max3A_643 = arith.maxsi %add3A_640, %max3A_642 : vector<16xi32>
      %min3A_644 = arith.constant 262143 : i32
      %min3A_645 = vector.broadcast %min3A_644 : i32 to vector<16xi32>
      %min3A_646 = arith.minsi %max3A_643, %min3A_645 : vector<16xi32>
      %swap3A_647 = arith.constant 0 : i32
      %swap3A_648 = arith.index_cast %swap3A_647 : i32 to index
      %swap3A_649 = arith.index_cast %scan3A_58 : i32 to index
      %swap3A_650 = arith.constant 64 : index
      %swap3A_651 = tpu.vector_load %arg13[%swap3A_648, %swap3A_649, %swap3A_650] {strides = array<i32>} : memref<3x16x128xi32, #tpu.memory_space<vmem>>, vector<16xi32>,
      tpu.vector_store %arg13[%swap3A_648, %swap3A_649, %swap3A_650], %min3A_646 {strides = array<i32>} : memref<3x16x128xi32, #tpu.memory_space<vmem>>, vector<16xi32>,
      %mul3A_652 = arith.constant 1.270000e+02 : f32
      %mul3A_653 = vector.broadcast %mul3A_652 : f32 to vector<16xf32>
      %mul3A_654 = arith.mulf %get3A_587, %mul3A_653 : vector<16xf32>
      %convert_element_type3A_655 = arith.fptosi %mul3A_654 : vector<16xf32> to vector<16xi32>
      %mul3A_656 = arith.constant 1.270000e+02 : f32
      %mul3A_657 = vector.broadcast %mul3A_656 : f32 to vector<16xf32>
      %mul3A_658 = arith.mulf %get3A_589, %mul3A_657 : vector<16xf32>
      %convert_element_type3A_659 = arith.fptosi %mul3A_658 : vector<16xf32> to vector<16xi32>
      %mul3A_660 = arith.constant 1.270000e+02 : f32
      %mul3A_661 = vector.broadcast %mul3A_660 : f32 to vector<16xf32>
      %mul3A_662 = arith.mulf %get3A_591, %mul3A_661 : vector<16xf32>
      %convert_element_type3A_663 = arith.fptosi %mul3A_662 : vector<16xf32> to vector<16xi32>
      %mul3A_664 = arith.constant 128 : i32
      %mul3A_665 = vector.broadcast %mul3A_664 : i32 to vector<16xi32>
      %mul3A_666 = arith.muli %convert_element_type3A_659, %mul3A_665 : vector<16xi32>
      %add3A_667 = arith.addi %convert_element_type3A_655, %mul3A_666 : vector<16xi32>
      %mul3A_668 = arith.constant 16384 : i32
      %mul3A_669 = vector.broadcast %mul3A_668 : i32 to vector<16xi32>
      %mul3A_670 = arith.muli %convert_element_type3A_663, %mul3A_669 : vector<16xi32>
      %add3A_671 = arith.addi %add3A_667, %mul3A_670 : vector<16xi32>
      %max3A_672 = arith.constant 0 : i32
      %max3A_673 = vector.broadcast %max3A_672 : i32 to vector<16xi32>
      %max3A_674 = arith.maxsi %add3A_671, %max3A_673 : vector<16xi32>
      %min3A_675 = arith.constant 2097151 : i32
      %min3A_676 = vector.broadcast %min3A_675 : i32 to vector<16xi32>
      %min3A_677 = arith.minsi %max3A_674, %min3A_676 : vector<16xi32>
      %swap3A_678 = arith.constant 1 : i32
      %swap3A_679 = arith.index_cast %swap3A_678 : i32 to index
      %swap3A_680 = arith.index_cast %scan3A_58 : i32 to index
      %swap3A_681 = arith.constant 64 : index
      %swap3A_682 = tpu.vector_load %arg13[%swap3A_679, %swap3A_680, %swap3A_681] {strides = array<i32>} : memref<3x16x128xi32, #tpu.memory_space<vmem>>, vector<16xi32>,
      tpu.vector_store %arg13[%swap3A_679, %swap3A_680, %swap3A_681], %min3A_677 {strides = array<i32>} : memref<3x16x128xi32, #tpu.memory_space<vmem>>, vector<16xi32>,
      %mul3A_683 = arith.constant 2.550000e+02 : f32
      %mul3A_684 = vector.broadcast %mul3A_683 : f32 to vector<16xf32>
      %mul3A_685 = arith.mulf %get3A_587, %mul3A_684 : vector<16xf32>
      %convert_element_type3A_686 = arith.fptosi %mul3A_685 : vector<16xf32> to vector<16xi32>
      %mul3A_687 = arith.constant 2.550000e+02 : f32
      %mul3A_688 = vector.broadcast %mul3A_687 : f32 to vector<16xf32>
      %mul3A_689 = arith.mulf %get3A_589, %mul3A_688 : vector<16xf32>
      %convert_element_type3A_690 = arith.fptosi %mul3A_689 : vector<16xf32> to vector<16xi32>
      %mul3A_691 = arith.constant 2.550000e+02 : f32
      %mul3A_692 = vector.broadcast %mul3A_691 : f32 to vector<16xf32>
      %mul3A_693 = arith.mulf %get3A_591, %mul3A_692 : vector<16xf32>
      %convert_element_type3A_694 = arith.fptosi %mul3A_693 : vector<16xf32> to vector<16xi32>
      %mul3A_695 = arith.constant 256 : i32
      %mul3A_696 = vector.broadcast %mul3A_695 : i32 to vector<16xi32>
      %mul3A_697 = arith.muli %convert_element_type3A_690, %mul3A_696 : vector<16xi32>
      %add3A_698 = arith.addi %convert_element_type3A_686, %mul3A_697 : vector<16xi32>
      %mul3A_699 = arith.constant 65536 : i32
      %mul3A_700 = vector.broadcast %mul3A_699 : i32 to vector<16xi32>
      %mul3A_701 = arith.muli %convert_element_type3A_694, %mul3A_700 : vector<16xi32>
      %add3A_702 = arith.addi %add3A_698, %mul3A_701 : vector<16xi32>
      %max3A_703 = arith.constant 0 : i32
      %max3A_704 = vector.broadcast %max3A_703 : i32 to vector<16xi32>
      %max3A_705 = arith.maxsi %add3A_702, %max3A_704 : vector<16xi32>
      %min3A_706 = arith.constant 16777215 : i32
      %min3A_707 = vector.broadcast %min3A_706 : i32 to vector<16xi32>
      %min3A_708 = arith.minsi %max3A_705, %min3A_707 : vector<16xi32>
      %swap3A_709 = arith.constant 2 : i32
      %swap3A_710 = arith.index_cast %swap3A_709 : i32 to index
      %swap3A_711 = arith.index_cast %scan3A_58 : i32 to index
      %swap3A_712 = arith.constant 64 : index
      %swap3A_713 = tpu.vector_load %arg13[%swap3A_710, %swap3A_711, %swap3A_712] {strides = array<i32>} : memref<3x16x128xi32, #tpu.memory_space<vmem>>, vector<16xi32>,
      tpu.vector_store %arg13[%swap3A_710, %swap3A_711, %swap3A_712], %min3A_708 {strides = array<i32>} : memref<3x16x128xi32, #tpu.memory_space<vmem>>, vector<16xi32>,
      %mul3A_714 = arith.constant 128 : i32
      %mul3A_715 = arith.muli %scan3A_58, %mul3A_714 : i32
      %add3A_716 = arith.constant 80 : i32
      %add3A_717 = arith.addi %mul3A_715, %add3A_716 : i32
      %get3A_718 = arith.index_cast %add3A_717 : i32 to index
      %get3A_719 = tpu.vector_load %arg10[%get3A_718] {strides = array<i32>} : memref<2048xf32, #tpu.memory_space<vmem>>, vector<16xf32>,
      %get3A_720 = arith.index_cast %add3A_717 : i32 to index
      %get3A_721 = tpu.vector_load %arg11[%get3A_720] {strides = array<i32>} : memref<2048xf32, #tpu.memory_space<vmem>>, vector<16xf32>,
      %get3A_722 = arith.index_cast %add3A_717 : i32 to index
      %get3A_723 = tpu.vector_load %arg12[%get3A_722] {strides = array<i32>} : memref<2048xf32, #tpu.memory_space<vmem>>, vector<16xf32>,
      %mul3A_724 = arith.constant 3.100000e+01 : f32
      %mul3A_725 = vector.broadcast %mul3A_724 : f32 to vector<16xf32>
      %mul3A_726 = arith.mulf %get3A_719, %mul3A_725 : vector<16xf32>
      %convert_element_type3A_727 = arith.fptosi %mul3A_726 : vector<16xf32> to vector<16xi32>
      %mul3A_728 = arith.constant 3.100000e+01 : f32
      %mul3A_729 = vector.broadcast %mul3A_728 : f32 to vector<16xf32>
      %mul3A_730 = arith.mulf %get3A_721, %mul3A_729 : vector<16xf32>
      %convert_element_type3A_731 = arith.fptosi %mul3A_730 : vector<16xf32> to vector<16xi32>
      %mul3A_732 = arith.constant 3.100000e+01 : f32
      %mul3A_733 = vector.broadcast %mul3A_732 : f32 to vector<16xf32>
      %mul3A_734 = arith.mulf %get3A_723, %mul3A_733 : vector<16xf32>
      %convert_element_type3A_735 = arith.fptosi %mul3A_734 : vector<16xf32> to vector<16xi32>
      %mul3A_736 = arith.constant 32 : i32
      %mul3A_737 = vector.broadcast %mul3A_736 : i32 to vector<16xi32>
      %mul3A_738 = arith.muli %convert_element_type3A_731, %mul3A_737 : vector<16xi32>
      %add3A_739 = arith.addi %convert_element_type3A_727, %mul3A_738 : vector<16xi32>
      %mul3A_740 = arith.constant 1024 : i32
      %mul3A_741 = vector.broadcast %mul3A_740 : i32 to vector<16xi32>
      %mul3A_742 = arith.muli %convert_element_type3A_735, %mul3A_741 : vector<16xi32>
      %add3A_743 = arith.addi %add3A_739, %mul3A_742 : vector<16xi32>
      %max3A_744 = arith.constant 0 : i32
      %max3A_745 = vector.broadcast %max3A_744 : i32 to vector<16xi32>
      %max3A_746 = arith.maxsi %add3A_743, %max3A_745 : vector<16xi32>
      %min3A_747 = arith.constant 32767 : i32
      %min3A_748 = vector.broadcast %min3A_747 : i32 to vector<16xi32>
      %min3A_749 = arith.minsi %max3A_746, %min3A_748 : vector<16xi32>
      %gather3A_750 = tpu.vector_load_idx %arg16[%min3A_749] : memref<32768xf32, #tpu.memory_space<vmem>>[vector<16xi32>], vector<16xf32>,
      %swap3A_751 = arith.index_cast %add3A_717 : i32 to index
      %swap3A_752 = tpu.vector_load %arg15[%swap3A_751] {strides = array<i32>} : memref<2048xf32, #tpu.memory_space<vmem>>, vector<16xf32>,
      tpu.vector_store %arg15[%swap3A_751], %gather3A_750 {strides = array<i32>} : memref<2048xf32, #tpu.memory_space<vmem>>, vector<16xf32>,
      %mul3A_753 = arith.constant 6.300000e+01 : f32
      %mul3A_754 = vector.broadcast %mul3A_753 : f32 to vector<16xf32>
      %mul3A_755 = arith.mulf %get3A_719, %mul3A_754 : vector<16xf32>
      %convert_element_type3A_756 = arith.fptosi %mul3A_755 : vector<16xf32> to vector<16xi32>
      %mul3A_757 = arith.constant 6.300000e+01 : f32
      %mul3A_758 = vector.broadcast %mul3A_757 : f32 to vector<16xf32>
      %mul3A_759 = arith.mulf %get3A_721, %mul3A_758 : vector<16xf32>
      %convert_element_type3A_760 = arith.fptosi %mul3A_759 : vector<16xf32> to vector<16xi32>
      %mul3A_761 = arith.constant 6.300000e+01 : f32
      %mul3A_762 = vector.broadcast %mul3A_761 : f32 to vector<16xf32>
      %mul3A_763 = arith.mulf %get3A_723, %mul3A_762 : vector<16xf32>
      %convert_element_type3A_764 = arith.fptosi %mul3A_763 : vector<16xf32> to vector<16xi32>
      %mul3A_765 = arith.constant 64 : i32
      %mul3A_766 = vector.broadcast %mul3A_765 : i32 to vector<16xi32>
      %mul3A_767 = arith.muli %convert_element_type3A_760, %mul3A_766 : vector<16xi32>
      %add3A_768 = arith.addi %convert_element_type3A_756, %mul3A_767 : vector<16xi32>
      %mul3A_769 = arith.constant 4096 : i32
      %mul3A_770 = vector.broadcast %mul3A_769 : i32 to vector<16xi32>
      %mul3A_771 = arith.muli %convert_element_type3A_764, %mul3A_770 : vector<16xi32>
      %add3A_772 = arith.addi %add3A_768, %mul3A_771 : vector<16xi32>
      %max3A_773 = arith.constant 0 : i32
      %max3A_774 = vector.broadcast %max3A_773 : i32 to vector<16xi32>
      %max3A_775 = arith.maxsi %add3A_772, %max3A_774 : vector<16xi32>
      %min3A_776 = arith.constant 262143 : i32
      %min3A_777 = vector.broadcast %min3A_776 : i32 to vector<16xi32>
      %min3A_778 = arith.minsi %max3A_775, %min3A_777 : vector<16xi32>
      %swap3A_779 = arith.constant 0 : i32
      %swap3A_780 = arith.index_cast %swap3A_779 : i32 to index
      %swap3A_781 = arith.index_cast %scan3A_58 : i32 to index
      %swap3A_782 = arith.constant 80 : index
      %swap3A_783 = tpu.vector_load %arg13[%swap3A_780, %swap3A_781, %swap3A_782] {strides = array<i32>} : memref<3x16x128xi32, #tpu.memory_space<vmem>>, vector<16xi32>,
      tpu.vector_store %arg13[%swap3A_780, %swap3A_781, %swap3A_782], %min3A_778 {strides = array<i32>} : memref<3x16x128xi32, #tpu.memory_space<vmem>>, vector<16xi32>,
      %mul3A_784 = arith.constant 1.270000e+02 : f32
      %mul3A_785 = vector.broadcast %mul3A_784 : f32 to vector<16xf32>
      %mul3A_786 = arith.mulf %get3A_719, %mul3A_785 : vector<16xf32>
      %convert_element_type3A_787 = arith.fptosi %mul3A_786 : vector<16xf32> to vector<16xi32>
      %mul3A_788 = arith.constant 1.270000e+02 : f32
      %mul3A_789 = vector.broadcast %mul3A_788 : f32 to vector<16xf32>
      %mul3A_790 = arith.mulf %get3A_721, %mul3A_789 : vector<16xf32>
      %convert_element_type3A_791 = arith.fptosi %mul3A_790 : vector<16xf32> to vector<16xi32>
      %mul3A_792 = arith.constant 1.270000e+02 : f32
      %mul3A_793 = vector.broadcast %mul3A_792 : f32 to vector<16xf32>
      %mul3A_794 = arith.mulf %get3A_723, %mul3A_793 : vector<16xf32>
      %convert_element_type3A_795 = arith.fptosi %mul3A_794 : vector<16xf32> to vector<16xi32>
      %mul3A_796 = arith.constant 128 : i32
      %mul3A_797 = vector.broadcast %mul3A_796 : i32 to vector<16xi32>
      %mul3A_798 = arith.muli %convert_element_type3A_791, %mul3A_797 : vector<16xi32>
      %add3A_799 = arith.addi %convert_element_type3A_787, %mul3A_798 : vector<16xi32>
      %mul3A_800 = arith.constant 16384 : i32
      %mul3A_801 = vector.broadcast %mul3A_800 : i32 to vector<16xi32>
      %mul3A_802 = arith.muli %convert_element_type3A_795, %mul3A_801 : vector<16xi32>
      %add3A_803 = arith.addi %add3A_799, %mul3A_802 : vector<16xi32>
      %max3A_804 = arith.constant 0 : i32
      %max3A_805 = vector.broadcast %max3A_804 : i32 to vector<16xi32>
      %max3A_806 = arith.maxsi %add3A_803, %max3A_805 : vector<16xi32>
      %min3A_807 = arith.constant 2097151 : i32
      %min3A_808 = vector.broadcast %min3A_807 : i32 to vector<16xi32>
      %min3A_809 = arith.minsi %max3A_806, %min3A_808 : vector<16xi32>
      %swap3A_810 = arith.constant 1 : i32
      %swap3A_811 = arith.index_cast %swap3A_810 : i32 to index
      %swap3A_812 = arith.index_cast %scan3A_58 : i32 to index
      %swap3A_813 = arith.constant 80 : index
      %swap3A_814 = tpu.vector_load %arg13[%swap3A_811, %swap3A_812, %swap3A_813] {strides = array<i32>} : memref<3x16x128xi32, #tpu.memory_space<vmem>>, vector<16xi32>,
      tpu.vector_store %arg13[%swap3A_811, %swap3A_812, %swap3A_813], %min3A_809 {strides = array<i32>} : memref<3x16x128xi32, #tpu.memory_space<vmem>>, vector<16xi32>,
      %mul3A_815 = arith.constant 2.550000e+02 : f32
      %mul3A_816 = vector.broadcast %mul3A_815 : f32 to vector<16xf32>
      %mul3A_817 = arith.mulf %get3A_719, %mul3A_816 : vector<16xf32>
      %convert_element_type3A_818 = arith.fptosi %mul3A_817 : vector<16xf32> to vector<16xi32>
      %mul3A_819 = arith.constant 2.550000e+02 : f32
      %mul3A_820 = vector.broadcast %mul3A_819 : f32 to vector<16xf32>
      %mul3A_821 = arith.mulf %get3A_721, %mul3A_820 : vector<16xf32>
      %convert_element_type3A_822 = arith.fptosi %mul3A_821 : vector<16xf32> to vector<16xi32>
      %mul3A_823 = arith.constant 2.550000e+02 : f32
      %mul3A_824 = vector.broadcast %mul3A_823 : f32 to vector<16xf32>
      %mul3A_825 = arith.mulf %get3A_723, %mul3A_824 : vector<16xf32>
      %convert_element_type3A_826 = arith.fptosi %mul3A_825 : vector<16xf32> to vector<16xi32>
      %mul3A_827 = arith.constant 256 : i32
      %mul3A_828 = vector.broadcast %mul3A_827 : i32 to vector<16xi32>
      %mul3A_829 = arith.muli %convert_element_type3A_822, %mul3A_828 : vector<16xi32>
      %add3A_830 = arith.addi %convert_element_type3A_818, %mul3A_829 : vector<16xi32>
      %mul3A_831 = arith.constant 65536 : i32
      %mul3A_832 = vector.broadcast %mul3A_831 : i32 to vector<16xi32>
      %mul3A_833 = arith.muli %convert_element_type3A_826, %mul3A_832 : vector<16xi32>
      %add3A_834 = arith.addi %add3A_830, %mul3A_833 : vector<16xi32>
      %max3A_835 = arith.constant 0 : i32
      %max3A_836 = vector.broadcast %max3A_835 : i32 to vector<16xi32>
      %max3A_837 = arith.maxsi %add3A_834, %max3A_836 : vector<16xi32>
      %min3A_838 = arith.constant 16777215 : i32
      %min3A_839 = vector.broadcast %min3A_838 : i32 to vector<16xi32>
      %min3A_840 = arith.minsi %max3A_837, %min3A_839 : vector<16xi32>
      %swap3A_841 = arith.constant 2 : i32
      %swap3A_842 = arith.index_cast %swap3A_841 : i32 to index
      %swap3A_843 = arith.index_cast %scan3A_58 : i32 to index
      %swap3A_844 = arith.constant 80 : index
      %swap3A_845 = tpu.vector_load %arg13[%swap3A_842, %swap3A_843, %swap3A_844] {strides = array<i32>} : memref<3x16x128xi32, #tpu.memory_space<vmem>>, vector<16xi32>,
      tpu.vector_store %arg13[%swap3A_842, %swap3A_843, %swap3A_844], %min3A_840 {strides = array<i32>} : memref<3x16x128xi32, #tpu.memory_space<vmem>>, vector<16xi32>,
      %mul3A_846 = arith.constant 128 : i32
      %mul3A_847 = arith.muli %scan3A_58, %mul3A_846 : i32
      %add3A_848 = arith.constant 96 : i32
      %add3A_849 = arith.addi %mul3A_847, %add3A_848 : i32
      %get3A_850 = arith.index_cast %add3A_849 : i32 to index
      %get3A_851 = tpu.vector_load %arg10[%get3A_850] {strides = array<i32>} : memref<2048xf32, #tpu.memory_space<vmem>>, vector<16xf32>,
      %get3A_852 = arith.index_cast %add3A_849 : i32 to index
      %get3A_853 = tpu.vector_load %arg11[%get3A_852] {strides = array<i32>} : memref<2048xf32, #tpu.memory_space<vmem>>, vector<16xf32>,
      %get3A_854 = arith.index_cast %add3A_849 : i32 to index
      %get3A_855 = tpu.vector_load %arg12[%get3A_854] {strides = array<i32>} : memref<2048xf32, #tpu.memory_space<vmem>>, vector<16xf32>,
      %mul3A_856 = arith.constant 3.100000e+01 : f32
      %mul3A_857 = vector.broadcast %mul3A_856 : f32 to vector<16xf32>
      %mul3A_858 = arith.mulf %get3A_851, %mul3A_857 : vector<16xf32>
      %convert_element_type3A_859 = arith.fptosi %mul3A_858 : vector<16xf32> to vector<16xi32>
      %mul3A_860 = arith.constant 3.100000e+01 : f32
      %mul3A_861 = vector.broadcast %mul3A_860 : f32 to vector<16xf32>
      %mul3A_862 = arith.mulf %get3A_853, %mul3A_861 : vector<16xf32>
      %convert_element_type3A_863 = arith.fptosi %mul3A_862 : vector<16xf32> to vector<16xi32>
      %mul3A_864 = arith.constant 3.100000e+01 : f32
      %mul3A_865 = vector.broadcast %mul3A_864 : f32 to vector<16xf32>
      %mul3A_866 = arith.mulf %get3A_855, %mul3A_865 : vector<16xf32>
      %convert_element_type3A_867 = arith.fptosi %mul3A_866 : vector<16xf32> to vector<16xi32>
      %mul3A_868 = arith.constant 32 : i32
      %mul3A_869 = vector.broadcast %mul3A_868 : i32 to vector<16xi32>
      %mul3A_870 = arith.muli %convert_element_type3A_863, %mul3A_869 : vector<16xi32>
      %add3A_871 = arith.addi %convert_element_type3A_859, %mul3A_870 : vector<16xi32>
      %mul3A_872 = arith.constant 1024 : i32
      %mul3A_873 = vector.broadcast %mul3A_872 : i32 to vector<16xi32>
      %mul3A_874 = arith.muli %convert_element_type3A_867, %mul3A_873 : vector<16xi32>
      %add3A_875 = arith.addi %add3A_871, %mul3A_874 : vector<16xi32>
      %max3A_876 = arith.constant 0 : i32
      %max3A_877 = vector.broadcast %max3A_876 : i32 to vector<16xi32>
      %max3A_878 = arith.maxsi %add3A_875, %max3A_877 : vector<16xi32>
      %min3A_879 = arith.constant 32767 : i32
      %min3A_880 = vector.broadcast %min3A_879 : i32 to vector<16xi32>
      %min3A_881 = arith.minsi %max3A_878, %min3A_880 : vector<16xi32>
      %gather3A_882 = tpu.vector_load_idx %arg16[%min3A_881] : memref<32768xf32, #tpu.memory_space<vmem>>[vector<16xi32>], vector<16xf32>,
      %swap3A_883 = arith.index_cast %add3A_849 : i32 to index
      %swap3A_884 = tpu.vector_load %arg15[%swap3A_883] {strides = array<i32>} : memref<2048xf32, #tpu.memory_space<vmem>>, vector<16xf32>,
      tpu.vector_store %arg15[%swap3A_883], %gather3A_882 {strides = array<i32>} : memref<2048xf32, #tpu.memory_space<vmem>>, vector<16xf32>,
      %mul3A_885 = arith.constant 6.300000e+01 : f32
      %mul3A_886 = vector.broadcast %mul3A_885 : f32 to vector<16xf32>
      %mul3A_887 = arith.mulf %get3A_851, %mul3A_886 : vector<16xf32>
      %convert_element_type3A_888 = arith.fptosi %mul3A_887 : vector<16xf32> to vector<16xi32>
      %mul3A_889 = arith.constant 6.300000e+01 : f32
      %mul3A_890 = vector.broadcast %mul3A_889 : f32 to vector<16xf32>
      %mul3A_891 = arith.mulf %get3A_853, %mul3A_890 : vector<16xf32>
      %convert_element_type3A_892 = arith.fptosi %mul3A_891 : vector<16xf32> to vector<16xi32>
      %mul3A_893 = arith.constant 6.300000e+01 : f32
      %mul3A_894 = vector.broadcast %mul3A_893 : f32 to vector<16xf32>
      %mul3A_895 = arith.mulf %get3A_855, %mul3A_894 : vector<16xf32>
      %convert_element_type3A_896 = arith.fptosi %mul3A_895 : vector<16xf32> to vector<16xi32>
      %mul3A_897 = arith.constant 64 : i32
      %mul3A_898 = vector.broadcast %mul3A_897 : i32 to vector<16xi32>
      %mul3A_899 = arith.muli %convert_element_type3A_892, %mul3A_898 : vector<16xi32>
      %add3A_900 = arith.addi %convert_element_type3A_888, %mul3A_899 : vector<16xi32>
      %mul3A_901 = arith.constant 4096 : i32
      %mul3A_902 = vector.broadcast %mul3A_901 : i32 to vector<16xi32>
      %mul3A_903 = arith.muli %convert_element_type3A_896, %mul3A_902 : vector<16xi32>
      %add3A_904 = arith.addi %add3A_900, %mul3A_903 : vector<16xi32>
      %max3A_905 = arith.constant 0 : i32
      %max3A_906 = vector.broadcast %max3A_905 : i32 to vector<16xi32>
      %max3A_907 = arith.maxsi %add3A_904, %max3A_906 : vector<16xi32>
      %min3A_908 = arith.constant 262143 : i32
      %min3A_909 = vector.broadcast %min3A_908 : i32 to vector<16xi32>
      %min3A_910 = arith.minsi %max3A_907, %min3A_909 : vector<16xi32>
      %swap3A_911 = arith.constant 0 : i32
      %swap3A_912 = arith.index_cast %swap3A_911 : i32 to index
      %swap3A_913 = arith.index_cast %scan3A_58 : i32 to index
      %swap3A_914 = arith.constant 96 : index
      %swap3A_915 = tpu.vector_load %arg13[%swap3A_912, %swap3A_913, %swap3A_914] {strides = array<i32>} : memref<3x16x128xi32, #tpu.memory_space<vmem>>, vector<16xi32>,
      tpu.vector_store %arg13[%swap3A_912, %swap3A_913, %swap3A_914], %min3A_910 {strides = array<i32>} : memref<3x16x128xi32, #tpu.memory_space<vmem>>, vector<16xi32>,
      %mul3A_916 = arith.constant 1.270000e+02 : f32
      %mul3A_917 = vector.broadcast %mul3A_916 : f32 to vector<16xf32>
      %mul3A_918 = arith.mulf %get3A_851, %mul3A_917 : vector<16xf32>
      %convert_element_type3A_919 = arith.fptosi %mul3A_918 : vector<16xf32> to vector<16xi32>
      %mul3A_920 = arith.constant 1.270000e+02 : f32
      %mul3A_921 = vector.broadcast %mul3A_920 : f32 to vector<16xf32>
      %mul3A_922 = arith.mulf %get3A_853, %mul3A_921 : vector<16xf32>
      %convert_element_type3A_923 = arith.fptosi %mul3A_922 : vector<16xf32> to vector<16xi32>
      %mul3A_924 = arith.constant 1.270000e+02 : f32
      %mul3A_925 = vector.broadcast %mul3A_924 : f32 to vector<16xf32>
      %mul3A_926 = arith.mulf %get3A_855, %mul3A_925 : vector<16xf32>
      %convert_element_type3A_927 = arith.fptosi %mul3A_926 : vector<16xf32> to vector<16xi32>
      %mul3A_928 = arith.constant 128 : i32
      %mul3A_929 = vector.broadcast %mul3A_928 : i32 to vector<16xi32>
      %mul3A_930 = arith.muli %convert_element_type3A_923, %mul3A_929 : vector<16xi32>
      %add3A_931 = arith.addi %convert_element_type3A_919, %mul3A_930 : vector<16xi32>
      %mul3A_932 = arith.constant 16384 : i32
      %mul3A_933 = vector.broadcast %mul3A_932 : i32 to vector<16xi32>
      %mul3A_934 = arith.muli %convert_element_type3A_927, %mul3A_933 : vector<16xi32>
      %add3A_935 = arith.addi %add3A_931, %mul3A_934 : vector<16xi32>
      %max3A_936 = arith.constant 0 : i32
      %max3A_937 = vector.broadcast %max3A_936 : i32 to vector<16xi32>
      %max3A_938 = arith.maxsi %add3A_935, %max3A_937 : vector<16xi32>
      %min3A_939 = arith.constant 2097151 : i32
      %min3A_940 = vector.broadcast %min3A_939 : i32 to vector<16xi32>
      %min3A_941 = arith.minsi %max3A_938, %min3A_940 : vector<16xi32>
      %swap3A_942 = arith.constant 1 : i32
      %swap3A_943 = arith.index_cast %swap3A_942 : i32 to index
      %swap3A_944 = arith.index_cast %scan3A_58 : i32 to index
      %swap3A_945 = arith.constant 96 : index
      %swap3A_946 = tpu.vector_load %arg13[%swap3A_943, %swap3A_944, %swap3A_945] {strides = array<i32>} : memref<3x16x128xi32, #tpu.memory_space<vmem>>, vector<16xi32>,
      tpu.vector_store %arg13[%swap3A_943, %swap3A_944, %swap3A_945], %min3A_941 {strides = array<i32>} : memref<3x16x128xi32, #tpu.memory_space<vmem>>, vector<16xi32>,
      %mul3A_947 = arith.constant 2.550000e+02 : f32
      %mul3A_948 = vector.broadcast %mul3A_947 : f32 to vector<16xf32>
      %mul3A_949 = arith.mulf %get3A_851, %mul3A_948 : vector<16xf32>
      %convert_element_type3A_950 = arith.fptosi %mul3A_949 : vector<16xf32> to vector<16xi32>
      %mul3A_951 = arith.constant 2.550000e+02 : f32
      %mul3A_952 = vector.broadcast %mul3A_951 : f32 to vector<16xf32>
      %mul3A_953 = arith.mulf %get3A_853, %mul3A_952 : vector<16xf32>
      %convert_element_type3A_954 = arith.fptosi %mul3A_953 : vector<16xf32> to vector<16xi32>
      %mul3A_955 = arith.constant 2.550000e+02 : f32
      %mul3A_956 = vector.broadcast %mul3A_955 : f32 to vector<16xf32>
      %mul3A_957 = arith.mulf %get3A_855, %mul3A_956 : vector<16xf32>
      %convert_element_type3A_958 = arith.fptosi %mul3A_957 : vector<16xf32> to vector<16xi32>
      %mul3A_959 = arith.constant 256 : i32
      %mul3A_960 = vector.broadcast %mul3A_959 : i32 to vector<16xi32>
      %mul3A_961 = arith.muli %convert_element_type3A_954, %mul3A_960 : vector<16xi32>
      %add3A_962 = arith.addi %convert_element_type3A_950, %mul3A_961 : vector<16xi32>
      %mul3A_963 = arith.constant 65536 : i32
      %mul3A_964 = vector.broadcast %mul3A_963 : i32 to vector<16xi32>
      %mul3A_965 = arith.muli %convert_element_type3A_958, %mul3A_964 : vector<16xi32>
      %add3A_966 = arith.addi %add3A_962, %mul3A_965 : vector<16xi32>
      %max3A_967 = arith.constant 0 : i32
      %max3A_968 = vector.broadcast %max3A_967 : i32 to vector<16xi32>
      %max3A_969 = arith.maxsi %add3A_966, %max3A_968 : vector<16xi32>
      %min3A_970 = arith.constant 16777215 : i32
      %min3A_971 = vector.broadcast %min3A_970 : i32 to vector<16xi32>
      %min3A_972 = arith.minsi %max3A_969, %min3A_971 : vector<16xi32>
      %swap3A_973 = arith.constant 2 : i32
      %swap3A_974 = arith.index_cast %swap3A_973 : i32 to index
      %swap3A_975 = arith.index_cast %scan3A_58 : i32 to index
      %swap3A_976 = arith.constant 96 : index
      %swap3A_977 = tpu.vector_load %arg13[%swap3A_974, %swap3A_975, %swap3A_976] {strides = array<i32>} : memref<3x16x128xi32, #tpu.memory_space<vmem>>, vector<16xi32>,
      tpu.vector_store %arg13[%swap3A_974, %swap3A_975, %swap3A_976], %min3A_972 {strides = array<i32>} : memref<3x16x128xi32, #tpu.memory_space<vmem>>, vector<16xi32>,
      %mul3A_978 = arith.constant 128 : i32
      %mul3A_979 = arith.muli %scan3A_58, %mul3A_978 : i32
      %add3A_980 = arith.constant 112 : i32
      %add3A_981 = arith.addi %mul3A_979, %add3A_980 : i32
      %get3A_982 = arith.index_cast %add3A_981 : i32 to index
      %get3A_983 = tpu.vector_load %arg10[%get3A_982] {strides = array<i32>} : memref<2048xf32, #tpu.memory_space<vmem>>, vector<16xf32>,
      %get3A_984 = arith.index_cast %add3A_981 : i32 to index
      %get3A_985 = tpu.vector_load %arg11[%get3A_984] {strides = array<i32>} : memref<2048xf32, #tpu.memory_space<vmem>>, vector<16xf32>,
      %get3A_986 = arith.index_cast %add3A_981 : i32 to index
      %get3A_987 = tpu.vector_load %arg12[%get3A_986] {strides = array<i32>} : memref<2048xf32, #tpu.memory_space<vmem>>, vector<16xf32>,
      %mul3A_988 = arith.constant 3.100000e+01 : f32
      %mul3A_989 = vector.broadcast %mul3A_988 : f32 to vector<16xf32>
      %mul3A_990 = arith.mulf %get3A_983, %mul3A_989 : vector<16xf32>
      %convert_element_type3A_991 = arith.fptosi %mul3A_990 : vector<16xf32> to vector<16xi32>
      %mul3A_992 = arith.constant 3.100000e+01 : f32
      %mul3A_993 = vector.broadcast %mul3A_992 : f32 to vector<16xf32>
      %mul3A_994 = arith.mulf %get3A_985, %mul3A_993 : vector<16xf32>
      %convert_element_type3A_995 = arith.fptosi %mul3A_994 : vector<16xf32> to vector<16xi32>
      %mul3A_996 = arith.constant 3.100000e+01 : f32
      %mul3A_997 = vector.broadcast %mul3A_996 : f32 to vector<16xf32>
      %mul3A_998 = arith.mulf %get3A_987, %mul3A_997 : vector<16xf32>
      %convert_element_type3A_999 = arith.fptosi %mul3A_998 : vector<16xf32> to vector<16xi32>
      %mul3A_1000 = arith.constant 32 : i32
      %mul3A_1001 = vector.broadcast %mul3A_1000 : i32 to vector<16xi32>
      %mul3A_1002 = arith.muli %convert_element_type3A_995, %mul3A_1001 : vector<16xi32>
      %add3A_1003 = arith.addi %convert_element_type3A_991, %mul3A_1002 : vector<16xi32>
      %mul3A_1004 = arith.constant 1024 : i32
      %mul3A_1005 = vector.broadcast %mul3A_1004 : i32 to vector<16xi32>
      %mul3A_1006 = arith.muli %convert_element_type3A_999, %mul3A_1005 : vector<16xi32>
      %add3A_1007 = arith.addi %add3A_1003, %mul3A_1006 : vector<16xi32>
      %max3A_1008 = arith.constant 0 : i32
      %max3A_1009 = vector.broadcast %max3A_1008 : i32 to vector<16xi32>
      %max3A_1010 = arith.maxsi %add3A_1007, %max3A_1009 : vector<16xi32>
      %min3A_1011 = arith.constant 32767 : i32
      %min3A_1012 = vector.broadcast %min3A_1011 : i32 to vector<16xi32>
      %min3A_1013 = arith.minsi %max3A_1010, %min3A_1012 : vector<16xi32>
      %gather3A_1014 = tpu.vector_load_idx %arg16[%min3A_1013] : memref<32768xf32, #tpu.memory_space<vmem>>[vector<16xi32>], vector<16xf32>,
      %swap3A_1015 = arith.index_cast %add3A_981 : i32 to index
      %swap3A_1016 = tpu.vector_load %arg15[%swap3A_1015] {strides = array<i32>} : memref<2048xf32, #tpu.memory_space<vmem>>, vector<16xf32>,
      tpu.vector_store %arg15[%swap3A_1015], %gather3A_1014 {strides = array<i32>} : memref<2048xf32, #tpu.memory_space<vmem>>, vector<16xf32>,
      %mul3A_1017 = arith.constant 6.300000e+01 : f32
      %mul3A_1018 = vector.broadcast %mul3A_1017 : f32 to vector<16xf32>
      %mul3A_1019 = arith.mulf %get3A_983, %mul3A_1018 : vector<16xf32>
      %convert_element_type3A_1020 = arith.fptosi %mul3A_1019 : vector<16xf32> to vector<16xi32>
      %mul3A_1021 = arith.constant 6.300000e+01 : f32
      %mul3A_1022 = vector.broadcast %mul3A_1021 : f32 to vector<16xf32>
      %mul3A_1023 = arith.mulf %get3A_985, %mul3A_1022 : vector<16xf32>
      %convert_element_type3A_1024 = arith.fptosi %mul3A_1023 : vector<16xf32> to vector<16xi32>
      %mul3A_1025 = arith.constant 6.300000e+01 : f32
      %mul3A_1026 = vector.broadcast %mul3A_1025 : f32 to vector<16xf32>
      %mul3A_1027 = arith.mulf %get3A_987, %mul3A_1026 : vector<16xf32>
      %convert_element_type3A_1028 = arith.fptosi %mul3A_1027 : vector<16xf32> to vector<16xi32>
      %mul3A_1029 = arith.constant 64 : i32
      %mul3A_1030 = vector.broadcast %mul3A_1029 : i32 to vector<16xi32>
      %mul3A_1031 = arith.muli %convert_element_type3A_1024, %mul3A_1030 : vector<16xi32>
      %add3A_1032 = arith.addi %convert_element_type3A_1020, %mul3A_1031 : vector<16xi32>
      %mul3A_1033 = arith.constant 4096 : i32
      %mul3A_1034 = vector.broadcast %mul3A_1033 : i32 to vector<16xi32>
      %mul3A_1035 = arith.muli %convert_element_type3A_1028, %mul3A_1034 : vector<16xi32>
      %add3A_1036 = arith.addi %add3A_1032, %mul3A_1035 : vector<16xi32>
      %max3A_1037 = arith.constant 0 : i32
      %max3A_1038 = vector.broadcast %max3A_1037 : i32 to vector<16xi32>
      %max3A_1039 = arith.maxsi %add3A_1036, %max3A_1038 : vector<16xi32>
      %min3A_1040 = arith.constant 262143 : i32
      %min3A_1041 = vector.broadcast %min3A_1040 : i32 to vector<16xi32>
      %min3A_1042 = arith.minsi %max3A_1039, %min3A_1041 : vector<16xi32>
      %swap3A_1043 = arith.constant 0 : i32
      %swap3A_1044 = arith.index_cast %swap3A_1043 : i32 to index
      %swap3A_1045 = arith.index_cast %scan3A_58 : i32 to index
      %swap3A_1046 = arith.constant 112 : index
      %swap3A_1047 = tpu.vector_load %arg13[%swap3A_1044, %swap3A_1045, %swap3A_1046] {strides = array<i32>} : memref<3x16x128xi32, #tpu.memory_space<vmem>>, vector<16xi32>,
      tpu.vector_store %arg13[%swap3A_1044, %swap3A_1045, %swap3A_1046], %min3A_1042 {strides = array<i32>} : memref<3x16x128xi32, #tpu.memory_space<vmem>>, vector<16xi32>,
      %mul3A_1048 = arith.constant 1.270000e+02 : f32
      %mul3A_1049 = vector.broadcast %mul3A_1048 : f32 to vector<16xf32>
      %mul3A_1050 = arith.mulf %get3A_983, %mul3A_1049 : vector<16xf32>
      %convert_element_type3A_1051 = arith.fptosi %mul3A_1050 : vector<16xf32> to vector<16xi32>
      %mul3A_1052 = arith.constant 1.270000e+02 : f32
      %mul3A_1053 = vector.broadcast %mul3A_1052 : f32 to vector<16xf32>
      %mul3A_1054 = arith.mulf %get3A_985, %mul3A_1053 : vector<16xf32>
      %convert_element_type3A_1055 = arith.fptosi %mul3A_1054 : vector<16xf32> to vector<16xi32>
      %mul3A_1056 = arith.constant 1.270000e+02 : f32
      %mul3A_1057 = vector.broadcast %mul3A_1056 : f32 to vector<16xf32>
      %mul3A_1058 = arith.mulf %get3A_987, %mul3A_1057 : vector<16xf32>
      %convert_element_type3A_1059 = arith.fptosi %mul3A_1058 : vector<16xf32> to vector<16xi32>
      %mul3A_1060 = arith.constant 128 : i32
      %mul3A_1061 = vector.broadcast %mul3A_1060 : i32 to vector<16xi32>
      %mul3A_1062 = arith.muli %convert_element_type3A_1055, %mul3A_1061 : vector<16xi32>
      %add3A_1063 = arith.addi %convert_element_type3A_1051, %mul3A_1062 : vector<16xi32>
      %mul3A_1064 = arith.constant 16384 : i32
      %mul3A_1065 = vector.broadcast %mul3A_1064 : i32 to vector<16xi32>
      %mul3A_1066 = arith.muli %convert_element_type3A_1059, %mul3A_1065 : vector<16xi32>
      %add3A_1067 = arith.addi %add3A_1063, %mul3A_1066 : vector<16xi32>
      %max3A_1068 = arith.constant 0 : i32
      %max3A_1069 = vector.broadcast %max3A_1068 : i32 to vector<16xi32>
      %max3A_1070 = arith.maxsi %add3A_1067, %max3A_1069 : vector<16xi32>
      %min3A_1071 = arith.constant 2097151 : i32
      %min3A_1072 = vector.broadcast %min3A_1071 : i32 to vector<16xi32>
      %min3A_1073 = arith.minsi %max3A_1070, %min3A_1072 : vector<16xi32>
      %swap3A_1074 = arith.constant 1 : i32
      %swap3A_1075 = arith.index_cast %swap3A_1074 : i32 to index
      %swap3A_1076 = arith.index_cast %scan3A_58 : i32 to index
      %swap3A_1077 = arith.constant 112 : index
      %swap3A_1078 = tpu.vector_load %arg13[%swap3A_1075, %swap3A_1076, %swap3A_1077] {strides = array<i32>} : memref<3x16x128xi32, #tpu.memory_space<vmem>>, vector<16xi32>,
      tpu.vector_store %arg13[%swap3A_1075, %swap3A_1076, %swap3A_1077], %min3A_1073 {strides = array<i32>} : memref<3x16x128xi32, #tpu.memory_space<vmem>>, vector<16xi32>,
      %mul3A_1079 = arith.constant 2.550000e+02 : f32
      %mul3A_1080 = vector.broadcast %mul3A_1079 : f32 to vector<16xf32>
      %mul3A_1081 = arith.mulf %get3A_983, %mul3A_1080 : vector<16xf32>
      %convert_element_type3A_1082 = arith.fptosi %mul3A_1081 : vector<16xf32> to vector<16xi32>
      %mul3A_1083 = arith.constant 2.550000e+02 : f32
      %mul3A_1084 = vector.broadcast %mul3A_1083 : f32 to vector<16xf32>
      %mul3A_1085 = arith.mulf %get3A_985, %mul3A_1084 : vector<16xf32>
      %convert_element_type3A_1086 = arith.fptosi %mul3A_1085 : vector<16xf32> to vector<16xi32>
      %mul3A_1087 = arith.constant 2.550000e+02 : f32
      %mul3A_1088 = vector.broadcast %mul3A_1087 : f32 to vector<16xf32>
      %mul3A_1089 = arith.mulf %get3A_987, %mul3A_1088 : vector<16xf32>
      %convert_element_type3A_1090 = arith.fptosi %mul3A_1089 : vector<16xf32> to vector<16xi32>
      %mul3A_1091 = arith.constant 256 : i32
      %mul3A_1092 = vector.broadcast %mul3A_1091 : i32 to vector<16xi32>
      %mul3A_1093 = arith.muli %convert_element_type3A_1086, %mul3A_1092 : vector<16xi32>
      %add3A_1094 = arith.addi %convert_element_type3A_1082, %mul3A_1093 : vector<16xi32>
      %mul3A_1095 = arith.constant 65536 : i32
      %mul3A_1096 = vector.broadcast %mul3A_1095 : i32 to vector<16xi32>
      %mul3A_1097 = arith.muli %convert_element_type3A_1090, %mul3A_1096 : vector<16xi32>
      %add3A_1098 = arith.addi %add3A_1094, %mul3A_1097 : vector<16xi32>
      %max3A_1099 = arith.constant 0 : i32
      %max3A_1100 = vector.broadcast %max3A_1099 : i32 to vector<16xi32>
      %max3A_1101 = arith.maxsi %add3A_1098, %max3A_1100 : vector<16xi32>
      %min3A_1102 = arith.constant 16777215 : i32
      %min3A_1103 = vector.broadcast %min3A_1102 : i32 to vector<16xi32>
      %min3A_1104 = arith.minsi %max3A_1101, %min3A_1103 : vector<16xi32>
      %swap3A_1105 = arith.constant 2 : i32
      %swap3A_1106 = arith.index_cast %swap3A_1105 : i32 to index
      %swap3A_1107 = arith.index_cast %scan3A_58 : i32 to index
      %swap3A_1108 = arith.constant 112 : index
      %swap3A_1109 = tpu.vector_load %arg13[%swap3A_1106, %swap3A_1107, %swap3A_1108] {strides = array<i32>} : memref<3x16x128xi32, #tpu.memory_space<vmem>>, vector<16xi32>,
      tpu.vector_store %arg13[%swap3A_1106, %swap3A_1107, %swap3A_1108], %min3A_1104 {strides = array<i32>} : memref<3x16x128xi32, #tpu.memory_space<vmem>>, vector<16xi32>,
      %dma_start3A_1110 = arith.constant 0 : i32
      %dma_start3A_1111 = arith.constant 0 : i32
      %dma_start3A_1112 = arith.constant 0 : i32
      %dma_start3A_1113 = tpu.memref_slice %arg14[%dma_start3A_1111, %scan3A_58, %dma_start3A_1112] : memref<3x16x128xf32, #tpu.memory_space<vmem>> -> memref<1x1x128xf32, #tpu.memory_space<vmem>>
      %dma_start3A_1114 = tpu.memref_squeeze %dma_start3A_1113 : memref<1x1x128xf32, #tpu.memory_space<vmem>> -> memref<128xf32, #tpu.memory_space<vmem>>
      %dma_start3A_1115 = arith.constant 0 : i32
      %dma_start3A_1116 = tpu.memref_slice %arg13[%dma_start3A_1110, %scan3A_58, %dma_start3A_1115] : memref<3x16x128xi32, #tpu.memory_space<vmem>> -> memref<1x1x128xi32, #tpu.memory_space<vmem>>
      %dma_start3A_1117 = tpu.memref_squeeze %dma_start3A_1116 : memref<1x1x128xi32, #tpu.memory_space<vmem>> -> memref<128xi32, #tpu.memory_space<vmem>>
      %dma_start3A_1118 = arith.constant 0 : i32
      %dma_start3A_1119 = tpu.memref_slice %arg6[%dma_start3A_1118] : memref<262144xf32, #tpu.memory_space<hbm>> -> memref<262144xf32, #tpu.memory_space<hbm>>
      tpu.enqueue_indirect_dma source(%dma_start3A_1119 : memref<262144xf32, #tpu.memory_space<hbm>>) target(%dma_start3A_1114 : memref<128xf32, #tpu.memory_space<vmem>>) offsets(%dma_start3A_1117 : memref<128xi32, #tpu.memory_space<vmem>>) semaphore(%arg17 : memref<!tpu.dma_semaphore, #tpu.memory_space<semaphore_mem>>)
      %dma_start3A_1120 = arith.constant 1 : i32
      %dma_start3A_1121 = arith.constant 1 : i32
      %dma_start3A_1122 = arith.constant 0 : i32
      %dma_start3A_1123 = tpu.memref_slice %arg14[%dma_start3A_1121, %scan3A_58, %dma_start3A_1122] : memref<3x16x128xf32, #tpu.memory_space<vmem>> -> memref<1x1x128xf32, #tpu.memory_space<vmem>>
      %dma_start3A_1124 = tpu.memref_squeeze %dma_start3A_1123 : memref<1x1x128xf32, #tpu.memory_space<vmem>> -> memref<128xf32, #tpu.memory_space<vmem>>
      %dma_start3A_1125 = arith.constant 0 : i32
      %dma_start3A_1126 = tpu.memref_slice %arg13[%dma_start3A_1120, %scan3A_58, %dma_start3A_1125] : memref<3x16x128xi32, #tpu.memory_space<vmem>> -> memref<1x1x128xi32, #tpu.memory_space<vmem>>
      %dma_start3A_1127 = tpu.memref_squeeze %dma_start3A_1126 : memref<1x1x128xi32, #tpu.memory_space<vmem>> -> memref<128xi32, #tpu.memory_space<vmem>>
      %dma_start3A_1128 = arith.constant 0 : i32
      %dma_start3A_1129 = tpu.memref_slice %arg7[%dma_start3A_1128] : memref<2097152xf32, #tpu.memory_space<hbm>> -> memref<2097152xf32, #tpu.memory_space<hbm>>
      tpu.enqueue_indirect_dma source(%dma_start3A_1129 : memref<2097152xf32, #tpu.memory_space<hbm>>) target(%dma_start3A_1124 : memref<128xf32, #tpu.memory_space<vmem>>) offsets(%dma_start3A_1127 : memref<128xi32, #tpu.memory_space<vmem>>) semaphore(%arg17 : memref<!tpu.dma_semaphore, #tpu.memory_space<semaphore_mem>>)
      %dma_start3A_1130 = arith.constant 2 : i32
      %dma_start3A_1131 = arith.constant 2 : i32
      %dma_start3A_1132 = arith.constant 0 : i32
      %dma_start3A_1133 = tpu.memref_slice %arg14[%dma_start3A_1131, %scan3A_58, %dma_start3A_1132] : memref<3x16x128xf32, #tpu.memory_space<vmem>> -> memref<1x1x128xf32, #tpu.memory_space<vmem>>
      %dma_start3A_1134 = tpu.memref_squeeze %dma_start3A_1133 : memref<1x1x128xf32, #tpu.memory_space<vmem>> -> memref<128xf32, #tpu.memory_space<vmem>>
      %dma_start3A_1135 = arith.constant 0 : i32
      %dma_start3A_1136 = tpu.memref_slice %arg13[%dma_start3A_1130, %scan3A_58, %dma_start3A_1135] : memref<3x16x128xi32, #tpu.memory_space<vmem>> -> memref<1x1x128xi32, #tpu.memory_space<vmem>>
      %dma_start3A_1137 = tpu.memref_squeeze %dma_start3A_1136 : memref<1x1x128xi32, #tpu.memory_space<vmem>> -> memref<128xi32, #tpu.memory_space<vmem>>
      %dma_start3A_1138 = arith.constant 0 : i32
      %dma_start3A_1139 = tpu.memref_slice %arg8[%dma_start3A_1138] : memref<16777216xf32, #tpu.memory_space<hbm>> -> memref<16777216xf32, #tpu.memory_space<hbm>>
      tpu.enqueue_indirect_dma source(%dma_start3A_1139 : memref<16777216xf32, #tpu.memory_space<hbm>>) target(%dma_start3A_1134 : memref<128xf32, #tpu.memory_space<vmem>>) offsets(%dma_start3A_1137 : memref<128xi32, #tpu.memory_space<vmem>>) semaphore(%arg17 : memref<!tpu.dma_semaphore, #tpu.memory_space<semaphore_mem>>)
    }
    %scan3A_49 = arith.constant 5 : i32
    %scan3A_50 = arith.constant 0 : i32
    %scan3A_51 = arith.constant 0 : i32
    %scan3A_52 = arith.constant 5 : i32
    %scan3A_53 = arith.addi %scan3A_51, %scan3A_52 : i32
    %scan3A_54 = arith.constant 1 : i32
    scf.for %scan3A_58 = %scan3A_51 to %scan3A_53 step %scan3A_54  : i32 {
      %dma_wait3A_59 = arith.constant 0 : i32
      %dma_wait3A_60 = arith.constant 0 : i32
      %dma_wait3A_61 = arith.constant 0 : i32
      %dma_wait3A_62 = tpu.memref_slice %arg14[%dma_wait3A_60, %scan3A_58, %dma_wait3A_61] : memref<3x16x128xf32, #tpu.memory_space<vmem>> -> memref<1x1x128xf32, #tpu.memory_space<vmem>>
      %dma_wait3A_63 = tpu.memref_squeeze %dma_wait3A_62 : memref<1x1x128xf32, #tpu.memory_space<vmem>> -> memref<128xf32, #tpu.memory_space<vmem>>
      %dma_wait3A_64 = arith.constant 0 : i32
      %dma_wait3A_65 = tpu.memref_slice %arg13[%dma_wait3A_59, %scan3A_58, %dma_wait3A_64] : memref<3x16x128xi32, #tpu.memory_space<vmem>> -> memref<1x1x128xi32, #tpu.memory_space<vmem>>
      %dma_wait3A_66 = tpu.memref_squeeze %dma_wait3A_65 : memref<1x1x128xi32, #tpu.memory_space<vmem>> -> memref<128xi32, #tpu.memory_space<vmem>>
      %dma_wait3A_67 = arith.constant 0 : i32
      %dma_wait3A_68 = tpu.memref_slice %arg6[%dma_wait3A_67] : memref<262144xf32, #tpu.memory_space<hbm>> -> memref<262144xf32, #tpu.memory_space<hbm>>
      tpu.wait_indirect_dma semaphore(%arg17 : memref<!tpu.dma_semaphore, #tpu.memory_space<semaphore_mem>>) src(%dma_wait3A_68 : memref<262144xf32, #tpu.memory_space<hbm>>) dst(%dma_wait3A_63 : memref<128xf32, #tpu.memory_space<vmem>>)
      %dma_wait3A_69 = arith.constant 1 : i32
      %dma_wait3A_70 = arith.constant 1 : i32
      %dma_wait3A_71 = arith.constant 0 : i32
      %dma_wait3A_72 = tpu.memref_slice %arg14[%dma_wait3A_70, %scan3A_58, %dma_wait3A_71] : memref<3x16x128xf32, #tpu.memory_space<vmem>> -> memref<1x1x128xf32, #tpu.memory_space<vmem>>
      %dma_wait3A_73 = tpu.memref_squeeze %dma_wait3A_72 : memref<1x1x128xf32, #tpu.memory_space<vmem>> -> memref<128xf32, #tpu.memory_space<vmem>>
      %dma_wait3A_74 = arith.constant 0 : i32
      %dma_wait3A_75 = tpu.memref_slice %arg13[%dma_wait3A_69, %scan3A_58, %dma_wait3A_74] : memref<3x16x128xi32, #tpu.memory_space<vmem>> -> memref<1x1x128xi32, #tpu.memory_space<vmem>>
      %dma_wait3A_76 = tpu.memref_squeeze %dma_wait3A_75 : memref<1x1x128xi32, #tpu.memory_space<vmem>> -> memref<128xi32, #tpu.memory_space<vmem>>
      %dma_wait3A_77 = arith.constant 0 : i32
      %dma_wait3A_78 = tpu.memref_slice %arg7[%dma_wait3A_77] : memref<2097152xf32, #tpu.memory_space<hbm>> -> memref<2097152xf32, #tpu.memory_space<hbm>>
      tpu.wait_indirect_dma semaphore(%arg17 : memref<!tpu.dma_semaphore, #tpu.memory_space<semaphore_mem>>) src(%dma_wait3A_78 : memref<2097152xf32, #tpu.memory_space<hbm>>) dst(%dma_wait3A_73 : memref<128xf32, #tpu.memory_space<vmem>>)
      %dma_wait3A_79 = arith.constant 2 : i32
      %dma_wait3A_80 = arith.constant 2 : i32
      %dma_wait3A_81 = arith.constant 0 : i32
      %dma_wait3A_82 = tpu.memref_slice %arg14[%dma_wait3A_80, %scan3A_58, %dma_wait3A_81] : memref<3x16x128xf32, #tpu.memory_space<vmem>> -> memref<1x1x128xf32, #tpu.memory_space<vmem>>
      %dma_wait3A_83 = tpu.memref_squeeze %dma_wait3A_82 : memref<1x1x128xf32, #tpu.memory_space<vmem>> -> memref<128xf32, #tpu.memory_space<vmem>>
      %dma_wait3A_84 = arith.constant 0 : i32
      %dma_wait3A_85 = tpu.memref_slice %arg13[%dma_wait3A_79, %scan3A_58, %dma_wait3A_84] : memref<3x16x128xi32, #tpu.memory_space<vmem>> -> memref<1x1x128xi32, #tpu.memory_space<vmem>>
      %dma_wait3A_86 = tpu.memref_squeeze %dma_wait3A_85 : memref<1x1x128xi32, #tpu.memory_space<vmem>> -> memref<128xi32, #tpu.memory_space<vmem>>
      %dma_wait3A_87 = arith.constant 0 : i32
      %dma_wait3A_88 = tpu.memref_slice %arg8[%dma_wait3A_87] : memref<16777216xf32, #tpu.memory_space<hbm>> -> memref<16777216xf32, #tpu.memory_space<hbm>>
      tpu.wait_indirect_dma semaphore(%arg17 : memref<!tpu.dma_semaphore, #tpu.memory_space<semaphore_mem>>) src(%dma_wait3A_88 : memref<16777216xf32, #tpu.memory_space<hbm>>) dst(%dma_wait3A_83 : memref<128xf32, #tpu.memory_space<vmem>>)
      %mul3A_89 = arith.constant 128 : i32
      %mul3A_90 = arith.muli %scan3A_58, %mul3A_89 : i32
      %add3A_91 = arith.constant 0 : i32
      %add3A_92 = arith.addi %mul3A_90, %add3A_91 : i32
      %get3A = arith.index_cast %add3A_92 : i32 to index
      %get3A_93 = tpu.vector_load %arg15[%get3A] {strides = array<i32>} : memref<2048xf32, #tpu.memory_space<vmem>>, vector<16xf32>,
      %get3A_94 = arith.constant 0 : i32
      %get3A_95 = arith.index_cast %get3A_94 : i32 to index
      %get3A_96 = arith.index_cast %scan3A_58 : i32 to index
      %get3A_97 = arith.constant 0 : index
      %get3A_98 = tpu.vector_load %arg14[%get3A_95, %get3A_96, %get3A_97] {strides = array<i32>} : memref<3x16x128xf32, #tpu.memory_space<vmem>>, vector<16xf32>,
      %add3A_99 = arith.addf %get3A_93, %get3A_98 : vector<16xf32>
      %get3A_100 = arith.constant 1 : i32
      %get3A_101 = arith.index_cast %get3A_100 : i32 to index
      %get3A_102 = arith.index_cast %scan3A_58 : i32 to index
      %get3A_103 = arith.constant 0 : index
      %get3A_104 = tpu.vector_load %arg14[%get3A_101, %get3A_102, %get3A_103] {strides = array<i32>} : memref<3x16x128xf32, #tpu.memory_space<vmem>>, vector<16xf32>,
      %add3A_105 = arith.addf %add3A_99, %get3A_104 : vector<16xf32>
      %get3A_106 = arith.constant 2 : i32
      %get3A_107 = arith.index_cast %get3A_106 : i32 to index
      %get3A_108 = arith.index_cast %scan3A_58 : i32 to index
      %get3A_109 = arith.constant 0 : index
      %get3A_110 = tpu.vector_load %arg14[%get3A_107, %get3A_108, %get3A_109] {strides = array<i32>} : memref<3x16x128xf32, #tpu.memory_space<vmem>>, vector<16xf32>,
      %add3A_111 = arith.addf %add3A_105, %get3A_110 : vector<16xf32>
      %swap3A = arith.index_cast %add3A_92 : i32 to index
      %swap3A_112 = tpu.vector_load %arg15[%swap3A] {strides = array<i32>} : memref<2048xf32, #tpu.memory_space<vmem>>, vector<16xf32>,
      tpu.vector_store %arg15[%swap3A], %add3A_111 {strides = array<i32>} : memref<2048xf32, #tpu.memory_space<vmem>>, vector<16xf32>,
      %mul3A_113 = arith.constant 128 : i32
      %mul3A_114 = arith.muli %scan3A_58, %mul3A_113 : i32
      %add3A_115 = arith.constant 16 : i32
      %add3A_116 = arith.addi %mul3A_114, %add3A_115 : i32
      %get3A_117 = arith.index_cast %add3A_116 : i32 to index
      %get3A_118 = tpu.vector_load %arg15[%get3A_117] {strides = array<i32>} : memref<2048xf32, #tpu.memory_space<vmem>>, vector<16xf32>,
      %get3A_119 = arith.constant 0 : i32
      %get3A_120 = arith.index_cast %get3A_119 : i32 to index
      %get3A_121 = arith.index_cast %scan3A_58 : i32 to index
      %get3A_122 = arith.constant 16 : index
      %get3A_123 = tpu.vector_load %arg14[%get3A_120, %get3A_121, %get3A_122] {strides = array<i32>} : memref<3x16x128xf32, #tpu.memory_space<vmem>>, vector<16xf32>,
      %add3A_124 = arith.addf %get3A_118, %get3A_123 : vector<16xf32>
      %get3A_125 = arith.constant 1 : i32
      %get3A_126 = arith.index_cast %get3A_125 : i32 to index
      %get3A_127 = arith.index_cast %scan3A_58 : i32 to index
      %get3A_128 = arith.constant 16 : index
      %get3A_129 = tpu.vector_load %arg14[%get3A_126, %get3A_127, %get3A_128] {strides = array<i32>} : memref<3x16x128xf32, #tpu.memory_space<vmem>>, vector<16xf32>,
      %add3A_130 = arith.addf %add3A_124, %get3A_129 : vector<16xf32>
      %get3A_131 = arith.constant 2 : i32
      %get3A_132 = arith.index_cast %get3A_131 : i32 to index
      %get3A_133 = arith.index_cast %scan3A_58 : i32 to index
      %get3A_134 = arith.constant 16 : index
      %get3A_135 = tpu.vector_load %arg14[%get3A_132, %get3A_133, %get3A_134] {strides = array<i32>} : memref<3x16x128xf32, #tpu.memory_space<vmem>>, vector<16xf32>,
      %add3A_136 = arith.addf %add3A_130, %get3A_135 : vector<16xf32>
      %swap3A_137 = arith.index_cast %add3A_116 : i32 to index
      %swap3A_138 = tpu.vector_load %arg15[%swap3A_137] {strides = array<i32>} : memref<2048xf32, #tpu.memory_space<vmem>>, vector<16xf32>,
      tpu.vector_store %arg15[%swap3A_137], %add3A_136 {strides = array<i32>} : memref<2048xf32, #tpu.memory_space<vmem>>, vector<16xf32>,
      %mul3A_139 = arith.constant 128 : i32
      %mul3A_140 = arith.muli %scan3A_58, %mul3A_139 : i32
      %add3A_141 = arith.constant 32 : i32
      %add3A_142 = arith.addi %mul3A_140, %add3A_141 : i32
      %get3A_143 = arith.index_cast %add3A_142 : i32 to index
      %get3A_144 = tpu.vector_load %arg15[%get3A_143] {strides = array<i32>} : memref<2048xf32, #tpu.memory_space<vmem>>, vector<16xf32>,
      %get3A_145 = arith.constant 0 : i32
      %get3A_146 = arith.index_cast %get3A_145 : i32 to index
      %get3A_147 = arith.index_cast %scan3A_58 : i32 to index
      %get3A_148 = arith.constant 32 : index
      %get3A_149 = tpu.vector_load %arg14[%get3A_146, %get3A_147, %get3A_148] {strides = array<i32>} : memref<3x16x128xf32, #tpu.memory_space<vmem>>, vector<16xf32>,
      %add3A_150 = arith.addf %get3A_144, %get3A_149 : vector<16xf32>
      %get3A_151 = arith.constant 1 : i32
      %get3A_152 = arith.index_cast %get3A_151 : i32 to index
      %get3A_153 = arith.index_cast %scan3A_58 : i32 to index
      %get3A_154 = arith.constant 32 : index
      %get3A_155 = tpu.vector_load %arg14[%get3A_152, %get3A_153, %get3A_154] {strides = array<i32>} : memref<3x16x128xf32, #tpu.memory_space<vmem>>, vector<16xf32>,
      %add3A_156 = arith.addf %add3A_150, %get3A_155 : vector<16xf32>
      %get3A_157 = arith.constant 2 : i32
      %get3A_158 = arith.index_cast %get3A_157 : i32 to index
      %get3A_159 = arith.index_cast %scan3A_58 : i32 to index
      %get3A_160 = arith.constant 32 : index
      %get3A_161 = tpu.vector_load %arg14[%get3A_158, %get3A_159, %get3A_160] {strides = array<i32>} : memref<3x16x128xf32, #tpu.memory_space<vmem>>, vector<16xf32>,
      %add3A_162 = arith.addf %add3A_156, %get3A_161 : vector<16xf32>
      %swap3A_163 = arith.index_cast %add3A_142 : i32 to index
      %swap3A_164 = tpu.vector_load %arg15[%swap3A_163] {strides = array<i32>} : memref<2048xf32, #tpu.memory_space<vmem>>, vector<16xf32>,
      tpu.vector_store %arg15[%swap3A_163], %add3A_162 {strides = array<i32>} : memref<2048xf32, #tpu.memory_space<vmem>>, vector<16xf32>,
      %mul3A_165 = arith.constant 128 : i32
      %mul3A_166 = arith.muli %scan3A_58, %mul3A_165 : i32
      %add3A_167 = arith.constant 48 : i32
      %add3A_168 = arith.addi %mul3A_166, %add3A_167 : i32
      %get3A_169 = arith.index_cast %add3A_168 : i32 to index
      %get3A_170 = tpu.vector_load %arg15[%get3A_169] {strides = array<i32>} : memref<2048xf32, #tpu.memory_space<vmem>>, vector<16xf32>,
      %get3A_171 = arith.constant 0 : i32
      %get3A_172 = arith.index_cast %get3A_171 : i32 to index
      %get3A_173 = arith.index_cast %scan3A_58 : i32 to index
      %get3A_174 = arith.constant 48 : index
      %get3A_175 = tpu.vector_load %arg14[%get3A_172, %get3A_173, %get3A_174] {strides = array<i32>} : memref<3x16x128xf32, #tpu.memory_space<vmem>>, vector<16xf32>,
      %add3A_176 = arith.addf %get3A_170, %get3A_175 : vector<16xf32>
      %get3A_177 = arith.constant 1 : i32
      %get3A_178 = arith.index_cast %get3A_177 : i32 to index
      %get3A_179 = arith.index_cast %scan3A_58 : i32 to index
      %get3A_180 = arith.constant 48 : index
      %get3A_181 = tpu.vector_load %arg14[%get3A_178, %get3A_179, %get3A_180] {strides = array<i32>} : memref<3x16x128xf32, #tpu.memory_space<vmem>>, vector<16xf32>,
      %add3A_182 = arith.addf %add3A_176, %get3A_181 : vector<16xf32>
      %get3A_183 = arith.constant 2 : i32
      %get3A_184 = arith.index_cast %get3A_183 : i32 to index
      %get3A_185 = arith.index_cast %scan3A_58 : i32 to index
      %get3A_186 = arith.constant 48 : index
      %get3A_187 = tpu.vector_load %arg14[%get3A_184, %get3A_185, %get3A_186] {strides = array<i32>} : memref<3x16x128xf32, #tpu.memory_space<vmem>>, vector<16xf32>,
      %add3A_188 = arith.addf %add3A_182, %get3A_187 : vector<16xf32>
      %swap3A_189 = arith.index_cast %add3A_168 : i32 to index
      %swap3A_190 = tpu.vector_load %arg15[%swap3A_189] {strides = array<i32>} : memref<2048xf32, #tpu.memory_space<vmem>>, vector<16xf32>,
      tpu.vector_store %arg15[%swap3A_189], %add3A_188 {strides = array<i32>} : memref<2048xf32, #tpu.memory_space<vmem>>, vector<16xf32>,
      %mul3A_191 = arith.constant 128 : i32
      %mul3A_192 = arith.muli %scan3A_58, %mul3A_191 : i32
      %add3A_193 = arith.constant 64 : i32
      %add3A_194 = arith.addi %mul3A_192, %add3A_193 : i32
      %get3A_195 = arith.index_cast %add3A_194 : i32 to index
      %get3A_196 = tpu.vector_load %arg15[%get3A_195] {strides = array<i32>} : memref<2048xf32, #tpu.memory_space<vmem>>, vector<16xf32>,
      %get3A_197 = arith.constant 0 : i32
      %get3A_198 = arith.index_cast %get3A_197 : i32 to index
      %get3A_199 = arith.index_cast %scan3A_58 : i32 to index
      %get3A_200 = arith.constant 64 : index
      %get3A_201 = tpu.vector_load %arg14[%get3A_198, %get3A_199, %get3A_200] {strides = array<i32>} : memref<3x16x128xf32, #tpu.memory_space<vmem>>, vector<16xf32>,
      %add3A_202 = arith.addf %get3A_196, %get3A_201 : vector<16xf32>
      %get3A_203 = arith.constant 1 : i32
      %get3A_204 = arith.index_cast %get3A_203 : i32 to index
      %get3A_205 = arith.index_cast %scan3A_58 : i32 to index
      %get3A_206 = arith.constant 64 : index
      %get3A_207 = tpu.vector_load %arg14[%get3A_204, %get3A_205, %get3A_206] {strides = array<i32>} : memref<3x16x128xf32, #tpu.memory_space<vmem>>, vector<16xf32>,
      %add3A_208 = arith.addf %add3A_202, %get3A_207 : vector<16xf32>
      %get3A_209 = arith.constant 2 : i32
      %get3A_210 = arith.index_cast %get3A_209 : i32 to index
      %get3A_211 = arith.index_cast %scan3A_58 : i32 to index
      %get3A_212 = arith.constant 64 : index
      %get3A_213 = tpu.vector_load %arg14[%get3A_210, %get3A_211, %get3A_212] {strides = array<i32>} : memref<3x16x128xf32, #tpu.memory_space<vmem>>, vector<16xf32>,
      %add3A_214 = arith.addf %add3A_208, %get3A_213 : vector<16xf32>
      %swap3A_215 = arith.index_cast %add3A_194 : i32 to index
      %swap3A_216 = tpu.vector_load %arg15[%swap3A_215] {strides = array<i32>} : memref<2048xf32, #tpu.memory_space<vmem>>, vector<16xf32>,
      tpu.vector_store %arg15[%swap3A_215], %add3A_214 {strides = array<i32>} : memref<2048xf32, #tpu.memory_space<vmem>>, vector<16xf32>,
      %mul3A_217 = arith.constant 128 : i32
      %mul3A_218 = arith.muli %scan3A_58, %mul3A_217 : i32
      %add3A_219 = arith.constant 80 : i32
      %add3A_220 = arith.addi %mul3A_218, %add3A_219 : i32
      %get3A_221 = arith.index_cast %add3A_220 : i32 to index
      %get3A_222 = tpu.vector_load %arg15[%get3A_221] {strides = array<i32>} : memref<2048xf32, #tpu.memory_space<vmem>>, vector<16xf32>,
      %get3A_223 = arith.constant 0 : i32
      %get3A_224 = arith.index_cast %get3A_223 : i32 to index
      %get3A_225 = arith.index_cast %scan3A_58 : i32 to index
      %get3A_226 = arith.constant 80 : index
      %get3A_227 = tpu.vector_load %arg14[%get3A_224, %get3A_225, %get3A_226] {strides = array<i32>} : memref<3x16x128xf32, #tpu.memory_space<vmem>>, vector<16xf32>,
      %add3A_228 = arith.addf %get3A_222, %get3A_227 : vector<16xf32>
      %get3A_229 = arith.constant 1 : i32
      %get3A_230 = arith.index_cast %get3A_229 : i32 to index
      %get3A_231 = arith.index_cast %scan3A_58 : i32 to index
      %get3A_232 = arith.constant 80 : index
      %get3A_233 = tpu.vector_load %arg14[%get3A_230, %get3A_231, %get3A_232] {strides = array<i32>} : memref<3x16x128xf32, #tpu.memory_space<vmem>>, vector<16xf32>,
      %add3A_234 = arith.addf %add3A_228, %get3A_233 : vector<16xf32>
      %get3A_235 = arith.constant 2 : i32
      %get3A_236 = arith.index_cast %get3A_235 : i32 to index
      %get3A_237 = arith.index_cast %scan3A_58 : i32 to index
      %get3A_238 = arith.constant 80 : index
      %get3A_239 = tpu.vector_load %arg14[%get3A_236, %get3A_237, %get3A_238] {strides = array<i32>} : memref<3x16x128xf32, #tpu.memory_space<vmem>>, vector<16xf32>,
      %add3A_240 = arith.addf %add3A_234, %get3A_239 : vector<16xf32>
      %swap3A_241 = arith.index_cast %add3A_220 : i32 to index
      %swap3A_242 = tpu.vector_load %arg15[%swap3A_241] {strides = array<i32>} : memref<2048xf32, #tpu.memory_space<vmem>>, vector<16xf32>,
      tpu.vector_store %arg15[%swap3A_241], %add3A_240 {strides = array<i32>} : memref<2048xf32, #tpu.memory_space<vmem>>, vector<16xf32>,
      %mul3A_243 = arith.constant 128 : i32
      %mul3A_244 = arith.muli %scan3A_58, %mul3A_243 : i32
      %add3A_245 = arith.constant 96 : i32
      %add3A_246 = arith.addi %mul3A_244, %add3A_245 : i32
      %get3A_247 = arith.index_cast %add3A_246 : i32 to index
      %get3A_248 = tpu.vector_load %arg15[%get3A_247] {strides = array<i32>} : memref<2048xf32, #tpu.memory_space<vmem>>, vector<16xf32>,
      %get3A_249 = arith.constant 0 : i32
      %get3A_250 = arith.index_cast %get3A_249 : i32 to index
      %get3A_251 = arith.index_cast %scan3A_58 : i32 to index
      %get3A_252 = arith.constant 96 : index
      %get3A_253 = tpu.vector_load %arg14[%get3A_250, %get3A_251, %get3A_252] {strides = array<i32>} : memref<3x16x128xf32, #tpu.memory_space<vmem>>, vector<16xf32>,
      %add3A_254 = arith.addf %get3A_248, %get3A_253 : vector<16xf32>
      %get3A_255 = arith.constant 1 : i32
      %get3A_256 = arith.index_cast %get3A_255 : i32 to index
      %get3A_257 = arith.index_cast %scan3A_58 : i32 to index
      %get3A_258 = arith.constant 96 : index
      %get3A_259 = tpu.vector_load %arg14[%get3A_256, %get3A_257, %get3A_258] {strides = array<i32>} : memref<3x16x128xf32, #tpu.memory_space<vmem>>, vector<16xf32>,
      %add3A_260 = arith.addf %add3A_254, %get3A_259 : vector<16xf32>
      %get3A_261 = arith.constant 2 : i32
      %get3A_262 = arith.index_cast %get3A_261 : i32 to index
      %get3A_263 = arith.index_cast %scan3A_58 : i32 to index
      %get3A_264 = arith.constant 96 : index
      %get3A_265 = tpu.vector_load %arg14[%get3A_262, %get3A_263, %get3A_264] {strides = array<i32>} : memref<3x16x128xf32, #tpu.memory_space<vmem>>, vector<16xf32>,
      %add3A_266 = arith.addf %add3A_260, %get3A_265 : vector<16xf32>
      %swap3A_267 = arith.index_cast %add3A_246 : i32 to index
      %swap3A_268 = tpu.vector_load %arg15[%swap3A_267] {strides = array<i32>} : memref<2048xf32, #tpu.memory_space<vmem>>, vector<16xf32>,
      tpu.vector_store %arg15[%swap3A_267], %add3A_266 {strides = array<i32>} : memref<2048xf32, #tpu.memory_space<vmem>>, vector<16xf32>,
      %mul3A_269 = arith.constant 128 : i32
      %mul3A_270 = arith.muli %scan3A_58, %mul3A_269 : i32
      %add3A_271 = arith.constant 112 : i32
      %add3A_272 = arith.addi %mul3A_270, %add3A_271 : i32
      %get3A_273 = arith.index_cast %add3A_272 : i32 to index
      %get3A_274 = tpu.vector_load %arg15[%get3A_273] {strides = array<i32>} : memref<2048xf32, #tpu.memory_space<vmem>>, vector<16xf32>,
      %get3A_275 = arith.constant 0 : i32
      %get3A_276 = arith.index_cast %get3A_275 : i32 to index
      %get3A_277 = arith.index_cast %scan3A_58 : i32 to index
      %get3A_278 = arith.constant 112 : index
      %get3A_279 = tpu.vector_load %arg14[%get3A_276, %get3A_277, %get3A_278] {strides = array<i32>} : memref<3x16x128xf32, #tpu.memory_space<vmem>>, vector<16xf32>,
      %add3A_280 = arith.addf %get3A_274, %get3A_279 : vector<16xf32>
      %get3A_281 = arith.constant 1 : i32
      %get3A_282 = arith.index_cast %get3A_281 : i32 to index
      %get3A_283 = arith.index_cast %scan3A_58 : i32 to index
      %get3A_284 = arith.constant 112 : index
      %get3A_285 = tpu.vector_load %arg14[%get3A_282, %get3A_283, %get3A_284] {strides = array<i32>} : memref<3x16x128xf32, #tpu.memory_space<vmem>>, vector<16xf32>,
      %add3A_286 = arith.addf %add3A_280, %get3A_285 : vector<16xf32>
      %get3A_287 = arith.constant 2 : i32
      %get3A_288 = arith.index_cast %get3A_287 : i32 to index
      %get3A_289 = arith.index_cast %scan3A_58 : i32 to index
      %get3A_290 = arith.constant 112 : index
      %get3A_291 = tpu.vector_load %arg14[%get3A_288, %get3A_289, %get3A_290] {strides = array<i32>} : memref<3x16x128xf32, #tpu.memory_space<vmem>>, vector<16xf32>,
      %add3A_292 = arith.addf %add3A_286, %get3A_291 : vector<16xf32>
      %swap3A_293 = arith.index_cast %add3A_272 : i32 to index
      %swap3A_294 = tpu.vector_load %arg15[%swap3A_293] {strides = array<i32>} : memref<2048xf32, #tpu.memory_space<vmem>>, vector<16xf32>,
      tpu.vector_store %arg15[%swap3A_293], %add3A_292 {strides = array<i32>} : memref<2048xf32, #tpu.memory_space<vmem>>, vector<16xf32>,
    }
    %scan3A_55 = arith.constant 5 : i32
    "tpu.region"() ({
      %run_scoped3A = tpu.sem_alloc : memref<!tpu.dma_semaphore, #tpu.memory_space<semaphore_mem>>
      %dma_start3A_58 = arith.constant 0 : i32
      %dma_start3A_59 = tpu.memref_slice %arg15[%dma_start3A_58] : memref<2048xf32, #tpu.memory_space<vmem>> -> memref<528xf32, #tpu.memory_space<vmem>>
      %dma_start3A_60 = tpu.memref_slice %arg9[%add3A_9] : memref<1000000xf32, #tpu.memory_space<hbm>> -> memref<528xf32, #tpu.memory_space<hbm>>
      %dma_start3A_61 = tpu.memref_slice %arg9[%add3A_9] : memref<1000000xf32, #tpu.memory_space<hbm>> -> memref<528xf32, #tpu.memory_space<hbm>>
      %dma_start3A_62 = arith.constant 0 : i32
      %dma_start3A_63 = tpu.memref_slice %arg15[%dma_start3A_62] : memref<2048xf32, #tpu.memory_space<vmem>> -> memref<528xf32, #tpu.memory_space<vmem>>
      tpu.enqueue_dma source(%dma_start3A_63 : memref<528xf32, #tpu.memory_space<vmem>>) target(%dma_start3A_61 : memref<528xf32, #tpu.memory_space<hbm>>) target_semaphore(%run_scoped3A : memref<!tpu.dma_semaphore, #tpu.memory_space<semaphore_mem>>)
      %dma_wait3A_64 = arith.constant 0 : i32
      %dma_wait3A_65 = tpu.memref_slice %arg15[%dma_wait3A_64] : memref<2048xf32, #tpu.memory_space<vmem>> -> memref<528xf32, #tpu.memory_space<vmem>>
      %dma_wait3A_66 = tpu.memref_slice %arg9[%add3A_9] : memref<1000000xf32, #tpu.memory_space<hbm>> -> memref<528xf32, #tpu.memory_space<hbm>>
      %dma_wait3A_67 = tpu.memref_slice %arg9[%add3A_9] : memref<1000000xf32, #tpu.memory_space<hbm>> -> memref<528xf32, #tpu.memory_space<hbm>>
      %dma_wait3A_68 = arith.constant 0 : i32
      %dma_wait3A_69 = tpu.memref_slice %arg15[%dma_wait3A_68] : memref<2048xf32, #tpu.memory_space<vmem>> -> memref<528xf32, #tpu.memory_space<vmem>>
      tpu.wait_dma2 semaphore(%run_scoped3A : memref<!tpu.dma_semaphore, #tpu.memory_space<semaphore_mem>>) src(%dma_wait3A_69 : memref<528xf32, #tpu.memory_space<vmem>>) dst(%dma_wait3A_67 : memref<528xf32, #tpu.memory_space<hbm>>)
      tpu.yield
    }) : () -> ()
    %eq3A = arith.constant 31 : i32
    %eq3A_56 = arith.cmpi eq, %add3A, %eq3A : i32
    %convert_element_type3A = arith.extui %eq3A_56 : i1 to i32
    %cond3A = arith.constant 0 : i32
    %cond3A_57 = arith.cmpi ne, %convert_element_type3A, %cond3A : i32
    scf.if %cond3A_57 {
      %dma_start3A_58 = arith.constant 0 : i32
      %dma_start3A_59 = tpu.memref_slice %arg10[%dma_start3A_58] : memref<2048xf32, #tpu.memory_space<vmem>> -> memref<64xf32, #tpu.memory_space<vmem>>
      %dma_start3A_60 = arith.constant 999936 : i32
      %dma_start3A_61 = tpu.memref_slice %arg2[%dma_start3A_60] : memref<1000000xf32, #tpu.memory_space<hbm>> -> memref<64xf32, #tpu.memory_space<hbm>>
      %dma_start3A_62 = arith.constant 0 : i32
      %dma_start3A_63 = tpu.memref_slice %arg10[%dma_start3A_62] : memref<2048xf32, #tpu.memory_space<vmem>> -> memref<64xf32, #tpu.memory_space<vmem>>
      %dma_start3A_64 = arith.constant 999936 : i32
      %dma_start3A_65 = tpu.memref_slice %arg2[%dma_start3A_64] : memref<1000000xf32, #tpu.memory_space<hbm>> -> memref<64xf32, #tpu.memory_space<hbm>>
      tpu.enqueue_dma source(%dma_start3A_65 : memref<64xf32, #tpu.memory_space<hbm>>) target(%dma_start3A_63 : memref<64xf32, #tpu.memory_space<vmem>>) target_semaphore(%arg17 : memref<!tpu.dma_semaphore, #tpu.memory_space<semaphore_mem>>)
      %dma_start3A_66 = arith.constant 0 : i32
      %dma_start3A_67 = tpu.memref_slice %arg11[%dma_start3A_66] : memref<2048xf32, #tpu.memory_space<vmem>> -> memref<64xf32, #tpu.memory_space<vmem>>
      %dma_start3A_68 = arith.constant 999936 : i32
      %dma_start3A_69 = tpu.memref_slice %arg3[%dma_start3A_68] : memref<1000000xf32, #tpu.memory_space<hbm>> -> memref<64xf32, #tpu.memory_space<hbm>>
      %dma_start3A_70 = arith.constant 0 : i32
      %dma_start3A_71 = tpu.memref_slice %arg11[%dma_start3A_70] : memref<2048xf32, #tpu.memory_space<vmem>> -> memref<64xf32, #tpu.memory_space<vmem>>
      %dma_start3A_72 = arith.constant 999936 : i32
      %dma_start3A_73 = tpu.memref_slice %arg3[%dma_start3A_72] : memref<1000000xf32, #tpu.memory_space<hbm>> -> memref<64xf32, #tpu.memory_space<hbm>>
      tpu.enqueue_dma source(%dma_start3A_73 : memref<64xf32, #tpu.memory_space<hbm>>) target(%dma_start3A_71 : memref<64xf32, #tpu.memory_space<vmem>>) target_semaphore(%arg17 : memref<!tpu.dma_semaphore, #tpu.memory_space<semaphore_mem>>)
      %dma_start3A_74 = arith.constant 0 : i32
      %dma_start3A_75 = tpu.memref_slice %arg12[%dma_start3A_74] : memref<2048xf32, #tpu.memory_space<vmem>> -> memref<64xf32, #tpu.memory_space<vmem>>
      %dma_start3A_76 = arith.constant 999936 : i32
      %dma_start3A_77 = tpu.memref_slice %arg4[%dma_start3A_76] : memref<1000000xf32, #tpu.memory_space<hbm>> -> memref<64xf32, #tpu.memory_space<hbm>>
      %dma_start3A_78 = arith.constant 0 : i32
      %dma_start3A_79 = tpu.memref_slice %arg12[%dma_start3A_78] : memref<2048xf32, #tpu.memory_space<vmem>> -> memref<64xf32, #tpu.memory_space<vmem>>
      %dma_start3A_80 = arith.constant 999936 : i32
      %dma_start3A_81 = tpu.memref_slice %arg4[%dma_start3A_80] : memref<1000000xf32, #tpu.memory_space<hbm>> -> memref<64xf32, #tpu.memory_space<hbm>>
      tpu.enqueue_dma source(%dma_start3A_81 : memref<64xf32, #tpu.memory_space<hbm>>) target(%dma_start3A_79 : memref<64xf32, #tpu.memory_space<vmem>>) target_semaphore(%arg17 : memref<!tpu.dma_semaphore, #tpu.memory_space<semaphore_mem>>)
      %dma_wait3A_82 = arith.constant 0 : i32
      %dma_wait3A_83 = tpu.memref_slice %arg10[%dma_wait3A_82] : memref<2048xf32, #tpu.memory_space<vmem>> -> memref<64xf32, #tpu.memory_space<vmem>>
      %dma_wait3A_84 = arith.constant 999936 : i32
      %dma_wait3A_85 = tpu.memref_slice %arg2[%dma_wait3A_84] : memref<1000000xf32, #tpu.memory_space<hbm>> -> memref<64xf32, #tpu.memory_space<hbm>>
      %dma_wait3A_86 = arith.constant 0 : i32
      %dma_wait3A_87 = tpu.memref_slice %arg10[%dma_wait3A_86] : memref<2048xf32, #tpu.memory_space<vmem>> -> memref<64xf32, #tpu.memory_space<vmem>>
      %dma_wait3A_88 = arith.constant 999936 : i32
      %dma_wait3A_89 = tpu.memref_slice %arg2[%dma_wait3A_88] : memref<1000000xf32, #tpu.memory_space<hbm>> -> memref<64xf32, #tpu.memory_space<hbm>>
      tpu.wait_dma2 semaphore(%arg17 : memref<!tpu.dma_semaphore, #tpu.memory_space<semaphore_mem>>) src(%dma_wait3A_89 : memref<64xf32, #tpu.memory_space<hbm>>) dst(%dma_wait3A_87 : memref<64xf32, #tpu.memory_space<vmem>>)
      %dma_wait3A_90 = arith.constant 0 : i32
      %dma_wait3A_91 = tpu.memref_slice %arg11[%dma_wait3A_90] : memref<2048xf32, #tpu.memory_space<vmem>> -> memref<64xf32, #tpu.memory_space<vmem>>
      %dma_wait3A_92 = arith.constant 999936 : i32
      %dma_wait3A_93 = tpu.memref_slice %arg3[%dma_wait3A_92] : memref<1000000xf32, #tpu.memory_space<hbm>> -> memref<64xf32, #tpu.memory_space<hbm>>
      %dma_wait3A_94 = arith.constant 0 : i32
      %dma_wait3A_95 = tpu.memref_slice %arg11[%dma_wait3A_94] : memref<2048xf32, #tpu.memory_space<vmem>> -> memref<64xf32, #tpu.memory_space<vmem>>
      %dma_wait3A_96 = arith.constant 999936 : i32
      %dma_wait3A_97 = tpu.memref_slice %arg3[%dma_wait3A_96] : memref<1000000xf32, #tpu.memory_space<hbm>> -> memref<64xf32, #tpu.memory_space<hbm>>
      tpu.wait_dma2 semaphore(%arg17 : memref<!tpu.dma_semaphore, #tpu.memory_space<semaphore_mem>>) src(%dma_wait3A_97 : memref<64xf32, #tpu.memory_space<hbm>>) dst(%dma_wait3A_95 : memref<64xf32, #tpu.memory_space<vmem>>)
      %dma_wait3A_98 = arith.constant 0 : i32
      %dma_wait3A_99 = tpu.memref_slice %arg12[%dma_wait3A_98] : memref<2048xf32, #tpu.memory_space<vmem>> -> memref<64xf32, #tpu.memory_space<vmem>>
      %dma_wait3A_100 = arith.constant 999936 : i32
      %dma_wait3A_101 = tpu.memref_slice %arg4[%dma_wait3A_100] : memref<1000000xf32, #tpu.memory_space<hbm>> -> memref<64xf32, #tpu.memory_space<hbm>>
      %dma_wait3A_102 = arith.constant 0 : i32
      %dma_wait3A_103 = tpu.memref_slice %arg12[%dma_wait3A_102] : memref<2048xf32, #tpu.memory_space<vmem>> -> memref<64xf32, #tpu.memory_space<vmem>>
      %dma_wait3A_104 = arith.constant 999936 : i32
      %dma_wait3A_105 = tpu.memref_slice %arg4[%dma_wait3A_104] : memref<1000000xf32, #tpu.memory_space<hbm>> -> memref<64xf32, #tpu.memory_space<hbm>>
      tpu.wait_dma2 semaphore(%arg17 : memref<!tpu.dma_semaphore, #tpu.memory_space<semaphore_mem>>) src(%dma_wait3A_105 : memref<64xf32, #tpu.memory_space<hbm>>) dst(%dma_wait3A_103 : memref<64xf32, #tpu.memory_space<vmem>>)
      %scan3A_106 = arith.constant 0 : i32
      %scan3A_107 = arith.constant 0 : i32
      %mul3A_108 = arith.constant 128 : i32
      %mul3A_109 = arith.muli %scan3A_107, %mul3A_108 : i32
      %add3A_110 = arith.constant 0 : i32
      %add3A_111 = arith.addi %mul3A_109, %add3A_110 : i32
      %get3A = arith.index_cast %add3A_111 : i32 to index
      %get3A_112 = tpu.vector_load %arg10[%get3A] {strides = array<i32>} : memref<2048xf32, #tpu.memory_space<vmem>>, vector<16xf32>,
      %get3A_113 = arith.index_cast %add3A_111 : i32 to index
      %get3A_114 = tpu.vector_load %arg11[%get3A_113] {strides = array<i32>} : memref<2048xf32, #tpu.memory_space<vmem>>, vector<16xf32>,
      %get3A_115 = arith.index_cast %add3A_111 : i32 to index
      %get3A_116 = tpu.vector_load %arg12[%get3A_115] {strides = array<i32>} : memref<2048xf32, #tpu.memory_space<vmem>>, vector<16xf32>,
      %mul3A_117 = arith.constant 3.100000e+01 : f32
      %mul3A_118 = vector.broadcast %mul3A_117 : f32 to vector<16xf32>
      %mul3A_119 = arith.mulf %get3A_112, %mul3A_118 : vector<16xf32>
      %convert_element_type3A_120 = arith.fptosi %mul3A_119 : vector<16xf32> to vector<16xi32>
      %mul3A_121 = arith.constant 3.100000e+01 : f32
      %mul3A_122 = vector.broadcast %mul3A_121 : f32 to vector<16xf32>
      %mul3A_123 = arith.mulf %get3A_114, %mul3A_122 : vector<16xf32>
      %convert_element_type3A_124 = arith.fptosi %mul3A_123 : vector<16xf32> to vector<16xi32>
      %mul3A_125 = arith.constant 3.100000e+01 : f32
      %mul3A_126 = vector.broadcast %mul3A_125 : f32 to vector<16xf32>
      %mul3A_127 = arith.mulf %get3A_116, %mul3A_126 : vector<16xf32>
      %convert_element_type3A_128 = arith.fptosi %mul3A_127 : vector<16xf32> to vector<16xi32>
      %mul3A_129 = arith.constant 32 : i32
      %mul3A_130 = vector.broadcast %mul3A_129 : i32 to vector<16xi32>
      %mul3A_131 = arith.muli %convert_element_type3A_124, %mul3A_130 : vector<16xi32>
      %add3A_132 = arith.addi %convert_element_type3A_120, %mul3A_131 : vector<16xi32>
      %mul3A_133 = arith.constant 1024 : i32
      %mul3A_134 = vector.broadcast %mul3A_133 : i32 to vector<16xi32>
      %mul3A_135 = arith.muli %convert_element_type3A_128, %mul3A_134 : vector<16xi32>
      %add3A_136 = arith.addi %add3A_132, %mul3A_135 : vector<16xi32>
      %max3A = arith.constant 0 : i32
      %max3A_137 = vector.broadcast %max3A : i32 to vector<16xi32>
      %max3A_138 = arith.maxsi %add3A_136, %max3A_137 : vector<16xi32>
      %min3A = arith.constant 32767 : i32
      %min3A_139 = vector.broadcast %min3A : i32 to vector<16xi32>
      %min3A_140 = arith.minsi %max3A_138, %min3A_139 : vector<16xi32>
      %gather3A = tpu.vector_load_idx %arg16[%min3A_140] : memref<32768xf32, #tpu.memory_space<vmem>>[vector<16xi32>], vector<16xf32>,
      %swap3A = arith.index_cast %add3A_111 : i32 to index
      %swap3A_141 = tpu.vector_load %arg15[%swap3A] {strides = array<i32>} : memref<2048xf32, #tpu.memory_space<vmem>>, vector<16xf32>,
      tpu.vector_store %arg15[%swap3A], %gather3A {strides = array<i32>} : memref<2048xf32, #tpu.memory_space<vmem>>, vector<16xf32>,
      %mul3A_142 = arith.constant 6.300000e+01 : f32
      %mul3A_143 = vector.broadcast %mul3A_142 : f32 to vector<16xf32>
      %mul3A_144 = arith.mulf %get3A_112, %mul3A_143 : vector<16xf32>
      %convert_element_type3A_145 = arith.fptosi %mul3A_144 : vector<16xf32> to vector<16xi32>
      %mul3A_146 = arith.constant 6.300000e+01 : f32
      %mul3A_147 = vector.broadcast %mul3A_146 : f32 to vector<16xf32>
      %mul3A_148 = arith.mulf %get3A_114, %mul3A_147 : vector<16xf32>
      %convert_element_type3A_149 = arith.fptosi %mul3A_148 : vector<16xf32> to vector<16xi32>
      %mul3A_150 = arith.constant 6.300000e+01 : f32
      %mul3A_151 = vector.broadcast %mul3A_150 : f32 to vector<16xf32>
      %mul3A_152 = arith.mulf %get3A_116, %mul3A_151 : vector<16xf32>
      %convert_element_type3A_153 = arith.fptosi %mul3A_152 : vector<16xf32> to vector<16xi32>
      %mul3A_154 = arith.constant 64 : i32
      %mul3A_155 = vector.broadcast %mul3A_154 : i32 to vector<16xi32>
      %mul3A_156 = arith.muli %convert_element_type3A_149, %mul3A_155 : vector<16xi32>
      %add3A_157 = arith.addi %convert_element_type3A_145, %mul3A_156 : vector<16xi32>
      %mul3A_158 = arith.constant 4096 : i32
      %mul3A_159 = vector.broadcast %mul3A_158 : i32 to vector<16xi32>
      %mul3A_160 = arith.muli %convert_element_type3A_153, %mul3A_159 : vector<16xi32>
      %add3A_161 = arith.addi %add3A_157, %mul3A_160 : vector<16xi32>
      %max3A_162 = arith.constant 0 : i32
      %max3A_163 = vector.broadcast %max3A_162 : i32 to vector<16xi32>
      %max3A_164 = arith.maxsi %add3A_161, %max3A_163 : vector<16xi32>
      %min3A_165 = arith.constant 262143 : i32
      %min3A_166 = vector.broadcast %min3A_165 : i32 to vector<16xi32>
      %min3A_167 = arith.minsi %max3A_164, %min3A_166 : vector<16xi32>
      %swap3A_168 = arith.constant 0 : i32
      %swap3A_169 = arith.index_cast %swap3A_168 : i32 to index
      %swap3A_170 = arith.index_cast %scan3A_107 : i32 to index
      %swap3A_171 = arith.constant 0 : index
      %swap3A_172 = tpu.vector_load %arg13[%swap3A_169, %swap3A_170, %swap3A_171] {strides = array<i32>} : memref<3x16x128xi32, #tpu.memory_space<vmem>>, vector<16xi32>,
      tpu.vector_store %arg13[%swap3A_169, %swap3A_170, %swap3A_171], %min3A_167 {strides = array<i32>} : memref<3x16x128xi32, #tpu.memory_space<vmem>>, vector<16xi32>,
      %mul3A_173 = arith.constant 1.270000e+02 : f32
      %mul3A_174 = vector.broadcast %mul3A_173 : f32 to vector<16xf32>
      %mul3A_175 = arith.mulf %get3A_112, %mul3A_174 : vector<16xf32>
      %convert_element_type3A_176 = arith.fptosi %mul3A_175 : vector<16xf32> to vector<16xi32>
      %mul3A_177 = arith.constant 1.270000e+02 : f32
      %mul3A_178 = vector.broadcast %mul3A_177 : f32 to vector<16xf32>
      %mul3A_179 = arith.mulf %get3A_114, %mul3A_178 : vector<16xf32>
      %convert_element_type3A_180 = arith.fptosi %mul3A_179 : vector<16xf32> to vector<16xi32>
      %mul3A_181 = arith.constant 1.270000e+02 : f32
      %mul3A_182 = vector.broadcast %mul3A_181 : f32 to vector<16xf32>
      %mul3A_183 = arith.mulf %get3A_116, %mul3A_182 : vector<16xf32>
      %convert_element_type3A_184 = arith.fptosi %mul3A_183 : vector<16xf32> to vector<16xi32>
      %mul3A_185 = arith.constant 128 : i32
      %mul3A_186 = vector.broadcast %mul3A_185 : i32 to vector<16xi32>
      %mul3A_187 = arith.muli %convert_element_type3A_180, %mul3A_186 : vector<16xi32>
      %add3A_188 = arith.addi %convert_element_type3A_176, %mul3A_187 : vector<16xi32>
      %mul3A_189 = arith.constant 16384 : i32
      %mul3A_190 = vector.broadcast %mul3A_189 : i32 to vector<16xi32>
      %mul3A_191 = arith.muli %convert_element_type3A_184, %mul3A_190 : vector<16xi32>
      %add3A_192 = arith.addi %add3A_188, %mul3A_191 : vector<16xi32>
      %max3A_193 = arith.constant 0 : i32
      %max3A_194 = vector.broadcast %max3A_193 : i32 to vector<16xi32>
      %max3A_195 = arith.maxsi %add3A_192, %max3A_194 : vector<16xi32>
      %min3A_196 = arith.constant 2097151 : i32
      %min3A_197 = vector.broadcast %min3A_196 : i32 to vector<16xi32>
      %min3A_198 = arith.minsi %max3A_195, %min3A_197 : vector<16xi32>
      %swap3A_199 = arith.constant 1 : i32
      %swap3A_200 = arith.index_cast %swap3A_199 : i32 to index
      %swap3A_201 = arith.index_cast %scan3A_107 : i32 to index
      %swap3A_202 = arith.constant 0 : index
      %swap3A_203 = tpu.vector_load %arg13[%swap3A_200, %swap3A_201, %swap3A_202] {strides = array<i32>} : memref<3x16x128xi32, #tpu.memory_space<vmem>>, vector<16xi32>,
      tpu.vector_store %arg13[%swap3A_200, %swap3A_201, %swap3A_202], %min3A_198 {strides = array<i32>} : memref<3x16x128xi32, #tpu.memory_space<vmem>>, vector<16xi32>,
      %mul3A_204 = arith.constant 2.550000e+02 : f32
      %mul3A_205 = vector.broadcast %mul3A_204 : f32 to vector<16xf32>
      %mul3A_206 = arith.mulf %get3A_112, %mul3A_205 : vector<16xf32>
      %convert_element_type3A_207 = arith.fptosi %mul3A_206 : vector<16xf32> to vector<16xi32>
      %mul3A_208 = arith.constant 2.550000e+02 : f32
      %mul3A_209 = vector.broadcast %mul3A_208 : f32 to vector<16xf32>
      %mul3A_210 = arith.mulf %get3A_114, %mul3A_209 : vector<16xf32>
      %convert_element_type3A_211 = arith.fptosi %mul3A_210 : vector<16xf32> to vector<16xi32>
      %mul3A_212 = arith.constant 2.550000e+02 : f32
      %mul3A_213 = vector.broadcast %mul3A_212 : f32 to vector<16xf32>
      %mul3A_214 = arith.mulf %get3A_116, %mul3A_213 : vector<16xf32>
      %convert_element_type3A_215 = arith.fptosi %mul3A_214 : vector<16xf32> to vector<16xi32>
      %mul3A_216 = arith.constant 256 : i32
      %mul3A_217 = vector.broadcast %mul3A_216 : i32 to vector<16xi32>
      %mul3A_218 = arith.muli %convert_element_type3A_211, %mul3A_217 : vector<16xi32>
      %add3A_219 = arith.addi %convert_element_type3A_207, %mul3A_218 : vector<16xi32>
      %mul3A_220 = arith.constant 65536 : i32
      %mul3A_221 = vector.broadcast %mul3A_220 : i32 to vector<16xi32>
      %mul3A_222 = arith.muli %convert_element_type3A_215, %mul3A_221 : vector<16xi32>
      %add3A_223 = arith.addi %add3A_219, %mul3A_222 : vector<16xi32>
      %max3A_224 = arith.constant 0 : i32
      %max3A_225 = vector.broadcast %max3A_224 : i32 to vector<16xi32>
      %max3A_226 = arith.maxsi %add3A_223, %max3A_225 : vector<16xi32>
      %min3A_227 = arith.constant 16777215 : i32
      %min3A_228 = vector.broadcast %min3A_227 : i32 to vector<16xi32>
      %min3A_229 = arith.minsi %max3A_226, %min3A_228 : vector<16xi32>
      %swap3A_230 = arith.constant 2 : i32
      %swap3A_231 = arith.index_cast %swap3A_230 : i32 to index
      %swap3A_232 = arith.index_cast %scan3A_107 : i32 to index
      %swap3A_233 = arith.constant 0 : index
      %swap3A_234 = tpu.vector_load %arg13[%swap3A_231, %swap3A_232, %swap3A_233] {strides = array<i32>} : memref<3x16x128xi32, #tpu.memory_space<vmem>>, vector<16xi32>,
      tpu.vector_store %arg13[%swap3A_231, %swap3A_232, %swap3A_233], %min3A_229 {strides = array<i32>} : memref<3x16x128xi32, #tpu.memory_space<vmem>>, vector<16xi32>,
      %mul3A_235 = arith.constant 128 : i32
      %mul3A_236 = arith.muli %scan3A_107, %mul3A_235 : i32
      %add3A_237 = arith.constant 16 : i32
      %add3A_238 = arith.addi %mul3A_236, %add3A_237 : i32
      %get3A_239 = arith.index_cast %add3A_238 : i32 to index
      %get3A_240 = tpu.vector_load %arg10[%get3A_239] {strides = array<i32>} : memref<2048xf32, #tpu.memory_space<vmem>>, vector<16xf32>,
      %get3A_241 = arith.index_cast %add3A_238 : i32 to index
      %get3A_242 = tpu.vector_load %arg11[%get3A_241] {strides = array<i32>} : memref<2048xf32, #tpu.memory_space<vmem>>, vector<16xf32>,
      %get3A_243 = arith.index_cast %add3A_238 : i32 to index
      %get3A_244 = tpu.vector_load %arg12[%get3A_243] {strides = array<i32>} : memref<2048xf32, #tpu.memory_space<vmem>>, vector<16xf32>,
      %mul3A_245 = arith.constant 3.100000e+01 : f32
      %mul3A_246 = vector.broadcast %mul3A_245 : f32 to vector<16xf32>
      %mul3A_247 = arith.mulf %get3A_240, %mul3A_246 : vector<16xf32>
      %convert_element_type3A_248 = arith.fptosi %mul3A_247 : vector<16xf32> to vector<16xi32>
      %mul3A_249 = arith.constant 3.100000e+01 : f32
      %mul3A_250 = vector.broadcast %mul3A_249 : f32 to vector<16xf32>
      %mul3A_251 = arith.mulf %get3A_242, %mul3A_250 : vector<16xf32>
      %convert_element_type3A_252 = arith.fptosi %mul3A_251 : vector<16xf32> to vector<16xi32>
      %mul3A_253 = arith.constant 3.100000e+01 : f32
      %mul3A_254 = vector.broadcast %mul3A_253 : f32 to vector<16xf32>
      %mul3A_255 = arith.mulf %get3A_244, %mul3A_254 : vector<16xf32>
      %convert_element_type3A_256 = arith.fptosi %mul3A_255 : vector<16xf32> to vector<16xi32>
      %mul3A_257 = arith.constant 32 : i32
      %mul3A_258 = vector.broadcast %mul3A_257 : i32 to vector<16xi32>
      %mul3A_259 = arith.muli %convert_element_type3A_252, %mul3A_258 : vector<16xi32>
      %add3A_260 = arith.addi %convert_element_type3A_248, %mul3A_259 : vector<16xi32>
      %mul3A_261 = arith.constant 1024 : i32
      %mul3A_262 = vector.broadcast %mul3A_261 : i32 to vector<16xi32>
      %mul3A_263 = arith.muli %convert_element_type3A_256, %mul3A_262 : vector<16xi32>
      %add3A_264 = arith.addi %add3A_260, %mul3A_263 : vector<16xi32>
      %max3A_265 = arith.constant 0 : i32
      %max3A_266 = vector.broadcast %max3A_265 : i32 to vector<16xi32>
      %max3A_267 = arith.maxsi %add3A_264, %max3A_266 : vector<16xi32>
      %min3A_268 = arith.constant 32767 : i32
      %min3A_269 = vector.broadcast %min3A_268 : i32 to vector<16xi32>
      %min3A_270 = arith.minsi %max3A_267, %min3A_269 : vector<16xi32>
      %gather3A_271 = tpu.vector_load_idx %arg16[%min3A_270] : memref<32768xf32, #tpu.memory_space<vmem>>[vector<16xi32>], vector<16xf32>,
      %swap3A_272 = arith.index_cast %add3A_238 : i32 to index
      %swap3A_273 = tpu.vector_load %arg15[%swap3A_272] {strides = array<i32>} : memref<2048xf32, #tpu.memory_space<vmem>>, vector<16xf32>,
      tpu.vector_store %arg15[%swap3A_272], %gather3A_271 {strides = array<i32>} : memref<2048xf32, #tpu.memory_space<vmem>>, vector<16xf32>,
      %mul3A_274 = arith.constant 6.300000e+01 : f32
      %mul3A_275 = vector.broadcast %mul3A_274 : f32 to vector<16xf32>
      %mul3A_276 = arith.mulf %get3A_240, %mul3A_275 : vector<16xf32>
      %convert_element_type3A_277 = arith.fptosi %mul3A_276 : vector<16xf32> to vector<16xi32>
      %mul3A_278 = arith.constant 6.300000e+01 : f32
      %mul3A_279 = vector.broadcast %mul3A_278 : f32 to vector<16xf32>
      %mul3A_280 = arith.mulf %get3A_242, %mul3A_279 : vector<16xf32>
      %convert_element_type3A_281 = arith.fptosi %mul3A_280 : vector<16xf32> to vector<16xi32>
      %mul3A_282 = arith.constant 6.300000e+01 : f32
      %mul3A_283 = vector.broadcast %mul3A_282 : f32 to vector<16xf32>
      %mul3A_284 = arith.mulf %get3A_244, %mul3A_283 : vector<16xf32>
      %convert_element_type3A_285 = arith.fptosi %mul3A_284 : vector<16xf32> to vector<16xi32>
      %mul3A_286 = arith.constant 64 : i32
      %mul3A_287 = vector.broadcast %mul3A_286 : i32 to vector<16xi32>
      %mul3A_288 = arith.muli %convert_element_type3A_281, %mul3A_287 : vector<16xi32>
      %add3A_289 = arith.addi %convert_element_type3A_277, %mul3A_288 : vector<16xi32>
      %mul3A_290 = arith.constant 4096 : i32
      %mul3A_291 = vector.broadcast %mul3A_290 : i32 to vector<16xi32>
      %mul3A_292 = arith.muli %convert_element_type3A_285, %mul3A_291 : vector<16xi32>
      %add3A_293 = arith.addi %add3A_289, %mul3A_292 : vector<16xi32>
      %max3A_294 = arith.constant 0 : i32
      %max3A_295 = vector.broadcast %max3A_294 : i32 to vector<16xi32>
      %max3A_296 = arith.maxsi %add3A_293, %max3A_295 : vector<16xi32>
      %min3A_297 = arith.constant 262143 : i32
      %min3A_298 = vector.broadcast %min3A_297 : i32 to vector<16xi32>
      %min3A_299 = arith.minsi %max3A_296, %min3A_298 : vector<16xi32>
      %swap3A_300 = arith.constant 0 : i32
      %swap3A_301 = arith.index_cast %swap3A_300 : i32 to index
      %swap3A_302 = arith.index_cast %scan3A_107 : i32 to index
      %swap3A_303 = arith.constant 16 : index
      %swap3A_304 = tpu.vector_load %arg13[%swap3A_301, %swap3A_302, %swap3A_303] {strides = array<i32>} : memref<3x16x128xi32, #tpu.memory_space<vmem>>, vector<16xi32>,
      tpu.vector_store %arg13[%swap3A_301, %swap3A_302, %swap3A_303], %min3A_299 {strides = array<i32>} : memref<3x16x128xi32, #tpu.memory_space<vmem>>, vector<16xi32>,
      %mul3A_305 = arith.constant 1.270000e+02 : f32
      %mul3A_306 = vector.broadcast %mul3A_305 : f32 to vector<16xf32>
      %mul3A_307 = arith.mulf %get3A_240, %mul3A_306 : vector<16xf32>
      %convert_element_type3A_308 = arith.fptosi %mul3A_307 : vector<16xf32> to vector<16xi32>
      %mul3A_309 = arith.constant 1.270000e+02 : f32
      %mul3A_310 = vector.broadcast %mul3A_309 : f32 to vector<16xf32>
      %mul3A_311 = arith.mulf %get3A_242, %mul3A_310 : vector<16xf32>
      %convert_element_type3A_312 = arith.fptosi %mul3A_311 : vector<16xf32> to vector<16xi32>
      %mul3A_313 = arith.constant 1.270000e+02 : f32
      %mul3A_314 = vector.broadcast %mul3A_313 : f32 to vector<16xf32>
      %mul3A_315 = arith.mulf %get3A_244, %mul3A_314 : vector<16xf32>
      %convert_element_type3A_316 = arith.fptosi %mul3A_315 : vector<16xf32> to vector<16xi32>
      %mul3A_317 = arith.constant 128 : i32
      %mul3A_318 = vector.broadcast %mul3A_317 : i32 to vector<16xi32>
      %mul3A_319 = arith.muli %convert_element_type3A_312, %mul3A_318 : vector<16xi32>
      %add3A_320 = arith.addi %convert_element_type3A_308, %mul3A_319 : vector<16xi32>
      %mul3A_321 = arith.constant 16384 : i32
      %mul3A_322 = vector.broadcast %mul3A_321 : i32 to vector<16xi32>
      %mul3A_323 = arith.muli %convert_element_type3A_316, %mul3A_322 : vector<16xi32>
      %add3A_324 = arith.addi %add3A_320, %mul3A_323 : vector<16xi32>
      %max3A_325 = arith.constant 0 : i32
      %max3A_326 = vector.broadcast %max3A_325 : i32 to vector<16xi32>
      %max3A_327 = arith.maxsi %add3A_324, %max3A_326 : vector<16xi32>
      %min3A_328 = arith.constant 2097151 : i32
      %min3A_329 = vector.broadcast %min3A_328 : i32 to vector<16xi32>
      %min3A_330 = arith.minsi %max3A_327, %min3A_329 : vector<16xi32>
      %swap3A_331 = arith.constant 1 : i32
      %swap3A_332 = arith.index_cast %swap3A_331 : i32 to index
      %swap3A_333 = arith.index_cast %scan3A_107 : i32 to index
      %swap3A_334 = arith.constant 16 : index
      %swap3A_335 = tpu.vector_load %arg13[%swap3A_332, %swap3A_333, %swap3A_334] {strides = array<i32>} : memref<3x16x128xi32, #tpu.memory_space<vmem>>, vector<16xi32>,
      tpu.vector_store %arg13[%swap3A_332, %swap3A_333, %swap3A_334], %min3A_330 {strides = array<i32>} : memref<3x16x128xi32, #tpu.memory_space<vmem>>, vector<16xi32>,
      %mul3A_336 = arith.constant 2.550000e+02 : f32
      %mul3A_337 = vector.broadcast %mul3A_336 : f32 to vector<16xf32>
      %mul3A_338 = arith.mulf %get3A_240, %mul3A_337 : vector<16xf32>
      %convert_element_type3A_339 = arith.fptosi %mul3A_338 : vector<16xf32> to vector<16xi32>
      %mul3A_340 = arith.constant 2.550000e+02 : f32
      %mul3A_341 = vector.broadcast %mul3A_340 : f32 to vector<16xf32>
      %mul3A_342 = arith.mulf %get3A_242, %mul3A_341 : vector<16xf32>
      %convert_element_type3A_343 = arith.fptosi %mul3A_342 : vector<16xf32> to vector<16xi32>
      %mul3A_344 = arith.constant 2.550000e+02 : f32
      %mul3A_345 = vector.broadcast %mul3A_344 : f32 to vector<16xf32>
      %mul3A_346 = arith.mulf %get3A_244, %mul3A_345 : vector<16xf32>
      %convert_element_type3A_347 = arith.fptosi %mul3A_346 : vector<16xf32> to vector<16xi32>
      %mul3A_348 = arith.constant 256 : i32
      %mul3A_349 = vector.broadcast %mul3A_348 : i32 to vector<16xi32>
      %mul3A_350 = arith.muli %convert_element_type3A_343, %mul3A_349 : vector<16xi32>
      %add3A_351 = arith.addi %convert_element_type3A_339, %mul3A_350 : vector<16xi32>
      %mul3A_352 = arith.constant 65536 : i32
      %mul3A_353 = vector.broadcast %mul3A_352 : i32 to vector<16xi32>
      %mul3A_354 = arith.muli %convert_element_type3A_347, %mul3A_353 : vector<16xi32>
      %add3A_355 = arith.addi %add3A_351, %mul3A_354 : vector<16xi32>
      %max3A_356 = arith.constant 0 : i32
      %max3A_357 = vector.broadcast %max3A_356 : i32 to vector<16xi32>
      %max3A_358 = arith.maxsi %add3A_355, %max3A_357 : vector<16xi32>
      %min3A_359 = arith.constant 16777215 : i32
      %min3A_360 = vector.broadcast %min3A_359 : i32 to vector<16xi32>
      %min3A_361 = arith.minsi %max3A_358, %min3A_360 : vector<16xi32>
      %swap3A_362 = arith.constant 2 : i32
      %swap3A_363 = arith.index_cast %swap3A_362 : i32 to index
      %swap3A_364 = arith.index_cast %scan3A_107 : i32 to index
      %swap3A_365 = arith.constant 16 : index
      %swap3A_366 = tpu.vector_load %arg13[%swap3A_363, %swap3A_364, %swap3A_365] {strides = array<i32>} : memref<3x16x128xi32, #tpu.memory_space<vmem>>, vector<16xi32>,
      tpu.vector_store %arg13[%swap3A_363, %swap3A_364, %swap3A_365], %min3A_361 {strides = array<i32>} : memref<3x16x128xi32, #tpu.memory_space<vmem>>, vector<16xi32>,
      %mul3A_367 = arith.constant 128 : i32
      %mul3A_368 = arith.muli %scan3A_107, %mul3A_367 : i32
      %add3A_369 = arith.constant 32 : i32
      %add3A_370 = arith.addi %mul3A_368, %add3A_369 : i32
      %get3A_371 = arith.index_cast %add3A_370 : i32 to index
      %get3A_372 = tpu.vector_load %arg10[%get3A_371] {strides = array<i32>} : memref<2048xf32, #tpu.memory_space<vmem>>, vector<16xf32>,
      %get3A_373 = arith.index_cast %add3A_370 : i32 to index
      %get3A_374 = tpu.vector_load %arg11[%get3A_373] {strides = array<i32>} : memref<2048xf32, #tpu.memory_space<vmem>>, vector<16xf32>,
      %get3A_375 = arith.index_cast %add3A_370 : i32 to index
      %get3A_376 = tpu.vector_load %arg12[%get3A_375] {strides = array<i32>} : memref<2048xf32, #tpu.memory_space<vmem>>, vector<16xf32>,
      %mul3A_377 = arith.constant 3.100000e+01 : f32
      %mul3A_378 = vector.broadcast %mul3A_377 : f32 to vector<16xf32>
      %mul3A_379 = arith.mulf %get3A_372, %mul3A_378 : vector<16xf32>
      %convert_element_type3A_380 = arith.fptosi %mul3A_379 : vector<16xf32> to vector<16xi32>
      %mul3A_381 = arith.constant 3.100000e+01 : f32
      %mul3A_382 = vector.broadcast %mul3A_381 : f32 to vector<16xf32>
      %mul3A_383 = arith.mulf %get3A_374, %mul3A_382 : vector<16xf32>
      %convert_element_type3A_384 = arith.fptosi %mul3A_383 : vector<16xf32> to vector<16xi32>
      %mul3A_385 = arith.constant 3.100000e+01 : f32
      %mul3A_386 = vector.broadcast %mul3A_385 : f32 to vector<16xf32>
      %mul3A_387 = arith.mulf %get3A_376, %mul3A_386 : vector<16xf32>
      %convert_element_type3A_388 = arith.fptosi %mul3A_387 : vector<16xf32> to vector<16xi32>
      %mul3A_389 = arith.constant 32 : i32
      %mul3A_390 = vector.broadcast %mul3A_389 : i32 to vector<16xi32>
      %mul3A_391 = arith.muli %convert_element_type3A_384, %mul3A_390 : vector<16xi32>
      %add3A_392 = arith.addi %convert_element_type3A_380, %mul3A_391 : vector<16xi32>
      %mul3A_393 = arith.constant 1024 : i32
      %mul3A_394 = vector.broadcast %mul3A_393 : i32 to vector<16xi32>
      %mul3A_395 = arith.muli %convert_element_type3A_388, %mul3A_394 : vector<16xi32>
      %add3A_396 = arith.addi %add3A_392, %mul3A_395 : vector<16xi32>
      %max3A_397 = arith.constant 0 : i32
      %max3A_398 = vector.broadcast %max3A_397 : i32 to vector<16xi32>
      %max3A_399 = arith.maxsi %add3A_396, %max3A_398 : vector<16xi32>
      %min3A_400 = arith.constant 32767 : i32
      %min3A_401 = vector.broadcast %min3A_400 : i32 to vector<16xi32>
      %min3A_402 = arith.minsi %max3A_399, %min3A_401 : vector<16xi32>
      %gather3A_403 = tpu.vector_load_idx %arg16[%min3A_402] : memref<32768xf32, #tpu.memory_space<vmem>>[vector<16xi32>], vector<16xf32>,
      %swap3A_404 = arith.index_cast %add3A_370 : i32 to index
      %swap3A_405 = tpu.vector_load %arg15[%swap3A_404] {strides = array<i32>} : memref<2048xf32, #tpu.memory_space<vmem>>, vector<16xf32>,
      tpu.vector_store %arg15[%swap3A_404], %gather3A_403 {strides = array<i32>} : memref<2048xf32, #tpu.memory_space<vmem>>, vector<16xf32>,
      %mul3A_406 = arith.constant 6.300000e+01 : f32
      %mul3A_407 = vector.broadcast %mul3A_406 : f32 to vector<16xf32>
      %mul3A_408 = arith.mulf %get3A_372, %mul3A_407 : vector<16xf32>
      %convert_element_type3A_409 = arith.fptosi %mul3A_408 : vector<16xf32> to vector<16xi32>
      %mul3A_410 = arith.constant 6.300000e+01 : f32
      %mul3A_411 = vector.broadcast %mul3A_410 : f32 to vector<16xf32>
      %mul3A_412 = arith.mulf %get3A_374, %mul3A_411 : vector<16xf32>
      %convert_element_type3A_413 = arith.fptosi %mul3A_412 : vector<16xf32> to vector<16xi32>
      %mul3A_414 = arith.constant 6.300000e+01 : f32
      %mul3A_415 = vector.broadcast %mul3A_414 : f32 to vector<16xf32>
      %mul3A_416 = arith.mulf %get3A_376, %mul3A_415 : vector<16xf32>
      %convert_element_type3A_417 = arith.fptosi %mul3A_416 : vector<16xf32> to vector<16xi32>
      %mul3A_418 = arith.constant 64 : i32
      %mul3A_419 = vector.broadcast %mul3A_418 : i32 to vector<16xi32>
      %mul3A_420 = arith.muli %convert_element_type3A_413, %mul3A_419 : vector<16xi32>
      %add3A_421 = arith.addi %convert_element_type3A_409, %mul3A_420 : vector<16xi32>
      %mul3A_422 = arith.constant 4096 : i32
      %mul3A_423 = vector.broadcast %mul3A_422 : i32 to vector<16xi32>
      %mul3A_424 = arith.muli %convert_element_type3A_417, %mul3A_423 : vector<16xi32>
      %add3A_425 = arith.addi %add3A_421, %mul3A_424 : vector<16xi32>
      %max3A_426 = arith.constant 0 : i32
      %max3A_427 = vector.broadcast %max3A_426 : i32 to vector<16xi32>
      %max3A_428 = arith.maxsi %add3A_425, %max3A_427 : vector<16xi32>
      %min3A_429 = arith.constant 262143 : i32
      %min3A_430 = vector.broadcast %min3A_429 : i32 to vector<16xi32>
      %min3A_431 = arith.minsi %max3A_428, %min3A_430 : vector<16xi32>
      %swap3A_432 = arith.constant 0 : i32
      %swap3A_433 = arith.index_cast %swap3A_432 : i32 to index
      %swap3A_434 = arith.index_cast %scan3A_107 : i32 to index
      %swap3A_435 = arith.constant 32 : index
      %swap3A_436 = tpu.vector_load %arg13[%swap3A_433, %swap3A_434, %swap3A_435] {strides = array<i32>} : memref<3x16x128xi32, #tpu.memory_space<vmem>>, vector<16xi32>,
      tpu.vector_store %arg13[%swap3A_433, %swap3A_434, %swap3A_435], %min3A_431 {strides = array<i32>} : memref<3x16x128xi32, #tpu.memory_space<vmem>>, vector<16xi32>,
      %mul3A_437 = arith.constant 1.270000e+02 : f32
      %mul3A_438 = vector.broadcast %mul3A_437 : f32 to vector<16xf32>
      %mul3A_439 = arith.mulf %get3A_372, %mul3A_438 : vector<16xf32>
      %convert_element_type3A_440 = arith.fptosi %mul3A_439 : vector<16xf32> to vector<16xi32>
      %mul3A_441 = arith.constant 1.270000e+02 : f32
      %mul3A_442 = vector.broadcast %mul3A_441 : f32 to vector<16xf32>
      %mul3A_443 = arith.mulf %get3A_374, %mul3A_442 : vector<16xf32>
      %convert_element_type3A_444 = arith.fptosi %mul3A_443 : vector<16xf32> to vector<16xi32>
      %mul3A_445 = arith.constant 1.270000e+02 : f32
      %mul3A_446 = vector.broadcast %mul3A_445 : f32 to vector<16xf32>
      %mul3A_447 = arith.mulf %get3A_376, %mul3A_446 : vector<16xf32>
      %convert_element_type3A_448 = arith.fptosi %mul3A_447 : vector<16xf32> to vector<16xi32>
      %mul3A_449 = arith.constant 128 : i32
      %mul3A_450 = vector.broadcast %mul3A_449 : i32 to vector<16xi32>
      %mul3A_451 = arith.muli %convert_element_type3A_444, %mul3A_450 : vector<16xi32>
      %add3A_452 = arith.addi %convert_element_type3A_440, %mul3A_451 : vector<16xi32>
      %mul3A_453 = arith.constant 16384 : i32
      %mul3A_454 = vector.broadcast %mul3A_453 : i32 to vector<16xi32>
      %mul3A_455 = arith.muli %convert_element_type3A_448, %mul3A_454 : vector<16xi32>
      %add3A_456 = arith.addi %add3A_452, %mul3A_455 : vector<16xi32>
      %max3A_457 = arith.constant 0 : i32
      %max3A_458 = vector.broadcast %max3A_457 : i32 to vector<16xi32>
      %max3A_459 = arith.maxsi %add3A_456, %max3A_458 : vector<16xi32>
      %min3A_460 = arith.constant 2097151 : i32
      %min3A_461 = vector.broadcast %min3A_460 : i32 to vector<16xi32>
      %min3A_462 = arith.minsi %max3A_459, %min3A_461 : vector<16xi32>
      %swap3A_463 = arith.constant 1 : i32
      %swap3A_464 = arith.index_cast %swap3A_463 : i32 to index
      %swap3A_465 = arith.index_cast %scan3A_107 : i32 to index
      %swap3A_466 = arith.constant 32 : index
      %swap3A_467 = tpu.vector_load %arg13[%swap3A_464, %swap3A_465, %swap3A_466] {strides = array<i32>} : memref<3x16x128xi32, #tpu.memory_space<vmem>>, vector<16xi32>,
      tpu.vector_store %arg13[%swap3A_464, %swap3A_465, %swap3A_466], %min3A_462 {strides = array<i32>} : memref<3x16x128xi32, #tpu.memory_space<vmem>>, vector<16xi32>,
      %mul3A_468 = arith.constant 2.550000e+02 : f32
      %mul3A_469 = vector.broadcast %mul3A_468 : f32 to vector<16xf32>
      %mul3A_470 = arith.mulf %get3A_372, %mul3A_469 : vector<16xf32>
      %convert_element_type3A_471 = arith.fptosi %mul3A_470 : vector<16xf32> to vector<16xi32>
      %mul3A_472 = arith.constant 2.550000e+02 : f32
      %mul3A_473 = vector.broadcast %mul3A_472 : f32 to vector<16xf32>
      %mul3A_474 = arith.mulf %get3A_374, %mul3A_473 : vector<16xf32>
      %convert_element_type3A_475 = arith.fptosi %mul3A_474 : vector<16xf32> to vector<16xi32>
      %mul3A_476 = arith.constant 2.550000e+02 : f32
      %mul3A_477 = vector.broadcast %mul3A_476 : f32 to vector<16xf32>
      %mul3A_478 = arith.mulf %get3A_376, %mul3A_477 : vector<16xf32>
      %convert_element_type3A_479 = arith.fptosi %mul3A_478 : vector<16xf32> to vector<16xi32>
      %mul3A_480 = arith.constant 256 : i32
      %mul3A_481 = vector.broadcast %mul3A_480 : i32 to vector<16xi32>
      %mul3A_482 = arith.muli %convert_element_type3A_475, %mul3A_481 : vector<16xi32>
      %add3A_483 = arith.addi %convert_element_type3A_471, %mul3A_482 : vector<16xi32>
      %mul3A_484 = arith.constant 65536 : i32
      %mul3A_485 = vector.broadcast %mul3A_484 : i32 to vector<16xi32>
      %mul3A_486 = arith.muli %convert_element_type3A_479, %mul3A_485 : vector<16xi32>
      %add3A_487 = arith.addi %add3A_483, %mul3A_486 : vector<16xi32>
      %max3A_488 = arith.constant 0 : i32
      %max3A_489 = vector.broadcast %max3A_488 : i32 to vector<16xi32>
      %max3A_490 = arith.maxsi %add3A_487, %max3A_489 : vector<16xi32>
      %min3A_491 = arith.constant 16777215 : i32
      %min3A_492 = vector.broadcast %min3A_491 : i32 to vector<16xi32>
      %min3A_493 = arith.minsi %max3A_490, %min3A_492 : vector<16xi32>
      %swap3A_494 = arith.constant 2 : i32
      %swap3A_495 = arith.index_cast %swap3A_494 : i32 to index
      %swap3A_496 = arith.index_cast %scan3A_107 : i32 to index
      %swap3A_497 = arith.constant 32 : index
      %swap3A_498 = tpu.vector_load %arg13[%swap3A_495, %swap3A_496, %swap3A_497] {strides = array<i32>} : memref<3x16x128xi32, #tpu.memory_space<vmem>>, vector<16xi32>,
      tpu.vector_store %arg13[%swap3A_495, %swap3A_496, %swap3A_497], %min3A_493 {strides = array<i32>} : memref<3x16x128xi32, #tpu.memory_space<vmem>>, vector<16xi32>,
      %mul3A_499 = arith.constant 128 : i32
      %mul3A_500 = arith.muli %scan3A_107, %mul3A_499 : i32
      %add3A_501 = arith.constant 48 : i32
      %add3A_502 = arith.addi %mul3A_500, %add3A_501 : i32
      %get3A_503 = arith.index_cast %add3A_502 : i32 to index
      %get3A_504 = tpu.vector_load %arg10[%get3A_503] {strides = array<i32>} : memref<2048xf32, #tpu.memory_space<vmem>>, vector<16xf32>,
      %get3A_505 = arith.index_cast %add3A_502 : i32 to index
      %get3A_506 = tpu.vector_load %arg11[%get3A_505] {strides = array<i32>} : memref<2048xf32, #tpu.memory_space<vmem>>, vector<16xf32>,
      %get3A_507 = arith.index_cast %add3A_502 : i32 to index
      %get3A_508 = tpu.vector_load %arg12[%get3A_507] {strides = array<i32>} : memref<2048xf32, #tpu.memory_space<vmem>>, vector<16xf32>,
      %mul3A_509 = arith.constant 3.100000e+01 : f32
      %mul3A_510 = vector.broadcast %mul3A_509 : f32 to vector<16xf32>
      %mul3A_511 = arith.mulf %get3A_504, %mul3A_510 : vector<16xf32>
      %convert_element_type3A_512 = arith.fptosi %mul3A_511 : vector<16xf32> to vector<16xi32>
      %mul3A_513 = arith.constant 3.100000e+01 : f32
      %mul3A_514 = vector.broadcast %mul3A_513 : f32 to vector<16xf32>
      %mul3A_515 = arith.mulf %get3A_506, %mul3A_514 : vector<16xf32>
      %convert_element_type3A_516 = arith.fptosi %mul3A_515 : vector<16xf32> to vector<16xi32>
      %mul3A_517 = arith.constant 3.100000e+01 : f32
      %mul3A_518 = vector.broadcast %mul3A_517 : f32 to vector<16xf32>
      %mul3A_519 = arith.mulf %get3A_508, %mul3A_518 : vector<16xf32>
      %convert_element_type3A_520 = arith.fptosi %mul3A_519 : vector<16xf32> to vector<16xi32>
      %mul3A_521 = arith.constant 32 : i32
      %mul3A_522 = vector.broadcast %mul3A_521 : i32 to vector<16xi32>
      %mul3A_523 = arith.muli %convert_element_type3A_516, %mul3A_522 : vector<16xi32>
      %add3A_524 = arith.addi %convert_element_type3A_512, %mul3A_523 : vector<16xi32>
      %mul3A_525 = arith.constant 1024 : i32
      %mul3A_526 = vector.broadcast %mul3A_525 : i32 to vector<16xi32>
      %mul3A_527 = arith.muli %convert_element_type3A_520, %mul3A_526 : vector<16xi32>
      %add3A_528 = arith.addi %add3A_524, %mul3A_527 : vector<16xi32>
      %max3A_529 = arith.constant 0 : i32
      %max3A_530 = vector.broadcast %max3A_529 : i32 to vector<16xi32>
      %max3A_531 = arith.maxsi %add3A_528, %max3A_530 : vector<16xi32>
      %min3A_532 = arith.constant 32767 : i32
      %min3A_533 = vector.broadcast %min3A_532 : i32 to vector<16xi32>
      %min3A_534 = arith.minsi %max3A_531, %min3A_533 : vector<16xi32>
      %gather3A_535 = tpu.vector_load_idx %arg16[%min3A_534] : memref<32768xf32, #tpu.memory_space<vmem>>[vector<16xi32>], vector<16xf32>,
      %swap3A_536 = arith.index_cast %add3A_502 : i32 to index
      %swap3A_537 = tpu.vector_load %arg15[%swap3A_536] {strides = array<i32>} : memref<2048xf32, #tpu.memory_space<vmem>>, vector<16xf32>,
      tpu.vector_store %arg15[%swap3A_536], %gather3A_535 {strides = array<i32>} : memref<2048xf32, #tpu.memory_space<vmem>>, vector<16xf32>,
      %mul3A_538 = arith.constant 6.300000e+01 : f32
      %mul3A_539 = vector.broadcast %mul3A_538 : f32 to vector<16xf32>
      %mul3A_540 = arith.mulf %get3A_504, %mul3A_539 : vector<16xf32>
      %convert_element_type3A_541 = arith.fptosi %mul3A_540 : vector<16xf32> to vector<16xi32>
      %mul3A_542 = arith.constant 6.300000e+01 : f32
      %mul3A_543 = vector.broadcast %mul3A_542 : f32 to vector<16xf32>
      %mul3A_544 = arith.mulf %get3A_506, %mul3A_543 : vector<16xf32>
      %convert_element_type3A_545 = arith.fptosi %mul3A_544 : vector<16xf32> to vector<16xi32>
      %mul3A_546 = arith.constant 6.300000e+01 : f32
      %mul3A_547 = vector.broadcast %mul3A_546 : f32 to vector<16xf32>
      %mul3A_548 = arith.mulf %get3A_508, %mul3A_547 : vector<16xf32>
      %convert_element_type3A_549 = arith.fptosi %mul3A_548 : vector<16xf32> to vector<16xi32>
      %mul3A_550 = arith.constant 64 : i32
      %mul3A_551 = vector.broadcast %mul3A_550 : i32 to vector<16xi32>
      %mul3A_552 = arith.muli %convert_element_type3A_545, %mul3A_551 : vector<16xi32>
      %add3A_553 = arith.addi %convert_element_type3A_541, %mul3A_552 : vector<16xi32>
      %mul3A_554 = arith.constant 4096 : i32
      %mul3A_555 = vector.broadcast %mul3A_554 : i32 to vector<16xi32>
      %mul3A_556 = arith.muli %convert_element_type3A_549, %mul3A_555 : vector<16xi32>
      %add3A_557 = arith.addi %add3A_553, %mul3A_556 : vector<16xi32>
      %max3A_558 = arith.constant 0 : i32
      %max3A_559 = vector.broadcast %max3A_558 : i32 to vector<16xi32>
      %max3A_560 = arith.maxsi %add3A_557, %max3A_559 : vector<16xi32>
      %min3A_561 = arith.constant 262143 : i32
      %min3A_562 = vector.broadcast %min3A_561 : i32 to vector<16xi32>
      %min3A_563 = arith.minsi %max3A_560, %min3A_562 : vector<16xi32>
      %swap3A_564 = arith.constant 0 : i32
      %swap3A_565 = arith.index_cast %swap3A_564 : i32 to index
      %swap3A_566 = arith.index_cast %scan3A_107 : i32 to index
      %swap3A_567 = arith.constant 48 : index
      %swap3A_568 = tpu.vector_load %arg13[%swap3A_565, %swap3A_566, %swap3A_567] {strides = array<i32>} : memref<3x16x128xi32, #tpu.memory_space<vmem>>, vector<16xi32>,
      tpu.vector_store %arg13[%swap3A_565, %swap3A_566, %swap3A_567], %min3A_563 {strides = array<i32>} : memref<3x16x128xi32, #tpu.memory_space<vmem>>, vector<16xi32>,
      %mul3A_569 = arith.constant 1.270000e+02 : f32
      %mul3A_570 = vector.broadcast %mul3A_569 : f32 to vector<16xf32>
      %mul3A_571 = arith.mulf %get3A_504, %mul3A_570 : vector<16xf32>
      %convert_element_type3A_572 = arith.fptosi %mul3A_571 : vector<16xf32> to vector<16xi32>
      %mul3A_573 = arith.constant 1.270000e+02 : f32
      %mul3A_574 = vector.broadcast %mul3A_573 : f32 to vector<16xf32>
      %mul3A_575 = arith.mulf %get3A_506, %mul3A_574 : vector<16xf32>
      %convert_element_type3A_576 = arith.fptosi %mul3A_575 : vector<16xf32> to vector<16xi32>
      %mul3A_577 = arith.constant 1.270000e+02 : f32
      %mul3A_578 = vector.broadcast %mul3A_577 : f32 to vector<16xf32>
      %mul3A_579 = arith.mulf %get3A_508, %mul3A_578 : vector<16xf32>
      %convert_element_type3A_580 = arith.fptosi %mul3A_579 : vector<16xf32> to vector<16xi32>
      %mul3A_581 = arith.constant 128 : i32
      %mul3A_582 = vector.broadcast %mul3A_581 : i32 to vector<16xi32>
      %mul3A_583 = arith.muli %convert_element_type3A_576, %mul3A_582 : vector<16xi32>
      %add3A_584 = arith.addi %convert_element_type3A_572, %mul3A_583 : vector<16xi32>
      %mul3A_585 = arith.constant 16384 : i32
      %mul3A_586 = vector.broadcast %mul3A_585 : i32 to vector<16xi32>
      %mul3A_587 = arith.muli %convert_element_type3A_580, %mul3A_586 : vector<16xi32>
      %add3A_588 = arith.addi %add3A_584, %mul3A_587 : vector<16xi32>
      %max3A_589 = arith.constant 0 : i32
      %max3A_590 = vector.broadcast %max3A_589 : i32 to vector<16xi32>
      %max3A_591 = arith.maxsi %add3A_588, %max3A_590 : vector<16xi32>
      %min3A_592 = arith.constant 2097151 : i32
      %min3A_593 = vector.broadcast %min3A_592 : i32 to vector<16xi32>
      %min3A_594 = arith.minsi %max3A_591, %min3A_593 : vector<16xi32>
      %swap3A_595 = arith.constant 1 : i32
      %swap3A_596 = arith.index_cast %swap3A_595 : i32 to index
      %swap3A_597 = arith.index_cast %scan3A_107 : i32 to index
      %swap3A_598 = arith.constant 48 : index
      %swap3A_599 = tpu.vector_load %arg13[%swap3A_596, %swap3A_597, %swap3A_598] {strides = array<i32>} : memref<3x16x128xi32, #tpu.memory_space<vmem>>, vector<16xi32>,
      tpu.vector_store %arg13[%swap3A_596, %swap3A_597, %swap3A_598], %min3A_594 {strides = array<i32>} : memref<3x16x128xi32, #tpu.memory_space<vmem>>, vector<16xi32>,
      %mul3A_600 = arith.constant 2.550000e+02 : f32
      %mul3A_601 = vector.broadcast %mul3A_600 : f32 to vector<16xf32>
      %mul3A_602 = arith.mulf %get3A_504, %mul3A_601 : vector<16xf32>
      %convert_element_type3A_603 = arith.fptosi %mul3A_602 : vector<16xf32> to vector<16xi32>
      %mul3A_604 = arith.constant 2.550000e+02 : f32
      %mul3A_605 = vector.broadcast %mul3A_604 : f32 to vector<16xf32>
      %mul3A_606 = arith.mulf %get3A_506, %mul3A_605 : vector<16xf32>
      %convert_element_type3A_607 = arith.fptosi %mul3A_606 : vector<16xf32> to vector<16xi32>
      %mul3A_608 = arith.constant 2.550000e+02 : f32
      %mul3A_609 = vector.broadcast %mul3A_608 : f32 to vector<16xf32>
      %mul3A_610 = arith.mulf %get3A_508, %mul3A_609 : vector<16xf32>
      %convert_element_type3A_611 = arith.fptosi %mul3A_610 : vector<16xf32> to vector<16xi32>
      %mul3A_612 = arith.constant 256 : i32
      %mul3A_613 = vector.broadcast %mul3A_612 : i32 to vector<16xi32>
      %mul3A_614 = arith.muli %convert_element_type3A_607, %mul3A_613 : vector<16xi32>
      %add3A_615 = arith.addi %convert_element_type3A_603, %mul3A_614 : vector<16xi32>
      %mul3A_616 = arith.constant 65536 : i32
      %mul3A_617 = vector.broadcast %mul3A_616 : i32 to vector<16xi32>
      %mul3A_618 = arith.muli %convert_element_type3A_611, %mul3A_617 : vector<16xi32>
      %add3A_619 = arith.addi %add3A_615, %mul3A_618 : vector<16xi32>
      %max3A_620 = arith.constant 0 : i32
      %max3A_621 = vector.broadcast %max3A_620 : i32 to vector<16xi32>
      %max3A_622 = arith.maxsi %add3A_619, %max3A_621 : vector<16xi32>
      %min3A_623 = arith.constant 16777215 : i32
      %min3A_624 = vector.broadcast %min3A_623 : i32 to vector<16xi32>
      %min3A_625 = arith.minsi %max3A_622, %min3A_624 : vector<16xi32>
      %swap3A_626 = arith.constant 2 : i32
      %swap3A_627 = arith.index_cast %swap3A_626 : i32 to index
      %swap3A_628 = arith.index_cast %scan3A_107 : i32 to index
      %swap3A_629 = arith.constant 48 : index
      %swap3A_630 = tpu.vector_load %arg13[%swap3A_627, %swap3A_628, %swap3A_629] {strides = array<i32>} : memref<3x16x128xi32, #tpu.memory_space<vmem>>, vector<16xi32>,
      tpu.vector_store %arg13[%swap3A_627, %swap3A_628, %swap3A_629], %min3A_625 {strides = array<i32>} : memref<3x16x128xi32, #tpu.memory_space<vmem>>, vector<16xi32>,
      %mul3A_631 = arith.constant 128 : i32
      %mul3A_632 = arith.muli %scan3A_107, %mul3A_631 : i32
      %add3A_633 = arith.constant 64 : i32
      %add3A_634 = arith.addi %mul3A_632, %add3A_633 : i32
      %get3A_635 = arith.index_cast %add3A_634 : i32 to index
      %get3A_636 = tpu.vector_load %arg10[%get3A_635] {strides = array<i32>} : memref<2048xf32, #tpu.memory_space<vmem>>, vector<16xf32>,
      %get3A_637 = arith.index_cast %add3A_634 : i32 to index
      %get3A_638 = tpu.vector_load %arg11[%get3A_637] {strides = array<i32>} : memref<2048xf32, #tpu.memory_space<vmem>>, vector<16xf32>,
      %get3A_639 = arith.index_cast %add3A_634 : i32 to index
      %get3A_640 = tpu.vector_load %arg12[%get3A_639] {strides = array<i32>} : memref<2048xf32, #tpu.memory_space<vmem>>, vector<16xf32>,
      %mul3A_641 = arith.constant 3.100000e+01 : f32
      %mul3A_642 = vector.broadcast %mul3A_641 : f32 to vector<16xf32>
      %mul3A_643 = arith.mulf %get3A_636, %mul3A_642 : vector<16xf32>
      %convert_element_type3A_644 = arith.fptosi %mul3A_643 : vector<16xf32> to vector<16xi32>
      %mul3A_645 = arith.constant 3.100000e+01 : f32
      %mul3A_646 = vector.broadcast %mul3A_645 : f32 to vector<16xf32>
      %mul3A_647 = arith.mulf %get3A_638, %mul3A_646 : vector<16xf32>
      %convert_element_type3A_648 = arith.fptosi %mul3A_647 : vector<16xf32> to vector<16xi32>
      %mul3A_649 = arith.constant 3.100000e+01 : f32
      %mul3A_650 = vector.broadcast %mul3A_649 : f32 to vector<16xf32>
      %mul3A_651 = arith.mulf %get3A_640, %mul3A_650 : vector<16xf32>
      %convert_element_type3A_652 = arith.fptosi %mul3A_651 : vector<16xf32> to vector<16xi32>
      %mul3A_653 = arith.constant 32 : i32
      %mul3A_654 = vector.broadcast %mul3A_653 : i32 to vector<16xi32>
      %mul3A_655 = arith.muli %convert_element_type3A_648, %mul3A_654 : vector<16xi32>
      %add3A_656 = arith.addi %convert_element_type3A_644, %mul3A_655 : vector<16xi32>
      %mul3A_657 = arith.constant 1024 : i32
      %mul3A_658 = vector.broadcast %mul3A_657 : i32 to vector<16xi32>
      %mul3A_659 = arith.muli %convert_element_type3A_652, %mul3A_658 : vector<16xi32>
      %add3A_660 = arith.addi %add3A_656, %mul3A_659 : vector<16xi32>
      %max3A_661 = arith.constant 0 : i32
      %max3A_662 = vector.broadcast %max3A_661 : i32 to vector<16xi32>
      %max3A_663 = arith.maxsi %add3A_660, %max3A_662 : vector<16xi32>
      %min3A_664 = arith.constant 32767 : i32
      %min3A_665 = vector.broadcast %min3A_664 : i32 to vector<16xi32>
      %min3A_666 = arith.minsi %max3A_663, %min3A_665 : vector<16xi32>
      %gather3A_667 = tpu.vector_load_idx %arg16[%min3A_666] : memref<32768xf32, #tpu.memory_space<vmem>>[vector<16xi32>], vector<16xf32>,
      %swap3A_668 = arith.index_cast %add3A_634 : i32 to index
      %swap3A_669 = tpu.vector_load %arg15[%swap3A_668] {strides = array<i32>} : memref<2048xf32, #tpu.memory_space<vmem>>, vector<16xf32>,
      tpu.vector_store %arg15[%swap3A_668], %gather3A_667 {strides = array<i32>} : memref<2048xf32, #tpu.memory_space<vmem>>, vector<16xf32>,
      %mul3A_670 = arith.constant 6.300000e+01 : f32
      %mul3A_671 = vector.broadcast %mul3A_670 : f32 to vector<16xf32>
      %mul3A_672 = arith.mulf %get3A_636, %mul3A_671 : vector<16xf32>
      %convert_element_type3A_673 = arith.fptosi %mul3A_672 : vector<16xf32> to vector<16xi32>
      %mul3A_674 = arith.constant 6.300000e+01 : f32
      %mul3A_675 = vector.broadcast %mul3A_674 : f32 to vector<16xf32>
      %mul3A_676 = arith.mulf %get3A_638, %mul3A_675 : vector<16xf32>
      %convert_element_type3A_677 = arith.fptosi %mul3A_676 : vector<16xf32> to vector<16xi32>
      %mul3A_678 = arith.constant 6.300000e+01 : f32
      %mul3A_679 = vector.broadcast %mul3A_678 : f32 to vector<16xf32>
      %mul3A_680 = arith.mulf %get3A_640, %mul3A_679 : vector<16xf32>
      %convert_element_type3A_681 = arith.fptosi %mul3A_680 : vector<16xf32> to vector<16xi32>
      %mul3A_682 = arith.constant 64 : i32
      %mul3A_683 = vector.broadcast %mul3A_682 : i32 to vector<16xi32>
      %mul3A_684 = arith.muli %convert_element_type3A_677, %mul3A_683 : vector<16xi32>
      %add3A_685 = arith.addi %convert_element_type3A_673, %mul3A_684 : vector<16xi32>
      %mul3A_686 = arith.constant 4096 : i32
      %mul3A_687 = vector.broadcast %mul3A_686 : i32 to vector<16xi32>
      %mul3A_688 = arith.muli %convert_element_type3A_681, %mul3A_687 : vector<16xi32>
      %add3A_689 = arith.addi %add3A_685, %mul3A_688 : vector<16xi32>
      %max3A_690 = arith.constant 0 : i32
      %max3A_691 = vector.broadcast %max3A_690 : i32 to vector<16xi32>
      %max3A_692 = arith.maxsi %add3A_689, %max3A_691 : vector<16xi32>
      %min3A_693 = arith.constant 262143 : i32
      %min3A_694 = vector.broadcast %min3A_693 : i32 to vector<16xi32>
      %min3A_695 = arith.minsi %max3A_692, %min3A_694 : vector<16xi32>
      %swap3A_696 = arith.constant 0 : i32
      %swap3A_697 = arith.index_cast %swap3A_696 : i32 to index
      %swap3A_698 = arith.index_cast %scan3A_107 : i32 to index
      %swap3A_699 = arith.constant 64 : index
      %swap3A_700 = tpu.vector_load %arg13[%swap3A_697, %swap3A_698, %swap3A_699] {strides = array<i32>} : memref<3x16x128xi32, #tpu.memory_space<vmem>>, vector<16xi32>,
      tpu.vector_store %arg13[%swap3A_697, %swap3A_698, %swap3A_699], %min3A_695 {strides = array<i32>} : memref<3x16x128xi32, #tpu.memory_space<vmem>>, vector<16xi32>,
      %mul3A_701 = arith.constant 1.270000e+02 : f32
      %mul3A_702 = vector.broadcast %mul3A_701 : f32 to vector<16xf32>
      %mul3A_703 = arith.mulf %get3A_636, %mul3A_702 : vector<16xf32>
      %convert_element_type3A_704 = arith.fptosi %mul3A_703 : vector<16xf32> to vector<16xi32>
      %mul3A_705 = arith.constant 1.270000e+02 : f32
      %mul3A_706 = vector.broadcast %mul3A_705 : f32 to vector<16xf32>
      %mul3A_707 = arith.mulf %get3A_638, %mul3A_706 : vector<16xf32>
      %convert_element_type3A_708 = arith.fptosi %mul3A_707 : vector<16xf32> to vector<16xi32>
      %mul3A_709 = arith.constant 1.270000e+02 : f32
      %mul3A_710 = vector.broadcast %mul3A_709 : f32 to vector<16xf32>
      %mul3A_711 = arith.mulf %get3A_640, %mul3A_710 : vector<16xf32>
      %convert_element_type3A_712 = arith.fptosi %mul3A_711 : vector<16xf32> to vector<16xi32>
      %mul3A_713 = arith.constant 128 : i32
      %mul3A_714 = vector.broadcast %mul3A_713 : i32 to vector<16xi32>
      %mul3A_715 = arith.muli %convert_element_type3A_708, %mul3A_714 : vector<16xi32>
      %add3A_716 = arith.addi %convert_element_type3A_704, %mul3A_715 : vector<16xi32>
      %mul3A_717 = arith.constant 16384 : i32
      %mul3A_718 = vector.broadcast %mul3A_717 : i32 to vector<16xi32>
      %mul3A_719 = arith.muli %convert_element_type3A_712, %mul3A_718 : vector<16xi32>
      %add3A_720 = arith.addi %add3A_716, %mul3A_719 : vector<16xi32>
      %max3A_721 = arith.constant 0 : i32
      %max3A_722 = vector.broadcast %max3A_721 : i32 to vector<16xi32>
      %max3A_723 = arith.maxsi %add3A_720, %max3A_722 : vector<16xi32>
      %min3A_724 = arith.constant 2097151 : i32
      %min3A_725 = vector.broadcast %min3A_724 : i32 to vector<16xi32>
      %min3A_726 = arith.minsi %max3A_723, %min3A_725 : vector<16xi32>
      %swap3A_727 = arith.constant 1 : i32
      %swap3A_728 = arith.index_cast %swap3A_727 : i32 to index
      %swap3A_729 = arith.index_cast %scan3A_107 : i32 to index
      %swap3A_730 = arith.constant 64 : index
      %swap3A_731 = tpu.vector_load %arg13[%swap3A_728, %swap3A_729, %swap3A_730] {strides = array<i32>} : memref<3x16x128xi32, #tpu.memory_space<vmem>>, vector<16xi32>,
      tpu.vector_store %arg13[%swap3A_728, %swap3A_729, %swap3A_730], %min3A_726 {strides = array<i32>} : memref<3x16x128xi32, #tpu.memory_space<vmem>>, vector<16xi32>,
      %mul3A_732 = arith.constant 2.550000e+02 : f32
      %mul3A_733 = vector.broadcast %mul3A_732 : f32 to vector<16xf32>
      %mul3A_734 = arith.mulf %get3A_636, %mul3A_733 : vector<16xf32>
      %convert_element_type3A_735 = arith.fptosi %mul3A_734 : vector<16xf32> to vector<16xi32>
      %mul3A_736 = arith.constant 2.550000e+02 : f32
      %mul3A_737 = vector.broadcast %mul3A_736 : f32 to vector<16xf32>
      %mul3A_738 = arith.mulf %get3A_638, %mul3A_737 : vector<16xf32>
      %convert_element_type3A_739 = arith.fptosi %mul3A_738 : vector<16xf32> to vector<16xi32>
      %mul3A_740 = arith.constant 2.550000e+02 : f32
      %mul3A_741 = vector.broadcast %mul3A_740 : f32 to vector<16xf32>
      %mul3A_742 = arith.mulf %get3A_640, %mul3A_741 : vector<16xf32>
      %convert_element_type3A_743 = arith.fptosi %mul3A_742 : vector<16xf32> to vector<16xi32>
      %mul3A_744 = arith.constant 256 : i32
      %mul3A_745 = vector.broadcast %mul3A_744 : i32 to vector<16xi32>
      %mul3A_746 = arith.muli %convert_element_type3A_739, %mul3A_745 : vector<16xi32>
      %add3A_747 = arith.addi %convert_element_type3A_735, %mul3A_746 : vector<16xi32>
      %mul3A_748 = arith.constant 65536 : i32
      %mul3A_749 = vector.broadcast %mul3A_748 : i32 to vector<16xi32>
      %mul3A_750 = arith.muli %convert_element_type3A_743, %mul3A_749 : vector<16xi32>
      %add3A_751 = arith.addi %add3A_747, %mul3A_750 : vector<16xi32>
      %max3A_752 = arith.constant 0 : i32
      %max3A_753 = vector.broadcast %max3A_752 : i32 to vector<16xi32>
      %max3A_754 = arith.maxsi %add3A_751, %max3A_753 : vector<16xi32>
      %min3A_755 = arith.constant 16777215 : i32
      %min3A_756 = vector.broadcast %min3A_755 : i32 to vector<16xi32>
      %min3A_757 = arith.minsi %max3A_754, %min3A_756 : vector<16xi32>
      %swap3A_758 = arith.constant 2 : i32
      %swap3A_759 = arith.index_cast %swap3A_758 : i32 to index
      %swap3A_760 = arith.index_cast %scan3A_107 : i32 to index
      %swap3A_761 = arith.constant 64 : index
      %swap3A_762 = tpu.vector_load %arg13[%swap3A_759, %swap3A_760, %swap3A_761] {strides = array<i32>} : memref<3x16x128xi32, #tpu.memory_space<vmem>>, vector<16xi32>,
      tpu.vector_store %arg13[%swap3A_759, %swap3A_760, %swap3A_761], %min3A_757 {strides = array<i32>} : memref<3x16x128xi32, #tpu.memory_space<vmem>>, vector<16xi32>,
      %mul3A_763 = arith.constant 128 : i32
      %mul3A_764 = arith.muli %scan3A_107, %mul3A_763 : i32
      %add3A_765 = arith.constant 80 : i32
      %add3A_766 = arith.addi %mul3A_764, %add3A_765 : i32
      %get3A_767 = arith.index_cast %add3A_766 : i32 to index
      %get3A_768 = tpu.vector_load %arg10[%get3A_767] {strides = array<i32>} : memref<2048xf32, #tpu.memory_space<vmem>>, vector<16xf32>,
      %get3A_769 = arith.index_cast %add3A_766 : i32 to index
      %get3A_770 = tpu.vector_load %arg11[%get3A_769] {strides = array<i32>} : memref<2048xf32, #tpu.memory_space<vmem>>, vector<16xf32>,
      %get3A_771 = arith.index_cast %add3A_766 : i32 to index
      %get3A_772 = tpu.vector_load %arg12[%get3A_771] {strides = array<i32>} : memref<2048xf32, #tpu.memory_space<vmem>>, vector<16xf32>,
      %mul3A_773 = arith.constant 3.100000e+01 : f32
      %mul3A_774 = vector.broadcast %mul3A_773 : f32 to vector<16xf32>
      %mul3A_775 = arith.mulf %get3A_768, %mul3A_774 : vector<16xf32>
      %convert_element_type3A_776 = arith.fptosi %mul3A_775 : vector<16xf32> to vector<16xi32>
      %mul3A_777 = arith.constant 3.100000e+01 : f32
      %mul3A_778 = vector.broadcast %mul3A_777 : f32 to vector<16xf32>
      %mul3A_779 = arith.mulf %get3A_770, %mul3A_778 : vector<16xf32>
      %convert_element_type3A_780 = arith.fptosi %mul3A_779 : vector<16xf32> to vector<16xi32>
      %mul3A_781 = arith.constant 3.100000e+01 : f32
      %mul3A_782 = vector.broadcast %mul3A_781 : f32 to vector<16xf32>
      %mul3A_783 = arith.mulf %get3A_772, %mul3A_782 : vector<16xf32>
      %convert_element_type3A_784 = arith.fptosi %mul3A_783 : vector<16xf32> to vector<16xi32>
      %mul3A_785 = arith.constant 32 : i32
      %mul3A_786 = vector.broadcast %mul3A_785 : i32 to vector<16xi32>
      %mul3A_787 = arith.muli %convert_element_type3A_780, %mul3A_786 : vector<16xi32>
      %add3A_788 = arith.addi %convert_element_type3A_776, %mul3A_787 : vector<16xi32>
      %mul3A_789 = arith.constant 1024 : i32
      %mul3A_790 = vector.broadcast %mul3A_789 : i32 to vector<16xi32>
      %mul3A_791 = arith.muli %convert_element_type3A_784, %mul3A_790 : vector<16xi32>
      %add3A_792 = arith.addi %add3A_788, %mul3A_791 : vector<16xi32>
      %max3A_793 = arith.constant 0 : i32
      %max3A_794 = vector.broadcast %max3A_793 : i32 to vector<16xi32>
      %max3A_795 = arith.maxsi %add3A_792, %max3A_794 : vector<16xi32>
      %min3A_796 = arith.constant 32767 : i32
      %min3A_797 = vector.broadcast %min3A_796 : i32 to vector<16xi32>
      %min3A_798 = arith.minsi %max3A_795, %min3A_797 : vector<16xi32>
      %gather3A_799 = tpu.vector_load_idx %arg16[%min3A_798] : memref<32768xf32, #tpu.memory_space<vmem>>[vector<16xi32>], vector<16xf32>,
      %swap3A_800 = arith.index_cast %add3A_766 : i32 to index
      %swap3A_801 = tpu.vector_load %arg15[%swap3A_800] {strides = array<i32>} : memref<2048xf32, #tpu.memory_space<vmem>>, vector<16xf32>,
      tpu.vector_store %arg15[%swap3A_800], %gather3A_799 {strides = array<i32>} : memref<2048xf32, #tpu.memory_space<vmem>>, vector<16xf32>,
      %mul3A_802 = arith.constant 6.300000e+01 : f32
      %mul3A_803 = vector.broadcast %mul3A_802 : f32 to vector<16xf32>
      %mul3A_804 = arith.mulf %get3A_768, %mul3A_803 : vector<16xf32>
      %convert_element_type3A_805 = arith.fptosi %mul3A_804 : vector<16xf32> to vector<16xi32>
      %mul3A_806 = arith.constant 6.300000e+01 : f32
      %mul3A_807 = vector.broadcast %mul3A_806 : f32 to vector<16xf32>
      %mul3A_808 = arith.mulf %get3A_770, %mul3A_807 : vector<16xf32>
      %convert_element_type3A_809 = arith.fptosi %mul3A_808 : vector<16xf32> to vector<16xi32>
      %mul3A_810 = arith.constant 6.300000e+01 : f32
      %mul3A_811 = vector.broadcast %mul3A_810 : f32 to vector<16xf32>
      %mul3A_812 = arith.mulf %get3A_772, %mul3A_811 : vector<16xf32>
      %convert_element_type3A_813 = arith.fptosi %mul3A_812 : vector<16xf32> to vector<16xi32>
      %mul3A_814 = arith.constant 64 : i32
      %mul3A_815 = vector.broadcast %mul3A_814 : i32 to vector<16xi32>
      %mul3A_816 = arith.muli %convert_element_type3A_809, %mul3A_815 : vector<16xi32>
      %add3A_817 = arith.addi %convert_element_type3A_805, %mul3A_816 : vector<16xi32>
      %mul3A_818 = arith.constant 4096 : i32
      %mul3A_819 = vector.broadcast %mul3A_818 : i32 to vector<16xi32>
      %mul3A_820 = arith.muli %convert_element_type3A_813, %mul3A_819 : vector<16xi32>
      %add3A_821 = arith.addi %add3A_817, %mul3A_820 : vector<16xi32>
      %max3A_822 = arith.constant 0 : i32
      %max3A_823 = vector.broadcast %max3A_822 : i32 to vector<16xi32>
      %max3A_824 = arith.maxsi %add3A_821, %max3A_823 : vector<16xi32>
      %min3A_825 = arith.constant 262143 : i32
      %min3A_826 = vector.broadcast %min3A_825 : i32 to vector<16xi32>
      %min3A_827 = arith.minsi %max3A_824, %min3A_826 : vector<16xi32>
      %swap3A_828 = arith.constant 0 : i32
      %swap3A_829 = arith.index_cast %swap3A_828 : i32 to index
      %swap3A_830 = arith.index_cast %scan3A_107 : i32 to index
      %swap3A_831 = arith.constant 80 : index
      %swap3A_832 = tpu.vector_load %arg13[%swap3A_829, %swap3A_830, %swap3A_831] {strides = array<i32>} : memref<3x16x128xi32, #tpu.memory_space<vmem>>, vector<16xi32>,
      tpu.vector_store %arg13[%swap3A_829, %swap3A_830, %swap3A_831], %min3A_827 {strides = array<i32>} : memref<3x16x128xi32, #tpu.memory_space<vmem>>, vector<16xi32>,
      %mul3A_833 = arith.constant 1.270000e+02 : f32
      %mul3A_834 = vector.broadcast %mul3A_833 : f32 to vector<16xf32>
      %mul3A_835 = arith.mulf %get3A_768, %mul3A_834 : vector<16xf32>
      %convert_element_type3A_836 = arith.fptosi %mul3A_835 : vector<16xf32> to vector<16xi32>
      %mul3A_837 = arith.constant 1.270000e+02 : f32
      %mul3A_838 = vector.broadcast %mul3A_837 : f32 to vector<16xf32>
      %mul3A_839 = arith.mulf %get3A_770, %mul3A_838 : vector<16xf32>
      %convert_element_type3A_840 = arith.fptosi %mul3A_839 : vector<16xf32> to vector<16xi32>
      %mul3A_841 = arith.constant 1.270000e+02 : f32
      %mul3A_842 = vector.broadcast %mul3A_841 : f32 to vector<16xf32>
      %mul3A_843 = arith.mulf %get3A_772, %mul3A_842 : vector<16xf32>
      %convert_element_type3A_844 = arith.fptosi %mul3A_843 : vector<16xf32> to vector<16xi32>
      %mul3A_845 = arith.constant 128 : i32
      %mul3A_846 = vector.broadcast %mul3A_845 : i32 to vector<16xi32>
      %mul3A_847 = arith.muli %convert_element_type3A_840, %mul3A_846 : vector<16xi32>
      %add3A_848 = arith.addi %convert_element_type3A_836, %mul3A_847 : vector<16xi32>
      %mul3A_849 = arith.constant 16384 : i32
      %mul3A_850 = vector.broadcast %mul3A_849 : i32 to vector<16xi32>
      %mul3A_851 = arith.muli %convert_element_type3A_844, %mul3A_850 : vector<16xi32>
      %add3A_852 = arith.addi %add3A_848, %mul3A_851 : vector<16xi32>
      %max3A_853 = arith.constant 0 : i32
      %max3A_854 = vector.broadcast %max3A_853 : i32 to vector<16xi32>
      %max3A_855 = arith.maxsi %add3A_852, %max3A_854 : vector<16xi32>
      %min3A_856 = arith.constant 2097151 : i32
      %min3A_857 = vector.broadcast %min3A_856 : i32 to vector<16xi32>
      %min3A_858 = arith.minsi %max3A_855, %min3A_857 : vector<16xi32>
      %swap3A_859 = arith.constant 1 : i32
      %swap3A_860 = arith.index_cast %swap3A_859 : i32 to index
      %swap3A_861 = arith.index_cast %scan3A_107 : i32 to index
      %swap3A_862 = arith.constant 80 : index
      %swap3A_863 = tpu.vector_load %arg13[%swap3A_860, %swap3A_861, %swap3A_862] {strides = array<i32>} : memref<3x16x128xi32, #tpu.memory_space<vmem>>, vector<16xi32>,
      tpu.vector_store %arg13[%swap3A_860, %swap3A_861, %swap3A_862], %min3A_858 {strides = array<i32>} : memref<3x16x128xi32, #tpu.memory_space<vmem>>, vector<16xi32>,
      %mul3A_864 = arith.constant 2.550000e+02 : f32
      %mul3A_865 = vector.broadcast %mul3A_864 : f32 to vector<16xf32>
      %mul3A_866 = arith.mulf %get3A_768, %mul3A_865 : vector<16xf32>
      %convert_element_type3A_867 = arith.fptosi %mul3A_866 : vector<16xf32> to vector<16xi32>
      %mul3A_868 = arith.constant 2.550000e+02 : f32
      %mul3A_869 = vector.broadcast %mul3A_868 : f32 to vector<16xf32>
      %mul3A_870 = arith.mulf %get3A_770, %mul3A_869 : vector<16xf32>
      %convert_element_type3A_871 = arith.fptosi %mul3A_870 : vector<16xf32> to vector<16xi32>
      %mul3A_872 = arith.constant 2.550000e+02 : f32
      %mul3A_873 = vector.broadcast %mul3A_872 : f32 to vector<16xf32>
      %mul3A_874 = arith.mulf %get3A_772, %mul3A_873 : vector<16xf32>
      %convert_element_type3A_875 = arith.fptosi %mul3A_874 : vector<16xf32> to vector<16xi32>
      %mul3A_876 = arith.constant 256 : i32
      %mul3A_877 = vector.broadcast %mul3A_876 : i32 to vector<16xi32>
      %mul3A_878 = arith.muli %convert_element_type3A_871, %mul3A_877 : vector<16xi32>
      %add3A_879 = arith.addi %convert_element_type3A_867, %mul3A_878 : vector<16xi32>
      %mul3A_880 = arith.constant 65536 : i32
      %mul3A_881 = vector.broadcast %mul3A_880 : i32 to vector<16xi32>
      %mul3A_882 = arith.muli %convert_element_type3A_875, %mul3A_881 : vector<16xi32>
      %add3A_883 = arith.addi %add3A_879, %mul3A_882 : vector<16xi32>
      %max3A_884 = arith.constant 0 : i32
      %max3A_885 = vector.broadcast %max3A_884 : i32 to vector<16xi32>
      %max3A_886 = arith.maxsi %add3A_883, %max3A_885 : vector<16xi32>
      %min3A_887 = arith.constant 16777215 : i32
      %min3A_888 = vector.broadcast %min3A_887 : i32 to vector<16xi32>
      %min3A_889 = arith.minsi %max3A_886, %min3A_888 : vector<16xi32>
      %swap3A_890 = arith.constant 2 : i32
      %swap3A_891 = arith.index_cast %swap3A_890 : i32 to index
      %swap3A_892 = arith.index_cast %scan3A_107 : i32 to index
      %swap3A_893 = arith.constant 80 : index
      %swap3A_894 = tpu.vector_load %arg13[%swap3A_891, %swap3A_892, %swap3A_893] {strides = array<i32>} : memref<3x16x128xi32, #tpu.memory_space<vmem>>, vector<16xi32>,
      tpu.vector_store %arg13[%swap3A_891, %swap3A_892, %swap3A_893], %min3A_889 {strides = array<i32>} : memref<3x16x128xi32, #tpu.memory_space<vmem>>, vector<16xi32>,
      %mul3A_895 = arith.constant 128 : i32
      %mul3A_896 = arith.muli %scan3A_107, %mul3A_895 : i32
      %add3A_897 = arith.constant 96 : i32
      %add3A_898 = arith.addi %mul3A_896, %add3A_897 : i32
      %get3A_899 = arith.index_cast %add3A_898 : i32 to index
      %get3A_900 = tpu.vector_load %arg10[%get3A_899] {strides = array<i32>} : memref<2048xf32, #tpu.memory_space<vmem>>, vector<16xf32>,
      %get3A_901 = arith.index_cast %add3A_898 : i32 to index
      %get3A_902 = tpu.vector_load %arg11[%get3A_901] {strides = array<i32>} : memref<2048xf32, #tpu.memory_space<vmem>>, vector<16xf32>,
      %get3A_903 = arith.index_cast %add3A_898 : i32 to index
      %get3A_904 = tpu.vector_load %arg12[%get3A_903] {strides = array<i32>} : memref<2048xf32, #tpu.memory_space<vmem>>, vector<16xf32>,
      %mul3A_905 = arith.constant 3.100000e+01 : f32
      %mul3A_906 = vector.broadcast %mul3A_905 : f32 to vector<16xf32>
      %mul3A_907 = arith.mulf %get3A_900, %mul3A_906 : vector<16xf32>
      %convert_element_type3A_908 = arith.fptosi %mul3A_907 : vector<16xf32> to vector<16xi32>
      %mul3A_909 = arith.constant 3.100000e+01 : f32
      %mul3A_910 = vector.broadcast %mul3A_909 : f32 to vector<16xf32>
      %mul3A_911 = arith.mulf %get3A_902, %mul3A_910 : vector<16xf32>
      %convert_element_type3A_912 = arith.fptosi %mul3A_911 : vector<16xf32> to vector<16xi32>
      %mul3A_913 = arith.constant 3.100000e+01 : f32
      %mul3A_914 = vector.broadcast %mul3A_913 : f32 to vector<16xf32>
      %mul3A_915 = arith.mulf %get3A_904, %mul3A_914 : vector<16xf32>
      %convert_element_type3A_916 = arith.fptosi %mul3A_915 : vector<16xf32> to vector<16xi32>
      %mul3A_917 = arith.constant 32 : i32
      %mul3A_918 = vector.broadcast %mul3A_917 : i32 to vector<16xi32>
      %mul3A_919 = arith.muli %convert_element_type3A_912, %mul3A_918 : vector<16xi32>
      %add3A_920 = arith.addi %convert_element_type3A_908, %mul3A_919 : vector<16xi32>
      %mul3A_921 = arith.constant 1024 : i32
      %mul3A_922 = vector.broadcast %mul3A_921 : i32 to vector<16xi32>
      %mul3A_923 = arith.muli %convert_element_type3A_916, %mul3A_922 : vector<16xi32>
      %add3A_924 = arith.addi %add3A_920, %mul3A_923 : vector<16xi32>
      %max3A_925 = arith.constant 0 : i32
      %max3A_926 = vector.broadcast %max3A_925 : i32 to vector<16xi32>
      %max3A_927 = arith.maxsi %add3A_924, %max3A_926 : vector<16xi32>
      %min3A_928 = arith.constant 32767 : i32
      %min3A_929 = vector.broadcast %min3A_928 : i32 to vector<16xi32>
      %min3A_930 = arith.minsi %max3A_927, %min3A_929 : vector<16xi32>
      %gather3A_931 = tpu.vector_load_idx %arg16[%min3A_930] : memref<32768xf32, #tpu.memory_space<vmem>>[vector<16xi32>], vector<16xf32>,
      %swap3A_932 = arith.index_cast %add3A_898 : i32 to index
      %swap3A_933 = tpu.vector_load %arg15[%swap3A_932] {strides = array<i32>} : memref<2048xf32, #tpu.memory_space<vmem>>, vector<16xf32>,
      tpu.vector_store %arg15[%swap3A_932], %gather3A_931 {strides = array<i32>} : memref<2048xf32, #tpu.memory_space<vmem>>, vector<16xf32>,
      %mul3A_934 = arith.constant 6.300000e+01 : f32
      %mul3A_935 = vector.broadcast %mul3A_934 : f32 to vector<16xf32>
      %mul3A_936 = arith.mulf %get3A_900, %mul3A_935 : vector<16xf32>
      %convert_element_type3A_937 = arith.fptosi %mul3A_936 : vector<16xf32> to vector<16xi32>
      %mul3A_938 = arith.constant 6.300000e+01 : f32
      %mul3A_939 = vector.broadcast %mul3A_938 : f32 to vector<16xf32>
      %mul3A_940 = arith.mulf %get3A_902, %mul3A_939 : vector<16xf32>
      %convert_element_type3A_941 = arith.fptosi %mul3A_940 : vector<16xf32> to vector<16xi32>
      %mul3A_942 = arith.constant 6.300000e+01 : f32
      %mul3A_943 = vector.broadcast %mul3A_942 : f32 to vector<16xf32>
      %mul3A_944 = arith.mulf %get3A_904, %mul3A_943 : vector<16xf32>
      %convert_element_type3A_945 = arith.fptosi %mul3A_944 : vector<16xf32> to vector<16xi32>
      %mul3A_946 = arith.constant 64 : i32
      %mul3A_947 = vector.broadcast %mul3A_946 : i32 to vector<16xi32>
      %mul3A_948 = arith.muli %convert_element_type3A_941, %mul3A_947 : vector<16xi32>
      %add3A_949 = arith.addi %convert_element_type3A_937, %mul3A_948 : vector<16xi32>
      %mul3A_950 = arith.constant 4096 : i32
      %mul3A_951 = vector.broadcast %mul3A_950 : i32 to vector<16xi32>
      %mul3A_952 = arith.muli %convert_element_type3A_945, %mul3A_951 : vector<16xi32>
      %add3A_953 = arith.addi %add3A_949, %mul3A_952 : vector<16xi32>
      %max3A_954 = arith.constant 0 : i32
      %max3A_955 = vector.broadcast %max3A_954 : i32 to vector<16xi32>
      %max3A_956 = arith.maxsi %add3A_953, %max3A_955 : vector<16xi32>
      %min3A_957 = arith.constant 262143 : i32
      %min3A_958 = vector.broadcast %min3A_957 : i32 to vector<16xi32>
      %min3A_959 = arith.minsi %max3A_956, %min3A_958 : vector<16xi32>
      %swap3A_960 = arith.constant 0 : i32
      %swap3A_961 = arith.index_cast %swap3A_960 : i32 to index
      %swap3A_962 = arith.index_cast %scan3A_107 : i32 to index
      %swap3A_963 = arith.constant 96 : index
      %swap3A_964 = tpu.vector_load %arg13[%swap3A_961, %swap3A_962, %swap3A_963] {strides = array<i32>} : memref<3x16x128xi32, #tpu.memory_space<vmem>>, vector<16xi32>,
      tpu.vector_store %arg13[%swap3A_961, %swap3A_962, %swap3A_963], %min3A_959 {strides = array<i32>} : memref<3x16x128xi32, #tpu.memory_space<vmem>>, vector<16xi32>,
      %mul3A_965 = arith.constant 1.270000e+02 : f32
      %mul3A_966 = vector.broadcast %mul3A_965 : f32 to vector<16xf32>
      %mul3A_967 = arith.mulf %get3A_900, %mul3A_966 : vector<16xf32>
      %convert_element_type3A_968 = arith.fptosi %mul3A_967 : vector<16xf32> to vector<16xi32>
      %mul3A_969 = arith.constant 1.270000e+02 : f32
      %mul3A_970 = vector.broadcast %mul3A_969 : f32 to vector<16xf32>
      %mul3A_971 = arith.mulf %get3A_902, %mul3A_970 : vector<16xf32>
      %convert_element_type3A_972 = arith.fptosi %mul3A_971 : vector<16xf32> to vector<16xi32>
      %mul3A_973 = arith.constant 1.270000e+02 : f32
      %mul3A_974 = vector.broadcast %mul3A_973 : f32 to vector<16xf32>
      %mul3A_975 = arith.mulf %get3A_904, %mul3A_974 : vector<16xf32>
      %convert_element_type3A_976 = arith.fptosi %mul3A_975 : vector<16xf32> to vector<16xi32>
      %mul3A_977 = arith.constant 128 : i32
      %mul3A_978 = vector.broadcast %mul3A_977 : i32 to vector<16xi32>
      %mul3A_979 = arith.muli %convert_element_type3A_972, %mul3A_978 : vector<16xi32>
      %add3A_980 = arith.addi %convert_element_type3A_968, %mul3A_979 : vector<16xi32>
      %mul3A_981 = arith.constant 16384 : i32
      %mul3A_982 = vector.broadcast %mul3A_981 : i32 to vector<16xi32>
      %mul3A_983 = arith.muli %convert_element_type3A_976, %mul3A_982 : vector<16xi32>
      %add3A_984 = arith.addi %add3A_980, %mul3A_983 : vector<16xi32>
      %max3A_985 = arith.constant 0 : i32
      %max3A_986 = vector.broadcast %max3A_985 : i32 to vector<16xi32>
      %max3A_987 = arith.maxsi %add3A_984, %max3A_986 : vector<16xi32>
      %min3A_988 = arith.constant 2097151 : i32
      %min3A_989 = vector.broadcast %min3A_988 : i32 to vector<16xi32>
      %min3A_990 = arith.minsi %max3A_987, %min3A_989 : vector<16xi32>
      %swap3A_991 = arith.constant 1 : i32
      %swap3A_992 = arith.index_cast %swap3A_991 : i32 to index
      %swap3A_993 = arith.index_cast %scan3A_107 : i32 to index
      %swap3A_994 = arith.constant 96 : index
      %swap3A_995 = tpu.vector_load %arg13[%swap3A_992, %swap3A_993, %swap3A_994] {strides = array<i32>} : memref<3x16x128xi32, #tpu.memory_space<vmem>>, vector<16xi32>,
      tpu.vector_store %arg13[%swap3A_992, %swap3A_993, %swap3A_994], %min3A_990 {strides = array<i32>} : memref<3x16x128xi32, #tpu.memory_space<vmem>>, vector<16xi32>,
      %mul3A_996 = arith.constant 2.550000e+02 : f32
      %mul3A_997 = vector.broadcast %mul3A_996 : f32 to vector<16xf32>
      %mul3A_998 = arith.mulf %get3A_900, %mul3A_997 : vector<16xf32>
      %convert_element_type3A_999 = arith.fptosi %mul3A_998 : vector<16xf32> to vector<16xi32>
      %mul3A_1000 = arith.constant 2.550000e+02 : f32
      %mul3A_1001 = vector.broadcast %mul3A_1000 : f32 to vector<16xf32>
      %mul3A_1002 = arith.mulf %get3A_902, %mul3A_1001 : vector<16xf32>
      %convert_element_type3A_1003 = arith.fptosi %mul3A_1002 : vector<16xf32> to vector<16xi32>
      %mul3A_1004 = arith.constant 2.550000e+02 : f32
      %mul3A_1005 = vector.broadcast %mul3A_1004 : f32 to vector<16xf32>
      %mul3A_1006 = arith.mulf %get3A_904, %mul3A_1005 : vector<16xf32>
      %convert_element_type3A_1007 = arith.fptosi %mul3A_1006 : vector<16xf32> to vector<16xi32>
      %mul3A_1008 = arith.constant 256 : i32
      %mul3A_1009 = vector.broadcast %mul3A_1008 : i32 to vector<16xi32>
      %mul3A_1010 = arith.muli %convert_element_type3A_1003, %mul3A_1009 : vector<16xi32>
      %add3A_1011 = arith.addi %convert_element_type3A_999, %mul3A_1010 : vector<16xi32>
      %mul3A_1012 = arith.constant 65536 : i32
      %mul3A_1013 = vector.broadcast %mul3A_1012 : i32 to vector<16xi32>
      %mul3A_1014 = arith.muli %convert_element_type3A_1007, %mul3A_1013 : vector<16xi32>
      %add3A_1015 = arith.addi %add3A_1011, %mul3A_1014 : vector<16xi32>
      %max3A_1016 = arith.constant 0 : i32
      %max3A_1017 = vector.broadcast %max3A_1016 : i32 to vector<16xi32>
      %max3A_1018 = arith.maxsi %add3A_1015, %max3A_1017 : vector<16xi32>
      %min3A_1019 = arith.constant 16777215 : i32
      %min3A_1020 = vector.broadcast %min3A_1019 : i32 to vector<16xi32>
      %min3A_1021 = arith.minsi %max3A_1018, %min3A_1020 : vector<16xi32>
      %swap3A_1022 = arith.constant 2 : i32
      %swap3A_1023 = arith.index_cast %swap3A_1022 : i32 to index
      %swap3A_1024 = arith.index_cast %scan3A_107 : i32 to index
      %swap3A_1025 = arith.constant 96 : index
      %swap3A_1026 = tpu.vector_load %arg13[%swap3A_1023, %swap3A_1024, %swap3A_1025] {strides = array<i32>} : memref<3x16x128xi32, #tpu.memory_space<vmem>>, vector<16xi32>,
      tpu.vector_store %arg13[%swap3A_1023, %swap3A_1024, %swap3A_1025], %min3A_1021 {strides = array<i32>} : memref<3x16x128xi32, #tpu.memory_space<vmem>>, vector<16xi32>,
      %mul3A_1027 = arith.constant 128 : i32
      %mul3A_1028 = arith.muli %scan3A_107, %mul3A_1027 : i32
      %add3A_1029 = arith.constant 112 : i32
      %add3A_1030 = arith.addi %mul3A_1028, %add3A_1029 : i32
      %get3A_1031 = arith.index_cast %add3A_1030 : i32 to index
      %get3A_1032 = tpu.vector_load %arg10[%get3A_1031] {strides = array<i32>} : memref<2048xf32, #tpu.memory_space<vmem>>, vector<16xf32>,
      %get3A_1033 = arith.index_cast %add3A_1030 : i32 to index
      %get3A_1034 = tpu.vector_load %arg11[%get3A_1033] {strides = array<i32>} : memref<2048xf32, #tpu.memory_space<vmem>>, vector<16xf32>,
      %get3A_1035 = arith.index_cast %add3A_1030 : i32 to index
      %get3A_1036 = tpu.vector_load %arg12[%get3A_1035] {strides = array<i32>} : memref<2048xf32, #tpu.memory_space<vmem>>, vector<16xf32>,
      %mul3A_1037 = arith.constant 3.100000e+01 : f32
      %mul3A_1038 = vector.broadcast %mul3A_1037 : f32 to vector<16xf32>
      %mul3A_1039 = arith.mulf %get3A_1032, %mul3A_1038 : vector<16xf32>
      %convert_element_type3A_1040 = arith.fptosi %mul3A_1039 : vector<16xf32> to vector<16xi32>
      %mul3A_1041 = arith.constant 3.100000e+01 : f32
      %mul3A_1042 = vector.broadcast %mul3A_1041 : f32 to vector<16xf32>
      %mul3A_1043 = arith.mulf %get3A_1034, %mul3A_1042 : vector<16xf32>
      %convert_element_type3A_1044 = arith.fptosi %mul3A_1043 : vector<16xf32> to vector<16xi32>
      %mul3A_1045 = arith.constant 3.100000e+01 : f32
      %mul3A_1046 = vector.broadcast %mul3A_1045 : f32 to vector<16xf32>
      %mul3A_1047 = arith.mulf %get3A_1036, %mul3A_1046 : vector<16xf32>
      %convert_element_type3A_1048 = arith.fptosi %mul3A_1047 : vector<16xf32> to vector<16xi32>
      %mul3A_1049 = arith.constant 32 : i32
      %mul3A_1050 = vector.broadcast %mul3A_1049 : i32 to vector<16xi32>
      %mul3A_1051 = arith.muli %convert_element_type3A_1044, %mul3A_1050 : vector<16xi32>
      %add3A_1052 = arith.addi %convert_element_type3A_1040, %mul3A_1051 : vector<16xi32>
      %mul3A_1053 = arith.constant 1024 : i32
      %mul3A_1054 = vector.broadcast %mul3A_1053 : i32 to vector<16xi32>
      %mul3A_1055 = arith.muli %convert_element_type3A_1048, %mul3A_1054 : vector<16xi32>
      %add3A_1056 = arith.addi %add3A_1052, %mul3A_1055 : vector<16xi32>
      %max3A_1057 = arith.constant 0 : i32
      %max3A_1058 = vector.broadcast %max3A_1057 : i32 to vector<16xi32>
      %max3A_1059 = arith.maxsi %add3A_1056, %max3A_1058 : vector<16xi32>
      %min3A_1060 = arith.constant 32767 : i32
      %min3A_1061 = vector.broadcast %min3A_1060 : i32 to vector<16xi32>
      %min3A_1062 = arith.minsi %max3A_1059, %min3A_1061 : vector<16xi32>
      %gather3A_1063 = tpu.vector_load_idx %arg16[%min3A_1062] : memref<32768xf32, #tpu.memory_space<vmem>>[vector<16xi32>], vector<16xf32>,
      %swap3A_1064 = arith.index_cast %add3A_1030 : i32 to index
      %swap3A_1065 = tpu.vector_load %arg15[%swap3A_1064] {strides = array<i32>} : memref<2048xf32, #tpu.memory_space<vmem>>, vector<16xf32>,
      tpu.vector_store %arg15[%swap3A_1064], %gather3A_1063 {strides = array<i32>} : memref<2048xf32, #tpu.memory_space<vmem>>, vector<16xf32>,
      %mul3A_1066 = arith.constant 6.300000e+01 : f32
      %mul3A_1067 = vector.broadcast %mul3A_1066 : f32 to vector<16xf32>
      %mul3A_1068 = arith.mulf %get3A_1032, %mul3A_1067 : vector<16xf32>
      %convert_element_type3A_1069 = arith.fptosi %mul3A_1068 : vector<16xf32> to vector<16xi32>
      %mul3A_1070 = arith.constant 6.300000e+01 : f32
      %mul3A_1071 = vector.broadcast %mul3A_1070 : f32 to vector<16xf32>
      %mul3A_1072 = arith.mulf %get3A_1034, %mul3A_1071 : vector<16xf32>
      %convert_element_type3A_1073 = arith.fptosi %mul3A_1072 : vector<16xf32> to vector<16xi32>
      %mul3A_1074 = arith.constant 6.300000e+01 : f32
      %mul3A_1075 = vector.broadcast %mul3A_1074 : f32 to vector<16xf32>
      %mul3A_1076 = arith.mulf %get3A_1036, %mul3A_1075 : vector<16xf32>
      %convert_element_type3A_1077 = arith.fptosi %mul3A_1076 : vector<16xf32> to vector<16xi32>
      %mul3A_1078 = arith.constant 64 : i32
      %mul3A_1079 = vector.broadcast %mul3A_1078 : i32 to vector<16xi32>
      %mul3A_1080 = arith.muli %convert_element_type3A_1073, %mul3A_1079 : vector<16xi32>
      %add3A_1081 = arith.addi %convert_element_type3A_1069, %mul3A_1080 : vector<16xi32>
      %mul3A_1082 = arith.constant 4096 : i32
      %mul3A_1083 = vector.broadcast %mul3A_1082 : i32 to vector<16xi32>
      %mul3A_1084 = arith.muli %convert_element_type3A_1077, %mul3A_1083 : vector<16xi32>
      %add3A_1085 = arith.addi %add3A_1081, %mul3A_1084 : vector<16xi32>
      %max3A_1086 = arith.constant 0 : i32
      %max3A_1087 = vector.broadcast %max3A_1086 : i32 to vector<16xi32>
      %max3A_1088 = arith.maxsi %add3A_1085, %max3A_1087 : vector<16xi32>
      %min3A_1089 = arith.constant 262143 : i32
      %min3A_1090 = vector.broadcast %min3A_1089 : i32 to vector<16xi32>
      %min3A_1091 = arith.minsi %max3A_1088, %min3A_1090 : vector<16xi32>
      %swap3A_1092 = arith.constant 0 : i32
      %swap3A_1093 = arith.index_cast %swap3A_1092 : i32 to index
      %swap3A_1094 = arith.index_cast %scan3A_107 : i32 to index
      %swap3A_1095 = arith.constant 112 : index
      %swap3A_1096 = tpu.vector_load %arg13[%swap3A_1093, %swap3A_1094, %swap3A_1095] {strides = array<i32>} : memref<3x16x128xi32, #tpu.memory_space<vmem>>, vector<16xi32>,
      tpu.vector_store %arg13[%swap3A_1093, %swap3A_1094, %swap3A_1095], %min3A_1091 {strides = array<i32>} : memref<3x16x128xi32, #tpu.memory_space<vmem>>, vector<16xi32>,
      %mul3A_1097 = arith.constant 1.270000e+02 : f32
      %mul3A_1098 = vector.broadcast %mul3A_1097 : f32 to vector<16xf32>
      %mul3A_1099 = arith.mulf %get3A_1032, %mul3A_1098 : vector<16xf32>
      %convert_element_type3A_1100 = arith.fptosi %mul3A_1099 : vector<16xf32> to vector<16xi32>
      %mul3A_1101 = arith.constant 1.270000e+02 : f32
      %mul3A_1102 = vector.broadcast %mul3A_1101 : f32 to vector<16xf32>
      %mul3A_1103 = arith.mulf %get3A_1034, %mul3A_1102 : vector<16xf32>
      %convert_element_type3A_1104 = arith.fptosi %mul3A_1103 : vector<16xf32> to vector<16xi32>
      %mul3A_1105 = arith.constant 1.270000e+02 : f32
      %mul3A_1106 = vector.broadcast %mul3A_1105 : f32 to vector<16xf32>
      %mul3A_1107 = arith.mulf %get3A_1036, %mul3A_1106 : vector<16xf32>
      %convert_element_type3A_1108 = arith.fptosi %mul3A_1107 : vector<16xf32> to vector<16xi32>
      %mul3A_1109 = arith.constant 128 : i32
      %mul3A_1110 = vector.broadcast %mul3A_1109 : i32 to vector<16xi32>
      %mul3A_1111 = arith.muli %convert_element_type3A_1104, %mul3A_1110 : vector<16xi32>
      %add3A_1112 = arith.addi %convert_element_type3A_1100, %mul3A_1111 : vector<16xi32>
      %mul3A_1113 = arith.constant 16384 : i32
      %mul3A_1114 = vector.broadcast %mul3A_1113 : i32 to vector<16xi32>
      %mul3A_1115 = arith.muli %convert_element_type3A_1108, %mul3A_1114 : vector<16xi32>
      %add3A_1116 = arith.addi %add3A_1112, %mul3A_1115 : vector<16xi32>
      %max3A_1117 = arith.constant 0 : i32
      %max3A_1118 = vector.broadcast %max3A_1117 : i32 to vector<16xi32>
      %max3A_1119 = arith.maxsi %add3A_1116, %max3A_1118 : vector<16xi32>
      %min3A_1120 = arith.constant 2097151 : i32
      %min3A_1121 = vector.broadcast %min3A_1120 : i32 to vector<16xi32>
      %min3A_1122 = arith.minsi %max3A_1119, %min3A_1121 : vector<16xi32>
      %swap3A_1123 = arith.constant 1 : i32
      %swap3A_1124 = arith.index_cast %swap3A_1123 : i32 to index
      %swap3A_1125 = arith.index_cast %scan3A_107 : i32 to index
      %swap3A_1126 = arith.constant 112 : index
      %swap3A_1127 = tpu.vector_load %arg13[%swap3A_1124, %swap3A_1125, %swap3A_1126] {strides = array<i32>} : memref<3x16x128xi32, #tpu.memory_space<vmem>>, vector<16xi32>,
      tpu.vector_store %arg13[%swap3A_1124, %swap3A_1125, %swap3A_1126], %min3A_1122 {strides = array<i32>} : memref<3x16x128xi32, #tpu.memory_space<vmem>>, vector<16xi32>,
      %mul3A_1128 = arith.constant 2.550000e+02 : f32
      %mul3A_1129 = vector.broadcast %mul3A_1128 : f32 to vector<16xf32>
      %mul3A_1130 = arith.mulf %get3A_1032, %mul3A_1129 : vector<16xf32>
      %convert_element_type3A_1131 = arith.fptosi %mul3A_1130 : vector<16xf32> to vector<16xi32>
      %mul3A_1132 = arith.constant 2.550000e+02 : f32
      %mul3A_1133 = vector.broadcast %mul3A_1132 : f32 to vector<16xf32>
      %mul3A_1134 = arith.mulf %get3A_1034, %mul3A_1133 : vector<16xf32>
      %convert_element_type3A_1135 = arith.fptosi %mul3A_1134 : vector<16xf32> to vector<16xi32>
      %mul3A_1136 = arith.constant 2.550000e+02 : f32
      %mul3A_1137 = vector.broadcast %mul3A_1136 : f32 to vector<16xf32>
      %mul3A_1138 = arith.mulf %get3A_1036, %mul3A_1137 : vector<16xf32>
      %convert_element_type3A_1139 = arith.fptosi %mul3A_1138 : vector<16xf32> to vector<16xi32>
      %mul3A_1140 = arith.constant 256 : i32
      %mul3A_1141 = vector.broadcast %mul3A_1140 : i32 to vector<16xi32>
      %mul3A_1142 = arith.muli %convert_element_type3A_1135, %mul3A_1141 : vector<16xi32>
      %add3A_1143 = arith.addi %convert_element_type3A_1131, %mul3A_1142 : vector<16xi32>
      %mul3A_1144 = arith.constant 65536 : i32
      %mul3A_1145 = vector.broadcast %mul3A_1144 : i32 to vector<16xi32>
      %mul3A_1146 = arith.muli %convert_element_type3A_1139, %mul3A_1145 : vector<16xi32>
      %add3A_1147 = arith.addi %add3A_1143, %mul3A_1146 : vector<16xi32>
      %max3A_1148 = arith.constant 0 : i32
      %max3A_1149 = vector.broadcast %max3A_1148 : i32 to vector<16xi32>
      %max3A_1150 = arith.maxsi %add3A_1147, %max3A_1149 : vector<16xi32>
      %min3A_1151 = arith.constant 16777215 : i32
      %min3A_1152 = vector.broadcast %min3A_1151 : i32 to vector<16xi32>
      %min3A_1153 = arith.minsi %max3A_1150, %min3A_1152 : vector<16xi32>
      %swap3A_1154 = arith.constant 2 : i32
      %swap3A_1155 = arith.index_cast %swap3A_1154 : i32 to index
      %swap3A_1156 = arith.index_cast %scan3A_107 : i32 to index
      %swap3A_1157 = arith.constant 112 : index
      %swap3A_1158 = tpu.vector_load %arg13[%swap3A_1155, %swap3A_1156, %swap3A_1157] {strides = array<i32>} : memref<3x16x128xi32, #tpu.memory_space<vmem>>, vector<16xi32>,
      tpu.vector_store %arg13[%swap3A_1155, %swap3A_1156, %swap3A_1157], %min3A_1153 {strides = array<i32>} : memref<3x16x128xi32, #tpu.memory_space<vmem>>, vector<16xi32>,
      %dma_start3A_1159 = arith.constant 0 : i32
      %dma_start3A_1160 = arith.constant 0 : i32
      %dma_start3A_1161 = arith.constant 0 : i32
      %dma_start3A_1162 = tpu.memref_slice %arg14[%dma_start3A_1160, %scan3A_107, %dma_start3A_1161] : memref<3x16x128xf32, #tpu.memory_space<vmem>> -> memref<1x1x128xf32, #tpu.memory_space<vmem>>
      %dma_start3A_1163 = tpu.memref_squeeze %dma_start3A_1162 : memref<1x1x128xf32, #tpu.memory_space<vmem>> -> memref<128xf32, #tpu.memory_space<vmem>>
      %dma_start3A_1164 = arith.constant 0 : i32
      %dma_start3A_1165 = tpu.memref_slice %arg13[%dma_start3A_1159, %scan3A_107, %dma_start3A_1164] : memref<3x16x128xi32, #tpu.memory_space<vmem>> -> memref<1x1x128xi32, #tpu.memory_space<vmem>>
      %dma_start3A_1166 = tpu.memref_squeeze %dma_start3A_1165 : memref<1x1x128xi32, #tpu.memory_space<vmem>> -> memref<128xi32, #tpu.memory_space<vmem>>
      %dma_start3A_1167 = arith.constant 0 : i32
      %dma_start3A_1168 = tpu.memref_slice %arg6[%dma_start3A_1167] : memref<262144xf32, #tpu.memory_space<hbm>> -> memref<262144xf32, #tpu.memory_space<hbm>>
      tpu.enqueue_indirect_dma source(%dma_start3A_1168 : memref<262144xf32, #tpu.memory_space<hbm>>) target(%dma_start3A_1163 : memref<128xf32, #tpu.memory_space<vmem>>) offsets(%dma_start3A_1166 : memref<128xi32, #tpu.memory_space<vmem>>) semaphore(%arg17 : memref<!tpu.dma_semaphore, #tpu.memory_space<semaphore_mem>>)
      %dma_start3A_1169 = arith.constant 1 : i32
      %dma_start3A_1170 = arith.constant 1 : i32
      %dma_start3A_1171 = arith.constant 0 : i32
      %dma_start3A_1172 = tpu.memref_slice %arg14[%dma_start3A_1170, %scan3A_107, %dma_start3A_1171] : memref<3x16x128xf32, #tpu.memory_space<vmem>> -> memref<1x1x128xf32, #tpu.memory_space<vmem>>
      %dma_start3A_1173 = tpu.memref_squeeze %dma_start3A_1172 : memref<1x1x128xf32, #tpu.memory_space<vmem>> -> memref<128xf32, #tpu.memory_space<vmem>>
      %dma_start3A_1174 = arith.constant 0 : i32
      %dma_start3A_1175 = tpu.memref_slice %arg13[%dma_start3A_1169, %scan3A_107, %dma_start3A_1174] : memref<3x16x128xi32, #tpu.memory_space<vmem>> -> memref<1x1x128xi32, #tpu.memory_space<vmem>>
      %dma_start3A_1176 = tpu.memref_squeeze %dma_start3A_1175 : memref<1x1x128xi32, #tpu.memory_space<vmem>> -> memref<128xi32, #tpu.memory_space<vmem>>
      %dma_start3A_1177 = arith.constant 0 : i32
      %dma_start3A_1178 = tpu.memref_slice %arg7[%dma_start3A_1177] : memref<2097152xf32, #tpu.memory_space<hbm>> -> memref<2097152xf32, #tpu.memory_space<hbm>>
      tpu.enqueue_indirect_dma source(%dma_start3A_1178 : memref<2097152xf32, #tpu.memory_space<hbm>>) target(%dma_start3A_1173 : memref<128xf32, #tpu.memory_space<vmem>>) offsets(%dma_start3A_1176 : memref<128xi32, #tpu.memory_space<vmem>>) semaphore(%arg17 : memref<!tpu.dma_semaphore, #tpu.memory_space<semaphore_mem>>)
      %dma_start3A_1179 = arith.constant 2 : i32
      %dma_start3A_1180 = arith.constant 2 : i32
      %dma_start3A_1181 = arith.constant 0 : i32
      %dma_start3A_1182 = tpu.memref_slice %arg14[%dma_start3A_1180, %scan3A_107, %dma_start3A_1181] : memref<3x16x128xf32, #tpu.memory_space<vmem>> -> memref<1x1x128xf32, #tpu.memory_space<vmem>>
      %dma_start3A_1183 = tpu.memref_squeeze %dma_start3A_1182 : memref<1x1x128xf32, #tpu.memory_space<vmem>> -> memref<128xf32, #tpu.memory_space<vmem>>
      %dma_start3A_1184 = arith.constant 0 : i32
      %dma_start3A_1185 = tpu.memref_slice %arg13[%dma_start3A_1179, %scan3A_107, %dma_start3A_1184] : memref<3x16x128xi32, #tpu.memory_space<vmem>> -> memref<1x1x128xi32, #tpu.memory_space<vmem>>
      %dma_start3A_1186 = tpu.memref_squeeze %dma_start3A_1185 : memref<1x1x128xi32, #tpu.memory_space<vmem>> -> memref<128xi32, #tpu.memory_space<vmem>>
      %dma_start3A_1187 = arith.constant 0 : i32
      %dma_start3A_1188 = tpu.memref_slice %arg8[%dma_start3A_1187] : memref<16777216xf32, #tpu.memory_space<hbm>> -> memref<16777216xf32, #tpu.memory_space<hbm>>
      tpu.enqueue_indirect_dma source(%dma_start3A_1188 : memref<16777216xf32, #tpu.memory_space<hbm>>) target(%dma_start3A_1183 : memref<128xf32, #tpu.memory_space<vmem>>) offsets(%dma_start3A_1186 : memref<128xi32, #tpu.memory_space<vmem>>) semaphore(%arg17 : memref<!tpu.dma_semaphore, #tpu.memory_space<semaphore_mem>>)
      %scan3A_1189 = arith.constant 1 : i32
      %scan3A_1190 = arith.constant 0 : i32
      %scan3A_1191 = arith.constant 0 : i32
      %dma_wait3A_1192 = arith.constant 0 : i32
      %dma_wait3A_1193 = arith.constant 0 : i32
      %dma_wait3A_1194 = arith.constant 0 : i32
      %dma_wait3A_1195 = tpu.memref_slice %arg14[%dma_wait3A_1193, %scan3A_1191, %dma_wait3A_1194] : memref<3x16x128xf32, #tpu.memory_space<vmem>> -> memref<1x1x128xf32, #tpu.memory_space<vmem>>
      %dma_wait3A_1196 = tpu.memref_squeeze %dma_wait3A_1195 : memref<1x1x128xf32, #tpu.memory_space<vmem>> -> memref<128xf32, #tpu.memory_space<vmem>>
      %dma_wait3A_1197 = arith.constant 0 : i32
      %dma_wait3A_1198 = tpu.memref_slice %arg13[%dma_wait3A_1192, %scan3A_1191, %dma_wait3A_1197] : memref<3x16x128xi32, #tpu.memory_space<vmem>> -> memref<1x1x128xi32, #tpu.memory_space<vmem>>
      %dma_wait3A_1199 = tpu.memref_squeeze %dma_wait3A_1198 : memref<1x1x128xi32, #tpu.memory_space<vmem>> -> memref<128xi32, #tpu.memory_space<vmem>>
      %dma_wait3A_1200 = arith.constant 0 : i32
      %dma_wait3A_1201 = tpu.memref_slice %arg6[%dma_wait3A_1200] : memref<262144xf32, #tpu.memory_space<hbm>> -> memref<262144xf32, #tpu.memory_space<hbm>>
      tpu.wait_indirect_dma semaphore(%arg17 : memref<!tpu.dma_semaphore, #tpu.memory_space<semaphore_mem>>) src(%dma_wait3A_1201 : memref<262144xf32, #tpu.memory_space<hbm>>) dst(%dma_wait3A_1196 : memref<128xf32, #tpu.memory_space<vmem>>)
      %dma_wait3A_1202 = arith.constant 1 : i32
      %dma_wait3A_1203 = arith.constant 1 : i32
      %dma_wait3A_1204 = arith.constant 0 : i32
      %dma_wait3A_1205 = tpu.memref_slice %arg14[%dma_wait3A_1203, %scan3A_1191, %dma_wait3A_1204] : memref<3x16x128xf32, #tpu.memory_space<vmem>> -> memref<1x1x128xf32, #tpu.memory_space<vmem>>
      %dma_wait3A_1206 = tpu.memref_squeeze %dma_wait3A_1205 : memref<1x1x128xf32, #tpu.memory_space<vmem>> -> memref<128xf32, #tpu.memory_space<vmem>>
      %dma_wait3A_1207 = arith.constant 0 : i32
      %dma_wait3A_1208 = tpu.memref_slice %arg13[%dma_wait3A_1202, %scan3A_1191, %dma_wait3A_1207] : memref<3x16x128xi32, #tpu.memory_space<vmem>> -> memref<1x1x128xi32, #tpu.memory_space<vmem>>
      %dma_wait3A_1209 = tpu.memref_squeeze %dma_wait3A_1208 : memref<1x1x128xi32, #tpu.memory_space<vmem>> -> memref<128xi32, #tpu.memory_space<vmem>>
      %dma_wait3A_1210 = arith.constant 0 : i32
      %dma_wait3A_1211 = tpu.memref_slice %arg7[%dma_wait3A_1210] : memref<2097152xf32, #tpu.memory_space<hbm>> -> memref<2097152xf32, #tpu.memory_space<hbm>>
      tpu.wait_indirect_dma semaphore(%arg17 : memref<!tpu.dma_semaphore, #tpu.memory_space<semaphore_mem>>) src(%dma_wait3A_1211 : memref<2097152xf32, #tpu.memory_space<hbm>>) dst(%dma_wait3A_1206 : memref<128xf32, #tpu.memory_space<vmem>>)
      %dma_wait3A_1212 = arith.constant 2 : i32
      %dma_wait3A_1213 = arith.constant 2 : i32
      %dma_wait3A_1214 = arith.constant 0 : i32
      %dma_wait3A_1215 = tpu.memref_slice %arg14[%dma_wait3A_1213, %scan3A_1191, %dma_wait3A_1214] : memref<3x16x128xf32, #tpu.memory_space<vmem>> -> memref<1x1x128xf32, #tpu.memory_space<vmem>>
      %dma_wait3A_1216 = tpu.memref_squeeze %dma_wait3A_1215 : memref<1x1x128xf32, #tpu.memory_space<vmem>> -> memref<128xf32, #tpu.memory_space<vmem>>
      %dma_wait3A_1217 = arith.constant 0 : i32
      %dma_wait3A_1218 = tpu.memref_slice %arg13[%dma_wait3A_1212, %scan3A_1191, %dma_wait3A_1217] : memref<3x16x128xi32, #tpu.memory_space<vmem>> -> memref<1x1x128xi32, #tpu.memory_space<vmem>>
      %dma_wait3A_1219 = tpu.memref_squeeze %dma_wait3A_1218 : memref<1x1x128xi32, #tpu.memory_space<vmem>> -> memref<128xi32, #tpu.memory_space<vmem>>
      %dma_wait3A_1220 = arith.constant 0 : i32
      %dma_wait3A_1221 = tpu.memref_slice %arg8[%dma_wait3A_1220] : memref<16777216xf32, #tpu.memory_space<hbm>> -> memref<16777216xf32, #tpu.memory_space<hbm>>
      tpu.wait_indirect_dma semaphore(%arg17 : memref<!tpu.dma_semaphore, #tpu.memory_space<semaphore_mem>>) src(%dma_wait3A_1221 : memref<16777216xf32, #tpu.memory_space<hbm>>) dst(%dma_wait3A_1216 : memref<128xf32, #tpu.memory_space<vmem>>)
      %mul3A_1222 = arith.constant 128 : i32
      %mul3A_1223 = arith.muli %scan3A_1191, %mul3A_1222 : i32
      %add3A_1224 = arith.constant 0 : i32
      %add3A_1225 = arith.addi %mul3A_1223, %add3A_1224 : i32
      %get3A_1226 = arith.index_cast %add3A_1225 : i32 to index
      %get3A_1227 = tpu.vector_load %arg15[%get3A_1226] {strides = array<i32>} : memref<2048xf32, #tpu.memory_space<vmem>>, vector<16xf32>,
      %get3A_1228 = arith.constant 0 : i32
      %get3A_1229 = arith.index_cast %get3A_1228 : i32 to index
      %get3A_1230 = arith.index_cast %scan3A_1191 : i32 to index
      %get3A_1231 = arith.constant 0 : index
      %get3A_1232 = tpu.vector_load %arg14[%get3A_1229, %get3A_1230, %get3A_1231] {strides = array<i32>} : memref<3x16x128xf32, #tpu.memory_space<vmem>>, vector<16xf32>,
      %add3A_1233 = arith.addf %get3A_1227, %get3A_1232 : vector<16xf32>
      %get3A_1234 = arith.constant 1 : i32
      %get3A_1235 = arith.index_cast %get3A_1234 : i32 to index
      %get3A_1236 = arith.index_cast %scan3A_1191 : i32 to index
      %get3A_1237 = arith.constant 0 : index
      %get3A_1238 = tpu.vector_load %arg14[%get3A_1235, %get3A_1236, %get3A_1237] {strides = array<i32>} : memref<3x16x128xf32, #tpu.memory_space<vmem>>, vector<16xf32>,
      %add3A_1239 = arith.addf %add3A_1233, %get3A_1238 : vector<16xf32>
      %get3A_1240 = arith.constant 2 : i32
      %get3A_1241 = arith.index_cast %get3A_1240 : i32 to index
      %get3A_1242 = arith.index_cast %scan3A_1191 : i32 to index
      %get3A_1243 = arith.constant 0 : index
      %get3A_1244 = tpu.vector_load %arg14[%get3A_1241, %get3A_1242, %get3A_1243] {strides = array<i32>} : memref<3x16x128xf32, #tpu.memory_space<vmem>>, vector<16xf32>,
      %add3A_1245 = arith.addf %add3A_1239, %get3A_1244 : vector<16xf32>
      %swap3A_1246 = arith.index_cast %add3A_1225 : i32 to index
      %swap3A_1247 = tpu.vector_load %arg15[%swap3A_1246] {strides = array<i32>} : memref<2048xf32, #tpu.memory_space<vmem>>, vector<16xf32>,
      tpu.vector_store %arg15[%swap3A_1246], %add3A_1245 {strides = array<i32>} : memref<2048xf32, #tpu.memory_space<vmem>>, vector<16xf32>,
      %mul3A_1248 = arith.constant 128 : i32
      %mul3A_1249 = arith.muli %scan3A_1191, %mul3A_1248 : i32
      %add3A_1250 = arith.constant 16 : i32
      %add3A_1251 = arith.addi %mul3A_1249, %add3A_1250 : i32
      %get3A_1252 = arith.index_cast %add3A_1251 : i32 to index
      %get3A_1253 = tpu.vector_load %arg15[%get3A_1252] {strides = array<i32>} : memref<2048xf32, #tpu.memory_space<vmem>>, vector<16xf32>,
      %get3A_1254 = arith.constant 0 : i32
      %get3A_1255 = arith.index_cast %get3A_1254 : i32 to index
      %get3A_1256 = arith.index_cast %scan3A_1191 : i32 to index
      %get3A_1257 = arith.constant 16 : index
      %get3A_1258 = tpu.vector_load %arg14[%get3A_1255, %get3A_1256, %get3A_1257] {strides = array<i32>} : memref<3x16x128xf32, #tpu.memory_space<vmem>>, vector<16xf32>,
      %add3A_1259 = arith.addf %get3A_1253, %get3A_1258 : vector<16xf32>
      %get3A_1260 = arith.constant 1 : i32
      %get3A_1261 = arith.index_cast %get3A_1260 : i32 to index
      %get3A_1262 = arith.index_cast %scan3A_1191 : i32 to index
      %get3A_1263 = arith.constant 16 : index
      %get3A_1264 = tpu.vector_load %arg14[%get3A_1261, %get3A_1262, %get3A_1263] {strides = array<i32>} : memref<3x16x128xf32, #tpu.memory_space<vmem>>, vector<16xf32>,
      %add3A_1265 = arith.addf %add3A_1259, %get3A_1264 : vector<16xf32>
      %get3A_1266 = arith.constant 2 : i32
      %get3A_1267 = arith.index_cast %get3A_1266 : i32 to index
      %get3A_1268 = arith.index_cast %scan3A_1191 : i32 to index
      %get3A_1269 = arith.constant 16 : index
      %get3A_1270 = tpu.vector_load %arg14[%get3A_1267, %get3A_1268, %get3A_1269] {strides = array<i32>} : memref<3x16x128xf32, #tpu.memory_space<vmem>>, vector<16xf32>,
      %add3A_1271 = arith.addf %add3A_1265, %get3A_1270 : vector<16xf32>
      %swap3A_1272 = arith.index_cast %add3A_1251 : i32 to index
      %swap3A_1273 = tpu.vector_load %arg15[%swap3A_1272] {strides = array<i32>} : memref<2048xf32, #tpu.memory_space<vmem>>, vector<16xf32>,
      tpu.vector_store %arg15[%swap3A_1272], %add3A_1271 {strides = array<i32>} : memref<2048xf32, #tpu.memory_space<vmem>>, vector<16xf32>,
      %mul3A_1274 = arith.constant 128 : i32
      %mul3A_1275 = arith.muli %scan3A_1191, %mul3A_1274 : i32
      %add3A_1276 = arith.constant 32 : i32
      %add3A_1277 = arith.addi %mul3A_1275, %add3A_1276 : i32
      %get3A_1278 = arith.index_cast %add3A_1277 : i32 to index
      %get3A_1279 = tpu.vector_load %arg15[%get3A_1278] {strides = array<i32>} : memref<2048xf32, #tpu.memory_space<vmem>>, vector<16xf32>,
      %get3A_1280 = arith.constant 0 : i32
      %get3A_1281 = arith.index_cast %get3A_1280 : i32 to index
      %get3A_1282 = arith.index_cast %scan3A_1191 : i32 to index
      %get3A_1283 = arith.constant 32 : index
      %get3A_1284 = tpu.vector_load %arg14[%get3A_1281, %get3A_1282, %get3A_1283] {strides = array<i32>} : memref<3x16x128xf32, #tpu.memory_space<vmem>>, vector<16xf32>,
      %add3A_1285 = arith.addf %get3A_1279, %get3A_1284 : vector<16xf32>
      %get3A_1286 = arith.constant 1 : i32
      %get3A_1287 = arith.index_cast %get3A_1286 : i32 to index
      %get3A_1288 = arith.index_cast %scan3A_1191 : i32 to index
      %get3A_1289 = arith.constant 32 : index
      %get3A_1290 = tpu.vector_load %arg14[%get3A_1287, %get3A_1288, %get3A_1289] {strides = array<i32>} : memref<3x16x128xf32, #tpu.memory_space<vmem>>, vector<16xf32>,
      %add3A_1291 = arith.addf %add3A_1285, %get3A_1290 : vector<16xf32>
      %get3A_1292 = arith.constant 2 : i32
      %get3A_1293 = arith.index_cast %get3A_1292 : i32 to index
      %get3A_1294 = arith.index_cast %scan3A_1191 : i32 to index
      %get3A_1295 = arith.constant 32 : index
      %get3A_1296 = tpu.vector_load %arg14[%get3A_1293, %get3A_1294, %get3A_1295] {strides = array<i32>} : memref<3x16x128xf32, #tpu.memory_space<vmem>>, vector<16xf32>,
      %add3A_1297 = arith.addf %add3A_1291, %get3A_1296 : vector<16xf32>
      %swap3A_1298 = arith.index_cast %add3A_1277 : i32 to index
      %swap3A_1299 = tpu.vector_load %arg15[%swap3A_1298] {strides = array<i32>} : memref<2048xf32, #tpu.memory_space<vmem>>, vector<16xf32>,
      tpu.vector_store %arg15[%swap3A_1298], %add3A_1297 {strides = array<i32>} : memref<2048xf32, #tpu.memory_space<vmem>>, vector<16xf32>,
      %mul3A_1300 = arith.constant 128 : i32
      %mul3A_1301 = arith.muli %scan3A_1191, %mul3A_1300 : i32
      %add3A_1302 = arith.constant 48 : i32
      %add3A_1303 = arith.addi %mul3A_1301, %add3A_1302 : i32
      %get3A_1304 = arith.index_cast %add3A_1303 : i32 to index
      %get3A_1305 = tpu.vector_load %arg15[%get3A_1304] {strides = array<i32>} : memref<2048xf32, #tpu.memory_space<vmem>>, vector<16xf32>,
      %get3A_1306 = arith.constant 0 : i32
      %get3A_1307 = arith.index_cast %get3A_1306 : i32 to index
      %get3A_1308 = arith.index_cast %scan3A_1191 : i32 to index
      %get3A_1309 = arith.constant 48 : index
      %get3A_1310 = tpu.vector_load %arg14[%get3A_1307, %get3A_1308, %get3A_1309] {strides = array<i32>} : memref<3x16x128xf32, #tpu.memory_space<vmem>>, vector<16xf32>,
      %add3A_1311 = arith.addf %get3A_1305, %get3A_1310 : vector<16xf32>
      %get3A_1312 = arith.constant 1 : i32
      %get3A_1313 = arith.index_cast %get3A_1312 : i32 to index
      %get3A_1314 = arith.index_cast %scan3A_1191 : i32 to index
      %get3A_1315 = arith.constant 48 : index
      %get3A_1316 = tpu.vector_load %arg14[%get3A_1313, %get3A_1314, %get3A_1315] {strides = array<i32>} : memref<3x16x128xf32, #tpu.memory_space<vmem>>, vector<16xf32>,
      %add3A_1317 = arith.addf %add3A_1311, %get3A_1316 : vector<16xf32>
      %get3A_1318 = arith.constant 2 : i32
      %get3A_1319 = arith.index_cast %get3A_1318 : i32 to index
      %get3A_1320 = arith.index_cast %scan3A_1191 : i32 to index
      %get3A_1321 = arith.constant 48 : index
      %get3A_1322 = tpu.vector_load %arg14[%get3A_1319, %get3A_1320, %get3A_1321] {strides = array<i32>} : memref<3x16x128xf32, #tpu.memory_space<vmem>>, vector<16xf32>,
      %add3A_1323 = arith.addf %add3A_1317, %get3A_1322 : vector<16xf32>
      %swap3A_1324 = arith.index_cast %add3A_1303 : i32 to index
      %swap3A_1325 = tpu.vector_load %arg15[%swap3A_1324] {strides = array<i32>} : memref<2048xf32, #tpu.memory_space<vmem>>, vector<16xf32>,
      tpu.vector_store %arg15[%swap3A_1324], %add3A_1323 {strides = array<i32>} : memref<2048xf32, #tpu.memory_space<vmem>>, vector<16xf32>,
      %mul3A_1326 = arith.constant 128 : i32
      %mul3A_1327 = arith.muli %scan3A_1191, %mul3A_1326 : i32
      %add3A_1328 = arith.constant 64 : i32
      %add3A_1329 = arith.addi %mul3A_1327, %add3A_1328 : i32
      %get3A_1330 = arith.index_cast %add3A_1329 : i32 to index
      %get3A_1331 = tpu.vector_load %arg15[%get3A_1330] {strides = array<i32>} : memref<2048xf32, #tpu.memory_space<vmem>>, vector<16xf32>,
      %get3A_1332 = arith.constant 0 : i32
      %get3A_1333 = arith.index_cast %get3A_1332 : i32 to index
      %get3A_1334 = arith.index_cast %scan3A_1191 : i32 to index
      %get3A_1335 = arith.constant 64 : index
      %get3A_1336 = tpu.vector_load %arg14[%get3A_1333, %get3A_1334, %get3A_1335] {strides = array<i32>} : memref<3x16x128xf32, #tpu.memory_space<vmem>>, vector<16xf32>,
      %add3A_1337 = arith.addf %get3A_1331, %get3A_1336 : vector<16xf32>
      %get3A_1338 = arith.constant 1 : i32
      %get3A_1339 = arith.index_cast %get3A_1338 : i32 to index
      %get3A_1340 = arith.index_cast %scan3A_1191 : i32 to index
      %get3A_1341 = arith.constant 64 : index
      %get3A_1342 = tpu.vector_load %arg14[%get3A_1339, %get3A_1340, %get3A_1341] {strides = array<i32>} : memref<3x16x128xf32, #tpu.memory_space<vmem>>, vector<16xf32>,
      %add3A_1343 = arith.addf %add3A_1337, %get3A_1342 : vector<16xf32>
      %get3A_1344 = arith.constant 2 : i32
      %get3A_1345 = arith.index_cast %get3A_1344 : i32 to index
      %get3A_1346 = arith.index_cast %scan3A_1191 : i32 to index
      %get3A_1347 = arith.constant 64 : index
      %get3A_1348 = tpu.vector_load %arg14[%get3A_1345, %get3A_1346, %get3A_1347] {strides = array<i32>} : memref<3x16x128xf32, #tpu.memory_space<vmem>>, vector<16xf32>,
      %add3A_1349 = arith.addf %add3A_1343, %get3A_1348 : vector<16xf32>
      %swap3A_1350 = arith.index_cast %add3A_1329 : i32 to index
      %swap3A_1351 = tpu.vector_load %arg15[%swap3A_1350] {strides = array<i32>} : memref<2048xf32, #tpu.memory_space<vmem>>, vector<16xf32>,
      tpu.vector_store %arg15[%swap3A_1350], %add3A_1349 {strides = array<i32>} : memref<2048xf32, #tpu.memory_space<vmem>>, vector<16xf32>,
      %mul3A_1352 = arith.constant 128 : i32
      %mul3A_1353 = arith.muli %scan3A_1191, %mul3A_1352 : i32
      %add3A_1354 = arith.constant 80 : i32
      %add3A_1355 = arith.addi %mul3A_1353, %add3A_1354 : i32
      %get3A_1356 = arith.index_cast %add3A_1355 : i32 to index
      %get3A_1357 = tpu.vector_load %arg15[%get3A_1356] {strides = array<i32>} : memref<2048xf32, #tpu.memory_space<vmem>>, vector<16xf32>,
      %get3A_1358 = arith.constant 0 : i32
      %get3A_1359 = arith.index_cast %get3A_1358 : i32 to index
      %get3A_1360 = arith.index_cast %scan3A_1191 : i32 to index
      %get3A_1361 = arith.constant 80 : index
      %get3A_1362 = tpu.vector_load %arg14[%get3A_1359, %get3A_1360, %get3A_1361] {strides = array<i32>} : memref<3x16x128xf32, #tpu.memory_space<vmem>>, vector<16xf32>,
      %add3A_1363 = arith.addf %get3A_1357, %get3A_1362 : vector<16xf32>
      %get3A_1364 = arith.constant 1 : i32
      %get3A_1365 = arith.index_cast %get3A_1364 : i32 to index
      %get3A_1366 = arith.index_cast %scan3A_1191 : i32 to index
      %get3A_1367 = arith.constant 80 : index
      %get3A_1368 = tpu.vector_load %arg14[%get3A_1365, %get3A_1366, %get3A_1367] {strides = array<i32>} : memref<3x16x128xf32, #tpu.memory_space<vmem>>, vector<16xf32>,
      %add3A_1369 = arith.addf %add3A_1363, %get3A_1368 : vector<16xf32>
      %get3A_1370 = arith.constant 2 : i32
      %get3A_1371 = arith.index_cast %get3A_1370 : i32 to index
      %get3A_1372 = arith.index_cast %scan3A_1191 : i32 to index
      %get3A_1373 = arith.constant 80 : index
      %get3A_1374 = tpu.vector_load %arg14[%get3A_1371, %get3A_1372, %get3A_1373] {strides = array<i32>} : memref<3x16x128xf32, #tpu.memory_space<vmem>>, vector<16xf32>,
      %add3A_1375 = arith.addf %add3A_1369, %get3A_1374 : vector<16xf32>
      %swap3A_1376 = arith.index_cast %add3A_1355 : i32 to index
      %swap3A_1377 = tpu.vector_load %arg15[%swap3A_1376] {strides = array<i32>} : memref<2048xf32, #tpu.memory_space<vmem>>, vector<16xf32>,
      tpu.vector_store %arg15[%swap3A_1376], %add3A_1375 {strides = array<i32>} : memref<2048xf32, #tpu.memory_space<vmem>>, vector<16xf32>,
      %mul3A_1378 = arith.constant 128 : i32
      %mul3A_1379 = arith.muli %scan3A_1191, %mul3A_1378 : i32
      %add3A_1380 = arith.constant 96 : i32
      %add3A_1381 = arith.addi %mul3A_1379, %add3A_1380 : i32
      %get3A_1382 = arith.index_cast %add3A_1381 : i32 to index
      %get3A_1383 = tpu.vector_load %arg15[%get3A_1382] {strides = array<i32>} : memref<2048xf32, #tpu.memory_space<vmem>>, vector<16xf32>,
      %get3A_1384 = arith.constant 0 : i32
      %get3A_1385 = arith.index_cast %get3A_1384 : i32 to index
      %get3A_1386 = arith.index_cast %scan3A_1191 : i32 to index
      %get3A_1387 = arith.constant 96 : index
      %get3A_1388 = tpu.vector_load %arg14[%get3A_1385, %get3A_1386, %get3A_1387] {strides = array<i32>} : memref<3x16x128xf32, #tpu.memory_space<vmem>>, vector<16xf32>,
      %add3A_1389 = arith.addf %get3A_1383, %get3A_1388 : vector<16xf32>
      %get3A_1390 = arith.constant 1 : i32
      %get3A_1391 = arith.index_cast %get3A_1390 : i32 to index
      %get3A_1392 = arith.index_cast %scan3A_1191 : i32 to index
      %get3A_1393 = arith.constant 96 : index
      %get3A_1394 = tpu.vector_load %arg14[%get3A_1391, %get3A_1392, %get3A_1393] {strides = array<i32>} : memref<3x16x128xf32, #tpu.memory_space<vmem>>, vector<16xf32>,
      %add3A_1395 = arith.addf %add3A_1389, %get3A_1394 : vector<16xf32>
      %get3A_1396 = arith.constant 2 : i32
      %get3A_1397 = arith.index_cast %get3A_1396 : i32 to index
      %get3A_1398 = arith.index_cast %scan3A_1191 : i32 to index
      %get3A_1399 = arith.constant 96 : index
      %get3A_1400 = tpu.vector_load %arg14[%get3A_1397, %get3A_1398, %get3A_1399] {strides = array<i32>} : memref<3x16x128xf32, #tpu.memory_space<vmem>>, vector<16xf32>,
      %add3A_1401 = arith.addf %add3A_1395, %get3A_1400 : vector<16xf32>
      %swap3A_1402 = arith.index_cast %add3A_1381 : i32 to index
      %swap3A_1403 = tpu.vector_load %arg15[%swap3A_1402] {strides = array<i32>} : memref<2048xf32, #tpu.memory_space<vmem>>, vector<16xf32>,
      tpu.vector_store %arg15[%swap3A_1402], %add3A_1401 {strides = array<i32>} : memref<2048xf32, #tpu.memory_space<vmem>>, vector<16xf32>,
      %mul3A_1404 = arith.constant 128 : i32
      %mul3A_1405 = arith.muli %scan3A_1191, %mul3A_1404 : i32
      %add3A_1406 = arith.constant 112 : i32
      %add3A_1407 = arith.addi %mul3A_1405, %add3A_1406 : i32
      %get3A_1408 = arith.index_cast %add3A_1407 : i32 to index
      %get3A_1409 = tpu.vector_load %arg15[%get3A_1408] {strides = array<i32>} : memref<2048xf32, #tpu.memory_space<vmem>>, vector<16xf32>,
      %get3A_1410 = arith.constant 0 : i32
      %get3A_1411 = arith.index_cast %get3A_1410 : i32 to index
      %get3A_1412 = arith.index_cast %scan3A_1191 : i32 to index
      %get3A_1413 = arith.constant 112 : index
      %get3A_1414 = tpu.vector_load %arg14[%get3A_1411, %get3A_1412, %get3A_1413] {strides = array<i32>} : memref<3x16x128xf32, #tpu.memory_space<vmem>>, vector<16xf32>,
      %add3A_1415 = arith.addf %get3A_1409, %get3A_1414 : vector<16xf32>
      %get3A_1416 = arith.constant 1 : i32
      %get3A_1417 = arith.index_cast %get3A_1416 : i32 to index
      %get3A_1418 = arith.index_cast %scan3A_1191 : i32 to index
      %get3A_1419 = arith.constant 112 : index
      %get3A_1420 = tpu.vector_load %arg14[%get3A_1417, %get3A_1418, %get3A_1419] {strides = array<i32>} : memref<3x16x128xf32, #tpu.memory_space<vmem>>, vector<16xf32>,
      %add3A_1421 = arith.addf %add3A_1415, %get3A_1420 : vector<16xf32>
      %get3A_1422 = arith.constant 2 : i32
      %get3A_1423 = arith.index_cast %get3A_1422 : i32 to index
      %get3A_1424 = arith.index_cast %scan3A_1191 : i32 to index
      %get3A_1425 = arith.constant 112 : index
      %get3A_1426 = tpu.vector_load %arg14[%get3A_1423, %get3A_1424, %get3A_1425] {strides = array<i32>} : memref<3x16x128xf32, #tpu.memory_space<vmem>>, vector<16xf32>,
      %add3A_1427 = arith.addf %add3A_1421, %get3A_1426 : vector<16xf32>
      %swap3A_1428 = arith.index_cast %add3A_1407 : i32 to index
      %swap3A_1429 = tpu.vector_load %arg15[%swap3A_1428] {strides = array<i32>} : memref<2048xf32, #tpu.memory_space<vmem>>, vector<16xf32>,
      tpu.vector_store %arg15[%swap3A_1428], %add3A_1427 {strides = array<i32>} : memref<2048xf32, #tpu.memory_space<vmem>>, vector<16xf32>,
      %scan3A_1430 = arith.constant 1 : i32
      "tpu.region"() ({
        %run_scoped3A = tpu.sem_alloc : memref<!tpu.dma_semaphore, #tpu.memory_space<semaphore_mem>>
        %dma_start3A_1431 = arith.constant 0 : i32
        %dma_start3A_1432 = tpu.memref_slice %arg15[%dma_start3A_1431] : memref<2048xf32, #tpu.memory_space<vmem>> -> memref<64xf32, #tpu.memory_space<vmem>>
        %dma_start3A_1433 = arith.constant 999936 : i32
        %dma_start3A_1434 = tpu.memref_slice %arg9[%dma_start3A_1433] : memref<1000000xf32, #tpu.memory_space<hbm>> -> memref<64xf32, #tpu.memory_space<hbm>>
        %dma_start3A_1435 = arith.constant 999936 : i32
        %dma_start3A_1436 = tpu.memref_slice %arg9[%dma_start3A_1435] : memref<1000000xf32, #tpu.memory_space<hbm>> -> memref<64xf32, #tpu.memory_space<hbm>>
        %dma_start3A_1437 = arith.constant 0 : i32
        %dma_start3A_1438 = tpu.memref_slice %arg15[%dma_start3A_1437] : memref<2048xf32, #tpu.memory_space<vmem>> -> memref<64xf32, #tpu.memory_space<vmem>>
        tpu.enqueue_dma source(%dma_start3A_1438 : memref<64xf32, #tpu.memory_space<vmem>>) target(%dma_start3A_1436 : memref<64xf32, #tpu.memory_space<hbm>>) target_semaphore(%run_scoped3A : memref<!tpu.dma_semaphore, #tpu.memory_space<semaphore_mem>>)
        %dma_wait3A_1439 = arith.constant 0 : i32
        %dma_wait3A_1440 = tpu.memref_slice %arg15[%dma_wait3A_1439] : memref<2048xf32, #tpu.memory_space<vmem>> -> memref<64xf32, #tpu.memory_space<vmem>>
        %dma_wait3A_1441 = arith.constant 999936 : i32
        %dma_wait3A_1442 = tpu.memref_slice %arg9[%dma_wait3A_1441] : memref<1000000xf32, #tpu.memory_space<hbm>> -> memref<64xf32, #tpu.memory_space<hbm>>
        %dma_wait3A_1443 = arith.constant 999936 : i32
        %dma_wait3A_1444 = tpu.memref_slice %arg9[%dma_wait3A_1443] : memref<1000000xf32, #tpu.memory_space<hbm>> -> memref<64xf32, #tpu.memory_space<hbm>>
        %dma_wait3A_1445 = arith.constant 0 : i32
        %dma_wait3A_1446 = tpu.memref_slice %arg15[%dma_wait3A_1445] : memref<2048xf32, #tpu.memory_space<vmem>> -> memref<64xf32, #tpu.memory_space<vmem>>
        tpu.wait_dma2 semaphore(%run_scoped3A : memref<!tpu.dma_semaphore, #tpu.memory_space<semaphore_mem>>) src(%dma_wait3A_1446 : memref<64xf32, #tpu.memory_space<vmem>>) dst(%dma_wait3A_1444 : memref<64xf32, #tpu.memory_space<hbm>>)
        tpu.yield
      }) : () -> ()
    } else {
    }
    return
  }
}

</mosaic_0001>

<sc_bundles>
// kernel: kernel.3.cloned.1.call-start
scs
__scs_entry_jumppad:
0x0: {  	(pc) =	sbr.rel $0x88, $3  }
0x1: {  	(tag) =	ssettag $0x0;
	lr =	simm.s32 $0x1  }
0x2: {  	[smem:$0x3F9C] =	sst lr;
	_ =	strace $0xD0000000  }
0x3: {  	_ = 	snop  }
0x4: {  	_ = 	snop  }
0x5: {  	_ = 	snop  }
0x6: {  	_ = 	snop  }
0x7: {  	_ = 	snop  }
__scs_overlays_trampoline_lowered:
0x8: {  	[smem:$0x3FAB] =	sst s0  }
0x9: {  	[smem:$0x3FAC] =	sst s1  }
0xa: {  	[smem:$0x3FAD] =	sst s2  }
0xb: {  	[smem:$0x3FAE] =	sst s3  }
0xc: {  	[smem:$0x3FAF] =	sst s4  }
0xd: {  	[smem:$0x3FB0] =	sst s5  }
0xe: {  	[smem:$0x3FB1] =	sst s6  }
0xf: {  	[smem:$0x3FB2] =	sst s7  }
0x10: {  	[smem:$0x3FB3] =	sst s8  }
0x11: {  	[smem:$0x3FB4] =	sst s9;
	s0 =	simm.s32 @!p0 $0x0  }
0x12: {  	s1 =	sld [smem:$0x3F9A];
	s0 =	simm.s32 @p0 $0x1  }
0x13: {  	[smem:$0x3FB5] =	sst s0;
	s0 =	simm.s32 @!p1 $0x0  }
0x14: {  	s2 =	sld [smem:$0x3F99];
	s0 =	simm.s32 @p1 $0x1  }
0x15: {  	[smem:$0x3FB6] =	sst s0;
	s0 =	simm.s32 @!p2 $0x0  }
0x16: {  	s3 =	sld [smem:$0x3FDB];
	s0 =	simm.s32 @p2 $0x1  }
0x17: {  	s4 =	simm.s32 $0x1BF5;
	[smem:$0x3FB8] =	sst s0  }
0x18: {  	s0 =	sld [smem:$0x3F9B];
	_ =	swait.ge [sflag:s4], $0x0  }
0x19: {  	s7 =	sld [smem:$0x3F9C]  }
0x1a: {  	s8 =	sadd.s32 $0xFFFFE003, lr  }
0x1b: {  	s9 =	sadd.s32 $0xFFFFFEF7, lr;
	s5 =	simm.s32 $0xFFFFFFFF;
	p2 =	slt.u32 s8, $0xFFFFF086  }
0x1c: {  	p1 =	slt.u32 s9, $0xF7A;
	s5 =	simm.s32 @!p2 $0x0  }
0x1d: {  	s5 =	simm.s32 @p1 $0x1;
	p0 =	seq.s32 s7, s2  }
0x1e: {  	s7 =	smul.u32 @!p0 $0xF7A, s2;
	p2 =	seq.s32 @!p0 s5, $0x0  }
0x1f: {  	s9 =	smul.u32 $0xF7A, s1;
	s8 =	simm.s32 @!p0 $0x1BF5;
	p2 =	por !p2, p0  }
0x20: {  	[sflag:s8] =	ssyncset.s32 @!p0 $0xFFFFF086;
	s6 =	sadd.s32 @!p0 s3, s7;
	s7 =	simm.s32 @!p0 $0x108  }
0x21: {  	s3 =	sadd.s32 s3, s9;
	s6 =	sadd.s32 @!p0 $0x88, s6;
	s7 =	simm.s32 @p2 $0x1082  }
0x22: {  	[simem:s7], [sflag:s8] =	dma.local @!p0 [hbm:s6], $0xF7A  }
0x23: {  	s9 =	sor.u32 $0xD0000000, s2;
	s6 =	simm.s32 $0x108;
	_ =	swait.ge @!p0 [sflag:s8], $0x0  }
0x24: {  	s3 =	sadd.s32 $0x88, s3;
	s6 =	simm.s32 @!p1 $0x1082;
	[sflag:s4] =	ssyncset.s32 $0xFFFFF086  }
0x25: {  	[simem:s6], [sflag:s4] =	dma.local [hbm:s3], $0xF7A  }
0x26: {  	[smem:$0x3F9C] =	sst s1;
	(tag) =	ssettag s2;
	_ =	strace s9  }
0x27: {  	s1 =	sld [smem:$0x3FAC]  }
0x28: {  	s2 =	sld [smem:$0x3FAD]  }
0x29: {  	s4 =	sld [smem:$0x3FAF]  }
0x2a: {  	p0 =	seq.s32 s5, $0x0;
	s5 =	sld [smem:$0x3FB0]  }
0x2b: {  	s6 =	sld [smem:$0x3FB1]  }
0x2c: {  	s7 =	sld [smem:$0x3FB2]  }
0x2d: {  	s3 =	simm.s32 $0x108;
	s8 =	sld [smem:$0x3FB3]  }
0x2e: {  	s3 =	simm.s32 @!p0 $0x1082;
	s9 =	sld [smem:$0x3FB4]  }
0x2f: {  	lr =	sadd.s32 s0, s3;
	s0 =	sld [smem:$0x3FAB]  }
0x30: {  	s3 =	sld [smem:$0x3FAE]  }
0x31: {  	[smem:$0x3FB7] =	sst s10  }
0x32: {  	s10 =	sld [smem:$0x3FB5];
	_ =	sdelay $0x3  }
0x33: {  	p0 =	seq.s32 s10, $0x1;
	s10 =	sld [smem:$0x3FB7];
	_ =	sdelay $0x3  }
0x34: {  	[smem:$0x3FB7] =	sst s10  }
0x35: {  	s10 =	sld [smem:$0x3FB6];
	_ =	sdelay $0x3  }
0x36: {  	p1 =	seq.s32 s10, $0x1;
	s10 =	sld [smem:$0x3FB7];
	_ =	sdelay $0x3  }
0x37: {  	[smem:$0x3FB7] =	sst s10  }
0x38: {  	s10 =	sld [smem:$0x3FB8]  }
0x39: {  	_ = 	snop;
	(pc) =	sbr.ind lr, $3  }
0x3a: {  	_ = 	snop  }
0x3b: {  	_ = 	snop  }
0x3c: {  	p2 =	seq.s32 s10, $0x1;
	s10 =	sld [smem:$0x3FB7]  }
0x3d: {  	_ =	shalt  }
0x3e: {  	_ =	shalt  }
0x3f: {  	_ =	shalt  }
0x40: {  	_ =	shalt  }
0x41: {  	_ =	shalt  }
0x42: {  	_ =	shalt  }
0x43: {  	_ =	shalt  }
0x44: {  	_ =	shalt  }
0x45: {  	_ =	shalt  }
0x46: {  	_ =	shalt  }
0x47: {  	_ =	shalt  }
0x48: {  	_ =	shalt  }
0x49: {  	_ =	shalt  }
0x4a: {  	_ =	shalt  }
0x4b: {  	_ =	shalt  }
0x4c: {  	_ =	shalt  }
0x4d: {  	_ =	shalt  }
0x4e: {  	_ =	shalt  }
0x4f: {  	_ =	shalt  }
0x50: {  	_ =	shalt  }
0x51: {  	_ =	shalt  }
0x52: {  	_ =	shalt  }
0x53: {  	_ =	shalt  }
0x54: {  	_ =	shalt  }
0x55: {  	_ =	shalt  }
0x56: {  	_ =	shalt  }
0x57: {  	_ =	shalt  }
0x58: {  	_ =	shalt  }
0x59: {  	_ =	shalt  }
0x5a: {  	_ =	shalt  }
0x5b: {  	_ =	shalt  }
0x5c: {  	_ =	shalt  }
0x5d: {  	_ =	shalt  }
0x5e: {  	_ =	shalt  }
0x5f: {  	_ =	shalt  }
0x60: {  	_ =	shalt  }
0x61: {  	_ =	shalt  }
0x62: {  	_ =	shalt  }
0x63: {  	_ =	shalt  }
0x64: {  	_ =	shalt  }
0x65: {  	_ =	shalt  }
0x66: {  	_ =	shalt  }
0x67: {  	_ =	shalt  }
0x68: {  	_ =	shalt  }
0x69: {  	_ =	shalt  }
0x6a: {  	_ =	shalt  }
0x6b: {  	_ =	shalt  }
0x6c: {  	_ =	shalt  }
0x6d: {  	_ =	shalt  }
0x6e: {  	_ =	shalt  }
0x6f: {  	_ =	shalt  }
0x70: {  	_ =	shalt  }
0x71: {  	_ =	shalt  }
0x72: {  	_ =	shalt  }
0x73: {  	_ =	shalt  }
0x74: {  	_ =	shalt  }
0x75: {  	_ =	shalt  }
0x76: {  	_ =	shalt  }
0x77: {  	_ =	shalt  }
0x78: {  	_ =	shalt  }
0x79: {  	_ =	shalt  }
0x7a: {  	_ =	shalt  }
0x7b: {  	_ =	shalt  }
0x7c: {  	_ =	shalt  }
0x7d: {  	_ =	shalt  }
0x7e: {  	_ =	shalt  }
0x7f: {  	_ =	shalt  }
0x80: {  	_ =	shalt  }
0x81: {  	_ =	shalt  }
0x82: {  	_ =	shalt  }
0x83: {  	_ =	shalt  }
0x84: {  	_ =	shalt  }
0x85: {  	_ =	shalt  }
0x86: {  	_ =	shalt  }
0x87: {  	_ =	shalt  }
.Lfunc_end0:
.L_simem_size_0:
called_computation_lowered:
.L_overlay_start_0:
0x88: {  	s2 =	sld [smem:$0x3FD9]  }
0x89: {  	s3 =	sld [smem:$0x3FFE];
	_ =	sdelay $0x1  }
0x8a: {  	s1 =	srdreg.scid  }
0x8b: {  	s0 =	sand.u32 $0x1, s1  }
0x8c: {  	s17 =	sshll.u32 s0, $0xA;
	s2 =	sadd.s32 s3, s2  }
0x8d: {  	s2 =	sadd.s32 s2, s17  }
0x8e: {  	[smem:$0x3FC3] =	sst s2  }
0x8f: {  	_ = 	snop  }
0x90: {  	s2 =	sld [smem:$0x3FC8]  }
0x91: {  	s18 =	sld [smem:$0x3FC7]  }
0x92: {  	s4 =	sld [smem:$0x3FC6]  }
0x93: {  	s5 =	sld [smem:$0x3FC5];
	(tm) =	ssettm $0x1  }
0x94: {  	s6 =	sld [smem:$0x3FFB];
	_ =	sdelay $0x3  }
0x95: {  	_ =	strace s6  }
0x96: {  	s6 =	sld [smem:$0x3FFC];
	_ =	sdelay $0x3  }
0x97: {  	_ =	strace s6  }
0x98: {  	s6 =	sld [smem:$0x3FFD];
	_ =	sdelay $0x3  }
0x99: {  	_ =	strace s6  }
0x9a: {  	_ =	strace $0x8FFFFFFF  }
0x9b: {  	s19 =	sld [smem:$0x3FDB];
	_ =	sdelay $0x1  }
0x9c: {  	s7 =	simm.s32 $_scs_section_size  }
0x9d: {  	s8 =	simm.s32 $_size__tile_overlayer_lowered;
	s9 =	simm.s32 $_tile_overlayer_lowered  }
0x9e: {  	s22 =	simm.s32 $0x1BFF;
	s21 =	sshll.u32 s9, $0x1;
	s6 =	sadd.s32 s7, s19  }
0x9f: {  	s10 =	simm.s32 $0x0;
	s20 =	sshll.u32 s8, $0x1;
	s8 =	sadd.s32 s21, s6  }
0xa0: {  	[timem:s10], [sflag:s22] =	dma.local [hbm:s8], s20  }
0xa1: {  	_ =	swait.ge [sflag:s22], s20  }
0xa2: {  	s7 =	ssub.s32 $0x0, s20;
	[sflag:s22] =	ssyncset.done $0x0  }
0xa3: {  	[sflag:s22] =	ssyncadd.s32 s7;
	_ =	sdelay $0x1  }
0xa4: {  	s23 =	simm.s32 $0x1B8B  }
0xa5: {  	_ =	swait.ge [sflag:s23], $0x1  }
0xa6: {  	[sflag:s23] =	ssyncset.done $0x0  }
0xa7: {  	s25 =	simm.s32 $0x1B8E;
	s24 =	sld [smem:$0x3FFE];
	[sflag:s23] =	ssyncadd.s32 $0xFFFFFFFF  }
0xa8: {  	s26 =	simm.s32 $execute0_lowered;
	[smem:$0x3FD2] =	sst s25  }
0xa9: {  	s8 =	sshll.u32 s26, $0x1;
	_ =	strace $0x80000046;
	[dreg:$0x1] =	wrdreg $0xFFFFFFFF  }
0xaa: {  	s28 =	simm.s32 $_size_execute0_lowered;
	s6 =	sadd.s32 s6, s8;
	[dreg:$0x0] =	wrdreg $0x0  }
0xab: {  	s8 =	sshll.u32 s28, $0x1;
	[dreg:$0x2] =	wrdreg s6  }
0xac: {  	[dreg:$0x3] =	wrdreg s8  }
0xad: {  	[dreg:$0x4] =	wrdreg $0xC0  }
0xae: {  	_ =	task [dreg:s10], $0x5FFFF  }
0xaf: {  	[dreg:$0x1] =	wrdreg $0xFFFFFFFF  }
0xb0: {  	[dreg:$0x0] =	wrdreg $0x60  }
0xb1: {  	[dreg:$0x2] =	wrdreg s24  }
0xb2: {  	[dreg:$0x3] =	wrdreg s2  }
0xb3: {  	[dreg:$0x4] =	wrdreg s18  }
0xb4: {  	[dreg:$0x5] =	wrdreg s4  }
0xb5: {  	[dreg:$0x6] =	wrdreg s5  }
0xb6: {  	[dreg:$0x7] =	wrdreg $0x9  }
0xb7: {  	_ =	task.clear_ibuf [dreg:s10], $0x8FFFF;
	_ =	strace $0x90000046  }
0xb8: {  	s29 =	simm.s32 $0x9;
	_ =	strace $0x80000048  }
0xb9: {  	_ =	swait.ge [sflag:s29], $0x1  }
0xba: {  	[sflag:s29] =	ssyncadd.s32 $0xFFFFFFFF  }
0xbb: {  	_ =	strace $0x90000048  }
0xbc: {  	_ =	sfence  }
0xbd: {  	s30 =	sld [smem:$0x0];
	_ =	sdelay $0x2  }
0xbe: {  	s31 =	sshll.u32 s1, $0xD;
	s1 =	sshrl.u32 s1, $0x2  }
0xbf: {  	s3 =	sand.u32 $0x4000, s31;
	s1 =	sadd.s32 s1, s30  }
0xc0: {  	s0 =	sor.u32 s3, s0;
	s1 =	sshll.u32 s1, $0x11  }
0xc1: {  	s0 =	sor.u32 s1, s0  }
0xc2: {  	s0 =	sadd.s32 $0x8F2B, s0  }
0xc3: {  	[sflag:s0] =	ssyncadd.remote.s32 $0x1  }
0xc4: {  	_ =	sfence.sel $0xFFFF  }
0xc5: {  	[dreg:$0x0] =	wrdreg $0xFFFFFFFF;
	(pc) =	sbr.abs _section_cstart, $3  }
0xc6: {  	[dreg:$0x1] =	wrdreg $0xFFFFFFFF  }
0xc7: {  	_ =	task.clear_ibuf [dreg:s10], $0x2FFFF;
	_ =	strace $0x9FFFFFFF  }
0xc8: {  	(tm) =	ssettm $0x7FFFFFFF  }
0xc9: {  	_ =	shalt  }
tec
execute0_lowered:
.L_overlay_start_1:
0x0: {  	(tag) =	ssettag $0x1  }
0x1: {  	s0 =	rddreg [dreg:$0x0]  }
0x2: {  	s3 =	rddreg [dreg:$0x2]  }
0x3: {  	s5 =	rddreg [dreg:$0x3]  }
0x4: {  	s1 =	srdreg.scid;
	s2 =	stileid.u32  }
0x5: {  	s6 =	rddreg [dreg:$0x4];
	s7 =	simm.s32 $0x0;
	s21 =	simm.s32 $0x5000  }
0x6: {  	s22 =	simm.s32 $0x2;
	s23 =	simm.s32 $0x800;
	s24 =	simm.s32 $0x1000  }
0x7: {  	s25 =	simm.s32 $0x1;
	s26 =	simm.s32 $0x80;
	s28 =	simm.s32 $0x4800  }
0x8: {  	s30 =	simm.s32 $0x0;
	s1 =	sand.u32 $0x1, s1;
	s2 =	sshll.u32 s2, $0x1  }
0x9: {  	[smem:$0x7FF] =	sst s7;
	s9 =	sadd.s32 $0x3D400, s0;
	s10 =	sadd.s32 $0x1EA00, s0  }
0xa: {  	s11 =	sadd.s32 $0x5BE00, s0;
	s31 =	sadd.s32 $0x5BC40, s0;
	s2 =	sor.u32 s1, s2  }
0xb: {  	s17 =	sadd.s32 $0x3D240, s0;
	s18 =	sadd.s32 $0x1E840, s0;
	s8 =	smul.u32 $0x7A10, s2  }
.Ltmp0:
0xc: {  	s19 =	sadd.s32 $0x7A640, s0;
	s1 =	ssub.s32 $0x2, s1;
	(pc) =	sbr.rel .LBB2_1-.Ltmp0, $4  }
0xd: {  	_ =	strace $0x80000047;
	s4 =	sshrl.u32 s1, $0x1;
	s12 =	sshrl.u32 s8, $0x3  }
0xe: {  	[dreg:$0x6] =	wrdreg s31;
	s1 =	ssub.s32 s1, s4;
	s29 =	sadd.s32 $0xF00, s12  }
0xf: {  	p0 =	sne.s32 s2, $0x1F;
	s20 =	smax.u32 s1, $0x1;
	s12 =	sadd.s32 s9, s29  }
0x10: {  	s13 =	sadd.s32 s10, s29;
	s14 =	sadd.s32 s0, s29;
	s15 =	sadd.s32 s11, s29  }
.LBB2_13:
0x11: {  	s30 =	sadd.s32 $0x1, s30  }
0x12: {  	p1 =	sne.s32 s30, s20  }
.Ltmp1:
0x13: {  	_ = 	snop;
	(pc) =	sbr.rel @!p1 .LBB2_14-.Ltmp1, $1  }
0x14: {  	_ =	sdelay $0x3  }
.LBB2_1:
0x15: {  	s1 =	rddreg [dreg:$0x1]  }
0x16: {  	[tilespmem:s21], [sflag:$0x2] =	stream.linear.gather [hbm4b:s1+s7], $0x8000, $0x38;
	[tilespmem:$0xD000] =	vst v63  }
0x17: {  	_ =	swait.ge [sflag:s22], $0x8000  }
0x18: {  	[sflag:s22] =	ssyncset.done $0x0  }
0x19: {  	s31 =	simm.s32 $0x0;
	[sflag:s22] =	ssyncadd.s32 $0xFFFF8000  }
.LBB2_2:
0x1a: {  	s1 =	sshll.u32 s31, $0xB  }
0x1b: {  	s1 =	sadd.s32 s8, s1  }
0x1c: {  	s4 =	sshrl.u32 s1, $0x3  }
0x1d: {  	s1 =	simm.s32 $0x0;
	s2 =	sadd.s32 s9, s4  }
0x1e: {  	[tilespmem:s1], [sflag:$0x1] =	stream.linear.gather [hbm4b:s2+s1], $0x800, $0x38;
	[tilespmem:$0xD000] =	vst v63  }
0x1f: {  	s16 =	sadd.s32 s10, s4  }
0x20: {  	[tilespmem:s23], [sflag:$0x1] =	stream.linear.gather [hbm4b:s16+s1], $0x800, $0x38;
	[tilespmem:$0xD000] =	vst v63  }
0x21: {  	s29 =	sadd.s32 s0, s4  }
0x22: {  	[tilespmem:s24], [sflag:$0x1] =	stream.linear.gather [hbm4b:s29+s1], $0x800, $0x38;
	[tilespmem:$0xD000] =	vst v63  }
0x23: {  	_ =	swait.ge [sflag:s25], $0x800  }
0x24: {  	[sflag:s25] =	ssyncset.done $0x0  }
0x25: {  	[sflag:s25] =	ssyncadd.s32 $0xFFFFF800  }
0x26: {  	_ =	swait.ge [sflag:s25], $0x800  }
0x27: {  	[sflag:s25] =	ssyncset.done $0x0  }
0x28: {  	[sflag:s25] =	ssyncadd.s32 $0xFFFFF800  }
0x29: {  	_ =	swait.ge [sflag:s25], $0x800  }
0x2a: {  	[sflag:s25] =	ssyncset.done $0x0  }
0x2b: {  	[sflag:s25] =	ssyncadd.s32 $0xFFFFF800  }
.LBB2_3:
0x2c: {  	s29 =	sshra.s32 s1, $0x2  }
0x2d: {  	v0 =	vld [tilespmem:s29+$0x0]  }
0x2e: {  	v1 =	vld [tilespmem:s29+$0x800]  }
0x2f: {  	v2 =	vld [tilespmem:s29+$0x1000];
	_ =	sdelay $0x3  }
0x30: {  	v12 =	vld [tilespmem:s29+$0x10];
	v3 =	vmul.f32 $3.100000000e+01, v0;
	v4 =	vmul.f32 $3.100000000e+01, v1  }
0x31: {  	v13 =	vld [tilespmem:s29+$0x810];
	v5 =	vmul.f32 $3.100000000e+01, v2;
	v6 =	vmul.f32 $6.300000000e+01, v0  }
0x32: {  	v15 =	vld [tilespmem:s29+$0x1010];
	v7 =	vmul.f32 $6.300000000e+01, v1;
	v8 =	vmul.f32 $6.300000000e+01, v2  }
0x33: {  	v9 =	vmul.f32 $1.270000000e+02, v0;
	v10 =	vmul.f32 $1.270000000e+02, v1  }
0x34: {  	v11 =	vmul.f32 $1.270000000e+02, v2;
	v0 =	vmul.f32 $2.550000000e+02, v0  }
0x35: {  	v1 =	vmul.f32 $2.550000000e+02, v1;
	v33 =	vmul.f32 $2.550000000e+02, v2  }
0x36: {  	v22 =	vld [tilespmem:s29+$0x20];
	v34 =	vmul.f32 $3.100000000e+01, v12;
	v36 =	vmul.f32 $3.100000000e+01, v13  }
0x37: {  	v57 =	vld [tilespmem:s29+$0x820];
	v38 =	vmul.f32 $3.100000000e+01, v15;
	v39 =	vmul.f32 $6.300000000e+01, v12  }
0x38: {  	v63 =	vld [tilespmem:s29+$0x1020];
	v41 =	vmul.f32 $6.300000000e+01, v13;
	v44 =	vmul.f32 $6.300000000e+01, v15  }
0x39: {  	v47 =	vmul.f32 $1.270000000e+02, v12;
	v48 =	vmul.f32 $1.270000000e+02, v13  }
0x3a: {  	v50 =	vmul.f32 $1.270000000e+02, v15;
	v54 =	vmul.f32 $2.550000000e+02, v12  }
0x3b: {  	v60 =	vmul.f32 $2.550000000e+02, v13;
	v62 =	vmul.f32 $2.550000000e+02, v15  }
0x3c: {  	v28 =	vmul.f32 $3.100000000e+01, v22;
	v31 =	vmul.f32 $3.100000000e+01, v57  }
0x3d: {  	v23 =	vmul.f32 $1.270000000e+02, v63;
	v12 =	vmul.f32 $2.550000000e+02, v57  }
0x3e: {  	v3 =	vtrunc.f32 v3;
	v4 =	vtrunc.f32 v4  }
0x3f: {  	v5 =	vtrunc.f32 v5;
	v6 =	vtrunc.f32 v6  }
0x40: {  	v7 =	vtrunc.f32 v7;
	v8 =	vtrunc.f32 v8  }
0x41: {  	v9 =	vtrunc.f32 v9;
	v10 =	vtrunc.f32 v10  }
0x42: {  	v11 =	vtrunc.f32 v11;
	v0 =	vtrunc.f32 v0  }
0x43: {  	v24 =	vld [tilespmem:s29+$0x30];
	v1 =	vtrunc.f32 v1;
	v35 =	vtrunc.f32 v34  }
0x44: {  	v37 =	vtrunc.f32 v36;
	v46 =	vtrunc.f32 v44  }
0x45: {  	v53 =	vtrunc.f32 v50;
	v59 =	vtrunc.f32 v54  }
0x46: {  	v29 =	vtrunc.f32 v62;
	v15 =	vtrunc.f32 v28  }
0x47: {  	v34 =	vmul.f32 $6.300000000e+01, v22;
	v44 =	vmul.f32 $1.270000000e+02, v57  }
0x48: {  	v12 =	vtrunc.f32 v12;
	v54 =	vmul.f32 $3.100000000e+01, v24  }
0x49: {  	v62 =	vmul.f32 $6.300000000e+01, v24;
	v3 =	vcvt.f32.s32 v3  }
0x4a: {  	v4 =	vcvt.f32.s32 v4;
	v5 =	vcvt.f32.s32 v5  }
0x4b: {  	v6 =	vcvt.f32.s32 v6;
	v7 =	vcvt.f32.s32 v7  }
0x4c: {  	v8 =	vcvt.f32.s32 v8;
	v9 =	vcvt.f32.s32 v9  }
0x4d: {  	v10 =	vcvt.f32.s32 v10;
	v11 =	vcvt.f32.s32 v11  }
0x4e: {  	v14 =	vcvt.f32.s32 v0;
	v16 =	vcvt.f32.s32 v1  }
0x4f: {  	v0 =	vtrunc.f32 v33;
	v18 =	vcvt.f32.s32 v35  }
0x50: {  	v19 =	vcvt.f32.s32 v37;
	v1 =	vtrunc.f32 v38  }
0x51: {  	v56 =	vcvt.f32.s32 v53;
	v61 =	vcvt.f32.s32 v59  }
0x52: {  	v15 =	vcvt.f32.s32 v15;
	v33 =	vmul.f32 $3.100000000e+01, v63  }
0x53: {  	v35 =	vmul.f32 $6.300000000e+01, v57;
	v38 =	vmul.f32 $6.300000000e+01, v63  }
0x54: {  	v12 =	vcvt.f32.s32 v12;
	v17 =	vcvt.f32.s32 v0  }
0x55: {  	v42 =	vcvt.f32.s32 v1;
	v0 =	vtrunc.f32 v39  }
0x56: {  	v36 =	vtrunc.f32 v34;
	v40 =	vshll.u32 v4, $0x5;
	v43 =	vshll.u32 v5, $0xA  }
0x57: {  	v4 =	vtrunc.f32 v41;
	v20 =	vcvt.f32.s32 v0;
	v45 =	vshll.u32 v7, $0x6  }
0x58: {  	v5 =	vcvt.f32.s32 v46;
	v49 =	vshll.u32 v8, $0xC;
	v52 =	vshll.u32 v10, $0x7  }
0x59: {  	v27 =	vshll.u32 v16, $0x8;
	v7 =	vtrunc.f32 v60;
	v16 =	vtrunc.f32 v31  }
0x5a: {  	v32 =	vshll.u32 v19, $0x5;
	v19 =	vtrunc.f32 v35;
	v39 =	vcvt.f32.s32 v36  }
0x5b: {  	v58 =	vshll.u32 v11, $0xE;
	v41 =	vtrunc.f32 v38;
	v46 =	vtrunc.f32 v44  }
0x5c: {  	v36 =	vmul.f32 $1.270000000e+02, v24;
	v12 =	vshll.u32 v12, $0x8;
	v24 =	vmul.f32 $2.550000000e+02, v24  }
0x5d: {  	v2 =	vadd.s32 v3, v40;
	v21 =	vcvt.f32.s32 v4;
	v0 =	vadd.s32 v6, v45  }
0x5e: {  	v4 =	vtrunc.f32 v47;
	v6 =	vadd.s32 v14, v27;
	v7 =	vcvt.f32.s32 v7  }
0x5f: {  	v30 =	vshll.u32 v17, $0x10;
	v14 =	vcvt.f32.s32 v29;
	v16 =	vcvt.f32.s32 v16  }
0x60: {  	v3 =	vshll.u32 v42, $0xA;
	v17 =	vtrunc.f32 v33;
	v19 =	vcvt.f32.s32 v19  }
0x61: {  	v42 =	vmul.f32 $1.270000000e+02, v22;
	v47 =	vshll.u32 v56, $0xE;
	v22 =	vmul.f32 $2.550000000e+02, v22  }
0x62: {  	v56 =	vtrunc.f32 v54;
	v1 =	vadd.s32 v43, v2;
	v51 =	vcvt.f32.s32 v4  }
0x63: {  	v0 =	vadd.s32 v49, v0;
	v2 =	vtrunc.f32 v48;
	v17 =	vcvt.f32.s32 v17  }
0x64: {  	v53 =	vld [tilespmem:s29+$0x1030];
	v4 =	vadd.s32 v9, v52;
	v43 =	vcvt.f32.s32 v41;
	v48 =	vtrunc.f32 v23  }
0x65: {  	v40 =	vshll.u32 v5, $0xC;
	v52 =	vmul.f32 $2.550000000e+02, v63;
	v24 =	vtrunc.f32 v24  }
0x66: {  	v55 =	vcvt.f32.s32 v2;
	v2 =	vadd.s32 v58, v4;
	v4 =	vadd.s32 v30, v6  }
0x67: {  	v37 =	vshll.u32 v21, $0x6;
	v21 =	vtrunc.f32 v42;
	v10 =	vcvt.f32.s32 v48  }
0x68: {  	v6 =	vadd.s32 v18, v32;
	v50 =	vtrunc.f32 v22;
	v30 =	vtrunc.f32 v62  }
0x69: {  	v7 =	vshll.u32 v7, $0x8;
	v33 =	vmul.f32 $6.300000000e+01, v53;
	v26 =	vmul.f32 $1.270000000e+02, v53  }
0x6a: {  	v14 =	vshll.u32 v14, $0x10;
	v44 =	vcvt.f32.s32 v24;
	v13 =	vmul.f32 $2.550000000e+02, v53  }
0x6b: {  	v19 =	vshll.u32 v19, $0x6;
	v45 =	vcvt.f32.s32 v21;
	v21 =	vcvt.f32.s32 v46  }
0x6c: {  	v7 =	vadd.s32 v61, v7;
	v61 =	vmul.f32 $3.100000000e+01, v53;
	v34 =	vcvt.f32.s32 v30  }
0x6d: {  	v49 =	vld [tilespmem:s29+$0x830];
	v9 =	vshll.u32 v55, $0x7;
	v55 =	vshll.u32 v16, $0x5;
	v16 =	vcvt.f32.s32 v56  }
0x6e: {  	v6 =	vadd.s32 v3, v6;
	v35 =	vtrunc.f32 v33;
	v26 =	vtrunc.f32 v26  }
0x6f: {  	v13 =	vtrunc.f32 v13;
	v8 =	vadd.s32 v51, v9;
	v51 =	vcvt.f32.s32 v50  }
0x70: {  	v18 =	vadd.s32 v20, v37;
	v22 =	vtrunc.f32 v61;
	v37 =	vcvt.f32.s32 v35  }
0x71: {  	v59 =	vshll.u32 v17, $0xA;
	v42 =	vcvt.f32.s32 v26;
	v13 =	vcvt.f32.s32 v13  }
0x72: {  	v5 =	vadd.s32 v47, v8;
	v8 =	vtrunc.f32 v52;
	v57 =	vmul.f32 $3.100000000e+01, v49  }
0x73: {  	v31 =	vshll.u32 v43, $0xC;
	v43 =	vld [tilespmem:s29+$0x840];
	v25 =	vmul.f32 $6.300000000e+01, v49;
	v63 =	vcvt.f32.s32 v22  }
0x74: {  	v19 =	vadd.s32 v39, v19;
	v38 =	vmul.f32 $1.270000000e+02, v49;
	v23 =	vmul.f32 $2.550000000e+02, v49  }
0x75: {  	v3 =	vadd.s32 v40, v18;
	v58 =	vcvt.f32.s32 v8;
	v60 =	vtrunc.f32 v57  }
0x76: {  	v21 =	vshll.u32 v21, $0x7;
	v32 =	vtrunc.f32 v25;
	v25 =	vtrunc.f32 v36  }
0x77: {  	v40 =	vld [tilespmem:s29+$0x40];
	v9 =	vadd.s32 v45, v21;
	v22 =	vtrunc.f32 v38;
	v23 =	vtrunc.f32 v23  }
0x78: {  	v21 =	vshll.u32 v37, $0xC;
	v48 =	vmul.f32 $3.100000000e+01, v43;
	v28 =	vmul.f32 $6.300000000e+01, v43  }
0x79: {  	v20 =	vshll.u32 v63, $0xA;
	v63 =	vmul.f32 $1.270000000e+02, v43;
	v37 =	vmul.f32 $2.550000000e+02, v43  }
0x7a: {  	v7 =	vadd.s32 v14, v7;
	v17 =	vcvt.f32.s32 v60;
	v18 =	vcvt.f32.s32 v32  }
0x7b: {  	v10 =	vshll.u32 v10, $0xE;
	v45 =	vld [tilespmem:s29+$0x1040];
	v39 =	vcvt.f32.s32 v25;
	v41 =	vcvt.f32.s32 v22  }
0x7c: {  	v14 =	vadd.s32 v15, v55;
	v27 =	vmul.f32 $3.100000000e+01, v40;
	v46 =	vcvt.f32.s32 v23  }
0x7d: {  	v14 =	vadd.s32 v59, v14;
	v53 =	vmul.f32 $6.300000000e+01, v40;
	v61 =	vmul.f32 $1.270000000e+02, v40  }
0x7e: {  	v8 =	vadd.s32 v31, v19;
	v50 =	vtrunc.f32 v48;
	v55 =	vtrunc.f32 v28  }
0x7f: {  	v9 =	vadd.s32 v10, v9;
	v25 =	vtrunc.f32 v37;
	v47 =	vtrunc.f32 v27  }
0x80: {  	v11 =	vadd.s32 v51, v12;
	v51 =	vmul.f32 $3.100000000e+01, v45;
	v52 =	vcvt.f32.s32 v50  }
0x81: {  	v59 =	vshll.u32 v42, $0xE;
	v23 =	vtrunc.f32 v53;
	v56 =	vmul.f32 $6.300000000e+01, v45  }
0x82: {  	v15 =	vshll.u32 v58, $0x10;
	v58 =	vcvt.f32.s32 v55;
	v29 =	vtrunc.f32 v61  }
0x83: {  	v36 =	vld [tilespmem:s29+$0x850];
	v18 =	vshll.u32 v18, $0x6;
	v30 =	vmul.f32 $1.270000000e+02, v45;
	v42 =	vcvt.f32.s32 v25  }
0x84: {  	v12 =	vshll.u32 v41, $0x7;
	v49 =	vcvt.f32.s32 v47;
	v57 =	vcvt.f32.s32 v23  }
0x85: {  	v18 =	vadd.s32 v34, v18;
	v31 =	vcvt.f32.s32 v29;
	v34 =	vmul.f32 $2.550000000e+02, v40  }
0x86: {  	v10 =	vadd.s32 v39, v12;
	v39 =	vmul.f32 $2.550000000e+02, v45;
	v27 =	vtrunc.f32 v51  }
0x87: {  	v1 =	vld.idx.msk [tilespmem:v1+s21+$0x0], $0xffff;
	[tilespmem:s29+$0x1800] =	vst v0;
	v60 =	vtrunc.f32 v56;
	v0 =	vadd.s32 v59, v10;
	v10 =	vtrunc.f32 v63  }
0x88: {  	v32 =	vld [tilespmem:s29+$0x50];
	v28 =	vshll.u32 v46, $0x8;
	v33 =	vtrunc.f32 v30;
	v46 =	vmul.f32 $3.100000000e+01, v36  }
0x89: {  	v17 =	vshll.u32 v17, $0x5;
	v53 =	vmul.f32 $6.300000000e+01, v36;
	v63 =	vmul.f32 $1.270000000e+02, v36  }
0x8a: {  	v16 =	vadd.s32 v16, v17;
	v17 =	vmul.f32 $2.550000000e+02, v36;
	v54 =	vcvt.f32.s32 v27  }
0x8b: {  	v62 =	vcvt.f32.s32 v60;
	v10 =	vcvt.f32.s32 v10  }
0x8c: {  	v13 =	vshll.u32 v13, $0x10;
	v35 =	vcvt.f32.s32 v33;
	v22 =	vtrunc.f32 v34  }
0x8d: {  	v11 =	vadd.s32 v15, v11;
	v41 =	vmul.f32 $3.100000000e+01, v32;
	v43 =	vtrunc.f32 v39  }
0x8e: {  	v19 =	vshll.u32 v52, $0x5;
	v52 =	vmul.f32 $6.300000000e+01, v32;
	v60 =	vmul.f32 $1.270000000e+02, v32  }
0x8f: {  	[tilespmem:s29+$0x2000] =	vst v2;
	v2 =	vadd.s32 v44, v28;
	v15 =	vmul.f32 $2.550000000e+02, v32;
	v38 =	vcvt.f32.s32 v22  }
0x90: {  	v19 =	vadd.s32 v49, v19;
	v47 =	vcvt.f32.s32 v43;
	v49 =	vtrunc.f32 v46  }
0x91: {  	[tilespmem:s29+$0x2800] =	vst v4;
	v40 =	vld [tilespmem:s29+$0x1050];
	v18 =	vadd.s32 v21, v18;
	v55 =	vtrunc.f32 v53;
	v28 =	vtrunc.f32 v63  }
0x92: {  	[tilespmem:s29+$0x4800] =	vst v1;
	v2 =	vadd.s32 v13, v2;
	v17 =	vtrunc.f32 v17;
	v45 =	vtrunc.f32 v41  }
0x93: {  	v6 =	vld.idx.msk [tilespmem:v6+s21+$0x0], $0xffff;
	[tilespmem:s29+$0x2810] =	vst v7;
	v44 =	vshll.u32 v58, $0x6;
	v51 =	vcvt.f32.s32 v49;
	v7 =	vtrunc.f32 v52  }
0x94: {  	[tilespmem:s29+$0x1810] =	vst v3;
	v3 =	vadd.s32 v57, v44;
	v57 =	vcvt.f32.s32 v55;
	v25 =	vtrunc.f32 v60  }
0x95: {  	v29 =	vld [tilespmem:s29+$0x60];
	v58 =	vshll.u32 v42, $0x8;
	v15 =	vtrunc.f32 v15;
	v37 =	vcvt.f32.s32 v17  }
0x96: {  	v21 =	vshll.u32 v54, $0xA;
	v48 =	vcvt.f32.s32 v45;
	v50 =	vmul.f32 $3.100000000e+01, v40  }
0x97: {  	v1 =	vshll.u32 v62, $0xC;
	v56 =	vmul.f32 $6.300000000e+01, v40;
	v7 =	vcvt.f32.s32 v7  }
0x98: {  	v10 =	vshll.u32 v10, $0x7;
	v26 =	vmul.f32 $1.270000000e+02, v40;
	v27 =	vcvt.f32.s32 v25  }
0x99: {  	[tilespmem:s29+$0x2010] =	vst v5;
	v13 =	vshll.u32 v35, $0xE;
	v33 =	vcvt.f32.s32 v15;
	v34 =	vmul.f32 $2.550000000e+02, v40  }
0x9a: {  	v32 =	vld [tilespmem:s29+$0x860];
	[tilespmem:s29+$0x4810] =	vst v6;
	v5 =	vshll.u32 v47, $0x10;
	v36 =	vmul.f32 $3.100000000e+01, v29;
	v47 =	vmul.f32 $6.300000000e+01, v29  }
0x9b: {  	v6 =	vadd.s32 v21, v19;
	v55 =	vmul.f32 $1.270000000e+02, v29;
	v14 =	vld.idx.msk [tilespmem:v14+s21+$0x0], $0xffff;
	[tilespmem:s29+$0x2020] =	vst v9;
	v9 =	vcvt.f32.s32 v28  }
0x9c: {  	v1 =	vadd.s32 v1, v3;
	[tilespmem:s29+$0x2820] =	vst v11;
	v11 =	vmul.f32 $2.550000000e+02, v29;
	v21 =	vtrunc.f32 v50  }
0x9d: {  	v61 =	vadd.s32 v38, v58;
	v59 =	vtrunc.f32 v56;
	v30 =	vtrunc.f32 v26  }
0x9e: {  	v3 =	vshll.u32 v51, $0x5;
	v15 =	vtrunc.f32 v34;
	v38 =	vtrunc.f32 v36  }
0x9f: {  	v3 =	vadd.s32 v48, v3;
	v39 =	vmul.f32 $3.100000000e+01, v32;
	v48 =	vmul.f32 $6.300000000e+01, v32  }
0xa0: {  	v63 =	vld [tilespmem:s29+$0x70];
	v4 =	vadd.s32 v31, v10;
	v58 =	vmul.f32 $1.270000000e+02, v32;
	v60 =	vtrunc.f32 v55  }
0xa1: {  	v4 =	vadd.s32 v13, v4;
	v22 =	vmul.f32 $2.550000000e+02, v32;
	v54 =	vcvt.f32.s32 v21  }
0xa2: {  	v35 =	vld [tilespmem:s29+$0x1060];
	v13 =	vshll.u32 v57, $0x6;
	v62 =	vcvt.f32.s32 v59;
	v31 =	vcvt.f32.s32 v30  }
0xa3: {  	v7 =	vadd.s32 v7, v13;
	v41 =	vcvt.f32.s32 v15;
	v42 =	vcvt.f32.s32 v38  }
0xa4: {  	v43 =	vshll.u32 v9, $0x7;
	v9 =	vtrunc.f32 v47;
	v11 =	vtrunc.f32 v11  }
0xa5: {  	v24 =	vld [tilespmem:s29+$0x1070];
	v13 =	vshll.u32 v37, $0x8;
	v25 =	vmul.f32 $3.100000000e+01, v63;
	v37 =	vmul.f32 $6.300000000e+01, v63  }
0xa6: {  	v55 =	vmul.f32 $2.550000000e+02, v63;
	v44 =	vtrunc.f32 v39  }
0xa7: {  	v45 =	vmul.f32 $3.100000000e+01, v35;
	v50 =	vtrunc.f32 v48  }
0xa8: {  	v16 =	vadd.s32 v20, v16;
	v51 =	vmul.f32 $6.300000000e+01, v35;
	v9 =	vcvt.f32.s32 v9  }
0xa9: {  	v5 =	vadd.s32 v5, v61;
	v61 =	vmul.f32 $1.270000000e+02, v35;
	v11 =	vcvt.f32.s32 v11  }
0xaa: {  	v23 =	vmul.f32 $2.550000000e+02, v35;
	v35 =	vmul.f32 $3.100000000e+01, v24;
	v10 =	vshll.u32 v54, $0xA  }
0xab: {  	[tilespmem:s29+$0x1820] =	vst v8;
	v46 =	vcvt.f32.s32 v44;
	v12 =	vshll.u32 v31, $0xE;
	v52 =	vcvt.f32.s32 v50  }
0xac: {  	v53 =	vshll.u32 v41, $0x10;
	v28 =	vtrunc.f32 v25;
	v44 =	vmul.f32 $1.270000000e+02, v63;
	[tilespmem:s29+$0x4820] =	vst v14  }
0xad: {  	v3 =	vadd.s32 v10, v3;
	v14 =	vshll.u32 v62, $0xC;
	v15 =	vtrunc.f32 v45;
	v16 =	vld.idx.msk [tilespmem:v16+s21+$0x0], $0xffff  }
0xae: {  	v10 =	vadd.s32 v33, v13;
	v54 =	vtrunc.f32 v51;
	v62 =	vcvt.f32.s32 v60  }
0xaf: {  	v32 =	vcvt.f32.s32 v28;
	v39 =	vtrunc.f32 v35;
	[tilespmem:s29+$0x1830] =	vst v18;
	v40 =	vadd.s32 v14, v7  }
0xb0: {  	v21 =	vld [tilespmem:s29+$0x870];
	[tilespmem:s29+$0x2830] =	vst v2;
	v2 =	vadd.s32 v27, v43;
	v49 =	vcvt.f32.s32 v15;
	v57 =	vcvt.f32.s32 v54  }
0xb1: {  	[tilespmem:s29+$0x2030] =	vst v0;
	v56 =	vadd.s32 v53, v10;
	v7 =	vtrunc.f32 v58;
	v10 =	vtrunc.f32 v61  }
0xb2: {  	v59 =	vshll.u32 v46, $0x5;
	v14 =	vtrunc.f32 v22;
	v48 =	vtrunc.f32 v44;
	[tilespmem:s29+$0x4830] =	vst v16  }
0xb3: {  	v13 =	vshll.u32 v52, $0x6;
	v7 =	vcvt.f32.s32 v7;
	v10 =	vcvt.f32.s32 v10;
	v6 =	vld.idx.msk [tilespmem:v6+s21+$0x0], $0xffff  }
0xb4: {  	v9 =	vadd.s32 v9, v13;
	v26 =	vcvt.f32.s32 v14;
	v13 =	vtrunc.f32 v23  }
0xb5: {  	v2 =	vadd.s32 v12, v2;
	v29 =	vmul.f32 $3.100000000e+01, v21;
	v47 =	vmul.f32 $1.270000000e+02, v21;
	[tilespmem:s29+$0x1840] =	vst v1  }
0xb6: {  	v51 =	vcvt.f32.s32 v48;
	v12 =	vshll.u32 v49, $0xA;
	v31 =	vcvt.f32.s32 v13;
	[tilespmem:s29+$0x2040] =	vst v4  }
0xb7: {  	v49 =	vmul.f32 $1.270000000e+02, v24;
	v27 =	vshll.u32 v7, $0x7;
	v33 =	vshll.u32 v10, $0xE;
	[tilespmem:s29+$0x2840] =	vst v5  }
0xb8: {  	v34 =	vtrunc.f32 v29;
	v38 =	vshll.u32 v26, $0x8;
	v52 =	vtrunc.f32 v47;
	[tilespmem:s29+$0x4840] =	vst v6  }
0xb9: {  	v30 =	vadd.s32 v62, v27;
	v36 =	vcvt.f32.s32 v34;
	v4 =	vadd.s32 v42, v59;
	v3 =	vld.idx.msk [tilespmem:v3+s21+$0x0], $0xffff  }
0xba: {  	v45 =	vadd.s32 v11, v38;
	v42 =	vmul.f32 $6.300000000e+01, v24;
	v4 =	vadd.s32 v12, v4  }
0xbb: {  	v53 =	vcvt.f32.s32 v52;
	v54 =	vtrunc.f32 v49;
	v0 =	vadd.s32 v33, v30;
	[tilespmem:s29+$0x1850] =	vst v40  }
0xbc: {  	v1 =	vshll.u32 v36, $0x5;
	v43 =	vtrunc.f32 v42;
	v6 =	vshll.u32 v57, $0xC;
	[tilespmem:s29+$0x2050] =	vst v2  }
0xbd: {  	v6 =	vadd.s32 v6, v9;
	[tilespmem:s29+$0x2850] =	vst v56;
	v40 =	vmul.f32 $6.300000000e+01, v21;
	v9 =	vcvt.f32.s32 v39  }
0xbe: {  	v1 =	vadd.s32 v32, v1;
	v46 =	vcvt.f32.s32 v43;
	v57 =	vmul.f32 $2.550000000e+02, v24;
	[tilespmem:s29+$0x4850] =	vst v3  }
0xbf: {  	v56 =	vmul.f32 $2.550000000e+02, v21;
	v41 =	vtrunc.f32 v40;
	v9 =	vshll.u32 v9, $0xA;
	v4 =	vld.idx.msk [tilespmem:v4+s21+$0x0], $0xffff  }
0xc0: {  	v2 =	vtrunc.f32 v37;
	v5 =	vcvt.f32.s32 v41;
	v1 =	vadd.s32 v9, v1  }
0xc1: {  	v2 =	vcvt.f32.s32 v2;
	v8 =	vtrunc.f32 v56;
	v3 =	vshll.u32 v31, $0x10;
	[tilespmem:s29+$0x1860] =	vst v6  }
0xc2: {  	v58 =	vcvt.f32.s32 v8;
	v5 =	vshll.u32 v5, $0x6;
	[tilespmem:s29+$0x2060] =	vst v0;
	v50 =	vadd.s32 v3, v45  }
0xc3: {  	v2 =	vadd.s32 v2, v5;
	v6 =	vtrunc.f32 v55;
	v5 =	vtrunc.f32 v57;
	[tilespmem:s29+$0x2860] =	vst v50  }
0xc4: {  	v7 =	vshll.u32 v46, $0xC;
	v6 =	vcvt.f32.s32 v6;
	v5 =	vcvt.f32.s32 v5;
	[tilespmem:s29+$0x4860] =	vst v4  }
0xc5: {  	v60 =	vshll.u32 v58, $0x8;
	v0 =	vshll.u32 v53, $0x7;
	v4 =	vcvt.f32.s32 v54;
	v1 =	vld.idx.msk [tilespmem:v1+s21+$0x0], $0xffff  }
0xc6: {  	v2 =	vadd.s32 v7, v2;
	v61 =	vadd.s32 v6, v60;
	v62 =	vshll.u32 v5, $0x10  }
0xc7: {  	v0 =	vadd.s32 v51, v0;
	v63 =	vadd.s32 v62, v61;
	[tilespmem:s29+$0x1870] =	vst v2;
	v59 =	vshll.u32 v4, $0xE  }
0xc8: {  	[tilespmem:s29+$0x2870] =	vst v63;
	v0 =	vadd.s32 v59, v0  }
0xc9: {  	[tilespmem:s29+$0x2070] =	vst v0  }
0xca: {  	p1 =	sne.s32 s1, $0x1E00;
	s2 =	sadd.s32 $0x1800, s29;
	s16 =	sadd.s32 $0x3000, s29;
	[tilespmem:s29+$0x4870] =	vst v1  }
0xcb: {  	[tilespmem:s16], [sflag:$0x1] =	stream.indirect.gather [hbm4b:s3+s26], $0x1, s2, s26, $0xb8;
	[tilespmem:$0xD000] =	vst v63  }
.Ltmp2:
0xcc: {  	_ = 	snop;
	(pc) =	sbr.rel @p1 .LBB2_3-.Ltmp2, $4  }
0xcd: {  	s2 =	sadd.s32 $0x2000, s29;
	s16 =	sadd.s32 $0x3800, s29  }
0xce: {  	[tilespmem:s16], [sflag:$0x1] =	stream.indirect.gather [hbm4b:s5+s26], $0x1, s2, s26, $0xb8;
	[tilespmem:$0xD000] =	vst v63  }
0xcf: {  	s1 =	sadd.s32 $0x200, s1;
	s16 =	sadd.s32 $0x2800, s29;
	s29 =	sadd.s32 $0x4000, s29  }
0xd0: {  	[tilespmem:s29], [sflag:$0x1] =	stream.indirect.gather [hbm4b:s6+s26], $0x1, s16, s26, $0xb8;
	[tilespmem:$0xD000] =	vst v63  }
0xd1: {  	_ =	swait.ge [sflag:s25], $0x80  }
0xd2: {  	[sflag:s25] =	ssyncset.done $0x0  }
0xd3: {  	[sflag:s25] =	ssyncadd.s32 $0xFFFFFF80  }
0xd4: {  	_ =	swait.ge [sflag:s25], $0x80  }
0xd5: {  	[sflag:s25] =	ssyncset.done $0x0  }
0xd6: {  	[sflag:s25] =	ssyncadd.s32 $0xFFFFFF80  }
0xd7: {  	_ =	swait.ge [sflag:s25], $0x80  }
0xd8: {  	[sflag:s25] =	ssyncset.done $0x0  }
0xd9: {  	s1 =	simm.s32 $0x0;
	[sflag:s25] =	ssyncadd.s32 $0xFFFFFF80  }
0xda: {  	v0 =	vld [tilespmem:s1+$0x4060]  }
0xdb: {  	v1 =	vld [tilespmem:s1+$0x4050]  }
0xdc: {  	v2 =	vld [tilespmem:s1+$0x3860]  }
0xdd: {  	v3 =	vld [tilespmem:s1+$0x4020]  }
0xde: {  	v5 =	vld [tilespmem:s1+$0x3810]  }
0xdf: {  	v6 =	vld [tilespmem:s1+$0x3830]  }
0xe0: {  	v4 =	vld [tilespmem:s1+$0x3840]  }
0xe1: {  	v7 =	vld [tilespmem:s1+$0x4070]  }
0xe2: {  	v9 =	vld [tilespmem:s1+$0x3820]  }
0xe3: {  	v10 =	vld [tilespmem:s1+$0x3870]  }
0xe4: {  	s29 =	simm.s32 $0x200;
	v8 =	vld [tilespmem:s1+$0x3060]  }
.LBB2_5:
0xe5: {  	p1 =	sne.s32 s29, $0x1E00;
	v11 =	vld [tilespmem:s1+$0x3050];
	s2 =	smov.u32 s29;
	s29 =	sadd.s32 $0x200, s29  }
0xe6: {  	v12 =	vld [tilespmem:s1+$0x3010]  }
0xe7: {  	v13 =	vld [tilespmem:s1+$0x3070]  }
0xe8: {  	v14 =	vld [tilespmem:s1+$0x3040]  }
0xe9: {  	v15 =	vld [tilespmem:s1+$0x3020]  }
0xea: {  	v16 =	vld [tilespmem:s1+$0x4800]  }
0xeb: {  	v17 =	vld [tilespmem:s1+$0x4870]  }
0xec: {  	v18 =	vld [tilespmem:s1+$0x3030]  }
0xed: {  	v19 =	vld [tilespmem:s1+$0x4820]  }
0xee: {  	v20 =	vld [tilespmem:s1+$0x4810]  }
0xef: {  	v21 =	vld [tilespmem:s1+$0x4850]  }
0xf0: {  	v22 =	vld [tilespmem:s1+$0x4830];
	v13 =	vadd.f32 v13, v17  }
0xf1: {  	v17 =	vld [tilespmem:s1+$0x4840]  }
0xf2: {  	v15 =	vadd.f32 v15, v19;
	v19 =	vld [tilespmem:s1+$0x4860];
	v10 =	vadd.f32 v10, v13  }
0xf3: {  	v13 =	vld [tilespmem:s1+$0x3000];
	v12 =	vadd.f32 v12, v20  }
0xf4: {  	v9 =	vadd.f32 v9, v15;
	v11 =	vadd.f32 v11, v21;
	v15 =	vld [tilespmem:s1+$0x3850]  }
0xf5: {  	v5 =	vadd.f32 v5, v12;
	v12 =	vadd.f32 v18, v22;
	v18 =	vld [tilespmem:s1+$0x4030]  }
0xf6: {  	v7 =	vadd.f32 v7, v10;
	v14 =	vadd.f32 v14, v17;
	v17 =	vld [tilespmem:s1+$0x4040]  }
0xf7: {  	v10 =	vld [tilespmem:s1+$0x3800];
	v6 =	vadd.f32 v6, v12;
	v8 =	vadd.f32 v8, v19  }
0xf8: {  	v12 =	vadd.f32 v13, v16;
	v13 =	vld [tilespmem:s1+$0x4010];
	v4 =	vadd.f32 v4, v14;
	[tilespmem:s1+$0x4870] =	vst v7  }
0xf9: {  	v3 =	vadd.f32 v3, v9;
	v7 =	vld [tilespmem:s1+$0x4000];
	v9 =	vadd.f32 v15, v11  }
0xfa: {  	v2 =	vadd.f32 v2, v8;
	v6 =	vadd.f32 v18, v6  }
0xfb: {  	[tilespmem:s1+$0x4820] =	vst v3;
	v3 =	vadd.f32 v17, v4;
	v1 =	vadd.f32 v1, v9  }
0xfc: {  	v0 =	vadd.f32 v0, v2;
	v4 =	vadd.f32 v10, v12;
	[tilespmem:s1+$0x4830] =	vst v6  }
0xfd: {  	v2 =	vadd.f32 v13, v5;
	[tilespmem:s1+$0x4850] =	vst v1  }
0xfe: {  	v1 =	vadd.f32 v7, v4;
	[tilespmem:s1+$0x4860] =	vst v0  }
0xff: {  	[tilespmem:s1+$0x4840] =	vst v3  }
0x100: {  	[tilespmem:s1+$0x4810] =	vst v2  }
0x101: {  	[tilespmem:s1+$0x4800] =	vst v1  }
0x102: {  	_ =	swait.ge [sflag:s25], $0x80  }
0x103: {  	[sflag:s25] =	ssyncset.done $0x0  }
0x104: {  	[sflag:s25] =	ssyncadd.s32 $0xFFFFFF80  }
0x105: {  	_ =	swait.ge [sflag:s25], $0x80  }
0x106: {  	[sflag:s25] =	ssyncset.done $0x0  }
0x107: {  	[sflag:s25] =	ssyncadd.s32 $0xFFFFFF80  }
0x108: {  	_ =	swait.ge [sflag:s25], $0x80  }
0x109: {  	[sflag:s25] =	ssyncset.done $0x0  }
0x10a: {  	s1 =	sshra.s32 s2, $0x2;
	[sflag:s25] =	ssyncadd.s32 $0xFFFFFF80  }
0x10b: {  	v0 =	vld [tilespmem:s1+$0x4060]  }
0x10c: {  	v1 =	vld [tilespmem:s1+$0x4050]  }
0x10d: {  	v2 =	vld [tilespmem:s1+$0x3860]  }
0x10e: {  	v3 =	vld [tilespmem:s1+$0x4020]  }
0x10f: {  	v5 =	vld [tilespmem:s1+$0x3810]  }
0x110: {  	v6 =	vld [tilespmem:s1+$0x3830]  }
.Ltmp3:
0x111: {  	v4 =	vld [tilespmem:s1+$0x3840];
	(pc) =	sbr.rel @p1 .LBB2_5-.Ltmp3, $4  }
0x112: {  	v7 =	vld [tilespmem:s1+$0x4070]  }
0x113: {  	v9 =	vld [tilespmem:s1+$0x3820]  }
0x114: {  	v10 =	vld [tilespmem:s1+$0x3870]  }
0x115: {  	v8 =	vld [tilespmem:s1+$0x3060]  }
0x116: {  	v11 =	vld [tilespmem:s1+$0x3050]  }
0x117: {  	v12 =	vld [tilespmem:s1+$0x3010]  }
0x118: {  	v13 =	vld [tilespmem:s1+$0x3070]  }
0x119: {  	v14 =	vld [tilespmem:s1+$0x3040]  }
0x11a: {  	v15 =	vld [tilespmem:s1+$0x3020]  }
0x11b: {  	v16 =	vld [tilespmem:s1+$0x4800]  }
0x11c: {  	v17 =	vld [tilespmem:s1+$0x4870]  }
0x11d: {  	v18 =	vld [tilespmem:s1+$0x3030]  }
0x11e: {  	v19 =	vld [tilespmem:s1+$0x4820]  }
0x11f: {  	v20 =	vld [tilespmem:s1+$0x4810]  }
0x120: {  	v21 =	vld [tilespmem:s1+$0x4850]  }
0x121: {  	v22 =	vld [tilespmem:s1+$0x4830]  }
0x122: {  	v23 =	vld [tilespmem:s1+$0x4840]  }
0x123: {  	v48 =	vld [tilespmem:s1+$0x4860]  }
0x124: {  	v49 =	vld [tilespmem:s1+$0x3000]  }
0x125: {  	v13 =	vadd.f32 v13, v17;
	v15 =	vadd.f32 v15, v19  }
0x126: {  	v50 =	vld [tilespmem:s1+$0x3850];
	v12 =	vadd.f32 v12, v20;
	v51 =	vadd.f32 v18, v22  }
0x127: {  	v52 =	vld [tilespmem:s1+$0x4030];
	v11 =	vadd.f32 v11, v21;
	v14 =	vadd.f32 v14, v23  }
0x128: {  	v8 =	vadd.f32 v8, v48;
	v10 =	vadd.f32 v10, v13  }
0x129: {  	v53 =	vld [tilespmem:s1+$0x4040];
	v55 =	vadd.f32 v49, v16;
	v9 =	vadd.f32 v9, v15  }
0x12a: {  	v54 =	vld [tilespmem:s1+$0x3800];
	v6 =	vadd.f32 v6, v51;
	v7 =	vadd.f32 v7, v10  }
0x12b: {  	v56 =	vld [tilespmem:s1+$0x4010];
	v57 =	vadd.f32 v50, v11;
	v3 =	vadd.f32 v3, v9  }
0x12c: {  	v58 =	vld [tilespmem:s1+$0x4000];
	v2 =	vadd.f32 v2, v8;
	v6 =	vadd.f32 v52, v6;
	[tilespmem:s1+$0x4870] =	vst v7  }
0x12d: {  	v4 =	vadd.f32 v4, v14;
	v1 =	vadd.f32 v1, v57;
	[tilespmem:s1+$0x4820] =	vst v3  }
0x12e: {  	v59 =	vadd.f32 v5, v12;
	v0 =	vadd.f32 v0, v2;
	[tilespmem:s1+$0x4830] =	vst v6  }
0x12f: {  	v61 =	vadd.f32 v54, v55;
	v60 =	vadd.f32 v53, v4;
	[tilespmem:s1+$0x4850] =	vst v1  }
0x130: {  	v62 =	vadd.f32 v56, v59;
	[tilespmem:s1+$0x4860] =	vst v0  }
0x131: {  	s31 =	sadd.s32 $0x1, s31;
	v63 =	vadd.f32 v58, v61;
	[tilespmem:s1+$0x4840] =	vst v60  }
0x132: {  	p1 =	sne.s32 s31, $0xF;
	[tilespmem:s1+$0x4810] =	vst v62  }
.Ltmp4:
0x133: {  	s29 =	sadd.s32 s11, s4;
	[tilespmem:s1+$0x4800] =	vst v63;
	(pc) =	sbr.rel @p1 .LBB2_2-.Ltmp4, $4  }
0x134: {  	[hbm4b:s29+s7] =	stream.linear.scatter [tilespmem:s28], [sflag:$0x2], $0x800, $0x38;
	[tilespmem:$0xD000] =	vst v63  }
0x135: {  	_ =	swait.ge [sflag:s22], $0x800  }
0x136: {  	[sflag:s22] =	ssyncset.done $0x0  }
0x137: {  	[sflag:s22] =	ssyncadd.s32 $0xFFFFF800  }
0x138: {  	s4 =	simm.s32 $0x0  }
0x139: {  	[tilespmem:s4], [sflag:$0x1] =	stream.linear.gather [hbm4b:s12+s4], $0x210, $0x38;
	[tilespmem:$0xD000] =	vst v63  }
0x13a: {  	_ = 	snop  }
0x13b: {  	[tilespmem:s23], [sflag:$0x1] =	stream.linear.gather [hbm4b:s13+s4], $0x210, $0x38;
	[tilespmem:$0xD000] =	vst v63  }
0x13c: {  	_ = 	snop  }
0x13d: {  	[tilespmem:s24], [sflag:$0x1] =	stream.linear.gather [hbm4b:s14+s4], $0x210, $0x38;
	[tilespmem:$0xD000] =	vst v63  }
0x13e: {  	_ =	swait.ge [sflag:s25], $0x210  }
0x13f: {  	[sflag:s25] =	ssyncset.done $0x0  }
0x140: {  	[sflag:s25] =	ssyncadd.s32 $0xFFFFFDF0  }
0x141: {  	_ =	swait.ge [sflag:s25], $0x210  }
0x142: {  	[sflag:s25] =	ssyncset.done $0x0  }
0x143: {  	[sflag:s25] =	ssyncadd.s32 $0xFFFFFDF0  }
0x144: {  	_ =	swait.ge [sflag:s25], $0x210  }
0x145: {  	[sflag:s25] =	ssyncset.done $0x0  }
0x146: {  	[sflag:s25] =	ssyncadd.s32 $0xFFFFFDF0  }
.LBB2_8:
0x147: {  	s31 =	sshra.s32 s4, $0x2  }
0x148: {  	v2 =	vld [tilespmem:s31+$0x0]  }
0x149: {  	v3 =	vld [tilespmem:s31+$0x800]  }
0x14a: {  	v4 =	vld [tilespmem:s31+$0x1000];
	_ =	sdelay $0x3  }
0x14b: {  	v18 =	vld [tilespmem:s31+$0x810];
	v0 =	vmul.f32 $3.100000000e+01, v2;
	v1 =	vmul.f32 $3.100000000e+01, v3  }
0x14c: {  	v19 =	vld [tilespmem:s31+$0x10];
	v5 =	vmul.f32 $3.100000000e+01, v4;
	v6 =	vmul.f32 $6.300000000e+01, v3  }
0x14d: {  	v20 =	vld [tilespmem:s31+$0x1010];
	v7 =	vmul.f32 $6.300000000e+01, v2;
	v11 =	vmul.f32 $6.300000000e+01, v4  }
0x14e: {  	v33 =	vld [tilespmem:s31+$0x20];
	v13 =	vmul.f32 $1.270000000e+02, v2;
	v8 =	vmul.f32 $1.270000000e+02, v3  }
0x14f: {  	v34 =	vld [tilespmem:s31+$0x820];
	v15 =	vmul.f32 $1.270000000e+02, v4;
	v2 =	vmul.f32 $2.550000000e+02, v2  }
0x150: {  	v50 =	vld [tilespmem:s31+$0x830];
	v3 =	vmul.f32 $2.550000000e+02, v3;
	v4 =	vmul.f32 $2.550000000e+02, v4  }
0x151: {  	v51 =	vld [tilespmem:s31+$0x1030];
	v21 =	vmul.f32 $3.100000000e+01, v18;
	v22 =	vmul.f32 $3.100000000e+01, v19  }
0x152: {  	v24 =	vmul.f32 $3.100000000e+01, v20;
	v25 =	vmul.f32 $6.300000000e+01, v18  }
0x153: {  	v28 =	vmul.f32 $1.270000000e+02, v19;
	v32 =	vmul.f32 $1.270000000e+02, v20  }
0x154: {  	v36 =	vmul.f32 $3.100000000e+01, v33;
	v40 =	vmul.f32 $6.300000000e+01, v33  }
0x155: {  	v46 =	vmul.f32 $1.270000000e+02, v34;
	v47 =	vmul.f32 $1.270000000e+02, v33  }
0x156: {  	v54 =	vmul.f32 $3.100000000e+01, v50;
	v58 =	vmul.f32 $3.100000000e+01, v51  }
0x157: {  	v61 =	vmul.f32 $6.300000000e+01, v51;
	v0 =	vtrunc.f32 v0  }
0x158: {  	v1 =	vtrunc.f32 v1;
	v5 =	vtrunc.f32 v5  }
0x159: {  	v10 =	vtrunc.f32 v6;
	v7 =	vtrunc.f32 v7  }
0x15a: {  	v6 =	vtrunc.f32 v11;
	v16 =	vtrunc.f32 v13  }
0x15b: {  	v17 =	vtrunc.f32 v8;
	v2 =	vtrunc.f32 v2  }
0x15c: {  	v3 =	vtrunc.f32 v3;
	v4 =	vtrunc.f32 v4  }
0x15d: {  	v23 =	vtrunc.f32 v21;
	v11 =	vmul.f32 $6.300000000e+01, v20  }
0x15e: {  	v30 =	vtrunc.f32 v28;
	v8 =	vmul.f32 $2.550000000e+02, v18  }
0x15f: {  	v38 =	vtrunc.f32 v36;
	v42 =	vtrunc.f32 v40  }
0x160: {  	v48 =	vtrunc.f32 v46;
	v57 =	vtrunc.f32 v54  }
0x161: {  	v0 =	vcvt.f32.s32 v0;
	v1 =	vcvt.f32.s32 v1  }
0x162: {  	v5 =	vcvt.f32.s32 v5;
	v12 =	vcvt.f32.s32 v7  }
0x163: {  	v6 =	vcvt.f32.s32 v6;
	v7 =	vcvt.f32.s32 v17  }
0x164: {  	v3 =	vcvt.f32.s32 v3;
	v9 =	vcvt.f32.s32 v2  }
0x165: {  	v4 =	vcvt.f32.s32 v4;
	v44 =	vcvt.f32.s32 v42  }
0x166: {  	v27 =	vtrunc.f32 v11;
	v11 =	vtrunc.f32 v32  }
0x167: {  	v13 =	vld [tilespmem:s31+$0x1020];
	v8 =	vtrunc.f32 v8;
	v1 =	vshll.u32 v1, $0x5;
	v5 =	vshll.u32 v5, $0xA  }
0x168: {  	v3 =	vshll.u32 v3, $0x8;
	v4 =	vshll.u32 v4, $0x10;
	v11 =	vcvt.f32.s32 v11  }
0x169: {  	v21 =	vld [tilespmem:s31+$0x840];
	v8 =	vcvt.f32.s32 v8;
	v0 =	vadd.s32 v0, v1;
	v1 =	vcvt.f32.s32 v10  }
0x16a: {  	v3 =	vadd.s32 v9, v3;
	v9 =	vtrunc.f32 v22;
	v10 =	vmul.f32 $6.300000000e+01, v19  }
0x16b: {  	v3 =	vadd.s32 v4, v3;
	v4 =	vcvt.f32.s32 v23;
	v9 =	vcvt.f32.s32 v9  }
0x16c: {  	v6 =	vshll.u32 v6, $0xC;
	v37 =	vmul.f32 $3.100000000e+01, v13;
	v41 =	vmul.f32 $6.300000000e+01, v13  }
0x16d: {  	v7 =	vshll.u32 v7, $0x7;
	v49 =	vmul.f32 $1.270000000e+02, v13;
	v13 =	vmul.f32 $2.550000000e+02, v13  }
0x16e: {  	v0 =	vadd.s32 v5, v0;
	v22 =	vmul.f32 $3.100000000e+01, v21;
	v23 =	vmul.f32 $6.300000000e+01, v21  }
0x16f: {  	vm0 =	vgt.s32 v0, $0x0;
	v1 =	vshll.u32 v1, $0x6;
	v10 =	vtrunc.f32 v10  }
0x170: {  	v0 =	vnsel vm0, $0x0, v0;
	v26 =	vcvt.f32.s32 v10;
	v10 =	vcvt.f32.s32 v27  }
0x171: {  	v5 =	vadd.s32 v12, v1;
	v12 =	vmul.f32 $1.270000000e+02, v18;
	v52 =	vtrunc.f32 v13  }
0x172: {  	v4 =	vshll.u32 v4, $0x5;
	v27 =	vmul.f32 $1.270000000e+02, v51;
	v23 =	vtrunc.f32 v23  }
0x173: {  	v14 =	vadd.s32 v6, v5;
	v5 =	vtrunc.f32 v15;
	v6 =	vcvt.f32.s32 v16  }
0x174: {  	v4 =	vadd.s32 v9, v4;
	v9 =	vtrunc.f32 v25;
	v15 =	vmul.f32 $6.300000000e+01, v34  }
0x175: {  	v1 =	vmin.u32 v0, $0x7FFF;
	v13 =	vcvt.f32.s32 v52;
	v5 =	vcvt.f32.s32 v5  }
0x176: {  	vm9 =	vgt.s32 v14, $0x0;
	v9 =	vcvt.f32.s32 v9;
	v31 =	vtrunc.f32 v12  }
0x177: {  	v29 =	vshll.u32 v10, $0xC;
	v10 =	vcvt.f32.s32 v30;
	v12 =	vmul.f32 $2.550000000e+02, v33  }
0x178: {  	v33 =	vtrunc.f32 v22;
	v6 =	vadd.s32 v6, v7;
	v7 =	vmul.f32 $2.550000000e+02, v19  }
0x179: {  	v0 =	vnsel vm9, $0x0, v14;
	v14 =	vmul.f32 $3.100000000e+01, v34;
	v43 =	vtrunc.f32 v15  }
0x17a: {  	v15 =	vtrunc.f32 v47;
	v19 =	vmul.f32 $6.300000000e+01, v50  }
0x17b: {  	v16 =	vld [tilespmem:s31+$0x30];
	v5 =	vshll.u32 v5, $0xE;
	v15 =	vcvt.f32.s32 v15;
	v12 =	vtrunc.f32 v12  }
0x17c: {  	v5 =	vadd.s32 v5, v6;
	v6 =	vmul.f32 $2.550000000e+02, v20;
	v7 =	vtrunc.f32 v7  }
0x17d: {  	v39 =	vtrunc.f32 v14;
	v14 =	vcvt.f32.s32 v43  }
0x17e: {  	v12 =	vcvt.f32.s32 v12;
	v19 =	vtrunc.f32 v19  }
0x17f: {  	v11 =	vshll.u32 v11, $0xE;
	v30 =	vld [tilespmem:s31+$0x1040];
	v20 =	vmul.f32 $1.270000000e+02, v50;
	v7 =	vcvt.f32.s32 v7  }
0x180: {  	v8 =	vshll.u32 v8, $0x8;
	v18 =	vmul.f32 $3.100000000e+01, v16;
	v59 =	vmul.f32 $6.300000000e+01, v16  }
0x181: {  	vm11 =	vgt.s32 v3, $0x0;
	v62 =	vcvt.f32.s32 v19;
	v63 =	vmul.f32 $1.270000000e+02, v16  }
0x182: {  	vm10 =	vgt.s32 v5, $0x0;
	v19 =	vtrunc.f32 v27;
	v16 =	vmul.f32 $2.550000000e+02, v16  }
0x183: {  	v6 =	vtrunc.f32 v6;
	v45 =	vshll.u32 v14, $0x6;
	v14 =	vtrunc.f32 v49  }
0x184: {  	v5 =	vnsel vm10, $0x0, v5;
	v19 =	vcvt.f32.s32 v19;
	v43 =	vmul.f32 $1.270000000e+02, v30  }
0x185: {  	v2 =	vmin.u32 v5, $0x1FFFFF;
	v5 =	vtrunc.f32 v24;
	v6 =	vcvt.f32.s32 v6  }
0x186: {  	v7 =	vadd.s32 v7, v8;
	v8 =	vtrunc.f32 v37;
	v14 =	vcvt.f32.s32 v14  }
0x187: {  	v3 =	vnsel vm11, $0x0, v3;
	v56 =	vtrunc.f32 v18;
	v60 =	vtrunc.f32 v59  }
0x188: {  	v3 =	vmin.u32 v3, $0xFFFFFF;
	v18 =	vtrunc.f32 v61;
	v25 =	vtrunc.f32 v63  }
0x189: {  	v55 =	vshll.u32 v13, $0x10;
	v16 =	vtrunc.f32 v16;
	v37 =	vmul.f32 $6.300000000e+01, v30  }
0x18a: {  	v28 =	vld [tilespmem:s31+$0x40];
	v0 =	vmin.u32 v0, $0x3FFFF;
	v5 =	vcvt.f32.s32 v5;
	v8 =	vcvt.f32.s32 v8  }
0x18b: {  	v9 =	vshll.u32 v9, $0x6;
	v13 =	vcvt.f32.s32 v56;
	v18 =	vcvt.f32.s32 v18  }
0x18c: {  	v16 =	vcvt.f32.s32 v16;
	v35 =	vshll.u32 v6, $0x10;
	v14 =	vshll.u32 v14, $0xE  }
0x18d: {  	v22 =	vtrunc.f32 v37;
	v5 =	vshll.u32 v5, $0xA;
	v7 =	vadd.s32 v35, v7  }
0x18e: {  	v8 =	vshll.u32 v8, $0xA;
	v24 =	vshll.u32 v18, $0xC;
	v18 =	vcvt.f32.s32 v25  }
0x18f: {  	v35 =	vmul.f32 $6.300000000e+01, v28;
	v22 =	vcvt.f32.s32 v22;
	v4 =	vadd.s32 v5, v4  }
0x190: {  	v5 =	vadd.s32 v26, v9;
	v9 =	vcvt.f32.s32 v31;
	v26 =	vtrunc.f32 v20  }
0x191: {  	vm15 =	vgt.s32 v7, $0x0;
	v31 =	vmul.f32 $3.100000000e+01, v28;
	v20 =	vmul.f32 $2.550000000e+02, v28  }
0x192: {  	vm12 =	vgt.s32 v4, $0x0;
	v5 =	vadd.s32 v29, v5;
	v7 =	vnsel vm15, $0x0, v7  }
0x193: {  	v29 =	vshll.u32 v19, $0xE;
	v36 =	vtrunc.f32 v35;
	v40 =	vshll.u32 v22, $0xC  }
0x194: {  	v19 =	vmul.f32 $2.550000000e+02, v30;
	v4 =	vnsel vm12, $0x0, v4;
	vm13 =	vgt.s32 v5, $0x0  }
0x195: {  	v25 =	vld [tilespmem:s31+$0x1050];
	v9 =	vshll.u32 v9, $0x7;
	v7 =	vmin.u32 v7, $0xFFFFFF;
	v32 =	vtrunc.f32 v31  }
0x196: {  	v20 =	vtrunc.f32 v20;
	v4 =	vmin.u32 v4, $0x7FFF;
	v5 =	vnsel vm13, $0x0, v5  }
0x197: {  	v9 =	vadd.s32 v10, v9;
	v10 =	vmul.f32 $2.550000000e+02, v34;
	v34 =	vmul.f32 $3.100000000e+01, v30  }
0x198: {  	v20 =	vcvt.f32.s32 v20;
	v19 =	vtrunc.f32 v19;
	v9 =	vadd.s32 v11, v9  }
0x199: {  	v35 =	vld [tilespmem:s31+$0x1060];
	v5 =	vmin.u32 v5, $0x3FFFF;
	v11 =	vcvt.f32.s32 v39;
	v39 =	vmul.f32 $1.270000000e+02, v28  }
0x19a: {  	v19 =	vcvt.f32.s32 v19;
	v56 =	vmul.f32 $6.300000000e+01, v25;
	vm14 =	vgt.s32 v9, $0x0  }
0x19b: {  	v59 =	vmul.f32 $1.270000000e+02, v25;
	v10 =	vtrunc.f32 v10;
	v9 =	vnsel vm14, $0x0, v9  }
0x19c: {  	v11 =	vshll.u32 v11, $0x5;
	v6 =	vmin.u32 v9, $0x1FFFFF;
	v9 =	vcvt.f32.s32 v38  }
0x19d: {  	v17 =	vcvt.f32.s32 v10;
	v19 =	vshll.u32 v19, $0x10;
	v38 =	vcvt.f32.s32 v23  }
0x19e: {  	v23 =	vtrunc.f32 v43;
	v43 =	vmul.f32 $3.100000000e+01, v35;
	v9 =	vadd.s32 v9, v11  }
0x19f: {  	v53 =	vshll.u32 v17, $0x8;
	v11 =	vtrunc.f32 v41;
	v8 =	vadd.s32 v8, v9  }
0x1a0: {  	v17 =	vtrunc.f32 v58;
	v11 =	vcvt.f32.s32 v11;
	vm4 =	vgt.s32 v8, $0x0  }
0x1a1: {  	v23 =	vcvt.f32.s32 v23;
	v17 =	vcvt.f32.s32 v17;
	v8 =	vnsel vm4, $0x0, v8  }
0x1a2: {  	v11 =	vshll.u32 v11, $0xC;
	v9 =	vmin.u32 v8, $0x7FFF;
	v8 =	vadd.s32 v44, v45;
	v44 =	vld [tilespmem:s31+$0x50]  }
0x1a3: {  	v41 =	vtrunc.f32 v39;
	v45 =	vld [tilespmem:s31+$0x850];
	v8 =	vadd.s32 v11, v8;
	v11 =	vcvt.f32.s32 v48  }
0x1a4: {  	v22 =	vcvt.f32.s32 v41;
	v23 =	vshll.u32 v23, $0xE;
	v17 =	vshll.u32 v17, $0xA  }
0x1a5: {  	v48 =	vmul.f32 $3.100000000e+01, v25;
	vm5 =	vgt.s32 v8, $0x0;
	v11 =	vshll.u32 v11, $0x7  }
0x1a6: {  	v8 =	vnsel vm5, $0x0, v8;
	v11 =	vadd.s32 v15, v11;
	v15 =	vmul.f32 $2.550000000e+02, v50  }
0x1a7: {  	v11 =	vadd.s32 v14, v11;
	v14 =	vmul.f32 $2.550000000e+02, v51;
	v46 =	vmul.f32 $3.100000000e+01, v44  }
0x1a8: {  	v8 =	vmin.u32 v8, $0x3FFFF;
	v47 =	vmul.f32 $3.100000000e+01, v45;
	v52 =	vmul.f32 $6.300000000e+01, v45  }
0x1a9: {  	v54 =	vmul.f32 $6.300000000e+01, v44;
	v58 =	vmul.f32 $1.270000000e+02, v45;
	vm6 =	vgt.s32 v11, $0x0  }
0x1aa: {  	v31 =	vmul.f32 $2.550000000e+02, v44;
	v15 =	vtrunc.f32 v15;
	v11 =	vnsel vm6, $0x0, v11  }
0x1ab: {  	v1 =	vld.idx.msk [tilespmem:v1+s21+$0x0], $0xffff;
	v15 =	vcvt.f32.s32 v15;
	v14 =	vtrunc.f32 v14;
	v10 =	vmin.u32 v11, $0x1FFFFF  }
0x1ac: {  	v30 =	vld [tilespmem:s31+$0x60];
	v11 =	vadd.s32 v12, v53;
	v12 =	vcvt.f32.s32 v57;
	v14 =	vcvt.f32.s32 v14  }
0x1ad: {  	[tilespmem:s31+$0x1800] =	vst v0;
	v57 =	vmul.f32 $1.270000000e+02, v44;
	v11 =	vadd.s32 v55, v11;
	v15 =	vshll.u32 v15, $0x8  }
0x1ae: {  	[tilespmem:s31+$0x2800] =	vst v3;
	v55 =	vtrunc.f32 v52;
	vm7 =	vgt.s32 v11, $0x0;
	v12 =	vshll.u32 v12, $0x5  }
0x1af: {  	[tilespmem:s31+$0x2000] =	vst v2;
	v15 =	vadd.s32 v16, v15;
	v16 =	vcvt.f32.s32 v32;
	v3 =	vcvt.f32.s32 v55  }
0x1b0: {  	[tilespmem:s31+$0x4800] =	vst v1;
	v14 =	vshll.u32 v14, $0x10;
	v61 =	vtrunc.f32 v57;
	v32 =	vmul.f32 $2.550000000e+02, v45  }
0x1b1: {  	v4 =	vld.idx.msk [tilespmem:v4+s21+$0x0], $0xffff;
	v55 =	vmul.f32 $1.270000000e+02, v30;
	v57 =	vmul.f32 $1.270000000e+02, v35;
	v11 =	vnsel vm7, $0x0, v11  }
0x1b2: {  	v12 =	vadd.s32 v13, v12;
	v13 =	vcvt.f32.s32 v60;
	v14 =	vadd.s32 v14, v15  }
0x1b3: {  	[tilespmem:s31+$0x1810] =	vst v5;
	v15 =	vcvt.f32.s32 v33;
	v12 =	vadd.s32 v17, v12;
	v17 =	vshll.u32 v62, $0x6  }
0x1b4: {  	[tilespmem:s31+$0x2010] =	vst v6;
	vm11 =	vgt.s32 v14, $0x0;
	v11 =	vmin.u32 v11, $0xFFFFFF;
	v3 =	vshll.u32 v3, $0x6  }
0x1b5: {  	[tilespmem:s31+$0x2810] =	vst v7;
	v62 =	vtrunc.f32 v58;
	vm8 =	vgt.s32 v12, $0x0;
	v13 =	vadd.s32 v13, v17  }
0x1b6: {  	[tilespmem:s31+$0x4810] =	vst v4;
	v17 =	vcvt.f32.s32 v26;
	v14 =	vnsel vm11, $0x0, v14;
	v15 =	vshll.u32 v15, $0x5  }
0x1b7: {  	v9 =	vld.idx.msk [tilespmem:v9+s21+$0x0], $0xffff;
	[tilespmem:s31+$0x2820] =	vst v11;
	v11 =	vtrunc.f32 v43;
	v12 =	vnsel vm8, $0x0, v12;
	v13 =	vadd.s32 v24, v13  }
0x1b8: {  	v33 =	vld [tilespmem:s31+$0x860];
	v15 =	vadd.s32 v16, v15;
	v16 =	vcvt.f32.s32 v36;
	v24 =	vmul.f32 $1.270000000e+02, v21  }
0x1b9: {  	v21 =	vmul.f32 $2.550000000e+02, v21;
	v60 =	vmin.u32 v14, $0xFFFFFF;
	v14 =	vcvt.f32.s32 v61  }
0x1ba: {  	v11 =	vcvt.f32.s32 v11;
	vm9 =	vgt.s32 v13, $0x0;
	v17 =	vshll.u32 v17, $0x7  }
0x1bb: {  	v17 =	vadd.s32 v18, v17;
	v18 =	vtrunc.f32 v34;
	v42 =	vtrunc.f32 v24  }
0x1bc: {  	v12 =	vmin.u32 v12, $0x7FFF;
	v21 =	vtrunc.f32 v21;
	v34 =	vmul.f32 $2.550000000e+02, v25  }
0x1bd: {  	v13 =	vnsel vm9, $0x0, v13;
	v41 =	vmul.f32 $3.100000000e+01, v33;
	v61 =	vmul.f32 $2.550000000e+02, v33  }
0x1be: {  	v17 =	vadd.s32 v29, v17;
	v18 =	vcvt.f32.s32 v18;
	v21 =	vcvt.f32.s32 v21  }
0x1bf: {  	v13 =	vmin.u32 v13, $0x3FFFF;
	vm10 =	vgt.s32 v17, $0x0;
	v37 =	vtrunc.f32 v34  }
0x1c0: {  	v45 =	vtrunc.f32 v41;
	v24 =	vtrunc.f32 v61;
	v17 =	vnsel vm10, $0x0, v17  }
0x1c1: {  	[tilespmem:s31+$0x1820] =	vst v8;
	v18 =	vshll.u32 v18, $0xA;
	v21 =	vshll.u32 v21, $0x8;
	v39 =	vcvt.f32.s32 v37  }
0x1c2: {  	[tilespmem:s31+$0x2020] =	vst v10;
	v10 =	vcvt.f32.s32 v45;
	v15 =	vadd.s32 v18, v15;
	v18 =	vshll.u32 v38, $0x6  }
0x1c3: {  	[tilespmem:s31+$0x4820] =	vst v9;
	v25 =	vld [tilespmem:s31+$0x1070];
	v20 =	vadd.s32 v20, v21;
	v21 =	vtrunc.f32 v46;
	v1 =	vmin.u32 v17, $0x1FFFFF  }
0x1c4: {  	v12 =	vld.idx.msk [tilespmem:v12+s21+$0x0], $0xffff;
	v46 =	vmul.f32 $6.300000000e+01, v33;
	[tilespmem:s31+$0x2830] =	vst v60;
	v60 =	vmul.f32 $2.550000000e+02, v30;
	v16 =	vadd.s32 v16, v18  }
0x1c5: {  	v18 =	vcvt.f32.s32 v42;
	v19 =	vadd.s32 v19, v20;
	v20 =	vtrunc.f32 v48  }
0x1c6: {  	vm12 =	vgt.s32 v15, $0x0;
	v50 =	vcvt.f32.s32 v21;
	v21 =	vcvt.f32.s32 v62  }
0x1c7: {  	v42 =	vshll.u32 v39, $0x10;
	v10 =	vshll.u32 v10, $0x5;
	v48 =	vmul.f32 $6.300000000e+01, v30  }
0x1c8: {  	v34 =	vmul.f32 $3.100000000e+01, v25;
	v15 =	vnsel vm12, $0x0, v15;
	v16 =	vadd.s32 v40, v16  }
0x1c9: {  	vm15 =	vgt.s32 v19, $0x0;
	v20 =	vcvt.f32.s32 v20;
	v40 =	vmul.f32 $3.100000000e+01, v30  }
0x1ca: {  	vm13 =	vgt.s32 v16, $0x0;
	v18 =	vshll.u32 v18, $0x7;
	v51 =	vnsel vm15, $0x0, v19  }
0x1cb: {  	v19 =	vtrunc.f32 v56;
	v63 =	vmin.u32 v15, $0x7FFF;
	v27 =	vshll.u32 v21, $0x7  }
0x1cc: {  	v56 =	vmul.f32 $1.270000000e+02, v33;
	v16 =	vnsel vm13, $0x0, v16;
	v18 =	vadd.s32 v22, v18  }
0x1cd: {  	v62 =	vld [tilespmem:s31+$0x70];
	v53 =	vshll.u32 v20, $0xA;
	v19 =	vcvt.f32.s32 v19;
	v6 =	vadd.s32 v14, v27  }
0x1ce: {  	v44 =	vtrunc.f32 v40;
	v20 =	vmul.f32 $2.550000000e+02, v35;
	v18 =	vadd.s32 v23, v18  }
0x1cf: {  	v23 =	vtrunc.f32 v47;
	v26 =	vmin.u32 v16, $0x3FFFF;
	v16 =	vtrunc.f32 v31  }
0x1d0: {  	v21 =	vld [tilespmem:s31+$0x870];
	v47 =	vshll.u32 v11, $0xA;
	v11 =	vtrunc.f32 v48;
	v49 =	vcvt.f32.s32 v23  }
0x1d1: {  	v2 =	vmin.u32 v51, $0xFFFFFF;
	v38 =	vcvt.f32.s32 v16;
	v52 =	vcvt.f32.s32 v11  }
0x1d2: {  	vm14 =	vgt.s32 v18, $0x0;
	v11 =	vtrunc.f32 v55;
	v30 =	vmul.f32 $3.100000000e+01, v62  }
0x1d3: {  	v23 =	vshll.u32 v19, $0xC;
	v43 =	vmul.f32 $1.270000000e+02, v62;
	v58 =	vcvt.f32.s32 v11  }
0x1d4: {  	v11 =	vtrunc.f32 v20;
	v17 =	vshll.u32 v49, $0x5;
	v49 =	vtrunc.f32 v46  }
0x1d5: {  	v18 =	vnsel vm14, $0x0, v18;
	v33 =	vtrunc.f32 v30;
	v39 =	vmul.f32 $6.300000000e+01, v21  }
0x1d6: {  	v29 =	vmin.u32 v18, $0x1FFFFF;
	v45 =	vtrunc.f32 v43;
	v46 =	vmul.f32 $1.270000000e+02, v25  }
0x1d7: {  	v0 =	vadd.s32 v50, v17;
	v17 =	vtrunc.f32 v54;
	v50 =	vmul.f32 $6.300000000e+01, v35  }
0x1d8: {  	v7 =	vcvt.f32.s32 v33;
	v0 =	vadd.s32 v53, v0;
	v17 =	vcvt.f32.s32 v17  }
0x1d9: {  	v41 =	vtrunc.f32 v39;
	vm4 =	vgt.s32 v0, $0x0;
	v53 =	vtrunc.f32 v50  }
0x1da: {  	[tilespmem:s31+$0x1830] =	vst v13;
	v50 =	vmul.f32 $2.550000000e+02, v21;
	v3 =	vadd.s32 v17, v3;
	v17 =	vtrunc.f32 v59  }
0x1db: {  	[tilespmem:s31+$0x2030] =	vst v1;
	v0 =	vnsel vm4, $0x0, v0;
	v54 =	vcvt.f32.s32 v53;
	v59 =	vtrunc.f32 v57  }
0x1dc: {  	[tilespmem:s31+$0x4830] =	vst v12;
	v17 =	vcvt.f32.s32 v17;
	v3 =	vadd.s32 v23, v3;
	v0 =	vmin.u32 v0, $0x7FFF  }
0x1dd: {  	v5 =	vld.idx.msk [tilespmem:v63+s21+$0x0], $0xffff;
	v63 =	vcvt.f32.s32 v59;
	v23 =	vtrunc.f32 v60;
	vm5 =	vgt.s32 v3, $0x0  }
0x1de: {  	v4 =	vshll.u32 v54, $0xC;
	v27 =	vcvt.f32.s32 v23;
	v54 =	vtrunc.f32 v50  }
0x1df: {  	v28 =	vshll.u32 v17, $0xE;
	v3 =	vnsel vm5, $0x0, v3;
	v17 =	vtrunc.f32 v32  }
0x1e0: {  	[tilespmem:s31+$0x1840] =	vst v26;
	v26 =	vshll.u32 v63, $0xE;
	v6 =	vadd.s32 v28, v6;
	v36 =	vcvt.f32.s32 v17  }
0x1e1: {  	v32 =	vmul.f32 $3.100000000e+01, v21;
	v28 =	vcvt.f32.s32 v11;
	vm6 =	vgt.s32 v6, $0x0  }
0x1e2: {  	v3 =	vmin.u32 v3, $0x3FFFF;
	v6 =	vnsel vm6, $0x0, v6;
	v9 =	vshll.u32 v36, $0x8  }
0x1e3: {  	v31 =	vshll.u32 v28, $0x10;
	v36 =	vmul.f32 $6.300000000e+01, v62;
	v6 =	vmin.u32 v6, $0x1FFFFF  }
0x1e4: {  	v8 =	vadd.s32 v38, v9;
	v9 =	vcvt.f32.s32 v44;
	v44 =	vmul.f32 $1.270000000e+02, v21  }
0x1e5: {  	[tilespmem:s31+$0x2840] =	vst v2;
	v8 =	vadd.s32 v42, v8;
	v40 =	vtrunc.f32 v36;
	v42 =	vmul.f32 $6.300000000e+01, v25  }
0x1e6: {  	[tilespmem:s31+$0x2040] =	vst v29;
	vm7 =	vgt.s32 v8, $0x0;
	v9 =	vadd.s32 v9, v10;
	v10 =	vcvt.f32.s32 v49  }
0x1e7: {  	[tilespmem:s31+$0x4840] =	vst v5;
	v49 =	vmul.f32 $2.550000000e+02, v62;
	v8 =	vnsel vm7, $0x0, v8;
	v9 =	vadd.s32 v47, v9  }
0x1e8: {  	v0 =	vld.idx.msk [tilespmem:v0+s21+$0x0], $0xffff;
	[tilespmem:s31+$0x2050] =	vst v6;
	v6 =	vcvt.f32.s32 v40;
	v8 =	vmin.u32 v8, $0xFFFFFF;
	vm8 =	vgt.s32 v9, $0x0  }
0x1e9: {  	v10 =	vshll.u32 v10, $0x6;
	v53 =	vtrunc.f32 v49;
	v51 =	vnsel vm8, $0x0, v9  }
0x1ea: {  	v9 =	vadd.s32 v52, v10;
	v10 =	vtrunc.f32 v56;
	[tilespmem:s31+$0x2850] =	vst v8;
	v8 =	vtrunc.f32 v46  }
0x1eb: {  	v52 =	vmul.f32 $2.550000000e+02, v25;
	v1 =	vmin.u32 v51, $0x7FFF;
	v10 =	vcvt.f32.s32 v10  }
0x1ec: {  	v4 =	vadd.s32 v4, v9;
	v9 =	vtrunc.f32 v32;
	v51 =	vcvt.f32.s32 v8  }
0x1ed: {  	vm9 =	vgt.s32 v4, $0x0;
	v9 =	vcvt.f32.s32 v9;
	v10 =	vshll.u32 v10, $0x7  }
0x1ee: {  	v4 =	vnsel vm9, $0x0, v4;
	v22 =	vadd.s32 v58, v10;
	v10 =	vcvt.f32.s32 v24  }
0x1ef: {  	v56 =	vtrunc.f32 v52;
	v4 =	vmin.u32 v4, $0x3FFFF;
	v38 =	vshll.u32 v9, $0x5  }
0x1f0: {  	v9 =	vtrunc.f32 v44;
	v2 =	vadd.s32 v26, v22;
	v29 =	vshll.u32 v10, $0x8  }
0x1f1: {  	[tilespmem:s31+$0x1850] =	vst v3;
	v48 =	vcvt.f32.s32 v9;
	v10 =	vtrunc.f32 v34;
	v5 =	vadd.s32 v27, v29  }
0x1f2: {  	[tilespmem:s31+$0x4850] =	vst v0;
	vm10 =	vgt.s32 v2, $0x0;
	v35 =	vcvt.f32.s32 v10;
	v5 =	vadd.s32 v31, v5  }
0x1f3: {  	v1 =	vld.idx.msk [tilespmem:v1+s21+$0x0], $0xffff;
	[tilespmem:s31+$0x1860] =	vst v4;
	v4 =	vcvt.f32.s32 v54;
	v2 =	vnsel vm10, $0x0, v2;
	vm11 =	vgt.s32 v5, $0x0  }
0x1f4: {  	v0 =	vshll.u32 v35, $0xA;
	v37 =	vnsel vm11, $0x0, v5;
	v5 =	vadd.s32 v7, v38  }
0x1f5: {  	v47 =	vmin.u32 v2, $0x1FFFFF;
	v7 =	vtrunc.f32 v42;
	v0 =	vadd.s32 v0, v5  }
0x1f6: {  	v5 =	vcvt.f32.s32 v41;
	v7 =	vcvt.f32.s32 v7;
	vm12 =	vgt.s32 v0, $0x0  }
0x1f7: {  	v2 =	vshll.u32 v48, $0x7;
	v3 =	vmin.u32 v37, $0xFFFFFF;
	v0 =	vnsel vm12, $0x0, v0  }
0x1f8: {  	v5 =	vshll.u32 v5, $0x6;
	v55 =	vshll.u32 v7, $0xC;
	v0 =	vmin.u32 v0, $0x7FFF  }
0x1f9: {  	[tilespmem:s31+$0x4860] =	vst v1;
	v7 =	vcvt.f32.s32 v56;
	v5 =	vadd.s32 v6, v5;
	v6 =	vcvt.f32.s32 v45  }
0x1fa: {  	v57 =	vshll.u32 v4, $0x8;
	v1 =	vshll.u32 v51, $0xE;
	[tilespmem:s31+$0x2860] =	vst v3;
	v3 =	vcvt.f32.s32 v53  }
0x1fb: {  	v5 =	vadd.s32 v55, v5;
	v58 =	vshll.u32 v7, $0x10;
	v2 =	vadd.s32 v6, v2  }
0x1fc: {  	[tilespmem:s31+$0x2060] =	vst v47;
	vm13 =	vgt.s32 v5, $0x0;
	v1 =	vadd.s32 v1, v2;
	v2 =	vadd.s32 v3, v57  }
0x1fd: {  	v59 =	vnsel vm13, $0x0, v5;
	vm14 =	vgt.s32 v1, $0x0;
	v2 =	vadd.s32 v58, v2;
	v0 =	vld.idx.msk [tilespmem:v0+s21+$0x0], $0xffff  }
0x1fe: {  	v60 =	vmin.u32 v59, $0x3FFFF;
	v1 =	vnsel vm14, $0x0, v1;
	vm15 =	vgt.s32 v2, $0x0  }
0x1ff: {  	[tilespmem:s31+$0x1870] =	vst v60;
	v61 =	vmin.u32 v1, $0x1FFFFF;
	v62 =	vnsel vm15, $0x0, v2  }
0x200: {  	[tilespmem:s31+$0x2070] =	vst v61;
	v63 =	vmin.u32 v62, $0xFFFFFF  }
0x201: {  	[tilespmem:s31+$0x2870] =	vst v63  }
0x202: {  	p1 =	sne.s32 s4, $0x800;
	s1 =	sadd.s32 $0x1800, s31;
	s2 =	sadd.s32 $0x3000, s31;
	[tilespmem:s31+$0x4870] =	vst v0  }
0x203: {  	[tilespmem:s2], [sflag:$0x1] =	stream.indirect.gather [hbm4b:s3+s26], $0x1, s1, s26, $0xb8;
	[tilespmem:$0xD000] =	vst v63  }
.Ltmp5:
0x204: {  	_ = 	snop;
	(pc) =	sbr.rel @p1 .LBB2_8-.Ltmp5, $4  }
0x205: {  	s16 =	sadd.s32 $0x3800, s31;
	s2 =	sadd.s32 $0x2000, s31  }
0x206: {  	[tilespmem:s16], [sflag:$0x1] =	stream.indirect.gather [hbm4b:s5+s26], $0x1, s2, s26, $0xb8;
	[tilespmem:$0xD000] =	vst v63  }
0x207: {  	s4 =	sadd.s32 $0x200, s4;
	s29 =	sadd.s32 $0x2800, s31;
	s31 =	sadd.s32 $0x4000, s31  }
0x208: {  	[tilespmem:s31], [sflag:$0x1] =	stream.indirect.gather [hbm4b:s6+s26], $0x1, s29, s26, $0xb8;
	[tilespmem:$0xD000] =	vst v63  }
0x209: {  	_ =	swait.ge [sflag:s25], $0x80  }
0x20a: {  	[sflag:s25] =	ssyncset.done $0x0  }
0x20b: {  	[sflag:s25] =	ssyncadd.s32 $0xFFFFFF80  }
0x20c: {  	_ =	swait.ge [sflag:s25], $0x80  }
0x20d: {  	[sflag:s25] =	ssyncset.done $0x0  }
0x20e: {  	[sflag:s25] =	ssyncadd.s32 $0xFFFFFF80  }
0x20f: {  	_ =	swait.ge [sflag:s25], $0x80  }
0x210: {  	[sflag:s25] =	ssyncset.done $0x0  }
0x211: {  	s1 =	simm.s32 $0x0;
	[sflag:s25] =	ssyncadd.s32 $0xFFFFFF80  }
0x212: {  	v0 =	vld [tilespmem:s1+$0x4060]  }
0x213: {  	v1 =	vld [tilespmem:s1+$0x4050]  }
0x214: {  	v2 =	vld [tilespmem:s1+$0x3860]  }
0x215: {  	v3 =	vld [tilespmem:s1+$0x4020]  }
0x216: {  	v5 =	vld [tilespmem:s1+$0x3810]  }
0x217: {  	v6 =	vld [tilespmem:s1+$0x3830]  }
0x218: {  	v4 =	vld [tilespmem:s1+$0x3840]  }
0x219: {  	v7 =	vld [tilespmem:s1+$0x4070]  }
0x21a: {  	v9 =	vld [tilespmem:s1+$0x3820]  }
0x21b: {  	v10 =	vld [tilespmem:s1+$0x3870]  }
0x21c: {  	s4 =	simm.s32 $0x200;
	v8 =	vld [tilespmem:s1+$0x3060]  }
.LBB2_10:
0x21d: {  	p1 =	sne.s32 s4, $0x800;
	v11 =	vld [tilespmem:s1+$0x3050];
	s2 =	smov.u32 s4;
	s4 =	sadd.s32 $0x200, s4  }
0x21e: {  	v12 =	vld [tilespmem:s1+$0x3010]  }
0x21f: {  	v13 =	vld [tilespmem:s1+$0x3070]  }
0x220: {  	v14 =	vld [tilespmem:s1+$0x3040]  }
0x221: {  	v15 =	vld [tilespmem:s1+$0x3020]  }
0x222: {  	v16 =	vld [tilespmem:s1+$0x4800]  }
0x223: {  	v17 =	vld [tilespmem:s1+$0x4870]  }
0x224: {  	v18 =	vld [tilespmem:s1+$0x3030]  }
0x225: {  	v19 =	vld [tilespmem:s1+$0x4820]  }
0x226: {  	v20 =	vld [tilespmem:s1+$0x4810]  }
0x227: {  	v21 =	vld [tilespmem:s1+$0x4850]  }
0x228: {  	v22 =	vld [tilespmem:s1+$0x4830];
	v13 =	vadd.f32 v13, v17  }
0x229: {  	v17 =	vld [tilespmem:s1+$0x4840]  }
0x22a: {  	v15 =	vadd.f32 v15, v19;
	v19 =	vld [tilespmem:s1+$0x4860];
	v10 =	vadd.f32 v10, v13  }
0x22b: {  	v13 =	vld [tilespmem:s1+$0x3000];
	v12 =	vadd.f32 v12, v20  }
0x22c: {  	v9 =	vadd.f32 v9, v15;
	v11 =	vadd.f32 v11, v21;
	v15 =	vld [tilespmem:s1+$0x3850]  }
0x22d: {  	v5 =	vadd.f32 v5, v12;
	v12 =	vadd.f32 v18, v22;
	v18 =	vld [tilespmem:s1+$0x4030]  }
0x22e: {  	v7 =	vadd.f32 v7, v10;
	v14 =	vadd.f32 v14, v17;
	v17 =	vld [tilespmem:s1+$0x4040]  }
0x22f: {  	v10 =	vld [tilespmem:s1+$0x3800];
	v6 =	vadd.f32 v6, v12;
	v8 =	vadd.f32 v8, v19  }
0x230: {  	v12 =	vadd.f32 v13, v16;
	v13 =	vld [tilespmem:s1+$0x4010];
	v4 =	vadd.f32 v4, v14;
	[tilespmem:s1+$0x4870] =	vst v7  }
0x231: {  	v3 =	vadd.f32 v3, v9;
	v7 =	vld [tilespmem:s1+$0x4000];
	v9 =	vadd.f32 v15, v11  }
0x232: {  	v2 =	vadd.f32 v2, v8;
	v6 =	vadd.f32 v18, v6  }
0x233: {  	[tilespmem:s1+$0x4820] =	vst v3;
	v3 =	vadd.f32 v17, v4;
	v1 =	vadd.f32 v1, v9  }
0x234: {  	v0 =	vadd.f32 v0, v2;
	v4 =	vadd.f32 v10, v12;
	[tilespmem:s1+$0x4830] =	vst v6  }
0x235: {  	v2 =	vadd.f32 v13, v5;
	[tilespmem:s1+$0x4850] =	vst v1  }
0x236: {  	v1 =	vadd.f32 v7, v4;
	[tilespmem:s1+$0x4860] =	vst v0  }
0x237: {  	[tilespmem:s1+$0x4840] =	vst v3  }
0x238: {  	[tilespmem:s1+$0x4810] =	vst v2  }
0x239: {  	[tilespmem:s1+$0x4800] =	vst v1  }
0x23a: {  	_ =	swait.ge [sflag:s25], $0x80  }
0x23b: {  	[sflag:s25] =	ssyncset.done $0x0  }
0x23c: {  	[sflag:s25] =	ssyncadd.s32 $0xFFFFFF80  }
0x23d: {  	_ =	swait.ge [sflag:s25], $0x80  }
0x23e: {  	[sflag:s25] =	ssyncset.done $0x0  }
0x23f: {  	[sflag:s25] =	ssyncadd.s32 $0xFFFFFF80  }
0x240: {  	_ =	swait.ge [sflag:s25], $0x80  }
0x241: {  	[sflag:s25] =	ssyncset.done $0x0  }
0x242: {  	s1 =	sshra.s32 s2, $0x2;
	[sflag:s25] =	ssyncadd.s32 $0xFFFFFF80  }
0x243: {  	v0 =	vld [tilespmem:s1+$0x4060]  }
0x244: {  	v1 =	vld [tilespmem:s1+$0x4050]  }
0x245: {  	v2 =	vld [tilespmem:s1+$0x3860]  }
0x246: {  	v3 =	vld [tilespmem:s1+$0x4020]  }
0x247: {  	v5 =	vld [tilespmem:s1+$0x3810]  }
0x248: {  	v6 =	vld [tilespmem:s1+$0x3830]  }
.Ltmp6:
0x249: {  	v4 =	vld [tilespmem:s1+$0x3840];
	(pc) =	sbr.rel @p1 .LBB2_10-.Ltmp6, $4  }
0x24a: {  	v7 =	vld [tilespmem:s1+$0x4070]  }
0x24b: {  	v9 =	vld [tilespmem:s1+$0x3820]  }
0x24c: {  	v10 =	vld [tilespmem:s1+$0x3870]  }
0x24d: {  	v8 =	vld [tilespmem:s1+$0x3060]  }
0x24e: {  	v11 =	vld [tilespmem:s1+$0x3050]  }
0x24f: {  	v12 =	vld [tilespmem:s1+$0x3010]  }
0x250: {  	v13 =	vld [tilespmem:s1+$0x3070]  }
0x251: {  	v14 =	vld [tilespmem:s1+$0x3040]  }
0x252: {  	v15 =	vld [tilespmem:s1+$0x3020]  }
0x253: {  	v16 =	vld [tilespmem:s1+$0x4800]  }
0x254: {  	v17 =	vld [tilespmem:s1+$0x4870]  }
0x255: {  	v18 =	vld [tilespmem:s1+$0x3030]  }
0x256: {  	v19 =	vld [tilespmem:s1+$0x4820]  }
0x257: {  	v20 =	vld [tilespmem:s1+$0x4810]  }
0x258: {  	v21 =	vld [tilespmem:s1+$0x4850]  }
0x259: {  	v22 =	vld [tilespmem:s1+$0x4830]  }
0x25a: {  	v23 =	vld [tilespmem:s1+$0x4840]  }
0x25b: {  	v48 =	vld [tilespmem:s1+$0x4860]  }
0x25c: {  	v49 =	vld [tilespmem:s1+$0x3000]  }
0x25d: {  	v13 =	vadd.f32 v13, v17;
	v15 =	vadd.f32 v15, v19  }
0x25e: {  	v50 =	vld [tilespmem:s1+$0x3850];
	v12 =	vadd.f32 v12, v20;
	v51 =	vadd.f32 v18, v22  }
0x25f: {  	v52 =	vld [tilespmem:s1+$0x4030];
	v11 =	vadd.f32 v11, v21;
	v14 =	vadd.f32 v14, v23  }
0x260: {  	v8 =	vadd.f32 v8, v48;
	v10 =	vadd.f32 v10, v13  }
0x261: {  	v53 =	vld [tilespmem:s1+$0x4040];
	v55 =	vadd.f32 v49, v16;
	v9 =	vadd.f32 v9, v15  }
0x262: {  	v54 =	vld [tilespmem:s1+$0x3800];
	v6 =	vadd.f32 v6, v51;
	v7 =	vadd.f32 v7, v10  }
0x263: {  	v56 =	vld [tilespmem:s1+$0x4010];
	v57 =	vadd.f32 v50, v11;
	v3 =	vadd.f32 v3, v9  }
0x264: {  	v58 =	vld [tilespmem:s1+$0x4000];
	v2 =	vadd.f32 v2, v8;
	v6 =	vadd.f32 v52, v6;
	[tilespmem:s1+$0x4870] =	vst v7  }
0x265: {  	v4 =	vadd.f32 v4, v14;
	v1 =	vadd.f32 v1, v57;
	[tilespmem:s1+$0x4820] =	vst v3  }
0x266: {  	v59 =	vadd.f32 v5, v12;
	v0 =	vadd.f32 v0, v2;
	[tilespmem:s1+$0x4830] =	vst v6  }
0x267: {  	v61 =	vadd.f32 v54, v55;
	v60 =	vadd.f32 v53, v4;
	[tilespmem:s1+$0x4850] =	vst v1  }
0x268: {  	v62 =	vadd.f32 v56, v59;
	[tilespmem:s1+$0x4860] =	vst v0  }
0x269: {  	v63 =	vadd.f32 v58, v61;
	[tilespmem:s1+$0x4840] =	vst v60  }
0x26a: {  	[tilespmem:s1+$0x4810] =	vst v62  }
.Ltmp7:
0x26b: {  	[tilespmem:s1+$0x4800] =	vst v63;
	(pc) =	sbr.rel @p0 .LBB2_13-.Ltmp7, $4  }
0x26c: {  	[hbm4b:s15+s7] =	stream.linear.scatter [tilespmem:s28], [sflag:$0x2], $0x210, $0x38;
	[tilespmem:$0xD000] =	vst v63  }
0x26d: {  	_ =	swait.ge [sflag:s22], $0x210  }
0x26e: {  	[sflag:s22] =	ssyncset.done $0x0  }
0x26f: {  	[sflag:s22] =	ssyncadd.s32 $0xFFFFFDF0  }
0x270: {  	s1 =	rddreg [dreg:$0x6]  }
0x271: {  	[tilespmem:s7], [sflag:$0x1] =	stream.linear.gather [hbm4b:s1+s7], $0x40, $0x38;
	[tilespmem:$0xD000] =	vst v63  }
0x272: {  	_ = 	snop  }
0x273: {  	[tilespmem:s23], [sflag:$0x1] =	stream.linear.gather [hbm4b:s17+s7], $0x40, $0x38;
	[tilespmem:$0xD000] =	vst v63  }
0x274: {  	_ = 	snop  }
0x275: {  	[tilespmem:s24], [sflag:$0x1] =	stream.linear.gather [hbm4b:s18+s7], $0x40, $0x38;
	[tilespmem:$0xD000] =	vst v63  }
0x276: {  	_ =	swait.ge [sflag:s25], $0x40  }
0x277: {  	[sflag:s25] =	ssyncset.done $0x0  }
0x278: {  	[sflag:s25] =	ssyncadd.s32 $0xFFFFFFC0  }
0x279: {  	_ =	swait.ge [sflag:s25], $0x40  }
0x27a: {  	[sflag:s25] =	ssyncset.done $0x0  }
0x27b: {  	[sflag:s25] =	ssyncadd.s32 $0xFFFFFFC0  }
0x27c: {  	_ =	swait.ge [sflag:s25], $0x40  }
0x27d: {  	[sflag:s25] =	ssyncset.done $0x0  }
0x27e: {  	[sflag:s25] =	ssyncadd.s32 $0xFFFFFFC0  }
0x27f: {  	v0 =	vld [tilespmem:$0x0]  }
0x280: {  	v2 =	vld [tilespmem:$0x800]  }
0x281: {  	v3 =	vld [tilespmem:$0x1000];
	_ =	sdelay $0x3  }
0x282: {  	v9 =	vld [tilespmem:$0x810];
	v1 =	vmul.f32 $3.100000000e+01, v0  }
0x283: {  	v10 =	vld [tilespmem:$0x10];
	v4 =	vmul.f32 $3.100000000e+01, v2;
	v5 =	vmul.f32 $3.100000000e+01, v3  }
0x284: {  	v24 =	vld [tilespmem:$0x1010];
	v6 =	vmul.f32 $6.300000000e+01, v2;
	v14 =	vmul.f32 $6.300000000e+01, v0  }
0x285: {  	v16 =	vmul.f32 $6.300000000e+01, v3;
	v7 =	vmul.f32 $1.270000000e+02, v0  }
0x286: {  	v17 =	vmul.f32 $1.270000000e+02, v2;
	v8 =	vmul.f32 $1.270000000e+02, v3  }
0x287: {  	v20 =	vmul.f32 $2.550000000e+02, v0;
	v2 =	vmul.f32 $2.550000000e+02, v2  }
0x288: {  	v42 =	vld [tilespmem:$0x20];
	v3 =	vmul.f32 $2.550000000e+02, v3;
	v26 =	vmul.f32 $3.100000000e+01, v9  }
0x289: {  	v43 =	vld [tilespmem:$0x820];
	v27 =	vmul.f32 $3.100000000e+01, v10;
	v29 =	vmul.f32 $3.100000000e+01, v24  }
0x28a: {  	v45 =	vld [tilespmem:$0x1020];
	v33 =	vmul.f32 $6.300000000e+01, v10;
	v34 =	vmul.f32 $6.300000000e+01, v9  }
0x28b: {  	v59 =	vld [tilespmem:$0x30];
	v35 =	vmul.f32 $6.300000000e+01, v24;
	v38 =	vmul.f32 $1.270000000e+02, v10  }
0x28c: {  	v12 =	vmul.f32 $1.270000000e+02, v9;
	v39 =	vmul.f32 $1.270000000e+02, v24  }
0x28d: {  	v9 =	vmul.f32 $2.550000000e+02, v9;
	v10 =	vmul.f32 $2.550000000e+02, v10  }
0x28e: {  	v46 =	vmul.f32 $3.100000000e+01, v43;
	v49 =	vmul.f32 $6.300000000e+01, v42  }
0x28f: {  	v53 =	vmul.f32 $6.300000000e+01, v45;
	v54 =	vmul.f32 $1.270000000e+02, v43  }
0x290: {  	v56 =	vmul.f32 $1.270000000e+02, v45;
	v63 =	vmul.f32 $3.100000000e+01, v59  }
0x291: {  	v1 =	vtrunc.f32 v1;
	v4 =	vtrunc.f32 v4  }
0x292: {  	v5 =	vtrunc.f32 v5;
	v15 =	vtrunc.f32 v6  }
0x293: {  	v6 =	vtrunc.f32 v16;
	v7 =	vtrunc.f32 v7  }
0x294: {  	v19 =	vtrunc.f32 v8;
	v23 =	vtrunc.f32 v20  }
0x295: {  	v2 =	vtrunc.f32 v2;
	v3 =	vtrunc.f32 v3  }
0x296: {  	v28 =	vtrunc.f32 v26;
	v8 =	vtrunc.f32 v27  }
0x297: {  	v60 =	vld [tilespmem:$0x830];
	v30 =	vtrunc.f32 v29;
	v11 =	vtrunc.f32 v35  }
0x298: {  	v61 =	vld [tilespmem:$0x1030];
	v40 =	vtrunc.f32 v38;
	v41 =	vtrunc.f32 v12  }
0x299: {  	v44 =	vtrunc.f32 v9;
	v10 =	vtrunc.f32 v10  }
0x29a: {  	v51 =	vtrunc.f32 v49;
	v16 =	vmul.f32 $1.270000000e+02, v42  }
0x29b: {  	v55 =	vtrunc.f32 v54;
	v57 =	vtrunc.f32 v56  }
0x29c: {  	v12 =	vmul.f32 $2.550000000e+02, v42;
	v9 =	vmul.f32 $2.550000000e+02, v45  }
0x29d: {  	v27 =	vmul.f32 $6.300000000e+01, v61;
	v29 =	vmul.f32 $1.270000000e+02, v60  }
0x29e: {  	v4 =	vcvt.f32.s32 v4;
	v1 =	vcvt.f32.s32 v1  }
0x29f: {  	v5 =	vcvt.f32.s32 v5;
	v6 =	vcvt.f32.s32 v6  }
0x2a0: {  	v18 =	vcvt.f32.s32 v7;
	v7 =	vcvt.f32.s32 v19  }
0x2a1: {  	v25 =	vcvt.f32.s32 v23;
	v2 =	vcvt.f32.s32 v2  }
0x2a2: {  	v3 =	vcvt.f32.s32 v3;
	v8 =	vcvt.f32.s32 v8  }
0x2a3: {  	v37 =	vcvt.f32.s32 v11;
	v11 =	vcvt.f32.s32 v41  }
0x2a4: {  	v10 =	vcvt.f32.s32 v10;
	v16 =	vtrunc.f32 v16  }
0x2a5: {  	v12 =	vtrunc.f32 v12;
	v4 =	vshll.u32 v4, $0x5;
	v13 =	vshll.u32 v5, $0xA  }
0x2a6: {  	v5 =	vtrunc.f32 v14;
	v6 =	vshll.u32 v6, $0xC;
	v22 =	vshll.u32 v7, $0xE  }
0x2a7: {  	v2 =	vshll.u32 v2, $0x8;
	v7 =	vmul.f32 $2.550000000e+02, v24;
	v14 =	vmul.f32 $3.100000000e+01, v45  }
0x2a8: {  	v3 =	vshll.u32 v3, $0x10;
	v16 =	vcvt.f32.s32 v16;
	v12 =	vcvt.f32.s32 v12  }
0x2a9: {  	v24 =	vmul.f32 $6.300000000e+01, v60;
	v1 =	vadd.s32 v1, v4;
	v4 =	vcvt.f32.s32 v15  }
0x2aa: {  	v11 =	vshll.u32 v11, $0x7;
	v5 =	vcvt.f32.s32 v5;
	v15 =	vmul.f32 $6.300000000e+01, v43  }
0x2ab: {  	v2 =	vadd.s32 v25, v2;
	v25 =	vmul.f32 $6.300000000e+01, v59;
	v7 =	vtrunc.f32 v7  }
0x2ac: {  	v1 =	vadd.s32 v13, v1;
	v13 =	vmul.f32 $3.100000000e+01, v42;
	v48 =	vtrunc.f32 v14  }
0x2ad: {  	v3 =	vadd.s32 v3, v2;
	v14 =	vtrunc.f32 v53;
	v26 =	vtrunc.f32 v24  }
0x2ae: {  	vm0 =	vgt.s32 v1, $0x0;
	v4 =	vshll.u32 v4, $0x6;
	v7 =	vcvt.f32.s32 v7  }
0x2af: {  	vm11 =	vgt.s32 v3, $0x0;
	v52 =	vtrunc.f32 v15;
	v14 =	vcvt.f32.s32 v14  }
0x2b0: {  	v15 =	vcvt.f32.s32 v57;
	v1 =	vnsel vm0, $0x0, v1;
	v4 =	vadd.s32 v5, v4  }
0x2b1: {  	v5 =	vtrunc.f32 v17;
	v3 =	vnsel vm11, $0x0, v3;
	v13 =	vtrunc.f32 v13  }
0x2b2: {  	v17 =	vtrunc.f32 v9;
	v1 =	vmin.u32 v1, $0x7FFF;
	v4 =	vadd.s32 v6, v4  }
0x2b3: {  	v5 =	vcvt.f32.s32 v5;
	v6 =	vcvt.f32.s32 v30;
	v3 =	vmin.u32 v3, $0xFFFFFF  }
0x2b4: {  	v53 =	vld [tilespmem:$0x50];
	v7 =	vshll.u32 v7, $0x10;
	v47 =	vcvt.f32.s32 v13;
	v13 =	vcvt.f32.s32 v48  }
0x2b5: {  	v14 =	vshll.u32 v14, $0xC;
	v15 =	vshll.u32 v15, $0xE;
	vm9 =	vgt.s32 v4, $0x0  }
0x2b6: {  	v62 =	vcvt.f32.s32 v17;
	v4 =	vnsel vm9, $0x0, v4;
	v21 =	vshll.u32 v5, $0x7  }
0x2b7: {  	v5 =	vcvt.f32.s32 v28;
	v32 =	vshll.u32 v6, $0xA;
	v6 =	vtrunc.f32 v33  }
0x2b8: {  	v50 =	vshll.u32 v13, $0xA;
	v13 =	vcvt.f32.s32 v51;
	v20 =	vshll.u32 v62, $0x10  }
0x2b9: {  	v57 =	vmul.f32 $3.100000000e+01, v53;
	v0 =	vmin.u32 v4, $0x3FFFF;
	v4 =	vadd.s32 v18, v21  }
0x2ba: {  	v36 =	vcvt.f32.s32 v6;
	v6 =	vshll.u32 v37, $0xC;
	v18 =	vmul.f32 $3.100000000e+01, v60  }
0x2bb: {  	v21 =	vmul.f32 $3.100000000e+01, v61;
	v4 =	vadd.s32 v22, v4;
	v5 =	vshll.u32 v5, $0x5  }
0x2bc: {  	v22 =	vtrunc.f32 v63;
	v31 =	vadd.s32 v8, v5;
	v8 =	vtrunc.f32 v34  }
0x2bd: {  	vm10 =	vgt.s32 v4, $0x0;
	v23 =	vtrunc.f32 v18;
	v18 =	vtrunc.f32 v27  }
0x2be: {  	v34 =	vld [tilespmem:$0x840];
	v4 =	vnsel vm10, $0x0, v4;
	v8 =	vcvt.f32.s32 v8;
	v17 =	vcvt.f32.s32 v23  }
0x2bf: {  	v18 =	vcvt.f32.s32 v18;
	v2 =	vmin.u32 v4, $0x1FFFFF;
	v4 =	vadd.s32 v32, v31  }
0x2c0: {  	v31 =	vmul.f32 $1.270000000e+02, v61;
	vm12 =	vgt.s32 v4, $0x0;
	v8 =	vshll.u32 v8, $0x6  }
0x2c1: {  	v17 =	vshll.u32 v17, $0x5;
	v18 =	vshll.u32 v18, $0xC;
	v4 =	vnsel vm12, $0x0, v4  }
0x2c2: {  	v33 =	vtrunc.f32 v31;
	v5 =	vmin.u32 v4, $0x7FFF;
	v4 =	vadd.s32 v36, v8  }
0x2c3: {  	v8 =	vtrunc.f32 v39;
	v36 =	vld [tilespmem:$0x1040];
	v37 =	vmul.f32 $3.100000000e+01, v34;
	v4 =	vadd.s32 v6, v4  }
0x2c4: {  	v6 =	vcvt.f32.s32 v40;
	v8 =	vcvt.f32.s32 v8;
	vm13 =	vgt.s32 v4, $0x0  }
0x2c5: {  	v24 =	vmul.f32 $1.270000000e+02, v34;
	v38 =	vtrunc.f32 v37;
	v4 =	vnsel vm13, $0x0, v4  }
0x2c6: {  	v6 =	vadd.s32 v6, v11;
	v8 =	vshll.u32 v8, $0xE;
	v11 =	vmul.f32 $2.550000000e+02, v43  }
0x2c7: {  	v43 =	vmul.f32 $6.300000000e+01, v34;
	v6 =	vadd.s32 v8, v6;
	v8 =	vcvt.f32.s32 v44  }
0x2c8: {  	v4 =	vmin.u32 v4, $0x3FFFF;
	v11 =	vtrunc.f32 v11;
	v39 =	vmul.f32 $3.100000000e+01, v36  }
0x2c9: {  	vm14 =	vgt.s32 v6, $0x0;
	v44 =	vmul.f32 $6.300000000e+01, v36;
	v45 =	vmul.f32 $1.270000000e+02, v36  }
0x2ca: {  	v6 =	vnsel vm14, $0x0, v6;
	v8 =	vshll.u32 v8, $0x8;
	v11 =	vcvt.f32.s32 v11  }
0x2cb: {  	v6 =	vmin.u32 v6, $0x1FFFFF;
	v8 =	vadd.s32 v10, v8;
	v10 =	vtrunc.f32 v46  }
0x2cc: {  	v7 =	vadd.s32 v7, v8;
	v10 =	vcvt.f32.s32 v10;
	v11 =	vshll.u32 v11, $0x8  }
0x2cd: {  	v40 =	vtrunc.f32 v39;
	vm15 =	vgt.s32 v7, $0x0;
	v11 =	vadd.s32 v12, v11  }
0x2ce: {  	v54 =	vld [tilespmem:$0x850];
	v12 =	vcvt.f32.s32 v22;
	v7 =	vnsel vm15, $0x0, v7;
	v10 =	vshll.u32 v10, $0x5  }
0x2cf: {  	v11 =	vadd.s32 v20, v11;
	v20 =	vmul.f32 $1.270000000e+02, v59;
	v7 =	vmin.u32 v7, $0xFFFFFF  }
0x2d0: {  	v8 =	vadd.s32 v47, v10;
	v10 =	vcvt.f32.s32 v52;
	vm7 =	vgt.s32 v11, $0x0  }
0x2d1: {  	v12 =	vadd.s32 v12, v17;
	v17 =	vtrunc.f32 v25;
	v47 =	vtrunc.f32 v24  }
0x2d2: {  	v25 =	vld [tilespmem:$0x1050];
	v8 =	vadd.s32 v50, v8;
	v17 =	vcvt.f32.s32 v17;
	v30 =	vtrunc.f32 v20  }
0x2d3: {  	v48 =	vld.idx.msk [tilespmem:v1+s21+$0x0], $0xffff;
	v20 =	vmul.f32 $2.550000000e+02, v34;
	v34 =	vmul.f32 $1.270000000e+02, v54;
	vm4 =	vgt.s32 v8, $0x0  }
0x2d4: {  	v10 =	vshll.u32 v10, $0x6;
	v32 =	vcvt.f32.s32 v30;
	v8 =	vnsel vm4, $0x0, v8  }
0x2d5: {  	v10 =	vadd.s32 v13, v10;
	v13 =	vcvt.f32.s32 v55;
	v20 =	vtrunc.f32 v20  }
0x2d6: {  	v14 =	vadd.s32 v14, v10;
	v10 =	vmin.u32 v8, $0x7FFF;
	v55 =	vcvt.f32.s32 v20  }
0x2d7: {  	vm5 =	vgt.s32 v14, $0x0;
	v13 =	vshll.u32 v13, $0x7;
	v39 =	vmul.f32 $1.270000000e+02, v25  }
0x2d8: {  	[tilespmem:$0x4800] =	vst v48;
	v48 =	vmul.f32 $2.550000000e+02, v25;
	v58 =	vnsel vm5, $0x0, v14;
	v14 =	vmul.f32 $2.550000000e+02, v59  }
0x2d9: {  	v13 =	vadd.s32 v16, v13;
	v16 =	vmul.f32 $2.550000000e+02, v60;
	v59 =	vtrunc.f32 v57  }
0x2da: {  	v60 =	vmul.f32 $3.100000000e+01, v25;
	v13 =	vadd.s32 v15, v13;
	v15 =	vmul.f32 $2.550000000e+02, v61  }
0x2db: {  	v8 =	vmin.u32 v58, $0x3FFFF;
	v58 =	vmul.f32 $3.100000000e+01, v54;
	v61 =	vcvt.f32.s32 v59  }
0x2dc: {  	v11 =	vnsel vm7, $0x0, v11;
	v14 =	vtrunc.f32 v14;
	v16 =	vtrunc.f32 v16  }
0x2dd: {  	v11 =	vmin.u32 v11, $0xFFFFFF;
	v24 =	vtrunc.f32 v60;
	v14 =	vcvt.f32.s32 v14  }
0x2de: {  	vm6 =	vgt.s32 v13, $0x0;
	v16 =	vcvt.f32.s32 v16;
	v15 =	vtrunc.f32 v15  }
0x2df: {  	v13 =	vnsel vm6, $0x0, v13;
	v62 =	vtrunc.f32 v58;
	v27 =	vcvt.f32.s32 v24  }
0x2e0: {  	v9 =	vmin.u32 v13, $0x1FFFFF;
	v13 =	vtrunc.f32 v21;
	v15 =	vcvt.f32.s32 v15  }
0x2e1: {  	v63 =	vcvt.f32.s32 v62;
	v13 =	vcvt.f32.s32 v13;
	v16 =	vshll.u32 v16, $0x8  }
0x2e2: {  	v21 =	vld [tilespmem:$0x40];
	v30 =	vshll.u32 v27, $0xA;
	v14 =	vadd.s32 v14, v16;
	v15 =	vshll.u32 v15, $0x10  }
0x2e3: {  	[tilespmem:$0x2000] =	vst v2;
	v16 =	vcvt.f32.s32 v38;
	v2 =	vshll.u32 v63, $0x5;
	v38 =	vtrunc.f32 v34  }
0x2e4: {  	v13 =	vshll.u32 v13, $0xA;
	v15 =	vadd.s32 v15, v14;
	v2 =	vadd.s32 v61, v2  }
0x2e5: {  	v12 =	vadd.s32 v13, v12;
	v13 =	vcvt.f32.s32 v26;
	vm11 =	vgt.s32 v15, $0x0  }
0x2e6: {  	v16 =	vshll.u32 v16, $0x5;
	v2 =	vadd.s32 v30, v2;
	vm8 =	vgt.s32 v12, $0x0  }
0x2e7: {  	v22 =	vmul.f32 $3.100000000e+01, v21;
	v15 =	vnsel vm11, $0x0, v15;
	v42 =	vmul.f32 $6.300000000e+01, v21  }
0x2e8: {  	v23 =	vmul.f32 $1.270000000e+02, v21;
	v21 =	vmul.f32 $2.550000000e+02, v21;
	v19 =	vshll.u32 v13, $0x6  }
0x2e9: {  	vm4 =	vgt.s32 v2, $0x0;
	v28 =	vadd.s32 v17, v19;
	v17 =	vtrunc.f32 v29  }
0x2ea: {  	v12 =	vnsel vm8, $0x0, v12;
	v19 =	vcvt.f32.s32 v33;
	v22 =	vtrunc.f32 v22  }
0x2eb: {  	v15 =	vmin.u32 v15, $0xFFFFFF;
	v46 =	vtrunc.f32 v23;
	v23 =	vcvt.f32.s32 v47  }
0x2ec: {  	v2 =	vnsel vm4, $0x0, v2;
	v21 =	vtrunc.f32 v21;
	v29 =	vmul.f32 $6.300000000e+01, v54  }
0x2ed: {  	v13 =	vmin.u32 v12, $0x7FFF;
	v33 =	vmul.f32 $6.300000000e+01, v25;
	v17 =	vcvt.f32.s32 v17  }
0x2ee: {  	v12 =	vadd.s32 v18, v28;
	v22 =	vcvt.f32.s32 v22;
	v18 =	vcvt.f32.s32 v40  }
0x2ef: {  	v2 =	vmin.u32 v2, $0x7FFF;
	v50 =	vcvt.f32.s32 v46;
	v56 =	vcvt.f32.s32 v21  }
0x2f0: {  	v28 =	vmul.f32 $6.300000000e+01, v53;
	v46 =	vmul.f32 $2.550000000e+02, v54;
	vm9 =	vgt.s32 v12, $0x0  }
0x2f1: {  	[tilespmem:$0x1800] =	vst v0;
	v35 =	vshll.u32 v19, $0xE;
	v52 =	vshll.u32 v23, $0x7;
	v19 =	vmul.f32 $2.550000000e+02, v36  }
0x2f2: {  	[tilespmem:$0x2800] =	vst v3;
	v36 =	vmul.f32 $1.270000000e+02, v53;
	v12 =	vnsel vm9, $0x0, v12;
	v16 =	vadd.s32 v22, v16  }
0x2f3: {  	v5 =	vld.idx.msk [tilespmem:v5+s21+$0x0], $0xffff;
	v41 =	vshll.u32 v18, $0xA;
	v18 =	vtrunc.f32 v42;
	v22 =	vtrunc.f32 v43  }
0x2f4: {  	v47 =	vld [tilespmem:$0x860];
	v17 =	vshll.u32 v17, $0x7;
	v31 =	vtrunc.f32 v28;
	v42 =	vtrunc.f32 v39  }
0x2f5: {  	v12 =	vmin.u32 v12, $0x3FFFF;
	v22 =	vcvt.f32.s32 v22;
	v18 =	vcvt.f32.s32 v18  }
0x2f6: {  	[tilespmem:$0x1810] =	vst v4;
	v17 =	vadd.s32 v32, v17;
	v19 =	vtrunc.f32 v19;
	v32 =	vtrunc.f32 v29  }
0x2f7: {  	[tilespmem:$0x2010] =	vst v6;
	v16 =	vadd.s32 v41, v16;
	v40 =	vtrunc.f32 v36;
	v6 =	vcvt.f32.s32 v42  }
0x2f8: {  	[tilespmem:$0x4810] =	vst v5;
	v17 =	vadd.s32 v35, v17;
	v19 =	vcvt.f32.s32 v19;
	v41 =	vcvt.f32.s32 v40  }
0x2f9: {  	[tilespmem:$0x2810] =	vst v7;
	vm12 =	vgt.s32 v16, $0x0;
	v57 =	vmul.f32 $6.300000000e+01, v47;
	v61 =	vmul.f32 $1.270000000e+02, v47  }
0x2fa: {  	v7 =	vld.idx.msk [tilespmem:v10+s21+$0x0], $0xffff;
	v21 =	vmul.f32 $2.550000000e+02, v47;
	vm10 =	vgt.s32 v17, $0x0;
	v22 =	vshll.u32 v22, $0x6  }
0x2fb: {  	v16 =	vnsel vm12, $0x0, v16;
	v17 =	vnsel vm10, $0x0, v17;
	v18 =	vadd.s32 v18, v22  }
0x2fc: {  	[tilespmem:$0x1820] =	vst v8;
	v22 =	vtrunc.f32 v45;
	v14 =	vmin.u32 v17, $0x1FFFFF;
	v17 =	vtrunc.f32 v44;
	v44 =	vld [tilespmem:$0x60]  }
0x2fd: {  	[tilespmem:$0x2820] =	vst v11;
	v16 =	vmin.u32 v16, $0x7FFF;
	v51 =	vcvt.f32.s32 v22;
	v22 =	vld [tilespmem:$0x70];
	v17 =	vcvt.f32.s32 v17  }
0x2fe: {  	[tilespmem:$0x2020] =	vst v9;
	v19 =	vshll.u32 v19, $0x10;
	v45 =	vmul.f32 $2.550000000e+02, v53;
	v53 =	vmul.f32 $3.100000000e+01, v47  }
0x2ff: {  	[tilespmem:$0x4820] =	vst v7;
	v59 =	vtrunc.f32 v57;
	v24 =	vtrunc.f32 v21;
	v17 =	vshll.u32 v17, $0xC  }
0x300: {  	v11 =	vld.idx.msk [tilespmem:v13+s21+$0x0], $0xffff;
	[tilespmem:$0x1830] =	vst v12;
	v12 =	vtrunc.f32 v61;
	v29 =	vcvt.f32.s32 v24;
	v17 =	vadd.s32 v17, v18  }
0x301: {  	v18 =	vshll.u32 v51, $0xE;
	v58 =	vmul.f32 $6.300000000e+01, v44;
	v63 =	vmul.f32 $1.270000000e+02, v44  }
0x302: {  	vm13 =	vgt.s32 v17, $0x0;
	v10 =	vmul.f32 $2.550000000e+02, v44;
	v39 =	vmul.f32 $6.300000000e+01, v22  }
0x303: {  	v49 =	vnsel vm13, $0x0, v17;
	v17 =	vadd.s32 v50, v52;
	v52 =	vmul.f32 $3.100000000e+01, v44  }
0x304: {  	[tilespmem:$0x2830] =	vst v15;
	v1 =	vmin.u32 v49, $0x3FFFF;
	v17 =	vadd.s32 v18, v17;
	v18 =	vshll.u32 v55, $0x8  }
0x305: {  	[tilespmem:$0x2030] =	vst v14;
	v28 =	vtrunc.f32 v10;
	v42 =	vtrunc.f32 v39;
	vm14 =	vgt.s32 v17, $0x0  }
0x306: {  	[tilespmem:$0x4830] =	vst v11;
	v49 =	vld [tilespmem:$0x1060];
	v18 =	vadd.s32 v56, v18;
	v55 =	vtrunc.f32 v52;
	v56 =	vtrunc.f32 v53  }
0x307: {  	v62 =	vld.idx.msk [tilespmem:v16+s21+$0x0], $0xffff;
	[tilespmem:$0x1840] =	vst v1;
	v1 =	vcvt.f32.s32 v28;
	v17 =	vnsel vm14, $0x0, v17;
	v18 =	vadd.s32 v19, v18  }
0x308: {  	v19 =	vtrunc.f32 v33;
	v9 =	vcvt.f32.s32 v56;
	v0 =	vmin.u32 v17, $0x1FFFFF  }
0x309: {  	vm15 =	vgt.s32 v18, $0x0;
	v17 =	vcvt.f32.s32 v32;
	v35 =	vcvt.f32.s32 v19  }
0x30a: {  	v32 =	vmul.f32 $3.100000000e+01, v22;
	v26 =	vnsel vm15, $0x0, v18;
	v18 =	vcvt.f32.s32 v31  }
0x30b: {  	v6 =	vshll.u32 v6, $0xE;
	v54 =	vmul.f32 $3.100000000e+01, v49;
	v60 =	vmul.f32 $6.300000000e+01, v49  }
0x30c: {  	v17 =	vshll.u32 v17, $0x6;
	v16 =	vmul.f32 $1.270000000e+02, v49;
	v25 =	vmul.f32 $2.550000000e+02, v49  }
0x30d: {  	v33 =	vtrunc.f32 v32;
	v37 =	vadd.s32 v18, v17;
	v17 =	vcvt.f32.s32 v38  }
0x30e: {  	v5 =	vshll.u32 v35, $0xC;
	v18 =	vtrunc.f32 v46;
	v35 =	vcvt.f32.s32 v33  }
0x30f: {  	v9 =	vshll.u32 v9, $0x5;
	v46 =	vmul.f32 $1.270000000e+02, v22;
	v50 =	vcvt.f32.s32 v18  }
0x310: {  	v3 =	vmin.u32 v26, $0xFFFFFF;
	v8 =	vtrunc.f32 v54;
	v11 =	vtrunc.f32 v60  }
0x311: {  	v31 =	vld [tilespmem:$0x1070];
	v4 =	vadd.s32 v5, v37;
	v18 =	vtrunc.f32 v16;
	v30 =	vtrunc.f32 v25  }
0x312: {  	v43 =	vshll.u32 v17, $0x7;
	v17 =	vtrunc.f32 v45;
	v8 =	vcvt.f32.s32 v8  }
0x313: {  	v26 =	vld [tilespmem:$0x870];
	[tilespmem:$0x2840] =	vst v3;
	vm5 =	vgt.s32 v4, $0x0;
	v11 =	vcvt.f32.s32 v11;
	v3 =	vcvt.f32.s32 v30  }
0x314: {  	v4 =	vnsel vm5, $0x0, v4;
	v5 =	vadd.s32 v41, v43;
	v51 =	vcvt.f32.s32 v17  }
0x315: {  	v7 =	vshll.u32 v50, $0x8;
	v17 =	vcvt.f32.s32 v12;
	v12 =	vcvt.f32.s32 v18  }
0x316: {  	v37 =	vmul.f32 $3.100000000e+01, v31;
	v44 =	vmul.f32 $6.300000000e+01, v31;
	v4 =	vmin.u32 v4, $0x3FFFF  }
0x317: {  	v5 =	vadd.s32 v6, v5;
	v6 =	vtrunc.f32 v48;
	v8 =	vshll.u32 v8, $0xA  }
0x318: {  	v11 =	vshll.u32 v11, $0xC;
	v34 =	vmul.f32 $3.100000000e+01, v26;
	v41 =	vmul.f32 $6.300000000e+01, v26  }
0x319: {  	v3 =	vshll.u32 v3, $0x10;
	v47 =	vmul.f32 $1.270000000e+02, v26;
	v48 =	vmul.f32 $1.270000000e+02, v31  }
0x31a: {  	v52 =	vmul.f32 $2.550000000e+02, v26;
	vm6 =	vgt.s32 v5, $0x0;
	v6 =	vcvt.f32.s32 v6  }
0x31b: {  	[tilespmem:$0x4840] =	vst v62;
	v7 =	vadd.s32 v51, v7;
	v40 =	vtrunc.f32 v37;
	v45 =	vtrunc.f32 v44  }
0x31c: {  	[tilespmem:$0x2040] =	vst v0;
	v23 =	vshll.u32 v12, $0xE;
	v51 =	vmul.f32 $2.550000000e+02, v22;
	v36 =	vtrunc.f32 v34  }
0x31d: {  	v2 =	vld.idx.msk [tilespmem:v2+s21+$0x0], $0xffff;
	[tilespmem:$0x1850] =	vst v4;
	v5 =	vnsel vm6, $0x0, v5;
	v4 =	vcvt.f32.s32 v40;
	v43 =	vtrunc.f32 v41  }
0x31e: {  	v50 =	vtrunc.f32 v48;
	v57 =	vtrunc.f32 v52;
	v5 =	vmin.u32 v5, $0x1FFFFF  }
0x31f: {  	v6 =	vshll.u32 v6, $0x10;
	v38 =	vcvt.f32.s32 v36;
	v54 =	vcvt.f32.s32 v50  }
0x320: {  	v56 =	vtrunc.f32 v51;
	v6 =	vadd.s32 v6, v7;
	v7 =	vcvt.f32.s32 v55  }
0x321: {  	[tilespmem:$0x2050] =	vst v5;
	v4 =	vshll.u32 v4, $0xA;
	v5 =	vcvt.f32.s32 v42;
	vm7 =	vgt.s32 v6, $0x0  }
0x322: {  	[tilespmem:$0x4850] =	vst v2;
	v55 =	vmul.f32 $2.550000000e+02, v31;
	v2 =	vshll.u32 v38, $0x5;
	v6 =	vnsel vm7, $0x0, v6  }
0x323: {  	v7 =	vadd.s32 v7, v9;
	v9 =	vtrunc.f32 v58;
	v2 =	vadd.s32 v35, v2  }
0x324: {  	v58 =	vtrunc.f32 v55;
	v6 =	vmin.u32 v6, $0xFFFFFF;
	v7 =	vadd.s32 v8, v7  }
0x325: {  	v8 =	vcvt.f32.s32 v59;
	v9 =	vcvt.f32.s32 v9;
	vm8 =	vgt.s32 v7, $0x0  }
0x326: {  	v2 =	vadd.s32 v4, v2;
	v4 =	vcvt.f32.s32 v45;
	v7 =	vnsel vm8, $0x0, v7  }
0x327: {  	vm12 =	vgt.s32 v2, $0x0;
	v8 =	vshll.u32 v8, $0x6;
	v7 =	vmin.u32 v7, $0x7FFF  }
0x328: {  	[tilespmem:$0x2850] =	vst v6;
	v6 =	vtrunc.f32 v46;
	v8 =	vadd.s32 v9, v8;
	v9 =	vtrunc.f32 v63  }
0x329: {  	v2 =	vnsel vm12, $0x0, v2;
	v6 =	vcvt.f32.s32 v6;
	v9 =	vcvt.f32.s32 v9  }
0x32a: {  	v53 =	vshll.u32 v4, $0xC;
	v8 =	vadd.s32 v11, v8;
	v11 =	vshll.u32 v17, $0x7  }
0x32b: {  	v2 =	vmin.u32 v2, $0x7FFF;
	vm9 =	vgt.s32 v8, $0x0;
	v9 =	vadd.s32 v9, v11  }
0x32c: {  	v8 =	vnsel vm9, $0x0, v8;
	v27 =	vadd.s32 v23, v9;
	v9 =	vshll.u32 v29, $0x8;
	v7 =	vld.idx.msk [tilespmem:v7+s21+$0x0], $0xffff  }
0x32d: {  	v8 =	vmin.u32 v8, $0x3FFFF;
	vm10 =	vgt.s32 v27, $0x0;
	v1 =	vadd.s32 v1, v9  }
0x32e: {  	v0 =	vnsel vm10, $0x0, v27;
	v1 =	vadd.s32 v3, v1;
	v3 =	vcvt.f32.s32 v43  }
0x32f: {  	v4 =	vshll.u32 v54, $0xE;
	[tilespmem:$0x1860] =	vst v8;
	v0 =	vmin.u32 v0, $0x1FFFFF;
	vm11 =	vgt.s32 v1, $0x0  }
0x330: {  	v9 =	vtrunc.f32 v47;
	v1 =	vnsel vm11, $0x0, v1;
	v3 =	vshll.u32 v3, $0x6;
	[tilespmem:$0x2060] =	vst v0  }
0x331: {  	v49 =	vcvt.f32.s32 v9;
	v1 =	vmin.u32 v1, $0xFFFFFF;
	v3 =	vadd.s32 v5, v3;
	[tilespmem:$0x4860] =	vst v7  }
0x332: {  	v5 =	vcvt.f32.s32 v58;
	[tilespmem:$0x2860] =	vst v1;
	v0 =	vadd.s32 v53, v3;
	v3 =	vcvt.f32.s32 v57  }
0x333: {  	v7 =	vshll.u32 v49, $0x7;
	v1 =	vcvt.f32.s32 v56;
	v2 =	vld.idx.msk [tilespmem:v2+s21+$0x0], $0xffff;
	vm13 =	vgt.s32 v0, $0x0  }
0x334: {  	v6 =	vadd.s32 v6, v7;
	v59 =	vshll.u32 v5, $0x10;
	v3 =	vshll.u32 v3, $0x8  }
0x335: {  	v4 =	vadd.s32 v4, v6;
	v0 =	vnsel vm13, $0x0, v0;
	v1 =	vadd.s32 v1, v3  }
0x336: {  	vm14 =	vgt.s32 v4, $0x0;
	v0 =	vmin.u32 v0, $0x3FFFF;
	v1 =	vadd.s32 v59, v1  }
0x337: {  	v60 =	vnsel vm14, $0x0, v4;
	[tilespmem:$0x1870] =	vst v0;
	vm15 =	vgt.s32 v1, $0x0  }
0x338: {  	v61 =	vmin.u32 v60, $0x1FFFFF;
	[tilespmem:$0x4870] =	vst v2;
	v1 =	vnsel vm15, $0x0, v1  }
0x339: {  	[tilespmem:$0x2070] =	vst v61;
	v62 =	vmin.u32 v1, $0xFFFFFF  }
0x33a: {  	s31 =	simm.s32 $0x1800;
	s2 =	simm.s32 $0x3000;
	[tilespmem:$0x2870] =	vst v62  }
0x33b: {  	[tilespmem:s2], [sflag:$0x1] =	stream.indirect.gather [hbm4b:s3+s26], $0x1, s31, s26, $0xb8;
	[tilespmem:$0xD000] =	vst v63  }
0x33c: {  	s4 =	simm.s32 $0x2000;
	s16 =	simm.s32 $0x3800  }
0x33d: {  	[tilespmem:s16], [sflag:$0x1] =	stream.indirect.gather [hbm4b:s5+s26], $0x1, s4, s26, $0xb8;
	[tilespmem:$0xD000] =	vst v63  }
0x33e: {  	s29 =	simm.s32 $0x2800;
	s31 =	simm.s32 $0x4000  }
0x33f: {  	[tilespmem:s31], [sflag:$0x1] =	stream.indirect.gather [hbm4b:s6+s26], $0x1, s29, s26, $0xb8;
	[tilespmem:$0xD000] =	vst v63  }
0x340: {  	_ =	swait.ge [sflag:s25], $0x80  }
0x341: {  	[sflag:s25] =	ssyncset.done $0x0  }
0x342: {  	[sflag:s25] =	ssyncadd.s32 $0xFFFFFF80  }
0x343: {  	_ =	swait.ge [sflag:s25], $0x80  }
0x344: {  	[sflag:s25] =	ssyncset.done $0x0  }
0x345: {  	[sflag:s25] =	ssyncadd.s32 $0xFFFFFF80  }
0x346: {  	_ =	swait.ge [sflag:s25], $0x80  }
0x347: {  	[sflag:s25] =	ssyncset.done $0x0  }
0x348: {  	[sflag:s25] =	ssyncadd.s32 $0xFFFFFF80  }
0x349: {  	v63 =	vld [tilespmem:$0x4800]  }
0x34a: {  	v24 =	vld [tilespmem:$0x3000]  }
0x34b: {  	v25 =	vld [tilespmem:$0x3800]  }
0x34c: {  	v26 =	vld [tilespmem:$0x4000]  }
0x34d: {  	v27 =	vld [tilespmem:$0x4810]  }
0x34e: {  	v28 =	vld [tilespmem:$0x3010]  }
0x34f: {  	v29 =	vld [tilespmem:$0x3810]  }
0x350: {  	v30 =	vld [tilespmem:$0x4010]  }
0x351: {  	v31 =	vld [tilespmem:$0x4820]  }
0x352: {  	v32 =	vld [tilespmem:$0x3020]  }
0x353: {  	v33 =	vld [tilespmem:$0x3820]  }
0x354: {  	v34 =	vld [tilespmem:$0x4020]  }
0x355: {  	v35 =	vld [tilespmem:$0x4830]  }
0x356: {  	v36 =	vld [tilespmem:$0x3030]  }
0x357: {  	v37 =	vld [tilespmem:$0x3830]  }
0x358: {  	v38 =	vld [tilespmem:$0x4030]  }
0x359: {  	v39 =	vld [tilespmem:$0x4840]  }
0x35a: {  	v40 =	vld [tilespmem:$0x3040]  }
0x35b: {  	v43 =	vld [tilespmem:$0x4850]  }
0x35c: {  	v44 =	vld [tilespmem:$0x3050]  }
0x35d: {  	v47 =	vld [tilespmem:$0x4860]  }
0x35e: {  	v49 =	vld [tilespmem:$0x3060]  }
0x35f: {  	v51 =	vld [tilespmem:$0x4870]  }
0x360: {  	v52 =	vld [tilespmem:$0x3070]  }
0x361: {  	v41 =	vld [tilespmem:$0x3840];
	v0 =	vadd.f32 v24, v63;
	v4 =	vadd.f32 v28, v27  }
0x362: {  	v45 =	vld [tilespmem:$0x3850];
	v48 =	vadd.f32 v32, v31;
	v50 =	vadd.f32 v36, v35  }
0x363: {  	v46 =	vld [tilespmem:$0x4050];
	v54 =	vadd.f32 v40, v39;
	v56 =	vadd.f32 v44, v43  }
0x364: {  	v53 =	vld [tilespmem:$0x3860];
	v5 =	vadd.f32 v49, v47;
	v0 =	vadd.f32 v25, v0  }
0x365: {  	v55 =	vld [tilespmem:$0x3870];
	v3 =	vadd.f32 v52, v51;
	v4 =	vadd.f32 v29, v4  }
0x366: {  	v57 =	vld [tilespmem:$0x4060];
	v2 =	vadd.f32 v33, v48;
	v0 =	vadd.f32 v26, v0  }
0x367: {  	v59 =	vld [tilespmem:$0x4070];
	v6 =	vadd.f32 v37, v50;
	v4 =	vadd.f32 v30, v4  }
0x368: {  	v42 =	vld [tilespmem:$0x4040];
	v60 =	vadd.f32 v45, v56;
	v2 =	vadd.f32 v34, v2;
	[tilespmem:$0x4800] =	vst v0  }
0x369: {  	v61 =	vadd.f32 v53, v5;
	v6 =	vadd.f32 v38, v6;
	[tilespmem:$0x4810] =	vst v4  }
0x36a: {  	v3 =	vadd.f32 v55, v3;
	v1 =	vadd.f32 v46, v60;
	[tilespmem:$0x4820] =	vst v2  }
0x36b: {  	v58 =	vadd.f32 v41, v54;
	v62 =	vadd.f32 v57, v61;
	[tilespmem:$0x4830] =	vst v6  }
0x36c: {  	v63 =	vadd.f32 v59, v3;
	[tilespmem:$0x4850] =	vst v1  }
0x36d: {  	v0 =	vadd.f32 v42, v58;
	[tilespmem:$0x4860] =	vst v62  }
0x36e: {  	[tilespmem:$0x4870] =	vst v63  }
.Ltmp8:
0x36f: {  	[tilespmem:$0x4840] =	vst v0;
	(pc) =	sbr.rel .LBB2_13-.Ltmp8, $4  }
0x370: {  	[hbm4b:s19+s7] =	stream.linear.scatter [tilespmem:s28], [sflag:$0x2], $0x40, $0x38;
	[tilespmem:$0xD000] =	vst v63  }
0x371: {  	_ =	swait.ge [sflag:s22], $0x40  }
0x372: {  	[sflag:s22] =	ssyncset.done $0x0  }
0x373: {  	[sflag:s22] =	ssyncadd.s32 $0xFFFFFFC0  }
.LBB2_14:
0x374: {  	_ =	sfence.sel $0x180000  }
0x375: {  	[bflag:$0x0] =	sbarrier.arrive $0xFFFF  }
0x376: {  	_ =	strace $0x90000047  }
0x377: {  	s0 =	stileid.u32;
	[bflag:$0x2] =	sbarrier.arrive $0xFFFF  }
0x378: {  	p0 =	sne.s32 s0, $0x0;
	s0 =	rddreg [dreg:$0x5]  }
0x379: {  	s0 =	sadd.s32 @!p0 $0x100000, s0  }
0x37a: {  	[sflag:s0] =	ssyncadd.tile.s32 @!p0 $0x1;
	_ =	shalt  }
.Lfunc_end2:
_tile_overlayer_lowered:
.L_overlay_start_2:
0x37b: {  	(tag) =	ssettag $0x2  }
0x37c: {  	s0 =	rddreg [dreg:$0x0];
	s2 =	stileid.u32  }
0x37d: {  	s1 =	rddreg [dreg:$0x1];
	p0 =	sne.s32 s2, $0x0  }
0x37e: {  	s3 =	rddreg [dreg:$0x2];
	[bflag:$0x3] =	sbarrier.arrive $0xFFFF;
	s2 =	simm.s32 @!p0 $0x1C02  }
0x37f: {  	[timem:s3], [sflag:s2] =	dma.local @!p0 [hbm:s0], s1  }
0x380: {  	s0 =	simm.s32 @!p0 $0x2  }
0x381: {  	_ =	swait.ge @!p0 [sflag:s0], s1  }
0x382: {  	s1 =	ssub.s32 @!p0 $0x0, s1;
	[sflag:s0] =	ssyncset.done @!p0 $0x0  }
0x383: {  	[sflag:s0] =	ssyncadd.s32 @!p0 s1  }
0x384: {  	[bflag:$0x3] =	sbarrier.arrive $0xFFFF  }
0x385: {  	_ =	shalt  }

</sc_bundles>
